<compile_context>
chip_gen: v7x
topology: tpu7x:2x2x1
jax: 0.10.2.dev20260603
libtpu: 0.0.44.dev20260713+nightly
codegen_flags: <defaults>
</compile_context>

<pallas_src>
import functools

import numpy as np
import jax
import jax.numpy as jnp
from jax import lax
from jax.experimental import pallas as pl
from jax.experimental.pallas import tpu as pltpu
from jax.experimental.pallas import tpu_sc as plsc

N = 10000
E = 320000
D = 128
G = 64
NC = 2
NS = 16
NW = NC * NS
CHUNK = 128
KPT = 80
E_PAD = NW * KPT * CHUNK
N_PAD = 10240
RPT = N_PAD // NS
BN = 1000

_PAD_SRC = (np.arange(E_PAD - E, dtype=np.int32) * 197) % N
_PAD_DST = (N + np.arange(E_PAD - E, dtype=np.int32) % (N_PAD - N)).astype(np.int32)


def _deg_body(dstr, ones, zvec, out, dstv, ones_v, stage_v, dacc):
    cid = lax.axis_index("c")
    sid = lax.axis_index("s")
    wid = cid * NS + sid
    pltpu.sync_copy(zvec, stage_v)
    pltpu.sync_copy(stage_v, dacc.at[pl.ds(sid * RPT, RPT)])
    pltpu.sync_copy(ones, ones_v)
    pltpu.sync_copy(dstr.at[pl.ds(wid * KPT, KPT)], dstv)
    plsc.subcore_barrier()

    def body(j, carry):
        pltpu.sync_copy(ones_v, dacc.at[dstv.at[j]], add=True)
        return carry

    lax.fori_loop(0, KPT, body, 0)
    plsc.subcore_barrier()
    pltpu.sync_copy(dacc.at[pl.ds(sid * RPT, RPT)], stage_v)
    pltpu.sync_copy(stage_v, out.at[pl.ds(cid * N_PAD + sid * RPT, RPT)])


@functools.cache
def _sc_calls():
    mesh = plsc.VectorSubcoreMesh(
        core_axis_name="c", subcore_axis_name="s", num_cores=NC, num_subcores=NS
    )
    deg_call = pl.kernel(
        _deg_body,
        out_type=jax.ShapeDtypeStruct((NC * N_PAD,), jnp.float32),
        mesh=mesh,
        scratch_types=[
            pltpu.VMEM((KPT, CHUNK), jnp.int32),
            pltpu.VMEM((CHUNK,), jnp.float32),
            pltpu.VMEM((RPT,), jnp.float32),
            pltpu.VMEM_SHARED((N_PAD,), jnp.float32),
        ],
    )
    agg_call = pl.kernel(
        _agg_body,
        out_type=jax.ShapeDtypeStruct((NC, N_PAD, D), jnp.float32),
        mesh=mesh,
        scratch_types=[
            pltpu.VMEM((KPT // 2, CHUNK), jnp.int32),
            pltpu.VMEM((KPT // 2, CHUNK), jnp.int32),
            pltpu.VMEM((CHUNK, D), jnp.float32),
            pltpu.VMEM((CHUNK, D), jnp.float32),
            pltpu.VMEM_SHARED((N_PAD, D), jnp.float32),
            pltpu.SemaphoreType.DMA,
            pltpu.SemaphoreType.DMA,
            pltpu.SemaphoreType.DMA,
            pltpu.SemaphoreType.DMA,
        ],
    )
    return deg_call, agg_call



NBUF = 2
KH = KPT // 2


def _agg_body(hs, srcr, dstr, zrow, out, srcv, dstv,
              b0, b1, acc, g0, g1, s0, s1):
    bufs = (b0, b1)
    gsem = (g0, g1)
    ssem = (s0, s1)
    cid = lax.axis_index("c")
    sid = lax.axis_index("s")
    wid = cid * NS + sid
    pltpu.sync_copy(zrow, bufs[0])
    for k in range(RPT // CHUNK):
        pltpu.sync_copy(bufs[0], acc.at[pl.ds(sid * RPT + k * CHUNK, CHUNK)])
    plsc.subcore_barrier()

    def g_desc(j, k):
        return pltpu.make_async_copy(hs.at[srcv.at[j]], bufs[k], gsem[k])

    def s_desc(j, k):
        return pltpu.make_async_copy(bufs[k], acc.at[dstv.at[j]], ssem[k])

    for half in range(2):
        base = wid * KPT + half * KH
        pltpu.sync_copy(srcr.at[pl.ds(base, KH)], srcv)
        pltpu.sync_copy(dstr.at[pl.ds(base, KH)], dstv)

        for k in range(NBUF):
            pltpu.async_copy(hs.at[srcv.at[k]], bufs[k], gsem[k])

        def body(gg, carry):
            j = gg * NBUF
            for k in range(NBUF):
                g_desc(j + k, k).wait()
                pltpu.sync_copy(bufs[k], acc.at[dstv.at[j + k]], add=True)
                pltpu.async_copy(hs.at[srcv.at[j + NBUF + k]], bufs[k], gsem[k])
            return carry

        lax.fori_loop(0, KH // NBUF - 1, body, 0)
        je = KH - NBUF
        for k in range(NBUF):
            g_desc(je + k, k).wait()
            pltpu.sync_copy(bufs[k], acc.at[dstv.at[je + k]], add=True)
    plsc.subcore_barrier()
    for k in range(RPT // CHUNK):
        b = bufs[k % 2]
        pltpu.sync_copy(acc.at[pl.ds(sid * RPT + k * CHUNK, CHUNK)], b)
        pltpu.sync_copy(b, out.at[cid, pl.ds(sid * RPT + k * CHUNK, CHUNK)])



def _mm1_body(x_ref, w_ref, dinvc_ref, hs_ref):
    mm = jnp.dot(x_ref[...], w_ref[...], preferred_element_type=jnp.float32)
    hs_ref[...] = mm * dinvc_ref[...]


_mm1 = pl.pallas_call(
    _mm1_body,
    grid=(N // BN,),
    in_specs=[
        pl.BlockSpec((BN, D), lambda i: (i, 0)),
        pl.BlockSpec((D, D), lambda i: (0, 0)),
        pl.BlockSpec((BN, 1), lambda i: (i, 0)),
    ],
    out_specs=pl.BlockSpec((BN, D), lambda i: (i, 0)),
    out_shape=jax.ShapeDtypeStruct((N, D), jnp.float32),
)


def _combine_body(p_ref, hsp_ref, dinv_ref, b_ref, w_ref, out_ref):
    s = p_ref[0] + p_ref[1] + hsp_ref[...]
    h = s * dinv_ref[...] + b_ref[...]
    h = jnp.maximum(h, 0.0)
    out_ref[...] = (
        jnp.dot(h, w_ref[...], preferred_element_type=jnp.float32) * dinv_ref[...]
    )


_combine = pl.pallas_call(
    _combine_body,
    grid=(N // BN,),
    in_specs=[
        pl.BlockSpec((NC, BN, D), lambda i: (0, i, 0)),
        pl.BlockSpec((BN, D), lambda i: (i, 0)),
        pl.BlockSpec((BN, 1), lambda i: (i, 0)),
        pl.BlockSpec((1, D), lambda i: (0, 0)),
        pl.BlockSpec((D, D), lambda i: (0, 0)),
    ],
    out_specs=pl.BlockSpec((BN, D), lambda i: (i, 0)),
    out_shape=jax.ShapeDtypeStruct((N, D), jnp.float32),
)


def _final_body(p_ref, hs_ref, dinv_ref, b_ref, batch_ref, lw_ref, lb_ref,
                out_ref, sums_ref, cnts_ref):
    i = pl.program_id(0)
    h3 = (p_ref[0] + p_ref[1] + hs_ref[...]) * dinv_ref[...] + b_ref[...]
    iota = lax.broadcasted_iota(jnp.int32, (BN, G), 1)
    mask = (batch_ref[...] == iota).astype(jnp.float32)
    psum = lax.dot_general(
        mask, h3, (((0,), (0,)), ((), ())), preferred_element_type=jnp.float32,
        precision=lax.Precision.HIGHEST,
    )
    pcnt = jnp.broadcast_to(jnp.sum(mask, axis=0)[:, None], (G, D))

    @pl.when(i == 0)
    def _():
        sums_ref[...] = psum
        cnts_ref[...] = pcnt

    @pl.when(i > 0)
    def _():
        sums_ref[...] += psum
        cnts_ref[...] += pcnt

    @pl.when(i == N // BN - 1)
    def _():
        g = sums_ref[...] / jnp.maximum(cnts_ref[...], 1.0)
        out_ref[...] = (
            jnp.dot(g, lw_ref[...], preferred_element_type=jnp.float32) + lb_ref[...]
        )


_final = pl.pallas_call(
    _final_body,
    grid=(N // BN,),
    in_specs=[
        pl.BlockSpec((NC, BN, D), lambda i: (0, i, 0)),
        pl.BlockSpec((BN, D), lambda i: (i, 0)),
        pl.BlockSpec((BN, 1), lambda i: (i, 0)),
        pl.BlockSpec((1, D), lambda i: (0, 0)),
        pl.BlockSpec((BN, 1), lambda i: (i, 0)),
        pl.BlockSpec((D, 1), lambda i: (0, 0)),
        pl.BlockSpec((1, 1), lambda i: (0, 0)),
    ],
    out_specs=pl.BlockSpec((G, 1), lambda i: (0, 0)),
    out_shape=jax.ShapeDtypeStruct((G, 1), jnp.float32),
    scratch_shapes=[
        pltpu.VMEM((G, D), jnp.float32),
        pltpu.VMEM((G, D), jnp.float32),
    ],
)


def kernel(x, edge_index, batch, W1, b1, W2, b2, W3, b3, lin_W, lin_b):
    src = jnp.concatenate([edge_index[0], jnp.asarray(_PAD_SRC)]).reshape(
        E_PAD // CHUNK, CHUNK
    )
    dst = jnp.concatenate([edge_index[1], jnp.asarray(_PAD_DST)]).reshape(
        E_PAD // CHUNK, CHUNK
    )
    zvec = jnp.zeros((RPT,), jnp.float32)
    zrow = jnp.zeros((CHUNK, D), jnp.float32)
    ones = jnp.ones((CHUNK,), jnp.float32)

    _deg_call, _agg_call = _sc_calls()
    degp = _deg_call(dst, ones, zvec).reshape(NC, N_PAD)
    deg = degp[0, :N] + degp[1, :N] + 1.0
    dinvc = (deg ** -0.5).reshape(N, 1)

    hs1 = _mm1(x, W1, dinvc)
    p1 = _agg_call(hs1, src, dst, zrow)
    hs2 = _combine(p1, hs1, dinvc, b1.reshape(1, D), W2)
    p2 = _agg_call(hs2, src, dst, zrow)
    hs3 = _combine(p2, hs2, dinvc, b2.reshape(1, D), W3)
    p3 = _agg_call(hs3, src, dst, zrow)
    return _final(
        p3, hs3, dinvc, b3.reshape(1, D), batch.reshape(N, 1),
        lin_W, lin_b.reshape(1, 1),
    )

# --- scband reference (transcript-rebuilt; emitter-appended) ---
"""Pipeline reference for scband-gcn-16312285790927 (READ-ONLY COPY).

The authoritative reference and input builder live on the scoring server;
editing this copy changes nothing except your own understanding.
"""

import jax, jax.numpy as jnp
import numpy as np

N_NODES = 10000
N_EDGES = 320000
D_IN = 128
D_HID = 128
D_OUT = 1
N_GRAPHS = 64


def setup_inputs(seed: int = 0) -> dict:
    key = jax.random.key(seed)
    ks = jax.random.split(key, 12)
    x = jax.random.normal(ks[0], (N_NODES, D_IN), dtype=jnp.float32)
    edge_index = jax.random.randint(ks[1], (2, N_EDGES), 0, N_NODES, dtype=jnp.int64 if jax.config.jax_enable_x64 else jnp.int32).astype(jnp.int32)
    batch = jnp.sort(jax.random.randint(ks[2], (N_NODES,), 0, N_GRAPHS)).astype(jnp.int32)
    def glorot(k, shape):
        lim = float(np.sqrt(6.0 / (shape[0] + shape[1])))
        return jax.random.uniform(k, shape, jnp.float32, -lim, lim)
    W1 = glorot(ks[3], (D_IN, D_HID)); b1 = jnp.zeros((D_HID,), jnp.float32)
    W2 = glorot(ks[4], (D_HID, D_HID)); b2 = jnp.zeros((D_HID,), jnp.float32)
    W3 = glorot(ks[5], (D_HID, D_HID)); b3 = jnp.zeros((D_HID,), jnp.float32)
    lin_W = glorot(ks[6], (D_HID, D_OUT)); lin_b = jnp.zeros((D_OUT,), jnp.float32)
    return {"x": x, "edge_index": edge_index, "batch": batch,
            "W1": W1, "b1": b1, "W2": W2, "b2": b2, "W3": W3, "b3": b3,
            "lin_W": lin_W, "lin_b": lin_b}


def gcn_conv(x, edge_index, W, b):
    # PyG GCNConv: linear transform, add self-loops, symmetric deg normalization, scatter-add
    h = x @ W
    loop = jnp.arange(N_NODES, dtype=edge_index.dtype)
    src = jnp.concatenate([edge_index[0], loop])
    dst = jnp.concatenate([edge_index[1], loop])
    deg = jnp.zeros((N_NODES,), jnp.float32).at[dst].add(1.0)
    dinv = jnp.where(deg > 0, deg ** -0.5, 0.0)
    norm = dinv[src] * dinv[dst]
    msg = h[src] * norm[:, None]
    out = jnp.zeros((N_NODES, h.shape[1]), jnp.float32).at[dst].add(msg)
    return out + b


def global_mean_pool(x, batch):
    sums = jax.ops.segment_sum(x, batch, num_segments=N_GRAPHS)
    cnts = jax.ops.segment_sum(jnp.ones((x.shape[0],), jnp.float32), batch, num_segments=N_GRAPHS)
    return sums / jnp.maximum(cnts, 1.0)[:, None]


def reference(x, edge_index, batch, W1, b1, W2, b2, W3, b3, lin_W, lin_b):
    h = jax.nn.relu(gcn_conv(x, edge_index, W1, b1))
    h = jax.nn.relu(gcn_conv(h, edge_index, W2, b2))
    h = gcn_conv(h, edge_index, W3, b3)
    g = global_mean_pool(h, batch)
    # dropout p=0.5 is identity in eval mode
    return g @ lin_W + lin_b

if __name__ == "__main__":
    import jax
    _d = setup_inputs()
    print(jax.jit(kernel)(*tuple(_d.values())))

</pallas_src>

<mosaic_0001>
#map = affine_map<(d0, d1) -> (0, 0)>
#map1 = affine_map<(d0, d1) -> (0)>
module attributes {stable_mosaic.version = 14 : i64} {
  func.func @_deg_body(%arg0: i32, %arg1: i32, %arg2: memref<2560x128xi32, #tpu.memory_space<hbm>>, %arg3: memref<128xf32, #tpu.memory_space<hbm>>, %arg4: memref<640xf32, #tpu.memory_space<hbm>>, %arg5: memref<20480xf32, #tpu.memory_space<hbm>>, %arg6: memref<80x128xi32, #tpu.memory_space<vmem>>, %arg7: memref<128xf32, #tpu.memory_space<vmem>>, %arg8: memref<640xf32, #tpu.memory_space<vmem>>, %arg9: memref<10240xf32, #tpu.memory_space<vmem_shared>>) attributes {dimension_semantics = [#tpu.dimension_semantics<core_parallel>, #tpu.dimension_semantics<subcore_parallel>], iteration_bounds = array<i64: 2, 16>, scalar_prefetch = 0 : i64, scratch_operands = 4 : i64, tpu.core_type = #tpu.core_type<sc_vector_subcore>, window_params = [{transform_indices = #map}, {transform_indices = #map1}, {transform_indices = #map1}, {transform_indices = #map1}]} {
    %mul3A = arith.constant 16 : i32
    %mul3A_0 = arith.muli %arg0, %mul3A : i32
    %add3A = arith.addi %mul3A_0, %arg1 : i32
    "tpu.region"() ({
      %run_scoped3A = tpu.sem_alloc : memref<!tpu.dma_semaphore, #tpu.memory_space<semaphore_mem>>
      tpu.enqueue_dma source(%arg4 : memref<640xf32, #tpu.memory_space<hbm>>) target(%arg8 : memref<640xf32, #tpu.memory_space<vmem>>) target_semaphore(%run_scoped3A : memref<!tpu.dma_semaphore, #tpu.memory_space<semaphore_mem>>)
      tpu.wait_dma2 semaphore(%run_scoped3A : memref<!tpu.dma_semaphore, #tpu.memory_space<semaphore_mem>>) src(%arg4 : memref<640xf32, #tpu.memory_space<hbm>>) dst(%arg8 : memref<640xf32, #tpu.memory_space<vmem>>)
      tpu.yield
    }) : () -> ()
    %mul3A_1 = arith.constant 640 : i32
    %mul3A_2 = arith.muli %arg1, %mul3A_1 : i32
    "tpu.region"() ({
      %run_scoped3A = tpu.sem_alloc : memref<!tpu.dma_semaphore, #tpu.memory_space<semaphore_mem>>
      %dma_start3A = tpu.memref_slice %arg9[%mul3A_2] : memref<10240xf32, #tpu.memory_space<vmem_shared>> -> memref<640xf32, #tpu.memory_space<vmem_shared>>
      %dma_start3A_18 = tpu.memref_slice %arg9[%mul3A_2] : memref<10240xf32, #tpu.memory_space<vmem_shared>> -> memref<640xf32, #tpu.memory_space<vmem_shared>>
      tpu.enqueue_dma source(%arg8 : memref<640xf32, #tpu.memory_space<vmem>>) target(%dma_start3A_18 : memref<640xf32, #tpu.memory_space<vmem_shared>>) target_semaphore(%run_scoped3A : memref<!tpu.dma_semaphore, #tpu.memory_space<semaphore_mem>>)
      %dma_wait3A = tpu.memref_slice %arg9[%mul3A_2] : memref<10240xf32, #tpu.memory_space<vmem_shared>> -> memref<640xf32, #tpu.memory_space<vmem_shared>>
      %dma_wait3A_19 = tpu.memref_slice %arg9[%mul3A_2] : memref<10240xf32, #tpu.memory_space<vmem_shared>> -> memref<640xf32, #tpu.memory_space<vmem_shared>>
      tpu.wait_dma2 semaphore(%run_scoped3A : memref<!tpu.dma_semaphore, #tpu.memory_space<semaphore_mem>>) src(%arg8 : memref<640xf32, #tpu.memory_space<vmem>>) dst(%dma_wait3A_19 : memref<640xf32, #tpu.memory_space<vmem_shared>>)
      tpu.yield
    }) : () -> ()
    "tpu.region"() ({
      %run_scoped3A = tpu.sem_alloc : memref<!tpu.dma_semaphore, #tpu.memory_space<semaphore_mem>>
      tpu.enqueue_dma source(%arg3 : memref<128xf32, #tpu.memory_space<hbm>>) target(%arg7 : memref<128xf32, #tpu.memory_space<vmem>>) target_semaphore(%run_scoped3A : memref<!tpu.dma_semaphore, #tpu.memory_space<semaphore_mem>>)
      tpu.wait_dma2 semaphore(%run_scoped3A : memref<!tpu.dma_semaphore, #tpu.memory_space<semaphore_mem>>) src(%arg3 : memref<128xf32, #tpu.memory_space<hbm>>) dst(%arg7 : memref<128xf32, #tpu.memory_space<vmem>>)
      tpu.yield
    }) : () -> ()
    %mul3A_3 = arith.constant 80 : i32
    %mul3A_4 = arith.muli %add3A, %mul3A_3 : i32
    "tpu.region"() ({
      %run_scoped3A = tpu.sem_alloc : memref<!tpu.dma_semaphore, #tpu.memory_space<semaphore_mem>>
      %dma_start3A = arith.constant 0 : i32
      %dma_start3A_18 = tpu.memref_slice %arg2[%mul3A_4, %dma_start3A] : memref<2560x128xi32, #tpu.memory_space<hbm>> -> memref<80x128xi32, #tpu.memory_space<hbm>>
      %dma_start3A_19 = arith.constant 0 : i32
      %dma_start3A_20 = tpu.memref_slice %arg2[%mul3A_4, %dma_start3A_19] : memref<2560x128xi32, #tpu.memory_space<hbm>> -> memref<80x128xi32, #tpu.memory_space<hbm>>
      tpu.enqueue_dma source(%dma_start3A_20 : memref<80x128xi32, #tpu.memory_space<hbm>>) target(%arg6 : memref<80x128xi32, #tpu.memory_space<vmem>>) target_semaphore(%run_scoped3A : memref<!tpu.dma_semaphore, #tpu.memory_space<semaphore_mem>>)
      %dma_wait3A = arith.constant 0 : i32
      %dma_wait3A_21 = tpu.memref_slice %arg2[%mul3A_4, %dma_wait3A] : memref<2560x128xi32, #tpu.memory_space<hbm>> -> memref<80x128xi32, #tpu.memory_space<hbm>>
      %dma_wait3A_22 = arith.constant 0 : i32
      %dma_wait3A_23 = tpu.memref_slice %arg2[%mul3A_4, %dma_wait3A_22] : memref<2560x128xi32, #tpu.memory_space<hbm>> -> memref<80x128xi32, #tpu.memory_space<hbm>>
      tpu.wait_dma2 semaphore(%run_scoped3A : memref<!tpu.dma_semaphore, #tpu.memory_space<semaphore_mem>>) src(%dma_wait3A_23 : memref<80x128xi32, #tpu.memory_space<hbm>>) dst(%arg6 : memref<80x128xi32, #tpu.memory_space<vmem>>)
      tpu.yield
    }) : () -> ()
    %barrier3A = arith.constant 0 : index
    tpu.barrier barrier_id(%barrier3A)
    %scan3A = arith.constant 0 : i32
    %scan3A_5 = arith.constant 0 : i32
    %scan3A_6 = arith.constant 80 : i32
    %scan3A_7 = arith.addi %scan3A_5, %scan3A_6 : i32
    %scan3A_8 = arith.constant 1 : i32
    scf.for %scan3A_18 = %scan3A_5 to %scan3A_7 step %scan3A_8  : i32 {
      "tpu.region"() ({
        %run_scoped3A = tpu.sem_alloc : memref<!tpu.dma_semaphore, #tpu.memory_space<semaphore_mem>>
        %dma_start3A = arith.constant 0 : i32
        %dma_start3A_19 = tpu.memref_slice %arg6[%scan3A_18, %dma_start3A] : memref<80x128xi32, #tpu.memory_space<vmem>> -> memref<1x128xi32, #tpu.memory_space<vmem>>
        %dma_start3A_20 = tpu.memref_squeeze %dma_start3A_19 : memref<1x128xi32, #tpu.memory_space<vmem>> -> memref<128xi32, #tpu.memory_space<vmem>>
        %dma_start3A_21 = arith.constant 0 : i32
        %dma_start3A_22 = tpu.memref_slice %arg9[%dma_start3A_21] : memref<10240xf32, #tpu.memory_space<vmem_shared>> -> memref<10240xf32, #tpu.memory_space<vmem_shared>>
        tpu.enqueue_indirect_dma source(%arg7 : memref<128xf32, #tpu.memory_space<vmem>>) target(%dma_start3A_22 : memref<10240xf32, #tpu.memory_space<vmem_shared>>) offsets(%dma_start3A_20 : memref<128xi32, #tpu.memory_space<vmem>>) semaphore(%run_scoped3A : memref<!tpu.dma_semaphore, #tpu.memory_space<semaphore_mem>>) {add = true}
        %dma_wait3A = arith.constant 0 : i32
        %dma_wait3A_23 = tpu.memref_slice %arg6[%scan3A_18, %dma_wait3A] : memref<80x128xi32, #tpu.memory_space<vmem>> -> memref<1x128xi32, #tpu.memory_space<vmem>>
        %dma_wait3A_24 = tpu.memref_squeeze %dma_wait3A_23 : memref<1x128xi32, #tpu.memory_space<vmem>> -> memref<128xi32, #tpu.memory_space<vmem>>
        %dma_wait3A_25 = arith.constant 0 : i32
        %dma_wait3A_26 = tpu.memref_slice %arg9[%dma_wait3A_25] : memref<10240xf32, #tpu.memory_space<vmem_shared>> -> memref<10240xf32, #tpu.memory_space<vmem_shared>>
        tpu.wait_indirect_dma semaphore(%run_scoped3A : memref<!tpu.dma_semaphore, #tpu.memory_space<semaphore_mem>>) src(%arg7 : memref<128xf32, #tpu.memory_space<vmem>>) dst(%dma_wait3A_26 : memref<10240xf32, #tpu.memory_space<vmem_shared>>)
        tpu.yield
      }) : () -> ()
    }
    %scan3A_9 = arith.constant 80 : i32
    %barrier3A_10 = arith.constant 0 : index
    tpu.barrier barrier_id(%barrier3A_10)
    %mul3A_11 = arith.constant 640 : i32
    %mul3A_12 = arith.muli %arg1, %mul3A_11 : i32
    "tpu.region"() ({
      %run_scoped3A = tpu.sem_alloc : memref<!tpu.dma_semaphore, #tpu.memory_space<semaphore_mem>>
      %dma_start3A = tpu.memref_slice %arg9[%mul3A_12] : memref<10240xf32, #tpu.memory_space<vmem_shared>> -> memref<640xf32, #tpu.memory_space<vmem_shared>>
      %dma_start3A_18 = tpu.memref_slice %arg9[%mul3A_12] : memref<10240xf32, #tpu.memory_space<vmem_shared>> -> memref<640xf32, #tpu.memory_space<vmem_shared>>
      tpu.enqueue_dma source(%dma_start3A_18 : memref<640xf32, #tpu.memory_space<vmem_shared>>) target(%arg8 : memref<640xf32, #tpu.memory_space<vmem>>) target_semaphore(%run_scoped3A : memref<!tpu.dma_semaphore, #tpu.memory_space<semaphore_mem>>)
      %dma_wait3A = tpu.memref_slice %arg9[%mul3A_12] : memref<10240xf32, #tpu.memory_space<vmem_shared>> -> memref<640xf32, #tpu.memory_space<vmem_shared>>
      %dma_wait3A_19 = tpu.memref_slice %arg9[%mul3A_12] : memref<10240xf32, #tpu.memory_space<vmem_shared>> -> memref<640xf32, #tpu.memory_space<vmem_shared>>
      tpu.wait_dma2 semaphore(%run_scoped3A : memref<!tpu.dma_semaphore, #tpu.memory_space<semaphore_mem>>) src(%dma_wait3A_19 : memref<640xf32, #tpu.memory_space<vmem_shared>>) dst(%arg8 : memref<640xf32, #tpu.memory_space<vmem>>)
      tpu.yield
    }) : () -> ()
    %mul3A_13 = arith.constant 10240 : i32
    %mul3A_14 = arith.muli %arg0, %mul3A_13 : i32
    %mul3A_15 = arith.constant 640 : i32
    %mul3A_16 = arith.muli %arg1, %mul3A_15 : i32
    %add3A_17 = arith.addi %mul3A_14, %mul3A_16 : i32
    "tpu.region"() ({
      %run_scoped3A = tpu.sem_alloc : memref<!tpu.dma_semaphore, #tpu.memory_space<semaphore_mem>>
      %dma_start3A = tpu.memref_slice %arg5[%add3A_17] : memref<20480xf32, #tpu.memory_space<hbm>> -> memref<640xf32, #tpu.memory_space<hbm>>
      %dma_start3A_18 = tpu.memref_slice %arg5[%add3A_17] : memref<20480xf32, #tpu.memory_space<hbm>> -> memref<640xf32, #tpu.memory_space<hbm>>
      tpu.enqueue_dma source(%arg8 : memref<640xf32, #tpu.memory_space<vmem>>) target(%dma_start3A_18 : memref<640xf32, #tpu.memory_space<hbm>>) target_semaphore(%run_scoped3A : memref<!tpu.dma_semaphore, #tpu.memory_space<semaphore_mem>>)
      %dma_wait3A = tpu.memref_slice %arg5[%add3A_17] : memref<20480xf32, #tpu.memory_space<hbm>> -> memref<640xf32, #tpu.memory_space<hbm>>
      %dma_wait3A_19 = tpu.memref_slice %arg5[%add3A_17] : memref<20480xf32, #tpu.memory_space<hbm>> -> memref<640xf32, #tpu.memory_space<hbm>>
      tpu.wait_dma2 semaphore(%run_scoped3A : memref<!tpu.dma_semaphore, #tpu.memory_space<semaphore_mem>>) src(%arg8 : memref<640xf32, #tpu.memory_space<vmem>>) dst(%dma_wait3A_19 : memref<640xf32, #tpu.memory_space<hbm>>)
      tpu.yield
    }) : () -> ()
    return
  }
}

#map = affine_map<(d0, d1) -> (0, 0)>
#map1 = affine_map<(d0, d1) -> (0, 0, 0)>
module attributes {stable_mosaic.version = 14 : i64} {
  func.func @_agg_body(%arg0: i32, %arg1: i32, %arg2: memref<10000x128xf32, #tpu.memory_space<hbm>>, %arg3: memref<2560x128xi32, #tpu.memory_space<hbm>>, %arg4: memref<2560x128xi32, #tpu.memory_space<hbm>>, %arg5: memref<128x128xf32, #tpu.memory_space<hbm>>, %arg6: memref<2x10240x128xf32, #tpu.memory_space<hbm>>, %arg7: memref<40x128xi32, #tpu.memory_space<vmem>>, %arg8: memref<40x128xi32, #tpu.memory_space<vmem>>, %arg9: memref<128x128xf32, #tpu.memory_space<vmem>>, %arg10: memref<128x128xf32, #tpu.memory_space<vmem>>, %arg11: memref<10240x128xf32, #tpu.memory_space<vmem_shared>>, %arg12: memref<!tpu.dma_semaphore, #tpu.memory_space<semaphore_mem>>, %arg13: memref<!tpu.dma_semaphore, #tpu.memory_space<semaphore_mem>>, %arg14: memref<!tpu.dma_semaphore, #tpu.memory_space<semaphore_mem>>, %arg15: memref<!tpu.dma_semaphore, #tpu.memory_space<semaphore_mem>>) attributes {dimension_semantics = [#tpu.dimension_semantics<core_parallel>, #tpu.dimension_semantics<subcore_parallel>], iteration_bounds = array<i64: 2, 16>, scalar_prefetch = 0 : i64, scratch_operands = 9 : i64, tpu.core_type = #tpu.core_type<sc_vector_subcore>, window_params = [{transform_indices = #map}, {transform_indices = #map}, {transform_indices = #map}, {transform_indices = #map}, {transform_indices = #map1}]} {
    %mul3A = arith.constant 16 : i32
    %mul3A_0 = arith.muli %arg0, %mul3A : i32
    %add3A = arith.addi %mul3A_0, %arg1 : i32
    "tpu.region"() ({
      %run_scoped3A_138 = tpu.sem_alloc : memref<!tpu.dma_semaphore, #tpu.memory_space<semaphore_mem>>
      tpu.enqueue_dma source(%arg5 : memref<128x128xf32, #tpu.memory_space<hbm>>) target(%arg9 : memref<128x128xf32, #tpu.memory_space<vmem>>) target_semaphore(%run_scoped3A_138 : memref<!tpu.dma_semaphore, #tpu.memory_space<semaphore_mem>>)
      tpu.wait_dma2 semaphore(%run_scoped3A_138 : memref<!tpu.dma_semaphore, #tpu.memory_space<semaphore_mem>>) src(%arg5 : memref<128x128xf32, #tpu.memory_space<hbm>>) dst(%arg9 : memref<128x128xf32, #tpu.memory_space<vmem>>)
      tpu.yield
    }) : () -> ()
    %mul3A_1 = arith.constant 640 : i32
    %mul3A_2 = arith.muli %arg1, %mul3A_1 : i32
    %add3A_3 = arith.constant 0 : i32
    %add3A_4 = arith.addi %mul3A_2, %add3A_3 : i32
    "tpu.region"() ({
      %run_scoped3A_138 = tpu.sem_alloc : memref<!tpu.dma_semaphore, #tpu.memory_space<semaphore_mem>>
      %dma_start3A_139 = arith.constant 0 : i32
      %dma_start3A_140 = tpu.memref_slice %arg11[%add3A_4, %dma_start3A_139] : memref<10240x128xf32, #tpu.memory_space<vmem_shared>> -> memref<128x128xf32, #tpu.memory_space<vmem_shared>>
      %dma_start3A_141 = arith.constant 0 : i32
      %dma_start3A_142 = tpu.memref_slice %arg11[%add3A_4, %dma_start3A_141] : memref<10240x128xf32, #tpu.memory_space<vmem_shared>> -> memref<128x128xf32, #tpu.memory_space<vmem_shared>>
      tpu.enqueue_dma source(%arg9 : memref<128x128xf32, #tpu.memory_space<vmem>>) target(%dma_start3A_142 : memref<128x128xf32, #tpu.memory_space<vmem_shared>>) target_semaphore(%run_scoped3A_138 : memref<!tpu.dma_semaphore, #tpu.memory_space<semaphore_mem>>)
      %dma_wait3A_143 = arith.constant 0 : i32
      %dma_wait3A_144 = tpu.memref_slice %arg11[%add3A_4, %dma_wait3A_143] : memref<10240x128xf32, #tpu.memory_space<vmem_shared>> -> memref<128x128xf32, #tpu.memory_space<vmem_shared>>
      %dma_wait3A_145 = arith.constant 0 : i32
      %dma_wait3A_146 = tpu.memref_slice %arg11[%add3A_4, %dma_wait3A_145] : memref<10240x128xf32, #tpu.memory_space<vmem_shared>> -> memref<128x128xf32, #tpu.memory_space<vmem_shared>>
      tpu.wait_dma2 semaphore(%run_scoped3A_138 : memref<!tpu.dma_semaphore, #tpu.memory_space<semaphore_mem>>) src(%arg9 : memref<128x128xf32, #tpu.memory_space<vmem>>) dst(%dma_wait3A_146 : memref<128x128xf32, #tpu.memory_space<vmem_shared>>)
      tpu.yield
    }) : () -> ()
    %mul3A_5 = arith.constant 640 : i32
    %mul3A_6 = arith.muli %arg1, %mul3A_5 : i32
    %add3A_7 = arith.constant 128 : i32
    %add3A_8 = arith.addi %mul3A_6, %add3A_7 : i32
    "tpu.region"() ({
      %run_scoped3A_138 = tpu.sem_alloc : memref<!tpu.dma_semaphore, #tpu.memory_space<semaphore_mem>>
      %dma_start3A_139 = arith.constant 0 : i32
      %dma_start3A_140 = tpu.memref_slice %arg11[%add3A_8, %dma_start3A_139] : memref<10240x128xf32, #tpu.memory_space<vmem_shared>> -> memref<128x128xf32, #tpu.memory_space<vmem_shared>>
      %dma_start3A_141 = arith.constant 0 : i32
      %dma_start3A_142 = tpu.memref_slice %arg11[%add3A_8, %dma_start3A_141] : memref<10240x128xf32, #tpu.memory_space<vmem_shared>> -> memref<128x128xf32, #tpu.memory_space<vmem_shared>>
      tpu.enqueue_dma source(%arg9 : memref<128x128xf32, #tpu.memory_space<vmem>>) target(%dma_start3A_142 : memref<128x128xf32, #tpu.memory_space<vmem_shared>>) target_semaphore(%run_scoped3A_138 : memref<!tpu.dma_semaphore, #tpu.memory_space<semaphore_mem>>)
      %dma_wait3A_143 = arith.constant 0 : i32
      %dma_wait3A_144 = tpu.memref_slice %arg11[%add3A_8, %dma_wait3A_143] : memref<10240x128xf32, #tpu.memory_space<vmem_shared>> -> memref<128x128xf32, #tpu.memory_space<vmem_shared>>
      %dma_wait3A_145 = arith.constant 0 : i32
      %dma_wait3A_146 = tpu.memref_slice %arg11[%add3A_8, %dma_wait3A_145] : memref<10240x128xf32, #tpu.memory_space<vmem_shared>> -> memref<128x128xf32, #tpu.memory_space<vmem_shared>>
      tpu.wait_dma2 semaphore(%run_scoped3A_138 : memref<!tpu.dma_semaphore, #tpu.memory_space<semaphore_mem>>) src(%arg9 : memref<128x128xf32, #tpu.memory_space<vmem>>) dst(%dma_wait3A_146 : memref<128x128xf32, #tpu.memory_space<vmem_shared>>)
      tpu.yield
    }) : () -> ()
    %mul3A_9 = arith.constant 640 : i32
    %mul3A_10 = arith.muli %arg1, %mul3A_9 : i32
    %add3A_11 = arith.constant 256 : i32
    %add3A_12 = arith.addi %mul3A_10, %add3A_11 : i32
    "tpu.region"() ({
      %run_scoped3A_138 = tpu.sem_alloc : memref<!tpu.dma_semaphore, #tpu.memory_space<semaphore_mem>>
      %dma_start3A_139 = arith.constant 0 : i32
      %dma_start3A_140 = tpu.memref_slice %arg11[%add3A_12, %dma_start3A_139] : memref<10240x128xf32, #tpu.memory_space<vmem_shared>> -> memref<128x128xf32, #tpu.memory_space<vmem_shared>>
      %dma_start3A_141 = arith.constant 0 : i32
      %dma_start3A_142 = tpu.memref_slice %arg11[%add3A_12, %dma_start3A_141] : memref<10240x128xf32, #tpu.memory_space<vmem_shared>> -> memref<128x128xf32, #tpu.memory_space<vmem_shared>>
      tpu.enqueue_dma source(%arg9 : memref<128x128xf32, #tpu.memory_space<vmem>>) target(%dma_start3A_142 : memref<128x128xf32, #tpu.memory_space<vmem_shared>>) target_semaphore(%run_scoped3A_138 : memref<!tpu.dma_semaphore, #tpu.memory_space<semaphore_mem>>)
      %dma_wait3A_143 = arith.constant 0 : i32
      %dma_wait3A_144 = tpu.memref_slice %arg11[%add3A_12, %dma_wait3A_143] : memref<10240x128xf32, #tpu.memory_space<vmem_shared>> -> memref<128x128xf32, #tpu.memory_space<vmem_shared>>
      %dma_wait3A_145 = arith.constant 0 : i32
      %dma_wait3A_146 = tpu.memref_slice %arg11[%add3A_12, %dma_wait3A_145] : memref<10240x128xf32, #tpu.memory_space<vmem_shared>> -> memref<128x128xf32, #tpu.memory_space<vmem_shared>>
      tpu.wait_dma2 semaphore(%run_scoped3A_138 : memref<!tpu.dma_semaphore, #tpu.memory_space<semaphore_mem>>) src(%arg9 : memref<128x128xf32, #tpu.memory_space<vmem>>) dst(%dma_wait3A_146 : memref<128x128xf32, #tpu.memory_space<vmem_shared>>)
      tpu.yield
    }) : () -> ()
    %mul3A_13 = arith.constant 640 : i32
    %mul3A_14 = arith.muli %arg1, %mul3A_13 : i32
    %add3A_15 = arith.constant 384 : i32
    %add3A_16 = arith.addi %mul3A_14, %add3A_15 : i32
    "tpu.region"() ({
      %run_scoped3A_138 = tpu.sem_alloc : memref<!tpu.dma_semaphore, #tpu.memory_space<semaphore_mem>>
      %dma_start3A_139 = arith.constant 0 : i32
      %dma_start3A_140 = tpu.memref_slice %arg11[%add3A_16, %dma_start3A_139] : memref<10240x128xf32, #tpu.memory_space<vmem_shared>> -> memref<128x128xf32, #tpu.memory_space<vmem_shared>>
      %dma_start3A_141 = arith.constant 0 : i32
      %dma_start3A_142 = tpu.memref_slice %arg11[%add3A_16, %dma_start3A_141] : memref<10240x128xf32, #tpu.memory_space<vmem_shared>> -> memref<128x128xf32, #tpu.memory_space<vmem_shared>>
      tpu.enqueue_dma source(%arg9 : memref<128x128xf32, #tpu.memory_space<vmem>>) target(%dma_start3A_142 : memref<128x128xf32, #tpu.memory_space<vmem_shared>>) target_semaphore(%run_scoped3A_138 : memref<!tpu.dma_semaphore, #tpu.memory_space<semaphore_mem>>)
      %dma_wait3A_143 = arith.constant 0 : i32
      %dma_wait3A_144 = tpu.memref_slice %arg11[%add3A_16, %dma_wait3A_143] : memref<10240x128xf32, #tpu.memory_space<vmem_shared>> -> memref<128x128xf32, #tpu.memory_space<vmem_shared>>
      %dma_wait3A_145 = arith.constant 0 : i32
      %dma_wait3A_146 = tpu.memref_slice %arg11[%add3A_16, %dma_wait3A_145] : memref<10240x128xf32, #tpu.memory_space<vmem_shared>> -> memref<128x128xf32, #tpu.memory_space<vmem_shared>>
      tpu.wait_dma2 semaphore(%run_scoped3A_138 : memref<!tpu.dma_semaphore, #tpu.memory_space<semaphore_mem>>) src(%arg9 : memref<128x128xf32, #tpu.memory_space<vmem>>) dst(%dma_wait3A_146 : memref<128x128xf32, #tpu.memory_space<vmem_shared>>)
      tpu.yield
    }) : () -> ()
    %mul3A_17 = arith.constant 640 : i32
    %mul3A_18 = arith.muli %arg1, %mul3A_17 : i32
    %add3A_19 = arith.constant 512 : i32
    %add3A_20 = arith.addi %mul3A_18, %add3A_19 : i32
    "tpu.region"() ({
      %run_scoped3A_138 = tpu.sem_alloc : memref<!tpu.dma_semaphore, #tpu.memory_space<semaphore_mem>>
      %dma_start3A_139 = arith.constant 0 : i32
      %dma_start3A_140 = tpu.memref_slice %arg11[%add3A_20, %dma_start3A_139] : memref<10240x128xf32, #tpu.memory_space<vmem_shared>> -> memref<128x128xf32, #tpu.memory_space<vmem_shared>>
      %dma_start3A_141 = arith.constant 0 : i32
      %dma_start3A_142 = tpu.memref_slice %arg11[%add3A_20, %dma_start3A_141] : memref<10240x128xf32, #tpu.memory_space<vmem_shared>> -> memref<128x128xf32, #tpu.memory_space<vmem_shared>>
      tpu.enqueue_dma source(%arg9 : memref<128x128xf32, #tpu.memory_space<vmem>>) target(%dma_start3A_142 : memref<128x128xf32, #tpu.memory_space<vmem_shared>>) target_semaphore(%run_scoped3A_138 : memref<!tpu.dma_semaphore, #tpu.memory_space<semaphore_mem>>)
      %dma_wait3A_143 = arith.constant 0 : i32
      %dma_wait3A_144 = tpu.memref_slice %arg11[%add3A_20, %dma_wait3A_143] : memref<10240x128xf32, #tpu.memory_space<vmem_shared>> -> memref<128x128xf32, #tpu.memory_space<vmem_shared>>
      %dma_wait3A_145 = arith.constant 0 : i32
      %dma_wait3A_146 = tpu.memref_slice %arg11[%add3A_20, %dma_wait3A_145] : memref<10240x128xf32, #tpu.memory_space<vmem_shared>> -> memref<128x128xf32, #tpu.memory_space<vmem_shared>>
      tpu.wait_dma2 semaphore(%run_scoped3A_138 : memref<!tpu.dma_semaphore, #tpu.memory_space<semaphore_mem>>) src(%arg9 : memref<128x128xf32, #tpu.memory_space<vmem>>) dst(%dma_wait3A_146 : memref<128x128xf32, #tpu.memory_space<vmem_shared>>)
      tpu.yield
    }) : () -> ()
    %barrier3A = arith.constant 0 : index
    tpu.barrier barrier_id(%barrier3A)
    %mul3A_21 = arith.constant 80 : i32
    %mul3A_22 = arith.muli %add3A, %mul3A_21 : i32
    %add3A_23 = arith.constant 0 : i32
    %add3A_24 = arith.addi %mul3A_22, %add3A_23 : i32
    "tpu.region"() ({
      %run_scoped3A_138 = tpu.sem_alloc : memref<!tpu.dma_semaphore, #tpu.memory_space<semaphore_mem>>
      %dma_start3A_139 = arith.constant 0 : i32
      %dma_start3A_140 = tpu.memref_slice %arg3[%add3A_24, %dma_start3A_139] : memref<2560x128xi32, #tpu.memory_space<hbm>> -> memref<40x128xi32, #tpu.memory_space<hbm>>
      %dma_start3A_141 = arith.constant 0 : i32
      %dma_start3A_142 = tpu.memref_slice %arg3[%add3A_24, %dma_start3A_141] : memref<2560x128xi32, #tpu.memory_space<hbm>> -> memref<40x128xi32, #tpu.memory_space<hbm>>
      tpu.enqueue_dma source(%dma_start3A_142 : memref<40x128xi32, #tpu.memory_space<hbm>>) target(%arg7 : memref<40x128xi32, #tpu.memory_space<vmem>>) target_semaphore(%run_scoped3A_138 : memref<!tpu.dma_semaphore, #tpu.memory_space<semaphore_mem>>)
      %dma_wait3A_143 = arith.constant 0 : i32
      %dma_wait3A_144 = tpu.memref_slice %arg3[%add3A_24, %dma_wait3A_143] : memref<2560x128xi32, #tpu.memory_space<hbm>> -> memref<40x128xi32, #tpu.memory_space<hbm>>
      %dma_wait3A_145 = arith.constant 0 : i32
      %dma_wait3A_146 = tpu.memref_slice %arg3[%add3A_24, %dma_wait3A_145] : memref<2560x128xi32, #tpu.memory_space<hbm>> -> memref<40x128xi32, #tpu.memory_space<hbm>>
      tpu.wait_dma2 semaphore(%run_scoped3A_138 : memref<!tpu.dma_semaphore, #tpu.memory_space<semaphore_mem>>) src(%dma_wait3A_146 : memref<40x128xi32, #tpu.memory_space<hbm>>) dst(%arg7 : memref<40x128xi32, #tpu.memory_space<vmem>>)
      tpu.yield
    }) : () -> ()
    "tpu.region"() ({
      %run_scoped3A_138 = tpu.sem_alloc : memref<!tpu.dma_semaphore, #tpu.memory_space<semaphore_mem>>
      %dma_start3A_139 = arith.constant 0 : i32
      %dma_start3A_140 = tpu.memref_slice %arg4[%add3A_24, %dma_start3A_139] : memref<2560x128xi32, #tpu.memory_space<hbm>> -> memref<40x128xi32, #tpu.memory_space<hbm>>
      %dma_start3A_141 = arith.constant 0 : i32
      %dma_start3A_142 = tpu.memref_slice %arg4[%add3A_24, %dma_start3A_141] : memref<2560x128xi32, #tpu.memory_space<hbm>> -> memref<40x128xi32, #tpu.memory_space<hbm>>
      tpu.enqueue_dma source(%dma_start3A_142 : memref<40x128xi32, #tpu.memory_space<hbm>>) target(%arg8 : memref<40x128xi32, #tpu.memory_space<vmem>>) target_semaphore(%run_scoped3A_138 : memref<!tpu.dma_semaphore, #tpu.memory_space<semaphore_mem>>)
      %dma_wait3A_143 = arith.constant 0 : i32
      %dma_wait3A_144 = tpu.memref_slice %arg4[%add3A_24, %dma_wait3A_143] : memref<2560x128xi32, #tpu.memory_space<hbm>> -> memref<40x128xi32, #tpu.memory_space<hbm>>
      %dma_wait3A_145 = arith.constant 0 : i32
      %dma_wait3A_146 = tpu.memref_slice %arg4[%add3A_24, %dma_wait3A_145] : memref<2560x128xi32, #tpu.memory_space<hbm>> -> memref<40x128xi32, #tpu.memory_space<hbm>>
      tpu.wait_dma2 semaphore(%run_scoped3A_138 : memref<!tpu.dma_semaphore, #tpu.memory_space<semaphore_mem>>) src(%dma_wait3A_146 : memref<40x128xi32, #tpu.memory_space<hbm>>) dst(%arg8 : memref<40x128xi32, #tpu.memory_space<vmem>>)
      tpu.yield
    }) : () -> ()
    %dma_start3A = arith.constant 0 : i32
    %dma_start3A_25 = arith.constant 0 : i32
    %dma_start3A_26 = tpu.memref_slice %arg7[%dma_start3A, %dma_start3A_25] : memref<40x128xi32, #tpu.memory_space<vmem>> -> memref<1x128xi32, #tpu.memory_space<vmem>>
    %dma_start3A_27 = tpu.memref_squeeze %dma_start3A_26 : memref<1x128xi32, #tpu.memory_space<vmem>> -> memref<128xi32, #tpu.memory_space<vmem>>
    %dma_start3A_28 = arith.constant 0 : i32
    %dma_start3A_29 = arith.constant 0 : i32
    %dma_start3A_30 = tpu.memref_slice %arg2[%dma_start3A_28, %dma_start3A_29] : memref<10000x128xf32, #tpu.memory_space<hbm>> -> memref<10000x128xf32, #tpu.memory_space<hbm>>
    tpu.enqueue_indirect_dma source(%dma_start3A_30 : memref<10000x128xf32, #tpu.memory_space<hbm>>) target(%arg9 : memref<128x128xf32, #tpu.memory_space<vmem>>) offsets(%dma_start3A_27 : memref<128xi32, #tpu.memory_space<vmem>>) semaphore(%arg12 : memref<!tpu.dma_semaphore, #tpu.memory_space<semaphore_mem>>)
    %dma_start3A_31 = arith.constant 1 : i32
    %dma_start3A_32 = arith.constant 0 : i32
    %dma_start3A_33 = tpu.memref_slice %arg7[%dma_start3A_31, %dma_start3A_32] : memref<40x128xi32, #tpu.memory_space<vmem>> -> memref<1x128xi32, #tpu.memory_space<vmem>>
    %dma_start3A_34 = tpu.memref_squeeze %dma_start3A_33 : memref<1x128xi32, #tpu.memory_space<vmem>> -> memref<128xi32, #tpu.memory_space<vmem>>
    %dma_start3A_35 = arith.constant 0 : i32
    %dma_start3A_36 = arith.constant 0 : i32
    %dma_start3A_37 = tpu.memref_slice %arg2[%dma_start3A_35, %dma_start3A_36] : memref<10000x128xf32, #tpu.memory_space<hbm>> -> memref<10000x128xf32, #tpu.memory_space<hbm>>
    tpu.enqueue_indirect_dma source(%dma_start3A_37 : memref<10000x128xf32, #tpu.memory_space<hbm>>) target(%arg10 : memref<128x128xf32, #tpu.memory_space<vmem>>) offsets(%dma_start3A_34 : memref<128xi32, #tpu.memory_space<vmem>>) semaphore(%arg13 : memref<!tpu.dma_semaphore, #tpu.memory_space<semaphore_mem>>)
    %scan3A = arith.constant 0 : i32
    %scan3A_38 = arith.constant 0 : i32
    %scan3A_39 = arith.constant 19 : i32
    %scan3A_40 = arith.addi %scan3A_38, %scan3A_39 : i32
    %scan3A_41 = arith.constant 1 : i32
    scf.for %scan3A_138 = %scan3A_38 to %scan3A_40 step %scan3A_41  : i32 {
      %mul3A_139 = arith.constant 2 : i32
      %mul3A_140 = arith.muli %scan3A_138, %mul3A_139 : i32
      %add3A_141 = arith.constant 0 : i32
      %add3A_142 = arith.addi %mul3A_140, %add3A_141 : i32
      %dma_wait3A_143 = arith.constant 0 : i32
      %dma_wait3A_144 = tpu.memref_slice %arg7[%add3A_142, %dma_wait3A_143] : memref<40x128xi32, #tpu.memory_space<vmem>> -> memref<1x128xi32, #tpu.memory_space<vmem>>
      %dma_wait3A_145 = tpu.memref_squeeze %dma_wait3A_144 : memref<1x128xi32, #tpu.memory_space<vmem>> -> memref<128xi32, #tpu.memory_space<vmem>>
      %dma_wait3A_146 = arith.constant 0 : i32
      %dma_wait3A_147 = arith.constant 0 : i32
      %dma_wait3A_148 = tpu.memref_slice %arg2[%dma_wait3A_146, %dma_wait3A_147] : memref<10000x128xf32, #tpu.memory_space<hbm>> -> memref<10000x128xf32, #tpu.memory_space<hbm>>
      tpu.wait_indirect_dma semaphore(%arg12 : memref<!tpu.dma_semaphore, #tpu.memory_space<semaphore_mem>>) src(%dma_wait3A_148 : memref<10000x128xf32, #tpu.memory_space<hbm>>) dst(%arg9 : memref<128x128xf32, #tpu.memory_space<vmem>>)
      %add3A_149 = arith.constant 0 : i32
      %add3A_150 = arith.addi %mul3A_140, %add3A_149 : i32
      "tpu.region"() ({
        %run_scoped3A_181 = tpu.sem_alloc : memref<!tpu.dma_semaphore, #tpu.memory_space<semaphore_mem>>
        %dma_start3A_182 = arith.constant 0 : i32
        %dma_start3A_183 = tpu.memref_slice %arg8[%add3A_150, %dma_start3A_182] : memref<40x128xi32, #tpu.memory_space<vmem>> -> memref<1x128xi32, #tpu.memory_space<vmem>>
        %dma_start3A_184 = tpu.memref_squeeze %dma_start3A_183 : memref<1x128xi32, #tpu.memory_space<vmem>> -> memref<128xi32, #tpu.memory_space<vmem>>
        %dma_start3A_185 = arith.constant 0 : i32
        %dma_start3A_186 = arith.constant 0 : i32
        %dma_start3A_187 = tpu.memref_slice %arg11[%dma_start3A_185, %dma_start3A_186] : memref<10240x128xf32, #tpu.memory_space<vmem_shared>> -> memref<10240x128xf32, #tpu.memory_space<vmem_shared>>
        tpu.enqueue_indirect_dma source(%arg9 : memref<128x128xf32, #tpu.memory_space<vmem>>) target(%dma_start3A_187 : memref<10240x128xf32, #tpu.memory_space<vmem_shared>>) offsets(%dma_start3A_184 : memref<128xi32, #tpu.memory_space<vmem>>) semaphore(%run_scoped3A_181 : memref<!tpu.dma_semaphore, #tpu.memory_space<semaphore_mem>>) {add = true}
        %dma_wait3A_188 = arith.constant 0 : i32
        %dma_wait3A_189 = tpu.memref_slice %arg8[%add3A_150, %dma_wait3A_188] : memref<40x128xi32, #tpu.memory_space<vmem>> -> memref<1x128xi32, #tpu.memory_space<vmem>>
        %dma_wait3A_190 = tpu.memref_squeeze %dma_wait3A_189 : memref<1x128xi32, #tpu.memory_space<vmem>> -> memref<128xi32, #tpu.memory_space<vmem>>
        %dma_wait3A_191 = arith.constant 0 : i32
        %dma_wait3A_192 = arith.constant 0 : i32
        %dma_wait3A_193 = tpu.memref_slice %arg11[%dma_wait3A_191, %dma_wait3A_192] : memref<10240x128xf32, #tpu.memory_space<vmem_shared>> -> memref<10240x128xf32, #tpu.memory_space<vmem_shared>>
        tpu.wait_indirect_dma semaphore(%run_scoped3A_181 : memref<!tpu.dma_semaphore, #tpu.memory_space<semaphore_mem>>) src(%arg9 : memref<128x128xf32, #tpu.memory_space<vmem>>) dst(%dma_wait3A_193 : memref<10240x128xf32, #tpu.memory_space<vmem_shared>>)
        tpu.yield
      }) : () -> ()
      %add3A_151 = arith.constant 2 : i32
      %add3A_152 = arith.addi %mul3A_140, %add3A_151 : i32
      %add3A_153 = arith.constant 0 : i32
      %add3A_154 = arith.addi %add3A_152, %add3A_153 : i32
      %dma_start3A_155 = arith.constant 0 : i32
      %dma_start3A_156 = tpu.memref_slice %arg7[%add3A_154, %dma_start3A_155] : memref<40x128xi32, #tpu.memory_space<vmem>> -> memref<1x128xi32, #tpu.memory_space<vmem>>
      %dma_start3A_157 = tpu.memref_squeeze %dma_start3A_156 : memref<1x128xi32, #tpu.memory_space<vmem>> -> memref<128xi32, #tpu.memory_space<vmem>>
      %dma_start3A_158 = arith.constant 0 : i32
      %dma_start3A_159 = arith.constant 0 : i32
      %dma_start3A_160 = tpu.memref_slice %arg2[%dma_start3A_158, %dma_start3A_159] : memref<10000x128xf32, #tpu.memory_space<hbm>> -> memref<10000x128xf32, #tpu.memory_space<hbm>>
      tpu.enqueue_indirect_dma source(%dma_start3A_160 : memref<10000x128xf32, #tpu.memory_space<hbm>>) target(%arg9 : memref<128x128xf32, #tpu.memory_space<vmem>>) offsets(%dma_start3A_157 : memref<128xi32, #tpu.memory_space<vmem>>) semaphore(%arg12 : memref<!tpu.dma_semaphore, #tpu.memory_space<semaphore_mem>>)
      %add3A_161 = arith.constant 1 : i32
      %add3A_162 = arith.addi %mul3A_140, %add3A_161 : i32
      %dma_wait3A_163 = arith.constant 0 : i32
      %dma_wait3A_164 = tpu.memref_slice %arg7[%add3A_162, %dma_wait3A_163] : memref<40x128xi32, #tpu.memory_space<vmem>> -> memref<1x128xi32, #tpu.memory_space<vmem>>
      %dma_wait3A_165 = tpu.memref_squeeze %dma_wait3A_164 : memref<1x128xi32, #tpu.memory_space<vmem>> -> memref<128xi32, #tpu.memory_space<vmem>>
      %dma_wait3A_166 = arith.constant 0 : i32
      %dma_wait3A_167 = arith.constant 0 : i32
      %dma_wait3A_168 = tpu.memref_slice %arg2[%dma_wait3A_166, %dma_wait3A_167] : memref<10000x128xf32, #tpu.memory_space<hbm>> -> memref<10000x128xf32, #tpu.memory_space<hbm>>
      tpu.wait_indirect_dma semaphore(%arg13 : memref<!tpu.dma_semaphore, #tpu.memory_space<semaphore_mem>>) src(%dma_wait3A_168 : memref<10000x128xf32, #tpu.memory_space<hbm>>) dst(%arg10 : memref<128x128xf32, #tpu.memory_space<vmem>>)
      %add3A_169 = arith.constant 1 : i32
      %add3A_170 = arith.addi %mul3A_140, %add3A_169 : i32
      "tpu.region"() ({
        %run_scoped3A_181 = tpu.sem_alloc : memref<!tpu.dma_semaphore, #tpu.memory_space<semaphore_mem>>
        %dma_start3A_182 = arith.constant 0 : i32
        %dma_start3A_183 = tpu.memref_slice %arg8[%add3A_170, %dma_start3A_182] : memref<40x128xi32, #tpu.memory_space<vmem>> -> memref<1x128xi32, #tpu.memory_space<vmem>>
        %dma_start3A_184 = tpu.memref_squeeze %dma_start3A_183 : memref<1x128xi32, #tpu.memory_space<vmem>> -> memref<128xi32, #tpu.memory_space<vmem>>
        %dma_start3A_185 = arith.constant 0 : i32
        %dma_start3A_186 = arith.constant 0 : i32
        %dma_start3A_187 = tpu.memref_slice %arg11[%dma_start3A_185, %dma_start3A_186] : memref<10240x128xf32, #tpu.memory_space<vmem_shared>> -> memref<10240x128xf32, #tpu.memory_space<vmem_shared>>
        tpu.enqueue_indirect_dma source(%arg10 : memref<128x128xf32, #tpu.memory_space<vmem>>) target(%dma_start3A_187 : memref<10240x128xf32, #tpu.memory_space<vmem_shared>>) offsets(%dma_start3A_184 : memref<128xi32, #tpu.memory_space<vmem>>) semaphore(%run_scoped3A_181 : memref<!tpu.dma_semaphore, #tpu.memory_space<semaphore_mem>>) {add = true}
        %dma_wait3A_188 = arith.constant 0 : i32
        %dma_wait3A_189 = tpu.memref_slice %arg8[%add3A_170, %dma_wait3A_188] : memref<40x128xi32, #tpu.memory_space<vmem>> -> memref<1x128xi32, #tpu.memory_space<vmem>>
        %dma_wait3A_190 = tpu.memref_squeeze %dma_wait3A_189 : memref<1x128xi32, #tpu.memory_space<vmem>> -> memref<128xi32, #tpu.memory_space<vmem>>
        %dma_wait3A_191 = arith.constant 0 : i32
        %dma_wait3A_192 = arith.constant 0 : i32
        %dma_wait3A_193 = tpu.memref_slice %arg11[%dma_wait3A_191, %dma_wait3A_192] : memref<10240x128xf32, #tpu.memory_space<vmem_shared>> -> memref<10240x128xf32, #tpu.memory_space<vmem_shared>>
        tpu.wait_indirect_dma semaphore(%run_scoped3A_181 : memref<!tpu.dma_semaphore, #tpu.memory_space<semaphore_mem>>) src(%arg10 : memref<128x128xf32, #tpu.memory_space<vmem>>) dst(%dma_wait3A_193 : memref<10240x128xf32, #tpu.memory_space<vmem_shared>>)
        tpu.yield
      }) : () -> ()
      %add3A_171 = arith.constant 2 : i32
      %add3A_172 = arith.addi %mul3A_140, %add3A_171 : i32
      %add3A_173 = arith.constant 1 : i32
      %add3A_174 = arith.addi %add3A_172, %add3A_173 : i32
      %dma_start3A_175 = arith.constant 0 : i32
      %dma_start3A_176 = tpu.memref_slice %arg7[%add3A_174, %dma_start3A_175] : memref<40x128xi32, #tpu.memory_space<vmem>> -> memref<1x128xi32, #tpu.memory_space<vmem>>
      %dma_start3A_177 = tpu.memref_squeeze %dma_start3A_176 : memref<1x128xi32, #tpu.memory_space<vmem>> -> memref<128xi32, #tpu.memory_space<vmem>>
      %dma_start3A_178 = arith.constant 0 : i32
      %dma_start3A_179 = arith.constant 0 : i32
      %dma_start3A_180 = tpu.memref_slice %arg2[%dma_start3A_178, %dma_start3A_179] : memref<10000x128xf32, #tpu.memory_space<hbm>> -> memref<10000x128xf32, #tpu.memory_space<hbm>>
      tpu.enqueue_indirect_dma source(%dma_start3A_180 : memref<10000x128xf32, #tpu.memory_space<hbm>>) target(%arg10 : memref<128x128xf32, #tpu.memory_space<vmem>>) offsets(%dma_start3A_177 : memref<128xi32, #tpu.memory_space<vmem>>) semaphore(%arg13 : memref<!tpu.dma_semaphore, #tpu.memory_space<semaphore_mem>>)
    }
    %scan3A_42 = arith.constant 19 : i32
    %dma_wait3A = arith.constant 38 : i32
    %dma_wait3A_43 = arith.constant 0 : i32
    %dma_wait3A_44 = tpu.memref_slice %arg7[%dma_wait3A, %dma_wait3A_43] : memref<40x128xi32, #tpu.memory_space<vmem>> -> memref<1x128xi32, #tpu.memory_space<vmem>>
    %dma_wait3A_45 = tpu.memref_squeeze %dma_wait3A_44 : memref<1x128xi32, #tpu.memory_space<vmem>> -> memref<128xi32, #tpu.memory_space<vmem>>
    %dma_wait3A_46 = arith.constant 0 : i32
    %dma_wait3A_47 = arith.constant 0 : i32
    %dma_wait3A_48 = tpu.memref_slice %arg2[%dma_wait3A_46, %dma_wait3A_47] : memref<10000x128xf32, #tpu.memory_space<hbm>> -> memref<10000x128xf32, #tpu.memory_space<hbm>>
    tpu.wait_indirect_dma semaphore(%arg12 : memref<!tpu.dma_semaphore, #tpu.memory_space<semaphore_mem>>) src(%dma_wait3A_48 : memref<10000x128xf32, #tpu.memory_space<hbm>>) dst(%arg9 : memref<128x128xf32, #tpu.memory_space<vmem>>)
    %run_scoped3A = arith.constant 38 : i32
    "tpu.region"() ({
      %run_scoped3A_138 = tpu.sem_alloc : memref<!tpu.dma_semaphore, #tpu.memory_space<semaphore_mem>>
      %dma_start3A_139 = arith.constant 0 : i32
      %dma_start3A_140 = tpu.memref_slice %arg8[%run_scoped3A, %dma_start3A_139] : memref<40x128xi32, #tpu.memory_space<vmem>> -> memref<1x128xi32, #tpu.memory_space<vmem>>
      %dma_start3A_141 = tpu.memref_squeeze %dma_start3A_140 : memref<1x128xi32, #tpu.memory_space<vmem>> -> memref<128xi32, #tpu.memory_space<vmem>>
      %dma_start3A_142 = arith.constant 0 : i32
      %dma_start3A_143 = arith.constant 0 : i32
      %dma_start3A_144 = tpu.memref_slice %arg11[%dma_start3A_142, %dma_start3A_143] : memref<10240x128xf32, #tpu.memory_space<vmem_shared>> -> memref<10240x128xf32, #tpu.memory_space<vmem_shared>>
      tpu.enqueue_indirect_dma source(%arg9 : memref<128x128xf32, #tpu.memory_space<vmem>>) target(%dma_start3A_144 : memref<10240x128xf32, #tpu.memory_space<vmem_shared>>) offsets(%dma_start3A_141 : memref<128xi32, #tpu.memory_space<vmem>>) semaphore(%run_scoped3A_138 : memref<!tpu.dma_semaphore, #tpu.memory_space<semaphore_mem>>) {add = true}
      %dma_wait3A_145 = arith.constant 0 : i32
      %dma_wait3A_146 = tpu.memref_slice %arg8[%run_scoped3A, %dma_wait3A_145] : memref<40x128xi32, #tpu.memory_space<vmem>> -> memref<1x128xi32, #tpu.memory_space<vmem>>
      %dma_wait3A_147 = tpu.memref_squeeze %dma_wait3A_146 : memref<1x128xi32, #tpu.memory_space<vmem>> -> memref<128xi32, #tpu.memory_space<vmem>>
      %dma_wait3A_148 = arith.constant 0 : i32
      %dma_wait3A_149 = arith.constant 0 : i32
      %dma_wait3A_150 = tpu.memref_slice %arg11[%dma_wait3A_148, %dma_wait3A_149] : memref<10240x128xf32, #tpu.memory_space<vmem_shared>> -> memref<10240x128xf32, #tpu.memory_space<vmem_shared>>
      tpu.wait_indirect_dma semaphore(%run_scoped3A_138 : memref<!tpu.dma_semaphore, #tpu.memory_space<semaphore_mem>>) src(%arg9 : memref<128x128xf32, #tpu.memory_space<vmem>>) dst(%dma_wait3A_150 : memref<10240x128xf32, #tpu.memory_space<vmem_shared>>)
      tpu.yield
    }) : () -> ()
    %dma_wait3A_49 = arith.constant 39 : i32
    %dma_wait3A_50 = arith.constant 0 : i32
    %dma_wait3A_51 = tpu.memref_slice %arg7[%dma_wait3A_49, %dma_wait3A_50] : memref<40x128xi32, #tpu.memory_space<vmem>> -> memref<1x128xi32, #tpu.memory_space<vmem>>
    %dma_wait3A_52 = tpu.memref_squeeze %dma_wait3A_51 : memref<1x128xi32, #tpu.memory_space<vmem>> -> memref<128xi32, #tpu.memory_space<vmem>>
    %dma_wait3A_53 = arith.constant 0 : i32
    %dma_wait3A_54 = arith.constant 0 : i32
    %dma_wait3A_55 = tpu.memref_slice %arg2[%dma_wait3A_53, %dma_wait3A_54] : memref<10000x128xf32, #tpu.memory_space<hbm>> -> memref<10000x128xf32, #tpu.memory_space<hbm>>
    tpu.wait_indirect_dma semaphore(%arg13 : memref<!tpu.dma_semaphore, #tpu.memory_space<semaphore_mem>>) src(%dma_wait3A_55 : memref<10000x128xf32, #tpu.memory_space<hbm>>) dst(%arg10 : memref<128x128xf32, #tpu.memory_space<vmem>>)
    %run_scoped3A_56 = arith.constant 39 : i32
    "tpu.region"() ({
      %run_scoped3A_138 = tpu.sem_alloc : memref<!tpu.dma_semaphore, #tpu.memory_space<semaphore_mem>>
      %dma_start3A_139 = arith.constant 0 : i32
      %dma_start3A_140 = tpu.memref_slice %arg8[%run_scoped3A_56, %dma_start3A_139] : memref<40x128xi32, #tpu.memory_space<vmem>> -> memref<1x128xi32, #tpu.memory_space<vmem>>
      %dma_start3A_141 = tpu.memref_squeeze %dma_start3A_140 : memref<1x128xi32, #tpu.memory_space<vmem>> -> memref<128xi32, #tpu.memory_space<vmem>>
      %dma_start3A_142 = arith.constant 0 : i32
      %dma_start3A_143 = arith.constant 0 : i32
      %dma_start3A_144 = tpu.memref_slice %arg11[%dma_start3A_142, %dma_start3A_143] : memref<10240x128xf32, #tpu.memory_space<vmem_shared>> -> memref<10240x128xf32, #tpu.memory_space<vmem_shared>>
      tpu.enqueue_indirect_dma source(%arg10 : memref<128x128xf32, #tpu.memory_space<vmem>>) target(%dma_start3A_144 : memref<10240x128xf32, #tpu.memory_space<vmem_shared>>) offsets(%dma_start3A_141 : memref<128xi32, #tpu.memory_space<vmem>>) semaphore(%run_scoped3A_138 : memref<!tpu.dma_semaphore, #tpu.memory_space<semaphore_mem>>) {add = true}
      %dma_wait3A_145 = arith.constant 0 : i32
      %dma_wait3A_146 = tpu.memref_slice %arg8[%run_scoped3A_56, %dma_wait3A_145] : memref<40x128xi32, #tpu.memory_space<vmem>> -> memref<1x128xi32, #tpu.memory_space<vmem>>
      %dma_wait3A_147 = tpu.memref_squeeze %dma_wait3A_146 : memref<1x128xi32, #tpu.memory_space<vmem>> -> memref<128xi32, #tpu.memory_space<vmem>>
      %dma_wait3A_148 = arith.constant 0 : i32
      %dma_wait3A_149 = arith.constant 0 : i32
      %dma_wait3A_150 = tpu.memref_slice %arg11[%dma_wait3A_148, %dma_wait3A_149] : memref<10240x128xf32, #tpu.memory_space<vmem_shared>> -> memref<10240x128xf32, #tpu.memory_space<vmem_shared>>
      tpu.wait_indirect_dma semaphore(%run_scoped3A_138 : memref<!tpu.dma_semaphore, #tpu.memory_space<semaphore_mem>>) src(%arg10 : memref<128x128xf32, #tpu.memory_space<vmem>>) dst(%dma_wait3A_150 : memref<10240x128xf32, #tpu.memory_space<vmem_shared>>)
      tpu.yield
    }) : () -> ()
    %mul3A_57 = arith.constant 80 : i32
    %mul3A_58 = arith.muli %add3A, %mul3A_57 : i32
    %add3A_59 = arith.constant 40 : i32
    %add3A_60 = arith.addi %mul3A_58, %add3A_59 : i32
    "tpu.region"() ({
      %run_scoped3A_138 = tpu.sem_alloc : memref<!tpu.dma_semaphore, #tpu.memory_space<semaphore_mem>>
      %dma_start3A_139 = arith.constant 0 : i32
      %dma_start3A_140 = tpu.memref_slice %arg3[%add3A_60, %dma_start3A_139] : memref<2560x128xi32, #tpu.memory_space<hbm>> -> memref<40x128xi32, #tpu.memory_space<hbm>>
      %dma_start3A_141 = arith.constant 0 : i32
      %dma_start3A_142 = tpu.memref_slice %arg3[%add3A_60, %dma_start3A_141] : memref<2560x128xi32, #tpu.memory_space<hbm>> -> memref<40x128xi32, #tpu.memory_space<hbm>>
      tpu.enqueue_dma source(%dma_start3A_142 : memref<40x128xi32, #tpu.memory_space<hbm>>) target(%arg7 : memref<40x128xi32, #tpu.memory_space<vmem>>) target_semaphore(%run_scoped3A_138 : memref<!tpu.dma_semaphore, #tpu.memory_space<semaphore_mem>>)
      %dma_wait3A_143 = arith.constant 0 : i32
      %dma_wait3A_144 = tpu.memref_slice %arg3[%add3A_60, %dma_wait3A_143] : memref<2560x128xi32, #tpu.memory_space<hbm>> -> memref<40x128xi32, #tpu.memory_space<hbm>>
      %dma_wait3A_145 = arith.constant 0 : i32
      %dma_wait3A_146 = tpu.memref_slice %arg3[%add3A_60, %dma_wait3A_145] : memref<2560x128xi32, #tpu.memory_space<hbm>> -> memref<40x128xi32, #tpu.memory_space<hbm>>
      tpu.wait_dma2 semaphore(%run_scoped3A_138 : memref<!tpu.dma_semaphore, #tpu.memory_space<semaphore_mem>>) src(%dma_wait3A_146 : memref<40x128xi32, #tpu.memory_space<hbm>>) dst(%arg7 : memref<40x128xi32, #tpu.memory_space<vmem>>)
      tpu.yield
    }) : () -> ()
    "tpu.region"() ({
      %run_scoped3A_138 = tpu.sem_alloc : memref<!tpu.dma_semaphore, #tpu.memory_space<semaphore_mem>>
      %dma_start3A_139 = arith.constant 0 : i32
      %dma_start3A_140 = tpu.memref_slice %arg4[%add3A_60, %dma_start3A_139] : memref<2560x128xi32, #tpu.memory_space<hbm>> -> memref<40x128xi32, #tpu.memory_space<hbm>>
      %dma_start3A_141 = arith.constant 0 : i32
      %dma_start3A_142 = tpu.memref_slice %arg4[%add3A_60, %dma_start3A_141] : memref<2560x128xi32, #tpu.memory_space<hbm>> -> memref<40x128xi32, #tpu.memory_space<hbm>>
      tpu.enqueue_dma source(%dma_start3A_142 : memref<40x128xi32, #tpu.memory_space<hbm>>) target(%arg8 : memref<40x128xi32, #tpu.memory_space<vmem>>) target_semaphore(%run_scoped3A_138 : memref<!tpu.dma_semaphore, #tpu.memory_space<semaphore_mem>>)
      %dma_wait3A_143 = arith.constant 0 : i32
      %dma_wait3A_144 = tpu.memref_slice %arg4[%add3A_60, %dma_wait3A_143] : memref<2560x128xi32, #tpu.memory_space<hbm>> -> memref<40x128xi32, #tpu.memory_space<hbm>>
      %dma_wait3A_145 = arith.constant 0 : i32
      %dma_wait3A_146 = tpu.memref_slice %arg4[%add3A_60, %dma_wait3A_145] : memref<2560x128xi32, #tpu.memory_space<hbm>> -> memref<40x128xi32, #tpu.memory_space<hbm>>
      tpu.wait_dma2 semaphore(%run_scoped3A_138 : memref<!tpu.dma_semaphore, #tpu.memory_space<semaphore_mem>>) src(%dma_wait3A_146 : memref<40x128xi32, #tpu.memory_space<hbm>>) dst(%arg8 : memref<40x128xi32, #tpu.memory_space<vmem>>)
      tpu.yield
    }) : () -> ()
    %dma_start3A_61 = arith.constant 0 : i32
    %dma_start3A_62 = arith.constant 0 : i32
    %dma_start3A_63 = tpu.memref_slice %arg7[%dma_start3A_61, %dma_start3A_62] : memref<40x128xi32, #tpu.memory_space<vmem>> -> memref<1x128xi32, #tpu.memory_space<vmem>>
    %dma_start3A_64 = tpu.memref_squeeze %dma_start3A_63 : memref<1x128xi32, #tpu.memory_space<vmem>> -> memref<128xi32, #tpu.memory_space<vmem>>
    %dma_start3A_65 = arith.constant 0 : i32
    %dma_start3A_66 = arith.constant 0 : i32
    %dma_start3A_67 = tpu.memref_slice %arg2[%dma_start3A_65, %dma_start3A_66] : memref<10000x128xf32, #tpu.memory_space<hbm>> -> memref<10000x128xf32, #tpu.memory_space<hbm>>
    tpu.enqueue_indirect_dma source(%dma_start3A_67 : memref<10000x128xf32, #tpu.memory_space<hbm>>) target(%arg9 : memref<128x128xf32, #tpu.memory_space<vmem>>) offsets(%dma_start3A_64 : memref<128xi32, #tpu.memory_space<vmem>>) semaphore(%arg12 : memref<!tpu.dma_semaphore, #tpu.memory_space<semaphore_mem>>)
    %dma_start3A_68 = arith.constant 1 : i32
    %dma_start3A_69 = arith.constant 0 : i32
    %dma_start3A_70 = tpu.memref_slice %arg7[%dma_start3A_68, %dma_start3A_69] : memref<40x128xi32, #tpu.memory_space<vmem>> -> memref<1x128xi32, #tpu.memory_space<vmem>>
    %dma_start3A_71 = tpu.memref_squeeze %dma_start3A_70 : memref<1x128xi32, #tpu.memory_space<vmem>> -> memref<128xi32, #tpu.memory_space<vmem>>
    %dma_start3A_72 = arith.constant 0 : i32
    %dma_start3A_73 = arith.constant 0 : i32
    %dma_start3A_74 = tpu.memref_slice %arg2[%dma_start3A_72, %dma_start3A_73] : memref<10000x128xf32, #tpu.memory_space<hbm>> -> memref<10000x128xf32, #tpu.memory_space<hbm>>
    tpu.enqueue_indirect_dma source(%dma_start3A_74 : memref<10000x128xf32, #tpu.memory_space<hbm>>) target(%arg10 : memref<128x128xf32, #tpu.memory_space<vmem>>) offsets(%dma_start3A_71 : memref<128xi32, #tpu.memory_space<vmem>>) semaphore(%arg13 : memref<!tpu.dma_semaphore, #tpu.memory_space<semaphore_mem>>)
    %scan3A_75 = arith.constant 0 : i32
    %scan3A_76 = arith.constant 0 : i32
    %scan3A_77 = arith.constant 19 : i32
    %scan3A_78 = arith.addi %scan3A_76, %scan3A_77 : i32
    %scan3A_79 = arith.constant 1 : i32
    scf.for %scan3A_138 = %scan3A_76 to %scan3A_78 step %scan3A_79  : i32 {
      %mul3A_139 = arith.constant 2 : i32
      %mul3A_140 = arith.muli %scan3A_138, %mul3A_139 : i32
      %add3A_141 = arith.constant 0 : i32
      %add3A_142 = arith.addi %mul3A_140, %add3A_141 : i32
      %dma_wait3A_143 = arith.constant 0 : i32
      %dma_wait3A_144 = tpu.memref_slice %arg7[%add3A_142, %dma_wait3A_143] : memref<40x128xi32, #tpu.memory_space<vmem>> -> memref<1x128xi32, #tpu.memory_space<vmem>>
      %dma_wait3A_145 = tpu.memref_squeeze %dma_wait3A_144 : memref<1x128xi32, #tpu.memory_space<vmem>> -> memref<128xi32, #tpu.memory_space<vmem>>
      %dma_wait3A_146 = arith.constant 0 : i32
      %dma_wait3A_147 = arith.constant 0 : i32
      %dma_wait3A_148 = tpu.memref_slice %arg2[%dma_wait3A_146, %dma_wait3A_147] : memref<10000x128xf32, #tpu.memory_space<hbm>> -> memref<10000x128xf32, #tpu.memory_space<hbm>>
      tpu.wait_indirect_dma semaphore(%arg12 : memref<!tpu.dma_semaphore, #tpu.memory_space<semaphore_mem>>) src(%dma_wait3A_148 : memref<10000x128xf32, #tpu.memory_space<hbm>>) dst(%arg9 : memref<128x128xf32, #tpu.memory_space<vmem>>)
      %add3A_149 = arith.constant 0 : i32
      %add3A_150 = arith.addi %mul3A_140, %add3A_149 : i32
      "tpu.region"() ({
        %run_scoped3A_181 = tpu.sem_alloc : memref<!tpu.dma_semaphore, #tpu.memory_space<semaphore_mem>>
        %dma_start3A_182 = arith.constant 0 : i32
        %dma_start3A_183 = tpu.memref_slice %arg8[%add3A_150, %dma_start3A_182] : memref<40x128xi32, #tpu.memory_space<vmem>> -> memref<1x128xi32, #tpu.memory_space<vmem>>
        %dma_start3A_184 = tpu.memref_squeeze %dma_start3A_183 : memref<1x128xi32, #tpu.memory_space<vmem>> -> memref<128xi32, #tpu.memory_space<vmem>>
        %dma_start3A_185 = arith.constant 0 : i32
        %dma_start3A_186 = arith.constant 0 : i32
        %dma_start3A_187 = tpu.memref_slice %arg11[%dma_start3A_185, %dma_start3A_186] : memref<10240x128xf32, #tpu.memory_space<vmem_shared>> -> memref<10240x128xf32, #tpu.memory_space<vmem_shared>>
        tpu.enqueue_indirect_dma source(%arg9 : memref<128x128xf32, #tpu.memory_space<vmem>>) target(%dma_start3A_187 : memref<10240x128xf32, #tpu.memory_space<vmem_shared>>) offsets(%dma_start3A_184 : memref<128xi32, #tpu.memory_space<vmem>>) semaphore(%run_scoped3A_181 : memref<!tpu.dma_semaphore, #tpu.memory_space<semaphore_mem>>) {add = true}
        %dma_wait3A_188 = arith.constant 0 : i32
        %dma_wait3A_189 = tpu.memref_slice %arg8[%add3A_150, %dma_wait3A_188] : memref<40x128xi32, #tpu.memory_space<vmem>> -> memref<1x128xi32, #tpu.memory_space<vmem>>
        %dma_wait3A_190 = tpu.memref_squeeze %dma_wait3A_189 : memref<1x128xi32, #tpu.memory_space<vmem>> -> memref<128xi32, #tpu.memory_space<vmem>>
        %dma_wait3A_191 = arith.constant 0 : i32
        %dma_wait3A_192 = arith.constant 0 : i32
        %dma_wait3A_193 = tpu.memref_slice %arg11[%dma_wait3A_191, %dma_wait3A_192] : memref<10240x128xf32, #tpu.memory_space<vmem_shared>> -> memref<10240x128xf32, #tpu.memory_space<vmem_shared>>
        tpu.wait_indirect_dma semaphore(%run_scoped3A_181 : memref<!tpu.dma_semaphore, #tpu.memory_space<semaphore_mem>>) src(%arg9 : memref<128x128xf32, #tpu.memory_space<vmem>>) dst(%dma_wait3A_193 : memref<10240x128xf32, #tpu.memory_space<vmem_shared>>)
        tpu.yield
      }) : () -> ()
      %add3A_151 = arith.constant 2 : i32
      %add3A_152 = arith.addi %mul3A_140, %add3A_151 : i32
      %add3A_153 = arith.constant 0 : i32
      %add3A_154 = arith.addi %add3A_152, %add3A_153 : i32
      %dma_start3A_155 = arith.constant 0 : i32
      %dma_start3A_156 = tpu.memref_slice %arg7[%add3A_154, %dma_start3A_155] : memref<40x128xi32, #tpu.memory_space<vmem>> -> memref<1x128xi32, #tpu.memory_space<vmem>>
      %dma_start3A_157 = tpu.memref_squeeze %dma_start3A_156 : memref<1x128xi32, #tpu.memory_space<vmem>> -> memref<128xi32, #tpu.memory_space<vmem>>
      %dma_start3A_158 = arith.constant 0 : i32
      %dma_start3A_159 = arith.constant 0 : i32
      %dma_start3A_160 = tpu.memref_slice %arg2[%dma_start3A_158, %dma_start3A_159] : memref<10000x128xf32, #tpu.memory_space<hbm>> -> memref<10000x128xf32, #tpu.memory_space<hbm>>
      tpu.enqueue_indirect_dma source(%dma_start3A_160 : memref<10000x128xf32, #tpu.memory_space<hbm>>) target(%arg9 : memref<128x128xf32, #tpu.memory_space<vmem>>) offsets(%dma_start3A_157 : memref<128xi32, #tpu.memory_space<vmem>>) semaphore(%arg12 : memref<!tpu.dma_semaphore, #tpu.memory_space<semaphore_mem>>)
      %add3A_161 = arith.constant 1 : i32
      %add3A_162 = arith.addi %mul3A_140, %add3A_161 : i32
      %dma_wait3A_163 = arith.constant 0 : i32
      %dma_wait3A_164 = tpu.memref_slice %arg7[%add3A_162, %dma_wait3A_163] : memref<40x128xi32, #tpu.memory_space<vmem>> -> memref<1x128xi32, #tpu.memory_space<vmem>>
      %dma_wait3A_165 = tpu.memref_squeeze %dma_wait3A_164 : memref<1x128xi32, #tpu.memory_space<vmem>> -> memref<128xi32, #tpu.memory_space<vmem>>
      %dma_wait3A_166 = arith.constant 0 : i32
      %dma_wait3A_167 = arith.constant 0 : i32
      %dma_wait3A_168 = tpu.memref_slice %arg2[%dma_wait3A_166, %dma_wait3A_167] : memref<10000x128xf32, #tpu.memory_space<hbm>> -> memref<10000x128xf32, #tpu.memory_space<hbm>>
      tpu.wait_indirect_dma semaphore(%arg13 : memref<!tpu.dma_semaphore, #tpu.memory_space<semaphore_mem>>) src(%dma_wait3A_168 : memref<10000x128xf32, #tpu.memory_space<hbm>>) dst(%arg10 : memref<128x128xf32, #tpu.memory_space<vmem>>)
      %add3A_169 = arith.constant 1 : i32
      %add3A_170 = arith.addi %mul3A_140, %add3A_169 : i32
      "tpu.region"() ({
        %run_scoped3A_181 = tpu.sem_alloc : memref<!tpu.dma_semaphore, #tpu.memory_space<semaphore_mem>>
        %dma_start3A_182 = arith.constant 0 : i32
        %dma_start3A_183 = tpu.memref_slice %arg8[%add3A_170, %dma_start3A_182] : memref<40x128xi32, #tpu.memory_space<vmem>> -> memref<1x128xi32, #tpu.memory_space<vmem>>
        %dma_start3A_184 = tpu.memref_squeeze %dma_start3A_183 : memref<1x128xi32, #tpu.memory_space<vmem>> -> memref<128xi32, #tpu.memory_space<vmem>>
        %dma_start3A_185 = arith.constant 0 : i32
        %dma_start3A_186 = arith.constant 0 : i32
        %dma_start3A_187 = tpu.memref_slice %arg11[%dma_start3A_185, %dma_start3A_186] : memref<10240x128xf32, #tpu.memory_space<vmem_shared>> -> memref<10240x128xf32, #tpu.memory_space<vmem_shared>>
        tpu.enqueue_indirect_dma source(%arg10 : memref<128x128xf32, #tpu.memory_space<vmem>>) target(%dma_start3A_187 : memref<10240x128xf32, #tpu.memory_space<vmem_shared>>) offsets(%dma_start3A_184 : memref<128xi32, #tpu.memory_space<vmem>>) semaphore(%run_scoped3A_181 : memref<!tpu.dma_semaphore, #tpu.memory_space<semaphore_mem>>) {add = true}
        %dma_wait3A_188 = arith.constant 0 : i32
        %dma_wait3A_189 = tpu.memref_slice %arg8[%add3A_170, %dma_wait3A_188] : memref<40x128xi32, #tpu.memory_space<vmem>> -> memref<1x128xi32, #tpu.memory_space<vmem>>
        %dma_wait3A_190 = tpu.memref_squeeze %dma_wait3A_189 : memref<1x128xi32, #tpu.memory_space<vmem>> -> memref<128xi32, #tpu.memory_space<vmem>>
        %dma_wait3A_191 = arith.constant 0 : i32
        %dma_wait3A_192 = arith.constant 0 : i32
        %dma_wait3A_193 = tpu.memref_slice %arg11[%dma_wait3A_191, %dma_wait3A_192] : memref<10240x128xf32, #tpu.memory_space<vmem_shared>> -> memref<10240x128xf32, #tpu.memory_space<vmem_shared>>
        tpu.wait_indirect_dma semaphore(%run_scoped3A_181 : memref<!tpu.dma_semaphore, #tpu.memory_space<semaphore_mem>>) src(%arg10 : memref<128x128xf32, #tpu.memory_space<vmem>>) dst(%dma_wait3A_193 : memref<10240x128xf32, #tpu.memory_space<vmem_shared>>)
        tpu.yield
      }) : () -> ()
      %add3A_171 = arith.constant 2 : i32
      %add3A_172 = arith.addi %mul3A_140, %add3A_171 : i32
      %add3A_173 = arith.constant 1 : i32
      %add3A_174 = arith.addi %add3A_172, %add3A_173 : i32
      %dma_start3A_175 = arith.constant 0 : i32
      %dma_start3A_176 = tpu.memref_slice %arg7[%add3A_174, %dma_start3A_175] : memref<40x128xi32, #tpu.memory_space<vmem>> -> memref<1x128xi32, #tpu.memory_space<vmem>>
      %dma_start3A_177 = tpu.memref_squeeze %dma_start3A_176 : memref<1x128xi32, #tpu.memory_space<vmem>> -> memref<128xi32, #tpu.memory_space<vmem>>
      %dma_start3A_178 = arith.constant 0 : i32
      %dma_start3A_179 = arith.constant 0 : i32
      %dma_start3A_180 = tpu.memref_slice %arg2[%dma_start3A_178, %dma_start3A_179] : memref<10000x128xf32, #tpu.memory_space<hbm>> -> memref<10000x128xf32, #tpu.memory_space<hbm>>
      tpu.enqueue_indirect_dma source(%dma_start3A_180 : memref<10000x128xf32, #tpu.memory_space<hbm>>) target(%arg10 : memref<128x128xf32, #tpu.memory_space<vmem>>) offsets(%dma_start3A_177 : memref<128xi32, #tpu.memory_space<vmem>>) semaphore(%arg13 : memref<!tpu.dma_semaphore, #tpu.memory_space<semaphore_mem>>)
    }
    %scan3A_80 = arith.constant 19 : i32
    %dma_wait3A_81 = arith.constant 38 : i32
    %dma_wait3A_82 = arith.constant 0 : i32
    %dma_wait3A_83 = tpu.memref_slice %arg7[%dma_wait3A_81, %dma_wait3A_82] : memref<40x128xi32, #tpu.memory_space<vmem>> -> memref<1x128xi32, #tpu.memory_space<vmem>>
    %dma_wait3A_84 = tpu.memref_squeeze %dma_wait3A_83 : memref<1x128xi32, #tpu.memory_space<vmem>> -> memref<128xi32, #tpu.memory_space<vmem>>
    %dma_wait3A_85 = arith.constant 0 : i32
    %dma_wait3A_86 = arith.constant 0 : i32
    %dma_wait3A_87 = tpu.memref_slice %arg2[%dma_wait3A_85, %dma_wait3A_86] : memref<10000x128xf32, #tpu.memory_space<hbm>> -> memref<10000x128xf32, #tpu.memory_space<hbm>>
    tpu.wait_indirect_dma semaphore(%arg12 : memref<!tpu.dma_semaphore, #tpu.memory_space<semaphore_mem>>) src(%dma_wait3A_87 : memref<10000x128xf32, #tpu.memory_space<hbm>>) dst(%arg9 : memref<128x128xf32, #tpu.memory_space<vmem>>)
    %run_scoped3A_88 = arith.constant 38 : i32
    "tpu.region"() ({
      %run_scoped3A_138 = tpu.sem_alloc : memref<!tpu.dma_semaphore, #tpu.memory_space<semaphore_mem>>
      %dma_start3A_139 = arith.constant 0 : i32
      %dma_start3A_140 = tpu.memref_slice %arg8[%run_scoped3A_88, %dma_start3A_139] : memref<40x128xi32, #tpu.memory_space<vmem>> -> memref<1x128xi32, #tpu.memory_space<vmem>>
      %dma_start3A_141 = tpu.memref_squeeze %dma_start3A_140 : memref<1x128xi32, #tpu.memory_space<vmem>> -> memref<128xi32, #tpu.memory_space<vmem>>
      %dma_start3A_142 = arith.constant 0 : i32
      %dma_start3A_143 = arith.constant 0 : i32
      %dma_start3A_144 = tpu.memref_slice %arg11[%dma_start3A_142, %dma_start3A_143] : memref<10240x128xf32, #tpu.memory_space<vmem_shared>> -> memref<10240x128xf32, #tpu.memory_space<vmem_shared>>
      tpu.enqueue_indirect_dma source(%arg9 : memref<128x128xf32, #tpu.memory_space<vmem>>) target(%dma_start3A_144 : memref<10240x128xf32, #tpu.memory_space<vmem_shared>>) offsets(%dma_start3A_141 : memref<128xi32, #tpu.memory_space<vmem>>) semaphore(%run_scoped3A_138 : memref<!tpu.dma_semaphore, #tpu.memory_space<semaphore_mem>>) {add = true}
      %dma_wait3A_145 = arith.constant 0 : i32
      %dma_wait3A_146 = tpu.memref_slice %arg8[%run_scoped3A_88, %dma_wait3A_145] : memref<40x128xi32, #tpu.memory_space<vmem>> -> memref<1x128xi32, #tpu.memory_space<vmem>>
      %dma_wait3A_147 = tpu.memref_squeeze %dma_wait3A_146 : memref<1x128xi32, #tpu.memory_space<vmem>> -> memref<128xi32, #tpu.memory_space<vmem>>
      %dma_wait3A_148 = arith.constant 0 : i32
      %dma_wait3A_149 = arith.constant 0 : i32
      %dma_wait3A_150 = tpu.memref_slice %arg11[%dma_wait3A_148, %dma_wait3A_149] : memref<10240x128xf32, #tpu.memory_space<vmem_shared>> -> memref<10240x128xf32, #tpu.memory_space<vmem_shared>>
      tpu.wait_indirect_dma semaphore(%run_scoped3A_138 : memref<!tpu.dma_semaphore, #tpu.memory_space<semaphore_mem>>) src(%arg9 : memref<128x128xf32, #tpu.memory_space<vmem>>) dst(%dma_wait3A_150 : memref<10240x128xf32, #tpu.memory_space<vmem_shared>>)
      tpu.yield
    }) : () -> ()
    %dma_wait3A_89 = arith.constant 39 : i32
    %dma_wait3A_90 = arith.constant 0 : i32
    %dma_wait3A_91 = tpu.memref_slice %arg7[%dma_wait3A_89, %dma_wait3A_90] : memref<40x128xi32, #tpu.memory_space<vmem>> -> memref<1x128xi32, #tpu.memory_space<vmem>>
    %dma_wait3A_92 = tpu.memref_squeeze %dma_wait3A_91 : memref<1x128xi32, #tpu.memory_space<vmem>> -> memref<128xi32, #tpu.memory_space<vmem>>
    %dma_wait3A_93 = arith.constant 0 : i32
    %dma_wait3A_94 = arith.constant 0 : i32
    %dma_wait3A_95 = tpu.memref_slice %arg2[%dma_wait3A_93, %dma_wait3A_94] : memref<10000x128xf32, #tpu.memory_space<hbm>> -> memref<10000x128xf32, #tpu.memory_space<hbm>>
    tpu.wait_indirect_dma semaphore(%arg13 : memref<!tpu.dma_semaphore, #tpu.memory_space<semaphore_mem>>) src(%dma_wait3A_95 : memref<10000x128xf32, #tpu.memory_space<hbm>>) dst(%arg10 : memref<128x128xf32, #tpu.memory_space<vmem>>)
    %run_scoped3A_96 = arith.constant 39 : i32
    "tpu.region"() ({
      %run_scoped3A_138 = tpu.sem_alloc : memref<!tpu.dma_semaphore, #tpu.memory_space<semaphore_mem>>
      %dma_start3A_139 = arith.constant 0 : i32
      %dma_start3A_140 = tpu.memref_slice %arg8[%run_scoped3A_96, %dma_start3A_139] : memref<40x128xi32, #tpu.memory_space<vmem>> -> memref<1x128xi32, #tpu.memory_space<vmem>>
      %dma_start3A_141 = tpu.memref_squeeze %dma_start3A_140 : memref<1x128xi32, #tpu.memory_space<vmem>> -> memref<128xi32, #tpu.memory_space<vmem>>
      %dma_start3A_142 = arith.constant 0 : i32
      %dma_start3A_143 = arith.constant 0 : i32
      %dma_start3A_144 = tpu.memref_slice %arg11[%dma_start3A_142, %dma_start3A_143] : memref<10240x128xf32, #tpu.memory_space<vmem_shared>> -> memref<10240x128xf32, #tpu.memory_space<vmem_shared>>
      tpu.enqueue_indirect_dma source(%arg10 : memref<128x128xf32, #tpu.memory_space<vmem>>) target(%dma_start3A_144 : memref<10240x128xf32, #tpu.memory_space<vmem_shared>>) offsets(%dma_start3A_141 : memref<128xi32, #tpu.memory_space<vmem>>) semaphore(%run_scoped3A_138 : memref<!tpu.dma_semaphore, #tpu.memory_space<semaphore_mem>>) {add = true}
      %dma_wait3A_145 = arith.constant 0 : i32
      %dma_wait3A_146 = tpu.memref_slice %arg8[%run_scoped3A_96, %dma_wait3A_145] : memref<40x128xi32, #tpu.memory_space<vmem>> -> memref<1x128xi32, #tpu.memory_space<vmem>>
      %dma_wait3A_147 = tpu.memref_squeeze %dma_wait3A_146 : memref<1x128xi32, #tpu.memory_space<vmem>> -> memref<128xi32, #tpu.memory_space<vmem>>
      %dma_wait3A_148 = arith.constant 0 : i32
      %dma_wait3A_149 = arith.constant 0 : i32
      %dma_wait3A_150 = tpu.memref_slice %arg11[%dma_wait3A_148, %dma_wait3A_149] : memref<10240x128xf32, #tpu.memory_space<vmem_shared>> -> memref<10240x128xf32, #tpu.memory_space<vmem_shared>>
      tpu.wait_indirect_dma semaphore(%run_scoped3A_138 : memref<!tpu.dma_semaphore, #tpu.memory_space<semaphore_mem>>) src(%arg10 : memref<128x128xf32, #tpu.memory_space<vmem>>) dst(%dma_wait3A_150 : memref<10240x128xf32, #tpu.memory_space<vmem_shared>>)
      tpu.yield
    }) : () -> ()
    %barrier3A_97 = arith.constant 0 : index
    tpu.barrier barrier_id(%barrier3A_97)
    %mul3A_98 = arith.constant 640 : i32
    %mul3A_99 = arith.muli %arg1, %mul3A_98 : i32
    %add3A_100 = arith.constant 0 : i32
    %add3A_101 = arith.addi %mul3A_99, %add3A_100 : i32
    "tpu.region"() ({
      %run_scoped3A_138 = tpu.sem_alloc : memref<!tpu.dma_semaphore, #tpu.memory_space<semaphore_mem>>
      %dma_start3A_139 = arith.constant 0 : i32
      %dma_start3A_140 = tpu.memref_slice %arg11[%add3A_101, %dma_start3A_139] : memref<10240x128xf32, #tpu.memory_space<vmem_shared>> -> memref<128x128xf32, #tpu.memory_space<vmem_shared>>
      %dma_start3A_141 = arith.constant 0 : i32
      %dma_start3A_142 = tpu.memref_slice %arg11[%add3A_101, %dma_start3A_141] : memref<10240x128xf32, #tpu.memory_space<vmem_shared>> -> memref<128x128xf32, #tpu.memory_space<vmem_shared>>
      tpu.enqueue_dma source(%dma_start3A_142 : memref<128x128xf32, #tpu.memory_space<vmem_shared>>) target(%arg9 : memref<128x128xf32, #tpu.memory_space<vmem>>) target_semaphore(%run_scoped3A_138 : memref<!tpu.dma_semaphore, #tpu.memory_space<semaphore_mem>>)
      %dma_wait3A_143 = arith.constant 0 : i32
      %dma_wait3A_144 = tpu.memref_slice %arg11[%add3A_101, %dma_wait3A_143] : memref<10240x128xf32, #tpu.memory_space<vmem_shared>> -> memref<128x128xf32, #tpu.memory_space<vmem_shared>>
      %dma_wait3A_145 = arith.constant 0 : i32
      %dma_wait3A_146 = tpu.memref_slice %arg11[%add3A_101, %dma_wait3A_145] : memref<10240x128xf32, #tpu.memory_space<vmem_shared>> -> memref<128x128xf32, #tpu.memory_space<vmem_shared>>
      tpu.wait_dma2 semaphore(%run_scoped3A_138 : memref<!tpu.dma_semaphore, #tpu.memory_space<semaphore_mem>>) src(%dma_wait3A_146 : memref<128x128xf32, #tpu.memory_space<vmem_shared>>) dst(%arg9 : memref<128x128xf32, #tpu.memory_space<vmem>>)
      tpu.yield
    }) : () -> ()
    %mul3A_102 = arith.constant 640 : i32
    %mul3A_103 = arith.muli %arg1, %mul3A_102 : i32
    %add3A_104 = arith.constant 0 : i32
    %add3A_105 = arith.addi %mul3A_103, %add3A_104 : i32
    "tpu.region"() ({
      %run_scoped3A_138 = tpu.sem_alloc : memref<!tpu.dma_semaphore, #tpu.memory_space<semaphore_mem>>
      %dma_start3A_139 = arith.constant 0 : i32
      %dma_start3A_140 = tpu.memref_slice %arg6[%arg0, %add3A_105, %dma_start3A_139] : memref<2x10240x128xf32, #tpu.memory_space<hbm>> -> memref<1x128x128xf32, #tpu.memory_space<hbm>>
      %dma_start3A_141 = tpu.memref_squeeze %dma_start3A_140 : memref<1x128x128xf32, #tpu.memory_space<hbm>> -> memref<128x128xf32, #tpu.memory_space<hbm>>
      %dma_start3A_142 = arith.constant 0 : i32
      %dma_start3A_143 = tpu.memref_slice %arg6[%arg0, %add3A_105, %dma_start3A_142] : memref<2x10240x128xf32, #tpu.memory_space<hbm>> -> memref<1x128x128xf32, #tpu.memory_space<hbm>>
      %dma_start3A_144 = tpu.memref_squeeze %dma_start3A_143 : memref<1x128x128xf32, #tpu.memory_space<hbm>> -> memref<128x128xf32, #tpu.memory_space<hbm>>
      tpu.enqueue_dma source(%arg9 : memref<128x128xf32, #tpu.memory_space<vmem>>) target(%dma_start3A_144 : memref<128x128xf32, #tpu.memory_space<hbm>>) target_semaphore(%run_scoped3A_138 : memref<!tpu.dma_semaphore, #tpu.memory_space<semaphore_mem>>)
      %dma_wait3A_145 = arith.constant 0 : i32
      %dma_wait3A_146 = tpu.memref_slice %arg6[%arg0, %add3A_105, %dma_wait3A_145] : memref<2x10240x128xf32, #tpu.memory_space<hbm>> -> memref<1x128x128xf32, #tpu.memory_space<hbm>>
      %dma_wait3A_147 = tpu.memref_squeeze %dma_wait3A_146 : memref<1x128x128xf32, #tpu.memory_space<hbm>> -> memref<128x128xf32, #tpu.memory_space<hbm>>
      %dma_wait3A_148 = arith.constant 0 : i32
      %dma_wait3A_149 = tpu.memref_slice %arg6[%arg0, %add3A_105, %dma_wait3A_148] : memref<2x10240x128xf32, #tpu.memory_space<hbm>> -> memref<1x128x128xf32, #tpu.memory_space<hbm>>
      %dma_wait3A_150 = tpu.memref_squeeze %dma_wait3A_149 : memref<1x128x128xf32, #tpu.memory_space<hbm>> -> memref<128x128xf32, #tpu.memory_space<hbm>>
      tpu.wait_dma2 semaphore(%run_scoped3A_138 : memref<!tpu.dma_semaphore, #tpu.memory_space<semaphore_mem>>) src(%arg9 : memref<128x128xf32, #tpu.memory_space<vmem>>) dst(%dma_wait3A_150 : memref<128x128xf32, #tpu.memory_space<hbm>>)
      tpu.yield
    }) : () -> ()
    %mul3A_106 = arith.constant 640 : i32
    %mul3A_107 = arith.muli %arg1, %mul3A_106 : i32
    %add3A_108 = arith.constant 128 : i32
    %add3A_109 = arith.addi %mul3A_107, %add3A_108 : i32
    "tpu.region"() ({
      %run_scoped3A_138 = tpu.sem_alloc : memref<!tpu.dma_semaphore, #tpu.memory_space<semaphore_mem>>
      %dma_start3A_139 = arith.constant 0 : i32
      %dma_start3A_140 = tpu.memref_slice %arg11[%add3A_109, %dma_start3A_139] : memref<10240x128xf32, #tpu.memory_space<vmem_shared>> -> memref<128x128xf32, #tpu.memory_space<vmem_shared>>
      %dma_start3A_141 = arith.constant 0 : i32
      %dma_start3A_142 = tpu.memref_slice %arg11[%add3A_109, %dma_start3A_141] : memref<10240x128xf32, #tpu.memory_space<vmem_shared>> -> memref<128x128xf32, #tpu.memory_space<vmem_shared>>
      tpu.enqueue_dma source(%dma_start3A_142 : memref<128x128xf32, #tpu.memory_space<vmem_shared>>) target(%arg10 : memref<128x128xf32, #tpu.memory_space<vmem>>) target_semaphore(%run_scoped3A_138 : memref<!tpu.dma_semaphore, #tpu.memory_space<semaphore_mem>>)
      %dma_wait3A_143 = arith.constant 0 : i32
      %dma_wait3A_144 = tpu.memref_slice %arg11[%add3A_109, %dma_wait3A_143] : memref<10240x128xf32, #tpu.memory_space<vmem_shared>> -> memref<128x128xf32, #tpu.memory_space<vmem_shared>>
      %dma_wait3A_145 = arith.constant 0 : i32
      %dma_wait3A_146 = tpu.memref_slice %arg11[%add3A_109, %dma_wait3A_145] : memref<10240x128xf32, #tpu.memory_space<vmem_shared>> -> memref<128x128xf32, #tpu.memory_space<vmem_shared>>
      tpu.wait_dma2 semaphore(%run_scoped3A_138 : memref<!tpu.dma_semaphore, #tpu.memory_space<semaphore_mem>>) src(%dma_wait3A_146 : memref<128x128xf32, #tpu.memory_space<vmem_shared>>) dst(%arg10 : memref<128x128xf32, #tpu.memory_space<vmem>>)
      tpu.yield
    }) : () -> ()
    %mul3A_110 = arith.constant 640 : i32
    %mul3A_111 = arith.muli %arg1, %mul3A_110 : i32
    %add3A_112 = arith.constant 128 : i32
    %add3A_113 = arith.addi %mul3A_111, %add3A_112 : i32
    "tpu.region"() ({
      %run_scoped3A_138 = tpu.sem_alloc : memref<!tpu.dma_semaphore, #tpu.memory_space<semaphore_mem>>
      %dma_start3A_139 = arith.constant 0 : i32
      %dma_start3A_140 = tpu.memref_slice %arg6[%arg0, %add3A_113, %dma_start3A_139] : memref<2x10240x128xf32, #tpu.memory_space<hbm>> -> memref<1x128x128xf32, #tpu.memory_space<hbm>>
      %dma_start3A_141 = tpu.memref_squeeze %dma_start3A_140 : memref<1x128x128xf32, #tpu.memory_space<hbm>> -> memref<128x128xf32, #tpu.memory_space<hbm>>
      %dma_start3A_142 = arith.constant 0 : i32
      %dma_start3A_143 = tpu.memref_slice %arg6[%arg0, %add3A_113, %dma_start3A_142] : memref<2x10240x128xf32, #tpu.memory_space<hbm>> -> memref<1x128x128xf32, #tpu.memory_space<hbm>>
      %dma_start3A_144 = tpu.memref_squeeze %dma_start3A_143 : memref<1x128x128xf32, #tpu.memory_space<hbm>> -> memref<128x128xf32, #tpu.memory_space<hbm>>
      tpu.enqueue_dma source(%arg10 : memref<128x128xf32, #tpu.memory_space<vmem>>) target(%dma_start3A_144 : memref<128x128xf32, #tpu.memory_space<hbm>>) target_semaphore(%run_scoped3A_138 : memref<!tpu.dma_semaphore, #tpu.memory_space<semaphore_mem>>)
      %dma_wait3A_145 = arith.constant 0 : i32
      %dma_wait3A_146 = tpu.memref_slice %arg6[%arg0, %add3A_113, %dma_wait3A_145] : memref<2x10240x128xf32, #tpu.memory_space<hbm>> -> memref<1x128x128xf32, #tpu.memory_space<hbm>>
      %dma_wait3A_147 = tpu.memref_squeeze %dma_wait3A_146 : memref<1x128x128xf32, #tpu.memory_space<hbm>> -> memref<128x128xf32, #tpu.memory_space<hbm>>
      %dma_wait3A_148 = arith.constant 0 : i32
      %dma_wait3A_149 = tpu.memref_slice %arg6[%arg0, %add3A_113, %dma_wait3A_148] : memref<2x10240x128xf32, #tpu.memory_space<hbm>> -> memref<1x128x128xf32, #tpu.memory_space<hbm>>
      %dma_wait3A_150 = tpu.memref_squeeze %dma_wait3A_149 : memref<1x128x128xf32, #tpu.memory_space<hbm>> -> memref<128x128xf32, #tpu.memory_space<hbm>>
      tpu.wait_dma2 semaphore(%run_scoped3A_138 : memref<!tpu.dma_semaphore, #tpu.memory_space<semaphore_mem>>) src(%arg10 : memref<128x128xf32, #tpu.memory_space<vmem>>) dst(%dma_wait3A_150 : memref<128x128xf32, #tpu.memory_space<hbm>>)
      tpu.yield
    }) : () -> ()
    %mul3A_114 = arith.constant 640 : i32
    %mul3A_115 = arith.muli %arg1, %mul3A_114 : i32
    %add3A_116 = arith.constant 256 : i32
    %add3A_117 = arith.addi %mul3A_115, %add3A_116 : i32
    "tpu.region"() ({
      %run_scoped3A_138 = tpu.sem_alloc : memref<!tpu.dma_semaphore, #tpu.memory_space<semaphore_mem>>
      %dma_start3A_139 = arith.constant 0 : i32
      %dma_start3A_140 = tpu.memref_slice %arg11[%add3A_117, %dma_start3A_139] : memref<10240x128xf32, #tpu.memory_space<vmem_shared>> -> memref<128x128xf32, #tpu.memory_space<vmem_shared>>
      %dma_start3A_141 = arith.constant 0 : i32
      %dma_start3A_142 = tpu.memref_slice %arg11[%add3A_117, %dma_start3A_141] : memref<10240x128xf32, #tpu.memory_space<vmem_shared>> -> memref<128x128xf32, #tpu.memory_space<vmem_shared>>
      tpu.enqueue_dma source(%dma_start3A_142 : memref<128x128xf32, #tpu.memory_space<vmem_shared>>) target(%arg9 : memref<128x128xf32, #tpu.memory_space<vmem>>) target_semaphore(%run_scoped3A_138 : memref<!tpu.dma_semaphore, #tpu.memory_space<semaphore_mem>>)
      %dma_wait3A_143 = arith.constant 0 : i32
      %dma_wait3A_144 = tpu.memref_slice %arg11[%add3A_117, %dma_wait3A_143] : memref<10240x128xf32, #tpu.memory_space<vmem_shared>> -> memref<128x128xf32, #tpu.memory_space<vmem_shared>>
      %dma_wait3A_145 = arith.constant 0 : i32
      %dma_wait3A_146 = tpu.memref_slice %arg11[%add3A_117, %dma_wait3A_145] : memref<10240x128xf32, #tpu.memory_space<vmem_shared>> -> memref<128x128xf32, #tpu.memory_space<vmem_shared>>
      tpu.wait_dma2 semaphore(%run_scoped3A_138 : memref<!tpu.dma_semaphore, #tpu.memory_space<semaphore_mem>>) src(%dma_wait3A_146 : memref<128x128xf32, #tpu.memory_space<vmem_shared>>) dst(%arg9 : memref<128x128xf32, #tpu.memory_space<vmem>>)
      tpu.yield
    }) : () -> ()
    %mul3A_118 = arith.constant 640 : i32
    %mul3A_119 = arith.muli %arg1, %mul3A_118 : i32
    %add3A_120 = arith.constant 256 : i32
    %add3A_121 = arith.addi %mul3A_119, %add3A_120 : i32
    "tpu.region"() ({
      %run_scoped3A_138 = tpu.sem_alloc : memref<!tpu.dma_semaphore, #tpu.memory_space<semaphore_mem>>
      %dma_start3A_139 = arith.constant 0 : i32
      %dma_start3A_140 = tpu.memref_slice %arg6[%arg0, %add3A_121, %dma_start3A_139] : memref<2x10240x128xf32, #tpu.memory_space<hbm>> -> memref<1x128x128xf32, #tpu.memory_space<hbm>>
      %dma_start3A_141 = tpu.memref_squeeze %dma_start3A_140 : memref<1x128x128xf32, #tpu.memory_space<hbm>> -> memref<128x128xf32, #tpu.memory_space<hbm>>
      %dma_start3A_142 = arith.constant 0 : i32
      %dma_start3A_143 = tpu.memref_slice %arg6[%arg0, %add3A_121, %dma_start3A_142] : memref<2x10240x128xf32, #tpu.memory_space<hbm>> -> memref<1x128x128xf32, #tpu.memory_space<hbm>>
      %dma_start3A_144 = tpu.memref_squeeze %dma_start3A_143 : memref<1x128x128xf32, #tpu.memory_space<hbm>> -> memref<128x128xf32, #tpu.memory_space<hbm>>
      tpu.enqueue_dma source(%arg9 : memref<128x128xf32, #tpu.memory_space<vmem>>) target(%dma_start3A_144 : memref<128x128xf32, #tpu.memory_space<hbm>>) target_semaphore(%run_scoped3A_138 : memref<!tpu.dma_semaphore, #tpu.memory_space<semaphore_mem>>)
      %dma_wait3A_145 = arith.constant 0 : i32
      %dma_wait3A_146 = tpu.memref_slice %arg6[%arg0, %add3A_121, %dma_wait3A_145] : memref<2x10240x128xf32, #tpu.memory_space<hbm>> -> memref<1x128x128xf32, #tpu.memory_space<hbm>>
      %dma_wait3A_147 = tpu.memref_squeeze %dma_wait3A_146 : memref<1x128x128xf32, #tpu.memory_space<hbm>> -> memref<128x128xf32, #tpu.memory_space<hbm>>
      %dma_wait3A_148 = arith.constant 0 : i32
      %dma_wait3A_149 = tpu.memref_slice %arg6[%arg0, %add3A_121, %dma_wait3A_148] : memref<2x10240x128xf32, #tpu.memory_space<hbm>> -> memref<1x128x128xf32, #tpu.memory_space<hbm>>
      %dma_wait3A_150 = tpu.memref_squeeze %dma_wait3A_149 : memref<1x128x128xf32, #tpu.memory_space<hbm>> -> memref<128x128xf32, #tpu.memory_space<hbm>>
      tpu.wait_dma2 semaphore(%run_scoped3A_138 : memref<!tpu.dma_semaphore, #tpu.memory_space<semaphore_mem>>) src(%arg9 : memref<128x128xf32, #tpu.memory_space<vmem>>) dst(%dma_wait3A_150 : memref<128x128xf32, #tpu.memory_space<hbm>>)
      tpu.yield
    }) : () -> ()
    %mul3A_122 = arith.constant 640 : i32
    %mul3A_123 = arith.muli %arg1, %mul3A_122 : i32
    %add3A_124 = arith.constant 384 : i32
    %add3A_125 = arith.addi %mul3A_123, %add3A_124 : i32
    "tpu.region"() ({
      %run_scoped3A_138 = tpu.sem_alloc : memref<!tpu.dma_semaphore, #tpu.memory_space<semaphore_mem>>
      %dma_start3A_139 = arith.constant 0 : i32
      %dma_start3A_140 = tpu.memref_slice %arg11[%add3A_125, %dma_start3A_139] : memref<10240x128xf32, #tpu.memory_space<vmem_shared>> -> memref<128x128xf32, #tpu.memory_space<vmem_shared>>
      %dma_start3A_141 = arith.constant 0 : i32
      %dma_start3A_142 = tpu.memref_slice %arg11[%add3A_125, %dma_start3A_141] : memref<10240x128xf32, #tpu.memory_space<vmem_shared>> -> memref<128x128xf32, #tpu.memory_space<vmem_shared>>
      tpu.enqueue_dma source(%dma_start3A_142 : memref<128x128xf32, #tpu.memory_space<vmem_shared>>) target(%arg10 : memref<128x128xf32, #tpu.memory_space<vmem>>) target_semaphore(%run_scoped3A_138 : memref<!tpu.dma_semaphore, #tpu.memory_space<semaphore_mem>>)
      %dma_wait3A_143 = arith.constant 0 : i32
      %dma_wait3A_144 = tpu.memref_slice %arg11[%add3A_125, %dma_wait3A_143] : memref<10240x128xf32, #tpu.memory_space<vmem_shared>> -> memref<128x128xf32, #tpu.memory_space<vmem_shared>>
      %dma_wait3A_145 = arith.constant 0 : i32
      %dma_wait3A_146 = tpu.memref_slice %arg11[%add3A_125, %dma_wait3A_145] : memref<10240x128xf32, #tpu.memory_space<vmem_shared>> -> memref<128x128xf32, #tpu.memory_space<vmem_shared>>
      tpu.wait_dma2 semaphore(%run_scoped3A_138 : memref<!tpu.dma_semaphore, #tpu.memory_space<semaphore_mem>>) src(%dma_wait3A_146 : memref<128x128xf32, #tpu.memory_space<vmem_shared>>) dst(%arg10 : memref<128x128xf32, #tpu.memory_space<vmem>>)
      tpu.yield
    }) : () -> ()
    %mul3A_126 = arith.constant 640 : i32
    %mul3A_127 = arith.muli %arg1, %mul3A_126 : i32
    %add3A_128 = arith.constant 384 : i32
    %add3A_129 = arith.addi %mul3A_127, %add3A_128 : i32
    "tpu.region"() ({
      %run_scoped3A_138 = tpu.sem_alloc : memref<!tpu.dma_semaphore, #tpu.memory_space<semaphore_mem>>
      %dma_start3A_139 = arith.constant 0 : i32
      %dma_start3A_140 = tpu.memref_slice %arg6[%arg0, %add3A_129, %dma_start3A_139] : memref<2x10240x128xf32, #tpu.memory_space<hbm>> -> memref<1x128x128xf32, #tpu.memory_space<hbm>>
      %dma_start3A_141 = tpu.memref_squeeze %dma_start3A_140 : memref<1x128x128xf32, #tpu.memory_space<hbm>> -> memref<128x128xf32, #tpu.memory_space<hbm>>
      %dma_start3A_142 = arith.constant 0 : i32
      %dma_start3A_143 = tpu.memref_slice %arg6[%arg0, %add3A_129, %dma_start3A_142] : memref<2x10240x128xf32, #tpu.memory_space<hbm>> -> memref<1x128x128xf32, #tpu.memory_space<hbm>>
      %dma_start3A_144 = tpu.memref_squeeze %dma_start3A_143 : memref<1x128x128xf32, #tpu.memory_space<hbm>> -> memref<128x128xf32, #tpu.memory_space<hbm>>
      tpu.enqueue_dma source(%arg10 : memref<128x128xf32, #tpu.memory_space<vmem>>) target(%dma_start3A_144 : memref<128x128xf32, #tpu.memory_space<hbm>>) target_semaphore(%run_scoped3A_138 : memref<!tpu.dma_semaphore, #tpu.memory_space<semaphore_mem>>)
      %dma_wait3A_145 = arith.constant 0 : i32
      %dma_wait3A_146 = tpu.memref_slice %arg6[%arg0, %add3A_129, %dma_wait3A_145] : memref<2x10240x128xf32, #tpu.memory_space<hbm>> -> memref<1x128x128xf32, #tpu.memory_space<hbm>>
      %dma_wait3A_147 = tpu.memref_squeeze %dma_wait3A_146 : memref<1x128x128xf32, #tpu.memory_space<hbm>> -> memref<128x128xf32, #tpu.memory_space<hbm>>
      %dma_wait3A_148 = arith.constant 0 : i32
      %dma_wait3A_149 = tpu.memref_slice %arg6[%arg0, %add3A_129, %dma_wait3A_148] : memref<2x10240x128xf32, #tpu.memory_space<hbm>> -> memref<1x128x128xf32, #tpu.memory_space<hbm>>
      %dma_wait3A_150 = tpu.memref_squeeze %dma_wait3A_149 : memref<1x128x128xf32, #tpu.memory_space<hbm>> -> memref<128x128xf32, #tpu.memory_space<hbm>>
      tpu.wait_dma2 semaphore(%run_scoped3A_138 : memref<!tpu.dma_semaphore, #tpu.memory_space<semaphore_mem>>) src(%arg10 : memref<128x128xf32, #tpu.memory_space<vmem>>) dst(%dma_wait3A_150 : memref<128x128xf32, #tpu.memory_space<hbm>>)
      tpu.yield
    }) : () -> ()
    %mul3A_130 = arith.constant 640 : i32
    %mul3A_131 = arith.muli %arg1, %mul3A_130 : i32
    %add3A_132 = arith.constant 512 : i32
    %add3A_133 = arith.addi %mul3A_131, %add3A_132 : i32
    "tpu.region"() ({
      %run_scoped3A_138 = tpu.sem_alloc : memref<!tpu.dma_semaphore, #tpu.memory_space<semaphore_mem>>
      %dma_start3A_139 = arith.constant 0 : i32
      %dma_start3A_140 = tpu.memref_slice %arg11[%add3A_133, %dma_start3A_139] : memref<10240x128xf32, #tpu.memory_space<vmem_shared>> -> memref<128x128xf32, #tpu.memory_space<vmem_shared>>
      %dma_start3A_141 = arith.constant 0 : i32
      %dma_start3A_142 = tpu.memref_slice %arg11[%add3A_133, %dma_start3A_141] : memref<10240x128xf32, #tpu.memory_space<vmem_shared>> -> memref<128x128xf32, #tpu.memory_space<vmem_shared>>
      tpu.enqueue_dma source(%dma_start3A_142 : memref<128x128xf32, #tpu.memory_space<vmem_shared>>) target(%arg9 : memref<128x128xf32, #tpu.memory_space<vmem>>) target_semaphore(%run_scoped3A_138 : memref<!tpu.dma_semaphore, #tpu.memory_space<semaphore_mem>>)
      %dma_wait3A_143 = arith.constant 0 : i32
      %dma_wait3A_144 = tpu.memref_slice %arg11[%add3A_133, %dma_wait3A_143] : memref<10240x128xf32, #tpu.memory_space<vmem_shared>> -> memref<128x128xf32, #tpu.memory_space<vmem_shared>>
      %dma_wait3A_145 = arith.constant 0 : i32
      %dma_wait3A_146 = tpu.memref_slice %arg11[%add3A_133, %dma_wait3A_145] : memref<10240x128xf32, #tpu.memory_space<vmem_shared>> -> memref<128x128xf32, #tpu.memory_space<vmem_shared>>
      tpu.wait_dma2 semaphore(%run_scoped3A_138 : memref<!tpu.dma_semaphore, #tpu.memory_space<semaphore_mem>>) src(%dma_wait3A_146 : memref<128x128xf32, #tpu.memory_space<vmem_shared>>) dst(%arg9 : memref<128x128xf32, #tpu.memory_space<vmem>>)
      tpu.yield
    }) : () -> ()
    %mul3A_134 = arith.constant 640 : i32
    %mul3A_135 = arith.muli %arg1, %mul3A_134 : i32
    %add3A_136 = arith.constant 512 : i32
    %add3A_137 = arith.addi %mul3A_135, %add3A_136 : i32
    "tpu.region"() ({
      %run_scoped3A_138 = tpu.sem_alloc : memref<!tpu.dma_semaphore, #tpu.memory_space<semaphore_mem>>
      %dma_start3A_139 = arith.constant 0 : i32
      %dma_start3A_140 = tpu.memref_slice %arg6[%arg0, %add3A_137, %dma_start3A_139] : memref<2x10240x128xf32, #tpu.memory_space<hbm>> -> memref<1x128x128xf32, #tpu.memory_space<hbm>>
      %dma_start3A_141 = tpu.memref_squeeze %dma_start3A_140 : memref<1x128x128xf32, #tpu.memory_space<hbm>> -> memref<128x128xf32, #tpu.memory_space<hbm>>
      %dma_start3A_142 = arith.constant 0 : i32
      %dma_start3A_143 = tpu.memref_slice %arg6[%arg0, %add3A_137, %dma_start3A_142] : memref<2x10240x128xf32, #tpu.memory_space<hbm>> -> memref<1x128x128xf32, #tpu.memory_space<hbm>>
      %dma_start3A_144 = tpu.memref_squeeze %dma_start3A_143 : memref<1x128x128xf32, #tpu.memory_space<hbm>> -> memref<128x128xf32, #tpu.memory_space<hbm>>
      tpu.enqueue_dma source(%arg9 : memref<128x128xf32, #tpu.memory_space<vmem>>) target(%dma_start3A_144 : memref<128x128xf32, #tpu.memory_space<hbm>>) target_semaphore(%run_scoped3A_138 : memref<!tpu.dma_semaphore, #tpu.memory_space<semaphore_mem>>)
      %dma_wait3A_145 = arith.constant 0 : i32
      %dma_wait3A_146 = tpu.memref_slice %arg6[%arg0, %add3A_137, %dma_wait3A_145] : memref<2x10240x128xf32, #tpu.memory_space<hbm>> -> memref<1x128x128xf32, #tpu.memory_space<hbm>>
      %dma_wait3A_147 = tpu.memref_squeeze %dma_wait3A_146 : memref<1x128x128xf32, #tpu.memory_space<hbm>> -> memref<128x128xf32, #tpu.memory_space<hbm>>
      %dma_wait3A_148 = arith.constant 0 : i32
      %dma_wait3A_149 = tpu.memref_slice %arg6[%arg0, %add3A_137, %dma_wait3A_148] : memref<2x10240x128xf32, #tpu.memory_space<hbm>> -> memref<1x128x128xf32, #tpu.memory_space<hbm>>
      %dma_wait3A_150 = tpu.memref_squeeze %dma_wait3A_149 : memref<1x128x128xf32, #tpu.memory_space<hbm>> -> memref<128x128xf32, #tpu.memory_space<hbm>>
      tpu.wait_dma2 semaphore(%run_scoped3A_138 : memref<!tpu.dma_semaphore, #tpu.memory_space<semaphore_mem>>) src(%arg9 : memref<128x128xf32, #tpu.memory_space<vmem>>) dst(%dma_wait3A_150 : memref<128x128xf32, #tpu.memory_space<hbm>>)
      tpu.yield
    }) : () -> ()
    return
  }
}

#map = affine_map<(d0, d1) -> (0, 0)>
#map1 = affine_map<(d0, d1) -> (0, 0, 0)>
module attributes {stable_mosaic.version = 14 : i64} {
  func.func @_agg_body(%arg0: i32, %arg1: i32, %arg2: memref<10000x128xf32, #tpu.memory_space<hbm>>, %arg3: memref<2560x128xi32, #tpu.memory_space<hbm>>, %arg4: memref<2560x128xi32, #tpu.memory_space<hbm>>, %arg5: memref<128x128xf32, #tpu.memory_space<hbm>>, %arg6: memref<2x10240x128xf32, #tpu.memory_space<hbm>>, %arg7: memref<40x128xi32, #tpu.memory_space<vmem>>, %arg8: memref<40x128xi32, #tpu.memory_space<vmem>>, %arg9: memref<128x128xf32, #tpu.memory_space<vmem>>, %arg10: memref<128x128xf32, #tpu.memory_space<vmem>>, %arg11: memref<10240x128xf32, #tpu.memory_space<vmem_shared>>, %arg12: memref<!tpu.dma_semaphore, #tpu.memory_space<semaphore_mem>>, %arg13: memref<!tpu.dma_semaphore, #tpu.memory_space<semaphore_mem>>, %arg14: memref<!tpu.dma_semaphore, #tpu.memory_space<semaphore_mem>>, %arg15: memref<!tpu.dma_semaphore, #tpu.memory_space<semaphore_mem>>) attributes {dimension_semantics = [#tpu.dimension_semantics<core_parallel>, #tpu.dimension_semantics<subcore_parallel>], iteration_bounds = array<i64: 2, 16>, scalar_prefetch = 0 : i64, scratch_operands = 9 : i64, tpu.core_type = #tpu.core_type<sc_vector_subcore>, window_params = [{transform_indices = #map}, {transform_indices = #map}, {transform_indices = #map}, {transform_indices = #map}, {transform_indices = #map1}]} {
    %mul3A = arith.constant 16 : i32
    %mul3A_0 = arith.muli %arg0, %mul3A : i32
    %add3A = arith.addi %mul3A_0, %arg1 : i32
    "tpu.region"() ({
      %run_scoped3A_138 = tpu.sem_alloc : memref<!tpu.dma_semaphore, #tpu.memory_space<semaphore_mem>>
      tpu.enqueue_dma source(%arg5 : memref<128x128xf32, #tpu.memory_space<hbm>>) target(%arg9 : memref<128x128xf32, #tpu.memory_space<vmem>>) target_semaphore(%run_scoped3A_138 : memref<!tpu.dma_semaphore, #tpu.memory_space<semaphore_mem>>)
      tpu.wait_dma2 semaphore(%run_scoped3A_138 : memref<!tpu.dma_semaphore, #tpu.memory_space<semaphore_mem>>) src(%arg5 : memref<128x128xf32, #tpu.memory_space<hbm>>) dst(%arg9 : memref<128x128xf32, #tpu.memory_space<vmem>>)
      tpu.yield
    }) : () -> ()
    %mul3A_1 = arith.constant 640 : i32
    %mul3A_2 = arith.muli %arg1, %mul3A_1 : i32
    %add3A_3 = arith.constant 0 : i32
    %add3A_4 = arith.addi %mul3A_2, %add3A_3 : i32
    "tpu.region"() ({
      %run_scoped3A_138 = tpu.sem_alloc : memref<!tpu.dma_semaphore, #tpu.memory_space<semaphore_mem>>
      %dma_start3A_139 = arith.constant 0 : i32
      %dma_start3A_140 = tpu.memref_slice %arg11[%add3A_4, %dma_start3A_139] : memref<10240x128xf32, #tpu.memory_space<vmem_shared>> -> memref<128x128xf32, #tpu.memory_space<vmem_shared>>
      %dma_start3A_141 = arith.constant 0 : i32
      %dma_start3A_142 = tpu.memref_slice %arg11[%add3A_4, %dma_start3A_141] : memref<10240x128xf32, #tpu.memory_space<vmem_shared>> -> memref<128x128xf32, #tpu.memory_space<vmem_shared>>
      tpu.enqueue_dma source(%arg9 : memref<128x128xf32, #tpu.memory_space<vmem>>) target(%dma_start3A_142 : memref<128x128xf32, #tpu.memory_space<vmem_shared>>) target_semaphore(%run_scoped3A_138 : memref<!tpu.dma_semaphore, #tpu.memory_space<semaphore_mem>>)
      %dma_wait3A_143 = arith.constant 0 : i32
      %dma_wait3A_144 = tpu.memref_slice %arg11[%add3A_4, %dma_wait3A_143] : memref<10240x128xf32, #tpu.memory_space<vmem_shared>> -> memref<128x128xf32, #tpu.memory_space<vmem_shared>>
      %dma_wait3A_145 = arith.constant 0 : i32
      %dma_wait3A_146 = tpu.memref_slice %arg11[%add3A_4, %dma_wait3A_145] : memref<10240x128xf32, #tpu.memory_space<vmem_shared>> -> memref<128x128xf32, #tpu.memory_space<vmem_shared>>
      tpu.wait_dma2 semaphore(%run_scoped3A_138 : memref<!tpu.dma_semaphore, #tpu.memory_space<semaphore_mem>>) src(%arg9 : memref<128x128xf32, #tpu.memory_space<vmem>>) dst(%dma_wait3A_146 : memref<128x128xf32, #tpu.memory_space<vmem_shared>>)
      tpu.yield
    }) : () -> ()
    %mul3A_5 = arith.constant 640 : i32
    %mul3A_6 = arith.muli %arg1, %mul3A_5 : i32
    %add3A_7 = arith.constant 128 : i32
    %add3A_8 = arith.addi %mul3A_6, %add3A_7 : i32
    "tpu.region"() ({
      %run_scoped3A_138 = tpu.sem_alloc : memref<!tpu.dma_semaphore, #tpu.memory_space<semaphore_mem>>
      %dma_start3A_139 = arith.constant 0 : i32
      %dma_start3A_140 = tpu.memref_slice %arg11[%add3A_8, %dma_start3A_139] : memref<10240x128xf32, #tpu.memory_space<vmem_shared>> -> memref<128x128xf32, #tpu.memory_space<vmem_shared>>
      %dma_start3A_141 = arith.constant 0 : i32
      %dma_start3A_142 = tpu.memref_slice %arg11[%add3A_8, %dma_start3A_141] : memref<10240x128xf32, #tpu.memory_space<vmem_shared>> -> memref<128x128xf32, #tpu.memory_space<vmem_shared>>
      tpu.enqueue_dma source(%arg9 : memref<128x128xf32, #tpu.memory_space<vmem>>) target(%dma_start3A_142 : memref<128x128xf32, #tpu.memory_space<vmem_shared>>) target_semaphore(%run_scoped3A_138 : memref<!tpu.dma_semaphore, #tpu.memory_space<semaphore_mem>>)
      %dma_wait3A_143 = arith.constant 0 : i32
      %dma_wait3A_144 = tpu.memref_slice %arg11[%add3A_8, %dma_wait3A_143] : memref<10240x128xf32, #tpu.memory_space<vmem_shared>> -> memref<128x128xf32, #tpu.memory_space<vmem_shared>>
      %dma_wait3A_145 = arith.constant 0 : i32
      %dma_wait3A_146 = tpu.memref_slice %arg11[%add3A_8, %dma_wait3A_145] : memref<10240x128xf32, #tpu.memory_space<vmem_shared>> -> memref<128x128xf32, #tpu.memory_space<vmem_shared>>
      tpu.wait_dma2 semaphore(%run_scoped3A_138 : memref<!tpu.dma_semaphore, #tpu.memory_space<semaphore_mem>>) src(%arg9 : memref<128x128xf32, #tpu.memory_space<vmem>>) dst(%dma_wait3A_146 : memref<128x128xf32, #tpu.memory_space<vmem_shared>>)
      tpu.yield
    }) : () -> ()
    %mul3A_9 = arith.constant 640 : i32
    %mul3A_10 = arith.muli %arg1, %mul3A_9 : i32
    %add3A_11 = arith.constant 256 : i32
    %add3A_12 = arith.addi %mul3A_10, %add3A_11 : i32
    "tpu.region"() ({
      %run_scoped3A_138 = tpu.sem_alloc : memref<!tpu.dma_semaphore, #tpu.memory_space<semaphore_mem>>
      %dma_start3A_139 = arith.constant 0 : i32
      %dma_start3A_140 = tpu.memref_slice %arg11[%add3A_12, %dma_start3A_139] : memref<10240x128xf32, #tpu.memory_space<vmem_shared>> -> memref<128x128xf32, #tpu.memory_space<vmem_shared>>
      %dma_start3A_141 = arith.constant 0 : i32
      %dma_start3A_142 = tpu.memref_slice %arg11[%add3A_12, %dma_start3A_141] : memref<10240x128xf32, #tpu.memory_space<vmem_shared>> -> memref<128x128xf32, #tpu.memory_space<vmem_shared>>
      tpu.enqueue_dma source(%arg9 : memref<128x128xf32, #tpu.memory_space<vmem>>) target(%dma_start3A_142 : memref<128x128xf32, #tpu.memory_space<vmem_shared>>) target_semaphore(%run_scoped3A_138 : memref<!tpu.dma_semaphore, #tpu.memory_space<semaphore_mem>>)
      %dma_wait3A_143 = arith.constant 0 : i32
      %dma_wait3A_144 = tpu.memref_slice %arg11[%add3A_12, %dma_wait3A_143] : memref<10240x128xf32, #tpu.memory_space<vmem_shared>> -> memref<128x128xf32, #tpu.memory_space<vmem_shared>>
      %dma_wait3A_145 = arith.constant 0 : i32
      %dma_wait3A_146 = tpu.memref_slice %arg11[%add3A_12, %dma_wait3A_145] : memref<10240x128xf32, #tpu.memory_space<vmem_shared>> -> memref<128x128xf32, #tpu.memory_space<vmem_shared>>
      tpu.wait_dma2 semaphore(%run_scoped3A_138 : memref<!tpu.dma_semaphore, #tpu.memory_space<semaphore_mem>>) src(%arg9 : memref<128x128xf32, #tpu.memory_space<vmem>>) dst(%dma_wait3A_146 : memref<128x128xf32, #tpu.memory_space<vmem_shared>>)
      tpu.yield
    }) : () -> ()
    %mul3A_13 = arith.constant 640 : i32
    %mul3A_14 = arith.muli %arg1, %mul3A_13 : i32
    %add3A_15 = arith.constant 384 : i32
    %add3A_16 = arith.addi %mul3A_14, %add3A_15 : i32
    "tpu.region"() ({
      %run_scoped3A_138 = tpu.sem_alloc : memref<!tpu.dma_semaphore, #tpu.memory_space<semaphore_mem>>
      %dma_start3A_139 = arith.constant 0 : i32
      %dma_start3A_140 = tpu.memref_slice %arg11[%add3A_16, %dma_start3A_139] : memref<10240x128xf32, #tpu.memory_space<vmem_shared>> -> memref<128x128xf32, #tpu.memory_space<vmem_shared>>
      %dma_start3A_141 = arith.constant 0 : i32
      %dma_start3A_142 = tpu.memref_slice %arg11[%add3A_16, %dma_start3A_141] : memref<10240x128xf32, #tpu.memory_space<vmem_shared>> -> memref<128x128xf32, #tpu.memory_space<vmem_shared>>
      tpu.enqueue_dma source(%arg9 : memref<128x128xf32, #tpu.memory_space<vmem>>) target(%dma_start3A_142 : memref<128x128xf32, #tpu.memory_space<vmem_shared>>) target_semaphore(%run_scoped3A_138 : memref<!tpu.dma_semaphore, #tpu.memory_space<semaphore_mem>>)
      %dma_wait3A_143 = arith.constant 0 : i32
      %dma_wait3A_144 = tpu.memref_slice %arg11[%add3A_16, %dma_wait3A_143] : memref<10240x128xf32, #tpu.memory_space<vmem_shared>> -> memref<128x128xf32, #tpu.memory_space<vmem_shared>>
      %dma_wait3A_145 = arith.constant 0 : i32
      %dma_wait3A_146 = tpu.memref_slice %arg11[%add3A_16, %dma_wait3A_145] : memref<10240x128xf32, #tpu.memory_space<vmem_shared>> -> memref<128x128xf32, #tpu.memory_space<vmem_shared>>
      tpu.wait_dma2 semaphore(%run_scoped3A_138 : memref<!tpu.dma_semaphore, #tpu.memory_space<semaphore_mem>>) src(%arg9 : memref<128x128xf32, #tpu.memory_space<vmem>>) dst(%dma_wait3A_146 : memref<128x128xf32, #tpu.memory_space<vmem_shared>>)
      tpu.yield
    }) : () -> ()
    %mul3A_17 = arith.constant 640 : i32
    %mul3A_18 = arith.muli %arg1, %mul3A_17 : i32
    %add3A_19 = arith.constant 512 : i32
    %add3A_20 = arith.addi %mul3A_18, %add3A_19 : i32
    "tpu.region"() ({
      %run_scoped3A_138 = tpu.sem_alloc : memref<!tpu.dma_semaphore, #tpu.memory_space<semaphore_mem>>
      %dma_start3A_139 = arith.constant 0 : i32
      %dma_start3A_140 = tpu.memref_slice %arg11[%add3A_20, %dma_start3A_139] : memref<10240x128xf32, #tpu.memory_space<vmem_shared>> -> memref<128x128xf32, #tpu.memory_space<vmem_shared>>
      %dma_start3A_141 = arith.constant 0 : i32
      %dma_start3A_142 = tpu.memref_slice %arg11[%add3A_20, %dma_start3A_141] : memref<10240x128xf32, #tpu.memory_space<vmem_shared>> -> memref<128x128xf32, #tpu.memory_space<vmem_shared>>
      tpu.enqueue_dma source(%arg9 : memref<128x128xf32, #tpu.memory_space<vmem>>) target(%dma_start3A_142 : memref<128x128xf32, #tpu.memory_space<vmem_shared>>) target_semaphore(%run_scoped3A_138 : memref<!tpu.dma_semaphore, #tpu.memory_space<semaphore_mem>>)
      %dma_wait3A_143 = arith.constant 0 : i32
      %dma_wait3A_144 = tpu.memref_slice %arg11[%add3A_20, %dma_wait3A_143] : memref<10240x128xf32, #tpu.memory_space<vmem_shared>> -> memref<128x128xf32, #tpu.memory_space<vmem_shared>>
      %dma_wait3A_145 = arith.constant 0 : i32
      %dma_wait3A_146 = tpu.memref_slice %arg11[%add3A_20, %dma_wait3A_145] : memref<10240x128xf32, #tpu.memory_space<vmem_shared>> -> memref<128x128xf32, #tpu.memory_space<vmem_shared>>
      tpu.wait_dma2 semaphore(%run_scoped3A_138 : memref<!tpu.dma_semaphore, #tpu.memory_space<semaphore_mem>>) src(%arg9 : memref<128x128xf32, #tpu.memory_space<vmem>>) dst(%dma_wait3A_146 : memref<128x128xf32, #tpu.memory_space<vmem_shared>>)
      tpu.yield
    }) : () -> ()
    %barrier3A = arith.constant 0 : index
    tpu.barrier barrier_id(%barrier3A)
    %mul3A_21 = arith.constant 80 : i32
    %mul3A_22 = arith.muli %add3A, %mul3A_21 : i32
    %add3A_23 = arith.constant 0 : i32
    %add3A_24 = arith.addi %mul3A_22, %add3A_23 : i32
    "tpu.region"() ({
      %run_scoped3A_138 = tpu.sem_alloc : memref<!tpu.dma_semaphore, #tpu.memory_space<semaphore_mem>>
      %dma_start3A_139 = arith.constant 0 : i32
      %dma_start3A_140 = tpu.memref_slice %arg3[%add3A_24, %dma_start3A_139] : memref<2560x128xi32, #tpu.memory_space<hbm>> -> memref<40x128xi32, #tpu.memory_space<hbm>>
      %dma_start3A_141 = arith.constant 0 : i32
      %dma_start3A_142 = tpu.memref_slice %arg3[%add3A_24, %dma_start3A_141] : memref<2560x128xi32, #tpu.memory_space<hbm>> -> memref<40x128xi32, #tpu.memory_space<hbm>>
      tpu.enqueue_dma source(%dma_start3A_142 : memref<40x128xi32, #tpu.memory_space<hbm>>) target(%arg7 : memref<40x128xi32, #tpu.memory_space<vmem>>) target_semaphore(%run_scoped3A_138 : memref<!tpu.dma_semaphore, #tpu.memory_space<semaphore_mem>>)
      %dma_wait3A_143 = arith.constant 0 : i32
      %dma_wait3A_144 = tpu.memref_slice %arg3[%add3A_24, %dma_wait3A_143] : memref<2560x128xi32, #tpu.memory_space<hbm>> -> memref<40x128xi32, #tpu.memory_space<hbm>>
      %dma_wait3A_145 = arith.constant 0 : i32
      %dma_wait3A_146 = tpu.memref_slice %arg3[%add3A_24, %dma_wait3A_145] : memref<2560x128xi32, #tpu.memory_space<hbm>> -> memref<40x128xi32, #tpu.memory_space<hbm>>
      tpu.wait_dma2 semaphore(%run_scoped3A_138 : memref<!tpu.dma_semaphore, #tpu.memory_space<semaphore_mem>>) src(%dma_wait3A_146 : memref<40x128xi32, #tpu.memory_space<hbm>>) dst(%arg7 : memref<40x128xi32, #tpu.memory_space<vmem>>)
      tpu.yield
    }) : () -> ()
    "tpu.region"() ({
      %run_scoped3A_138 = tpu.sem_alloc : memref<!tpu.dma_semaphore, #tpu.memory_space<semaphore_mem>>
      %dma_start3A_139 = arith.constant 0 : i32
      %dma_start3A_140 = tpu.memref_slice %arg4[%add3A_24, %dma_start3A_139] : memref<2560x128xi32, #tpu.memory_space<hbm>> -> memref<40x128xi32, #tpu.memory_space<hbm>>
      %dma_start3A_141 = arith.constant 0 : i32
      %dma_start3A_142 = tpu.memref_slice %arg4[%add3A_24, %dma_start3A_141] : memref<2560x128xi32, #tpu.memory_space<hbm>> -> memref<40x128xi32, #tpu.memory_space<hbm>>
      tpu.enqueue_dma source(%dma_start3A_142 : memref<40x128xi32, #tpu.memory_space<hbm>>) target(%arg8 : memref<40x128xi32, #tpu.memory_space<vmem>>) target_semaphore(%run_scoped3A_138 : memref<!tpu.dma_semaphore, #tpu.memory_space<semaphore_mem>>)
      %dma_wait3A_143 = arith.constant 0 : i32
      %dma_wait3A_144 = tpu.memref_slice %arg4[%add3A_24, %dma_wait3A_143] : memref<2560x128xi32, #tpu.memory_space<hbm>> -> memref<40x128xi32, #tpu.memory_space<hbm>>
      %dma_wait3A_145 = arith.constant 0 : i32
      %dma_wait3A_146 = tpu.memref_slice %arg4[%add3A_24, %dma_wait3A_145] : memref<2560x128xi32, #tpu.memory_space<hbm>> -> memref<40x128xi32, #tpu.memory_space<hbm>>
      tpu.wait_dma2 semaphore(%run_scoped3A_138 : memref<!tpu.dma_semaphore, #tpu.memory_space<semaphore_mem>>) src(%dma_wait3A_146 : memref<40x128xi32, #tpu.memory_space<hbm>>) dst(%arg8 : memref<40x128xi32, #tpu.memory_space<vmem>>)
      tpu.yield
    }) : () -> ()
    %dma_start3A = arith.constant 0 : i32
    %dma_start3A_25 = arith.constant 0 : i32
    %dma_start3A_26 = tpu.memref_slice %arg7[%dma_start3A, %dma_start3A_25] : memref<40x128xi32, #tpu.memory_space<vmem>> -> memref<1x128xi32, #tpu.memory_space<vmem>>
    %dma_start3A_27 = tpu.memref_squeeze %dma_start3A_26 : memref<1x128xi32, #tpu.memory_space<vmem>> -> memref<128xi32, #tpu.memory_space<vmem>>
    %dma_start3A_28 = arith.constant 0 : i32
    %dma_start3A_29 = arith.constant 0 : i32
    %dma_start3A_30 = tpu.memref_slice %arg2[%dma_start3A_28, %dma_start3A_29] : memref<10000x128xf32, #tpu.memory_space<hbm>> -> memref<10000x128xf32, #tpu.memory_space<hbm>>
    tpu.enqueue_indirect_dma source(%dma_start3A_30 : memref<10000x128xf32, #tpu.memory_space<hbm>>) target(%arg9 : memref<128x128xf32, #tpu.memory_space<vmem>>) offsets(%dma_start3A_27 : memref<128xi32, #tpu.memory_space<vmem>>) semaphore(%arg12 : memref<!tpu.dma_semaphore, #tpu.memory_space<semaphore_mem>>)
    %dma_start3A_31 = arith.constant 1 : i32
    %dma_start3A_32 = arith.constant 0 : i32
    %dma_start3A_33 = tpu.memref_slice %arg7[%dma_start3A_31, %dma_start3A_32] : memref<40x128xi32, #tpu.memory_space<vmem>> -> memref<1x128xi32, #tpu.memory_space<vmem>>
    %dma_start3A_34 = tpu.memref_squeeze %dma_start3A_33 : memref<1x128xi32, #tpu.memory_space<vmem>> -> memref<128xi32, #tpu.memory_space<vmem>>
    %dma_start3A_35 = arith.constant 0 : i32
    %dma_start3A_36 = arith.constant 0 : i32
    %dma_start3A_37 = tpu.memref_slice %arg2[%dma_start3A_35, %dma_start3A_36] : memref<10000x128xf32, #tpu.memory_space<hbm>> -> memref<10000x128xf32, #tpu.memory_space<hbm>>
    tpu.enqueue_indirect_dma source(%dma_start3A_37 : memref<10000x128xf32, #tpu.memory_space<hbm>>) target(%arg10 : memref<128x128xf32, #tpu.memory_space<vmem>>) offsets(%dma_start3A_34 : memref<128xi32, #tpu.memory_space<vmem>>) semaphore(%arg13 : memref<!tpu.dma_semaphore, #tpu.memory_space<semaphore_mem>>)
    %scan3A = arith.constant 0 : i32
    %scan3A_38 = arith.constant 0 : i32
    %scan3A_39 = arith.constant 19 : i32
    %scan3A_40 = arith.addi %scan3A_38, %scan3A_39 : i32
    %scan3A_41 = arith.constant 1 : i32
    scf.for %scan3A_138 = %scan3A_38 to %scan3A_40 step %scan3A_41  : i32 {
      %mul3A_139 = arith.constant 2 : i32
      %mul3A_140 = arith.muli %scan3A_138, %mul3A_139 : i32
      %add3A_141 = arith.constant 0 : i32
      %add3A_142 = arith.addi %mul3A_140, %add3A_141 : i32
      %dma_wait3A_143 = arith.constant 0 : i32
      %dma_wait3A_144 = tpu.memref_slice %arg7[%add3A_142, %dma_wait3A_143] : memref<40x128xi32, #tpu.memory_space<vmem>> -> memref<1x128xi32, #tpu.memory_space<vmem>>
      %dma_wait3A_145 = tpu.memref_squeeze %dma_wait3A_144 : memref<1x128xi32, #tpu.memory_space<vmem>> -> memref<128xi32, #tpu.memory_space<vmem>>
      %dma_wait3A_146 = arith.constant 0 : i32
      %dma_wait3A_147 = arith.constant 0 : i32
      %dma_wait3A_148 = tpu.memref_slice %arg2[%dma_wait3A_146, %dma_wait3A_147] : memref<10000x128xf32, #tpu.memory_space<hbm>> -> memref<10000x128xf32, #tpu.memory_space<hbm>>
      tpu.wait_indirect_dma semaphore(%arg12 : memref<!tpu.dma_semaphore, #tpu.memory_space<semaphore_mem>>) src(%dma_wait3A_148 : memref<10000x128xf32, #tpu.memory_space<hbm>>) dst(%arg9 : memref<128x128xf32, #tpu.memory_space<vmem>>)
      %add3A_149 = arith.constant 0 : i32
      %add3A_150 = arith.addi %mul3A_140, %add3A_149 : i32
      "tpu.region"() ({
        %run_scoped3A_181 = tpu.sem_alloc : memref<!tpu.dma_semaphore, #tpu.memory_space<semaphore_mem>>
        %dma_start3A_182 = arith.constant 0 : i32
        %dma_start3A_183 = tpu.memref_slice %arg8[%add3A_150, %dma_start3A_182] : memref<40x128xi32, #tpu.memory_space<vmem>> -> memref<1x128xi32, #tpu.memory_space<vmem>>
        %dma_start3A_184 = tpu.memref_squeeze %dma_start3A_183 : memref<1x128xi32, #tpu.memory_space<vmem>> -> memref<128xi32, #tpu.memory_space<vmem>>
        %dma_start3A_185 = arith.constant 0 : i32
        %dma_start3A_186 = arith.constant 0 : i32
        %dma_start3A_187 = tpu.memref_slice %arg11[%dma_start3A_185, %dma_start3A_186] : memref<10240x128xf32, #tpu.memory_space<vmem_shared>> -> memref<10240x128xf32, #tpu.memory_space<vmem_shared>>
        tpu.enqueue_indirect_dma source(%arg9 : memref<128x128xf32, #tpu.memory_space<vmem>>) target(%dma_start3A_187 : memref<10240x128xf32, #tpu.memory_space<vmem_shared>>) offsets(%dma_start3A_184 : memref<128xi32, #tpu.memory_space<vmem>>) semaphore(%run_scoped3A_181 : memref<!tpu.dma_semaphore, #tpu.memory_space<semaphore_mem>>) {add = true}
        %dma_wait3A_188 = arith.constant 0 : i32
        %dma_wait3A_189 = tpu.memref_slice %arg8[%add3A_150, %dma_wait3A_188] : memref<40x128xi32, #tpu.memory_space<vmem>> -> memref<1x128xi32, #tpu.memory_space<vmem>>
        %dma_wait3A_190 = tpu.memref_squeeze %dma_wait3A_189 : memref<1x128xi32, #tpu.memory_space<vmem>> -> memref<128xi32, #tpu.memory_space<vmem>>
        %dma_wait3A_191 = arith.constant 0 : i32
        %dma_wait3A_192 = arith.constant 0 : i32
        %dma_wait3A_193 = tpu.memref_slice %arg11[%dma_wait3A_191, %dma_wait3A_192] : memref<10240x128xf32, #tpu.memory_space<vmem_shared>> -> memref<10240x128xf32, #tpu.memory_space<vmem_shared>>
        tpu.wait_indirect_dma semaphore(%run_scoped3A_181 : memref<!tpu.dma_semaphore, #tpu.memory_space<semaphore_mem>>) src(%arg9 : memref<128x128xf32, #tpu.memory_space<vmem>>) dst(%dma_wait3A_193 : memref<10240x128xf32, #tpu.memory_space<vmem_shared>>)
        tpu.yield
      }) : () -> ()
      %add3A_151 = arith.constant 2 : i32
      %add3A_152 = arith.addi %mul3A_140, %add3A_151 : i32
      %add3A_153 = arith.constant 0 : i32
      %add3A_154 = arith.addi %add3A_152, %add3A_153 : i32
      %dma_start3A_155 = arith.constant 0 : i32
      %dma_start3A_156 = tpu.memref_slice %arg7[%add3A_154, %dma_start3A_155] : memref<40x128xi32, #tpu.memory_space<vmem>> -> memref<1x128xi32, #tpu.memory_space<vmem>>
      %dma_start3A_157 = tpu.memref_squeeze %dma_start3A_156 : memref<1x128xi32, #tpu.memory_space<vmem>> -> memref<128xi32, #tpu.memory_space<vmem>>
      %dma_start3A_158 = arith.constant 0 : i32
      %dma_start3A_159 = arith.constant 0 : i32
      %dma_start3A_160 = tpu.memref_slice %arg2[%dma_start3A_158, %dma_start3A_159] : memref<10000x128xf32, #tpu.memory_space<hbm>> -> memref<10000x128xf32, #tpu.memory_space<hbm>>
      tpu.enqueue_indirect_dma source(%dma_start3A_160 : memref<10000x128xf32, #tpu.memory_space<hbm>>) target(%arg9 : memref<128x128xf32, #tpu.memory_space<vmem>>) offsets(%dma_start3A_157 : memref<128xi32, #tpu.memory_space<vmem>>) semaphore(%arg12 : memref<!tpu.dma_semaphore, #tpu.memory_space<semaphore_mem>>)
      %add3A_161 = arith.constant 1 : i32
      %add3A_162 = arith.addi %mul3A_140, %add3A_161 : i32
      %dma_wait3A_163 = arith.constant 0 : i32
      %dma_wait3A_164 = tpu.memref_slice %arg7[%add3A_162, %dma_wait3A_163] : memref<40x128xi32, #tpu.memory_space<vmem>> -> memref<1x128xi32, #tpu.memory_space<vmem>>
      %dma_wait3A_165 = tpu.memref_squeeze %dma_wait3A_164 : memref<1x128xi32, #tpu.memory_space<vmem>> -> memref<128xi32, #tpu.memory_space<vmem>>
      %dma_wait3A_166 = arith.constant 0 : i32
      %dma_wait3A_167 = arith.constant 0 : i32
      %dma_wait3A_168 = tpu.memref_slice %arg2[%dma_wait3A_166, %dma_wait3A_167] : memref<10000x128xf32, #tpu.memory_space<hbm>> -> memref<10000x128xf32, #tpu.memory_space<hbm>>
      tpu.wait_indirect_dma semaphore(%arg13 : memref<!tpu.dma_semaphore, #tpu.memory_space<semaphore_mem>>) src(%dma_wait3A_168 : memref<10000x128xf32, #tpu.memory_space<hbm>>) dst(%arg10 : memref<128x128xf32, #tpu.memory_space<vmem>>)
      %add3A_169 = arith.constant 1 : i32
      %add3A_170 = arith.addi %mul3A_140, %add3A_169 : i32
      "tpu.region"() ({
        %run_scoped3A_181 = tpu.sem_alloc : memref<!tpu.dma_semaphore, #tpu.memory_space<semaphore_mem>>
        %dma_start3A_182 = arith.constant 0 : i32
        %dma_start3A_183 = tpu.memref_slice %arg8[%add3A_170, %dma_start3A_182] : memref<40x128xi32, #tpu.memory_space<vmem>> -> memref<1x128xi32, #tpu.memory_space<vmem>>
        %dma_start3A_184 = tpu.memref_squeeze %dma_start3A_183 : memref<1x128xi32, #tpu.memory_space<vmem>> -> memref<128xi32, #tpu.memory_space<vmem>>
        %dma_start3A_185 = arith.constant 0 : i32
        %dma_start3A_186 = arith.constant 0 : i32
        %dma_start3A_187 = tpu.memref_slice %arg11[%dma_start3A_185, %dma_start3A_186] : memref<10240x128xf32, #tpu.memory_space<vmem_shared>> -> memref<10240x128xf32, #tpu.memory_space<vmem_shared>>
        tpu.enqueue_indirect_dma source(%arg10 : memref<128x128xf32, #tpu.memory_space<vmem>>) target(%dma_start3A_187 : memref<10240x128xf32, #tpu.memory_space<vmem_shared>>) offsets(%dma_start3A_184 : memref<128xi32, #tpu.memory_space<vmem>>) semaphore(%run_scoped3A_181 : memref<!tpu.dma_semaphore, #tpu.memory_space<semaphore_mem>>) {add = true}
        %dma_wait3A_188 = arith.constant 0 : i32
        %dma_wait3A_189 = tpu.memref_slice %arg8[%add3A_170, %dma_wait3A_188] : memref<40x128xi32, #tpu.memory_space<vmem>> -> memref<1x128xi32, #tpu.memory_space<vmem>>
        %dma_wait3A_190 = tpu.memref_squeeze %dma_wait3A_189 : memref<1x128xi32, #tpu.memory_space<vmem>> -> memref<128xi32, #tpu.memory_space<vmem>>
        %dma_wait3A_191 = arith.constant 0 : i32
        %dma_wait3A_192 = arith.constant 0 : i32
        %dma_wait3A_193 = tpu.memref_slice %arg11[%dma_wait3A_191, %dma_wait3A_192] : memref<10240x128xf32, #tpu.memory_space<vmem_shared>> -> memref<10240x128xf32, #tpu.memory_space<vmem_shared>>
        tpu.wait_indirect_dma semaphore(%run_scoped3A_181 : memref<!tpu.dma_semaphore, #tpu.memory_space<semaphore_mem>>) src(%arg10 : memref<128x128xf32, #tpu.memory_space<vmem>>) dst(%dma_wait3A_193 : memref<10240x128xf32, #tpu.memory_space<vmem_shared>>)
        tpu.yield
      }) : () -> ()
      %add3A_171 = arith.constant 2 : i32
      %add3A_172 = arith.addi %mul3A_140, %add3A_171 : i32
      %add3A_173 = arith.constant 1 : i32
      %add3A_174 = arith.addi %add3A_172, %add3A_173 : i32
      %dma_start3A_175 = arith.constant 0 : i32
      %dma_start3A_176 = tpu.memref_slice %arg7[%add3A_174, %dma_start3A_175] : memref<40x128xi32, #tpu.memory_space<vmem>> -> memref<1x128xi32, #tpu.memory_space<vmem>>
      %dma_start3A_177 = tpu.memref_squeeze %dma_start3A_176 : memref<1x128xi32, #tpu.memory_space<vmem>> -> memref<128xi32, #tpu.memory_space<vmem>>
      %dma_start3A_178 = arith.constant 0 : i32
      %dma_start3A_179 = arith.constant 0 : i32
      %dma_start3A_180 = tpu.memref_slice %arg2[%dma_start3A_178, %dma_start3A_179] : memref<10000x128xf32, #tpu.memory_space<hbm>> -> memref<10000x128xf32, #tpu.memory_space<hbm>>
      tpu.enqueue_indirect_dma source(%dma_start3A_180 : memref<10000x128xf32, #tpu.memory_space<hbm>>) target(%arg10 : memref<128x128xf32, #tpu.memory_space<vmem>>) offsets(%dma_start3A_177 : memref<128xi32, #tpu.memory_space<vmem>>) semaphore(%arg13 : memref<!tpu.dma_semaphore, #tpu.memory_space<semaphore_mem>>)
    }
    %scan3A_42 = arith.constant 19 : i32
    %dma_wait3A = arith.constant 38 : i32
    %dma_wait3A_43 = arith.constant 0 : i32
    %dma_wait3A_44 = tpu.memref_slice %arg7[%dma_wait3A, %dma_wait3A_43] : memref<40x128xi32, #tpu.memory_space<vmem>> -> memref<1x128xi32, #tpu.memory_space<vmem>>
    %dma_wait3A_45 = tpu.memref_squeeze %dma_wait3A_44 : memref<1x128xi32, #tpu.memory_space<vmem>> -> memref<128xi32, #tpu.memory_space<vmem>>
    %dma_wait3A_46 = arith.constant 0 : i32
    %dma_wait3A_47 = arith.constant 0 : i32
    %dma_wait3A_48 = tpu.memref_slice %arg2[%dma_wait3A_46, %dma_wait3A_47] : memref<10000x128xf32, #tpu.memory_space<hbm>> -> memref<10000x128xf32, #tpu.memory_space<hbm>>
    tpu.wait_indirect_dma semaphore(%arg12 : memref<!tpu.dma_semaphore, #tpu.memory_space<semaphore_mem>>) src(%dma_wait3A_48 : memref<10000x128xf32, #tpu.memory_space<hbm>>) dst(%arg9 : memref<128x128xf32, #tpu.memory_space<vmem>>)
    %run_scoped3A = arith.constant 38 : i32
    "tpu.region"() ({
      %run_scoped3A_138 = tpu.sem_alloc : memref<!tpu.dma_semaphore, #tpu.memory_space<semaphore_mem>>
      %dma_start3A_139 = arith.constant 0 : i32
      %dma_start3A_140 = tpu.memref_slice %arg8[%run_scoped3A, %dma_start3A_139] : memref<40x128xi32, #tpu.memory_space<vmem>> -> memref<1x128xi32, #tpu.memory_space<vmem>>
      %dma_start3A_141 = tpu.memref_squeeze %dma_start3A_140 : memref<1x128xi32, #tpu.memory_space<vmem>> -> memref<128xi32, #tpu.memory_space<vmem>>
      %dma_start3A_142 = arith.constant 0 : i32
      %dma_start3A_143 = arith.constant 0 : i32
      %dma_start3A_144 = tpu.memref_slice %arg11[%dma_start3A_142, %dma_start3A_143] : memref<10240x128xf32, #tpu.memory_space<vmem_shared>> -> memref<10240x128xf32, #tpu.memory_space<vmem_shared>>
      tpu.enqueue_indirect_dma source(%arg9 : memref<128x128xf32, #tpu.memory_space<vmem>>) target(%dma_start3A_144 : memref<10240x128xf32, #tpu.memory_space<vmem_shared>>) offsets(%dma_start3A_141 : memref<128xi32, #tpu.memory_space<vmem>>) semaphore(%run_scoped3A_138 : memref<!tpu.dma_semaphore, #tpu.memory_space<semaphore_mem>>) {add = true}
      %dma_wait3A_145 = arith.constant 0 : i32
      %dma_wait3A_146 = tpu.memref_slice %arg8[%run_scoped3A, %dma_wait3A_145] : memref<40x128xi32, #tpu.memory_space<vmem>> -> memref<1x128xi32, #tpu.memory_space<vmem>>
      %dma_wait3A_147 = tpu.memref_squeeze %dma_wait3A_146 : memref<1x128xi32, #tpu.memory_space<vmem>> -> memref<128xi32, #tpu.memory_space<vmem>>
      %dma_wait3A_148 = arith.constant 0 : i32
      %dma_wait3A_149 = arith.constant 0 : i32
      %dma_wait3A_150 = tpu.memref_slice %arg11[%dma_wait3A_148, %dma_wait3A_149] : memref<10240x128xf32, #tpu.memory_space<vmem_shared>> -> memref<10240x128xf32, #tpu.memory_space<vmem_shared>>
      tpu.wait_indirect_dma semaphore(%run_scoped3A_138 : memref<!tpu.dma_semaphore, #tpu.memory_space<semaphore_mem>>) src(%arg9 : memref<128x128xf32, #tpu.memory_space<vmem>>) dst(%dma_wait3A_150 : memref<10240x128xf32, #tpu.memory_space<vmem_shared>>)
      tpu.yield
    }) : () -> ()
    %dma_wait3A_49 = arith.constant 39 : i32
    %dma_wait3A_50 = arith.constant 0 : i32
    %dma_wait3A_51 = tpu.memref_slice %arg7[%dma_wait3A_49, %dma_wait3A_50] : memref<40x128xi32, #tpu.memory_space<vmem>> -> memref<1x128xi32, #tpu.memory_space<vmem>>
    %dma_wait3A_52 = tpu.memref_squeeze %dma_wait3A_51 : memref<1x128xi32, #tpu.memory_space<vmem>> -> memref<128xi32, #tpu.memory_space<vmem>>
    %dma_wait3A_53 = arith.constant 0 : i32
    %dma_wait3A_54 = arith.constant 0 : i32
    %dma_wait3A_55 = tpu.memref_slice %arg2[%dma_wait3A_53, %dma_wait3A_54] : memref<10000x128xf32, #tpu.memory_space<hbm>> -> memref<10000x128xf32, #tpu.memory_space<hbm>>
    tpu.wait_indirect_dma semaphore(%arg13 : memref<!tpu.dma_semaphore, #tpu.memory_space<semaphore_mem>>) src(%dma_wait3A_55 : memref<10000x128xf32, #tpu.memory_space<hbm>>) dst(%arg10 : memref<128x128xf32, #tpu.memory_space<vmem>>)
    %run_scoped3A_56 = arith.constant 39 : i32
    "tpu.region"() ({
      %run_scoped3A_138 = tpu.sem_alloc : memref<!tpu.dma_semaphore, #tpu.memory_space<semaphore_mem>>
      %dma_start3A_139 = arith.constant 0 : i32
      %dma_start3A_140 = tpu.memref_slice %arg8[%run_scoped3A_56, %dma_start3A_139] : memref<40x128xi32, #tpu.memory_space<vmem>> -> memref<1x128xi32, #tpu.memory_space<vmem>>
      %dma_start3A_141 = tpu.memref_squeeze %dma_start3A_140 : memref<1x128xi32, #tpu.memory_space<vmem>> -> memref<128xi32, #tpu.memory_space<vmem>>
      %dma_start3A_142 = arith.constant 0 : i32
      %dma_start3A_143 = arith.constant 0 : i32
      %dma_start3A_144 = tpu.memref_slice %arg11[%dma_start3A_142, %dma_start3A_143] : memref<10240x128xf32, #tpu.memory_space<vmem_shared>> -> memref<10240x128xf32, #tpu.memory_space<vmem_shared>>
      tpu.enqueue_indirect_dma source(%arg10 : memref<128x128xf32, #tpu.memory_space<vmem>>) target(%dma_start3A_144 : memref<10240x128xf32, #tpu.memory_space<vmem_shared>>) offsets(%dma_start3A_141 : memref<128xi32, #tpu.memory_space<vmem>>) semaphore(%run_scoped3A_138 : memref<!tpu.dma_semaphore, #tpu.memory_space<semaphore_mem>>) {add = true}
      %dma_wait3A_145 = arith.constant 0 : i32
      %dma_wait3A_146 = tpu.memref_slice %arg8[%run_scoped3A_56, %dma_wait3A_145] : memref<40x128xi32, #tpu.memory_space<vmem>> -> memref<1x128xi32, #tpu.memory_space<vmem>>
      %dma_wait3A_147 = tpu.memref_squeeze %dma_wait3A_146 : memref<1x128xi32, #tpu.memory_space<vmem>> -> memref<128xi32, #tpu.memory_space<vmem>>
      %dma_wait3A_148 = arith.constant 0 : i32
      %dma_wait3A_149 = arith.constant 0 : i32
      %dma_wait3A_150 = tpu.memref_slice %arg11[%dma_wait3A_148, %dma_wait3A_149] : memref<10240x128xf32, #tpu.memory_space<vmem_shared>> -> memref<10240x128xf32, #tpu.memory_space<vmem_shared>>
      tpu.wait_indirect_dma semaphore(%run_scoped3A_138 : memref<!tpu.dma_semaphore, #tpu.memory_space<semaphore_mem>>) src(%arg10 : memref<128x128xf32, #tpu.memory_space<vmem>>) dst(%dma_wait3A_150 : memref<10240x128xf32, #tpu.memory_space<vmem_shared>>)
      tpu.yield
    }) : () -> ()
    %mul3A_57 = arith.constant 80 : i32
    %mul3A_58 = arith.muli %add3A, %mul3A_57 : i32
    %add3A_59 = arith.constant 40 : i32
    %add3A_60 = arith.addi %mul3A_58, %add3A_59 : i32
    "tpu.region"() ({
      %run_scoped3A_138 = tpu.sem_alloc : memref<!tpu.dma_semaphore, #tpu.memory_space<semaphore_mem>>
      %dma_start3A_139 = arith.constant 0 : i32
      %dma_start3A_140 = tpu.memref_slice %arg3[%add3A_60, %dma_start3A_139] : memref<2560x128xi32, #tpu.memory_space<hbm>> -> memref<40x128xi32, #tpu.memory_space<hbm>>
      %dma_start3A_141 = arith.constant 0 : i32
      %dma_start3A_142 = tpu.memref_slice %arg3[%add3A_60, %dma_start3A_141] : memref<2560x128xi32, #tpu.memory_space<hbm>> -> memref<40x128xi32, #tpu.memory_space<hbm>>
      tpu.enqueue_dma source(%dma_start3A_142 : memref<40x128xi32, #tpu.memory_space<hbm>>) target(%arg7 : memref<40x128xi32, #tpu.memory_space<vmem>>) target_semaphore(%run_scoped3A_138 : memref<!tpu.dma_semaphore, #tpu.memory_space<semaphore_mem>>)
      %dma_wait3A_143 = arith.constant 0 : i32
      %dma_wait3A_144 = tpu.memref_slice %arg3[%add3A_60, %dma_wait3A_143] : memref<2560x128xi32, #tpu.memory_space<hbm>> -> memref<40x128xi32, #tpu.memory_space<hbm>>
      %dma_wait3A_145 = arith.constant 0 : i32
      %dma_wait3A_146 = tpu.memref_slice %arg3[%add3A_60, %dma_wait3A_145] : memref<2560x128xi32, #tpu.memory_space<hbm>> -> memref<40x128xi32, #tpu.memory_space<hbm>>
      tpu.wait_dma2 semaphore(%run_scoped3A_138 : memref<!tpu.dma_semaphore, #tpu.memory_space<semaphore_mem>>) src(%dma_wait3A_146 : memref<40x128xi32, #tpu.memory_space<hbm>>) dst(%arg7 : memref<40x128xi32, #tpu.memory_space<vmem>>)
      tpu.yield
    }) : () -> ()
    "tpu.region"() ({
      %run_scoped3A_138 = tpu.sem_alloc : memref<!tpu.dma_semaphore, #tpu.memory_space<semaphore_mem>>
      %dma_start3A_139 = arith.constant 0 : i32
      %dma_start3A_140 = tpu.memref_slice %arg4[%add3A_60, %dma_start3A_139] : memref<2560x128xi32, #tpu.memory_space<hbm>> -> memref<40x128xi32, #tpu.memory_space<hbm>>
      %dma_start3A_141 = arith.constant 0 : i32
      %dma_start3A_142 = tpu.memref_slice %arg4[%add3A_60, %dma_start3A_141] : memref<2560x128xi32, #tpu.memory_space<hbm>> -> memref<40x128xi32, #tpu.memory_space<hbm>>
      tpu.enqueue_dma source(%dma_start3A_142 : memref<40x128xi32, #tpu.memory_space<hbm>>) target(%arg8 : memref<40x128xi32, #tpu.memory_space<vmem>>) target_semaphore(%run_scoped3A_138 : memref<!tpu.dma_semaphore, #tpu.memory_space<semaphore_mem>>)
      %dma_wait3A_143 = arith.constant 0 : i32
      %dma_wait3A_144 = tpu.memref_slice %arg4[%add3A_60, %dma_wait3A_143] : memref<2560x128xi32, #tpu.memory_space<hbm>> -> memref<40x128xi32, #tpu.memory_space<hbm>>
      %dma_wait3A_145 = arith.constant 0 : i32
      %dma_wait3A_146 = tpu.memref_slice %arg4[%add3A_60, %dma_wait3A_145] : memref<2560x128xi32, #tpu.memory_space<hbm>> -> memref<40x128xi32, #tpu.memory_space<hbm>>
      tpu.wait_dma2 semaphore(%run_scoped3A_138 : memref<!tpu.dma_semaphore, #tpu.memory_space<semaphore_mem>>) src(%dma_wait3A_146 : memref<40x128xi32, #tpu.memory_space<hbm>>) dst(%arg8 : memref<40x128xi32, #tpu.memory_space<vmem>>)
      tpu.yield
    }) : () -> ()
    %dma_start3A_61 = arith.constant 0 : i32
    %dma_start3A_62 = arith.constant 0 : i32
    %dma_start3A_63 = tpu.memref_slice %arg7[%dma_start3A_61, %dma_start3A_62] : memref<40x128xi32, #tpu.memory_space<vmem>> -> memref<1x128xi32, #tpu.memory_space<vmem>>
    %dma_start3A_64 = tpu.memref_squeeze %dma_start3A_63 : memref<1x128xi32, #tpu.memory_space<vmem>> -> memref<128xi32, #tpu.memory_space<vmem>>
    %dma_start3A_65 = arith.constant 0 : i32
    %dma_start3A_66 = arith.constant 0 : i32
    %dma_start3A_67 = tpu.memref_slice %arg2[%dma_start3A_65, %dma_start3A_66] : memref<10000x128xf32, #tpu.memory_space<hbm>> -> memref<10000x128xf32, #tpu.memory_space<hbm>>
    tpu.enqueue_indirect_dma source(%dma_start3A_67 : memref<10000x128xf32, #tpu.memory_space<hbm>>) target(%arg9 : memref<128x128xf32, #tpu.memory_space<vmem>>) offsets(%dma_start3A_64 : memref<128xi32, #tpu.memory_space<vmem>>) semaphore(%arg12 : memref<!tpu.dma_semaphore, #tpu.memory_space<semaphore_mem>>)
    %dma_start3A_68 = arith.constant 1 : i32
    %dma_start3A_69 = arith.constant 0 : i32
    %dma_start3A_70 = tpu.memref_slice %arg7[%dma_start3A_68, %dma_start3A_69] : memref<40x128xi32, #tpu.memory_space<vmem>> -> memref<1x128xi32, #tpu.memory_space<vmem>>
    %dma_start3A_71 = tpu.memref_squeeze %dma_start3A_70 : memref<1x128xi32, #tpu.memory_space<vmem>> -> memref<128xi32, #tpu.memory_space<vmem>>
    %dma_start3A_72 = arith.constant 0 : i32
    %dma_start3A_73 = arith.constant 0 : i32
    %dma_start3A_74 = tpu.memref_slice %arg2[%dma_start3A_72, %dma_start3A_73] : memref<10000x128xf32, #tpu.memory_space<hbm>> -> memref<10000x128xf32, #tpu.memory_space<hbm>>
    tpu.enqueue_indirect_dma source(%dma_start3A_74 : memref<10000x128xf32, #tpu.memory_space<hbm>>) target(%arg10 : memref<128x128xf32, #tpu.memory_space<vmem>>) offsets(%dma_start3A_71 : memref<128xi32, #tpu.memory_space<vmem>>) semaphore(%arg13 : memref<!tpu.dma_semaphore, #tpu.memory_space<semaphore_mem>>)
    %scan3A_75 = arith.constant 0 : i32
    %scan3A_76 = arith.constant 0 : i32
    %scan3A_77 = arith.constant 19 : i32
    %scan3A_78 = arith.addi %scan3A_76, %scan3A_77 : i32
    %scan3A_79 = arith.constant 1 : i32
    scf.for %scan3A_138 = %scan3A_76 to %scan3A_78 step %scan3A_79  : i32 {
      %mul3A_139 = arith.constant 2 : i32
      %mul3A_140 = arith.muli %scan3A_138, %mul3A_139 : i32
      %add3A_141 = arith.constant 0 : i32
      %add3A_142 = arith.addi %mul3A_140, %add3A_141 : i32
      %dma_wait3A_143 = arith.constant 0 : i32
      %dma_wait3A_144 = tpu.memref_slice %arg7[%add3A_142, %dma_wait3A_143] : memref<40x128xi32, #tpu.memory_space<vmem>> -> memref<1x128xi32, #tpu.memory_space<vmem>>
      %dma_wait3A_145 = tpu.memref_squeeze %dma_wait3A_144 : memref<1x128xi32, #tpu.memory_space<vmem>> -> memref<128xi32, #tpu.memory_space<vmem>>
      %dma_wait3A_146 = arith.constant 0 : i32
      %dma_wait3A_147 = arith.constant 0 : i32
      %dma_wait3A_148 = tpu.memref_slice %arg2[%dma_wait3A_146, %dma_wait3A_147] : memref<10000x128xf32, #tpu.memory_space<hbm>> -> memref<10000x128xf32, #tpu.memory_space<hbm>>
      tpu.wait_indirect_dma semaphore(%arg12 : memref<!tpu.dma_semaphore, #tpu.memory_space<semaphore_mem>>) src(%dma_wait3A_148 : memref<10000x128xf32, #tpu.memory_space<hbm>>) dst(%arg9 : memref<128x128xf32, #tpu.memory_space<vmem>>)
      %add3A_149 = arith.constant 0 : i32
      %add3A_150 = arith.addi %mul3A_140, %add3A_149 : i32
      "tpu.region"() ({
        %run_scoped3A_181 = tpu.sem_alloc : memref<!tpu.dma_semaphore, #tpu.memory_space<semaphore_mem>>
        %dma_start3A_182 = arith.constant 0 : i32
        %dma_start3A_183 = tpu.memref_slice %arg8[%add3A_150, %dma_start3A_182] : memref<40x128xi32, #tpu.memory_space<vmem>> -> memref<1x128xi32, #tpu.memory_space<vmem>>
        %dma_start3A_184 = tpu.memref_squeeze %dma_start3A_183 : memref<1x128xi32, #tpu.memory_space<vmem>> -> memref<128xi32, #tpu.memory_space<vmem>>
        %dma_start3A_185 = arith.constant 0 : i32
        %dma_start3A_186 = arith.constant 0 : i32
        %dma_start3A_187 = tpu.memref_slice %arg11[%dma_start3A_185, %dma_start3A_186] : memref<10240x128xf32, #tpu.memory_space<vmem_shared>> -> memref<10240x128xf32, #tpu.memory_space<vmem_shared>>
        tpu.enqueue_indirect_dma source(%arg9 : memref<128x128xf32, #tpu.memory_space<vmem>>) target(%dma_start3A_187 : memref<10240x128xf32, #tpu.memory_space<vmem_shared>>) offsets(%dma_start3A_184 : memref<128xi32, #tpu.memory_space<vmem>>) semaphore(%run_scoped3A_181 : memref<!tpu.dma_semaphore, #tpu.memory_space<semaphore_mem>>) {add = true}
        %dma_wait3A_188 = arith.constant 0 : i32
        %dma_wait3A_189 = tpu.memref_slice %arg8[%add3A_150, %dma_wait3A_188] : memref<40x128xi32, #tpu.memory_space<vmem>> -> memref<1x128xi32, #tpu.memory_space<vmem>>
        %dma_wait3A_190 = tpu.memref_squeeze %dma_wait3A_189 : memref<1x128xi32, #tpu.memory_space<vmem>> -> memref<128xi32, #tpu.memory_space<vmem>>
        %dma_wait3A_191 = arith.constant 0 : i32
        %dma_wait3A_192 = arith.constant 0 : i32
        %dma_wait3A_193 = tpu.memref_slice %arg11[%dma_wait3A_191, %dma_wait3A_192] : memref<10240x128xf32, #tpu.memory_space<vmem_shared>> -> memref<10240x128xf32, #tpu.memory_space<vmem_shared>>
        tpu.wait_indirect_dma semaphore(%run_scoped3A_181 : memref<!tpu.dma_semaphore, #tpu.memory_space<semaphore_mem>>) src(%arg9 : memref<128x128xf32, #tpu.memory_space<vmem>>) dst(%dma_wait3A_193 : memref<10240x128xf32, #tpu.memory_space<vmem_shared>>)
        tpu.yield
      }) : () -> ()
      %add3A_151 = arith.constant 2 : i32
      %add3A_152 = arith.addi %mul3A_140, %add3A_151 : i32
      %add3A_153 = arith.constant 0 : i32
      %add3A_154 = arith.addi %add3A_152, %add3A_153 : i32
      %dma_start3A_155 = arith.constant 0 : i32
      %dma_start3A_156 = tpu.memref_slice %arg7[%add3A_154, %dma_start3A_155] : memref<40x128xi32, #tpu.memory_space<vmem>> -> memref<1x128xi32, #tpu.memory_space<vmem>>
      %dma_start3A_157 = tpu.memref_squeeze %dma_start3A_156 : memref<1x128xi32, #tpu.memory_space<vmem>> -> memref<128xi32, #tpu.memory_space<vmem>>
      %dma_start3A_158 = arith.constant 0 : i32
      %dma_start3A_159 = arith.constant 0 : i32
      %dma_start3A_160 = tpu.memref_slice %arg2[%dma_start3A_158, %dma_start3A_159] : memref<10000x128xf32, #tpu.memory_space<hbm>> -> memref<10000x128xf32, #tpu.memory_space<hbm>>
      tpu.enqueue_indirect_dma source(%dma_start3A_160 : memref<10000x128xf32, #tpu.memory_space<hbm>>) target(%arg9 : memref<128x128xf32, #tpu.memory_space<vmem>>) offsets(%dma_start3A_157 : memref<128xi32, #tpu.memory_space<vmem>>) semaphore(%arg12 : memref<!tpu.dma_semaphore, #tpu.memory_space<semaphore_mem>>)
      %add3A_161 = arith.constant 1 : i32
      %add3A_162 = arith.addi %mul3A_140, %add3A_161 : i32
      %dma_wait3A_163 = arith.constant 0 : i32
      %dma_wait3A_164 = tpu.memref_slice %arg7[%add3A_162, %dma_wait3A_163] : memref<40x128xi32, #tpu.memory_space<vmem>> -> memref<1x128xi32, #tpu.memory_space<vmem>>
      %dma_wait3A_165 = tpu.memref_squeeze %dma_wait3A_164 : memref<1x128xi32, #tpu.memory_space<vmem>> -> memref<128xi32, #tpu.memory_space<vmem>>
      %dma_wait3A_166 = arith.constant 0 : i32
      %dma_wait3A_167 = arith.constant 0 : i32
      %dma_wait3A_168 = tpu.memref_slice %arg2[%dma_wait3A_166, %dma_wait3A_167] : memref<10000x128xf32, #tpu.memory_space<hbm>> -> memref<10000x128xf32, #tpu.memory_space<hbm>>
      tpu.wait_indirect_dma semaphore(%arg13 : memref<!tpu.dma_semaphore, #tpu.memory_space<semaphore_mem>>) src(%dma_wait3A_168 : memref<10000x128xf32, #tpu.memory_space<hbm>>) dst(%arg10 : memref<128x128xf32, #tpu.memory_space<vmem>>)
      %add3A_169 = arith.constant 1 : i32
      %add3A_170 = arith.addi %mul3A_140, %add3A_169 : i32
      "tpu.region"() ({
        %run_scoped3A_181 = tpu.sem_alloc : memref<!tpu.dma_semaphore, #tpu.memory_space<semaphore_mem>>
        %dma_start3A_182 = arith.constant 0 : i32
        %dma_start3A_183 = tpu.memref_slice %arg8[%add3A_170, %dma_start3A_182] : memref<40x128xi32, #tpu.memory_space<vmem>> -> memref<1x128xi32, #tpu.memory_space<vmem>>
        %dma_start3A_184 = tpu.memref_squeeze %dma_start3A_183 : memref<1x128xi32, #tpu.memory_space<vmem>> -> memref<128xi32, #tpu.memory_space<vmem>>
        %dma_start3A_185 = arith.constant 0 : i32
        %dma_start3A_186 = arith.constant 0 : i32
        %dma_start3A_187 = tpu.memref_slice %arg11[%dma_start3A_185, %dma_start3A_186] : memref<10240x128xf32, #tpu.memory_space<vmem_shared>> -> memref<10240x128xf32, #tpu.memory_space<vmem_shared>>
        tpu.enqueue_indirect_dma source(%arg10 : memref<128x128xf32, #tpu.memory_space<vmem>>) target(%dma_start3A_187 : memref<10240x128xf32, #tpu.memory_space<vmem_shared>>) offsets(%dma_start3A_184 : memref<128xi32, #tpu.memory_space<vmem>>) semaphore(%run_scoped3A_181 : memref<!tpu.dma_semaphore, #tpu.memory_space<semaphore_mem>>) {add = true}
        %dma_wait3A_188 = arith.constant 0 : i32
        %dma_wait3A_189 = tpu.memref_slice %arg8[%add3A_170, %dma_wait3A_188] : memref<40x128xi32, #tpu.memory_space<vmem>> -> memref<1x128xi32, #tpu.memory_space<vmem>>
        %dma_wait3A_190 = tpu.memref_squeeze %dma_wait3A_189 : memref<1x128xi32, #tpu.memory_space<vmem>> -> memref<128xi32, #tpu.memory_space<vmem>>
        %dma_wait3A_191 = arith.constant 0 : i32
        %dma_wait3A_192 = arith.constant 0 : i32
        %dma_wait3A_193 = tpu.memref_slice %arg11[%dma_wait3A_191, %dma_wait3A_192] : memref<10240x128xf32, #tpu.memory_space<vmem_shared>> -> memref<10240x128xf32, #tpu.memory_space<vmem_shared>>
        tpu.wait_indirect_dma semaphore(%run_scoped3A_181 : memref<!tpu.dma_semaphore, #tpu.memory_space<semaphore_mem>>) src(%arg10 : memref<128x128xf32, #tpu.memory_space<vmem>>) dst(%dma_wait3A_193 : memref<10240x128xf32, #tpu.memory_space<vmem_shared>>)
        tpu.yield
      }) : () -> ()
      %add3A_171 = arith.constant 2 : i32
      %add3A_172 = arith.addi %mul3A_140, %add3A_171 : i32
      %add3A_173 = arith.constant 1 : i32
      %add3A_174 = arith.addi %add3A_172, %add3A_173 : i32
      %dma_start3A_175 = arith.constant 0 : i32
      %dma_start3A_176 = tpu.memref_slice %arg7[%add3A_174, %dma_start3A_175] : memref<40x128xi32, #tpu.memory_space<vmem>> -> memref<1x128xi32, #tpu.memory_space<vmem>>
      %dma_start3A_177 = tpu.memref_squeeze %dma_start3A_176 : memref<1x128xi32, #tpu.memory_space<vmem>> -> memref<128xi32, #tpu.memory_space<vmem>>
      %dma_start3A_178 = arith.constant 0 : i32
      %dma_start3A_179 = arith.constant 0 : i32
      %dma_start3A_180 = tpu.memref_slice %arg2[%dma_start3A_178, %dma_start3A_179] : memref<10000x128xf32, #tpu.memory_space<hbm>> -> memref<10000x128xf32, #tpu.memory_space<hbm>>
      tpu.enqueue_indirect_dma source(%dma_start3A_180 : memref<10000x128xf32, #tpu.memory_space<hbm>>) target(%arg10 : memref<128x128xf32, #tpu.memory_space<vmem>>) offsets(%dma_start3A_177 : memref<128xi32, #tpu.memory_space<vmem>>) semaphore(%arg13 : memref<!tpu.dma_semaphore, #tpu.memory_space<semaphore_mem>>)
    }
    %scan3A_80 = arith.constant 19 : i32
    %dma_wait3A_81 = arith.constant 38 : i32
    %dma_wait3A_82 = arith.constant 0 : i32
    %dma_wait3A_83 = tpu.memref_slice %arg7[%dma_wait3A_81, %dma_wait3A_82] : memref<40x128xi32, #tpu.memory_space<vmem>> -> memref<1x128xi32, #tpu.memory_space<vmem>>
    %dma_wait3A_84 = tpu.memref_squeeze %dma_wait3A_83 : memref<1x128xi32, #tpu.memory_space<vmem>> -> memref<128xi32, #tpu.memory_space<vmem>>
    %dma_wait3A_85 = arith.constant 0 : i32
    %dma_wait3A_86 = arith.constant 0 : i32
    %dma_wait3A_87 = tpu.memref_slice %arg2[%dma_wait3A_85, %dma_wait3A_86] : memref<10000x128xf32, #tpu.memory_space<hbm>> -> memref<10000x128xf32, #tpu.memory_space<hbm>>
    tpu.wait_indirect_dma semaphore(%arg12 : memref<!tpu.dma_semaphore, #tpu.memory_space<semaphore_mem>>) src(%dma_wait3A_87 : memref<10000x128xf32, #tpu.memory_space<hbm>>) dst(%arg9 : memref<128x128xf32, #tpu.memory_space<vmem>>)
    %run_scoped3A_88 = arith.constant 38 : i32
    "tpu.region"() ({
      %run_scoped3A_138 = tpu.sem_alloc : memref<!tpu.dma_semaphore, #tpu.memory_space<semaphore_mem>>
      %dma_start3A_139 = arith.constant 0 : i32
      %dma_start3A_140 = tpu.memref_slice %arg8[%run_scoped3A_88, %dma_start3A_139] : memref<40x128xi32, #tpu.memory_space<vmem>> -> memref<1x128xi32, #tpu.memory_space<vmem>>
      %dma_start3A_141 = tpu.memref_squeeze %dma_start3A_140 : memref<1x128xi32, #tpu.memory_space<vmem>> -> memref<128xi32, #tpu.memory_space<vmem>>
      %dma_start3A_142 = arith.constant 0 : i32
      %dma_start3A_143 = arith.constant 0 : i32
      %dma_start3A_144 = tpu.memref_slice %arg11[%dma_start3A_142, %dma_start3A_143] : memref<10240x128xf32, #tpu.memory_space<vmem_shared>> -> memref<10240x128xf32, #tpu.memory_space<vmem_shared>>
      tpu.enqueue_indirect_dma source(%arg9 : memref<128x128xf32, #tpu.memory_space<vmem>>) target(%dma_start3A_144 : memref<10240x128xf32, #tpu.memory_space<vmem_shared>>) offsets(%dma_start3A_141 : memref<128xi32, #tpu.memory_space<vmem>>) semaphore(%run_scoped3A_138 : memref<!tpu.dma_semaphore, #tpu.memory_space<semaphore_mem>>) {add = true}
      %dma_wait3A_145 = arith.constant 0 : i32
      %dma_wait3A_146 = tpu.memref_slice %arg8[%run_scoped3A_88, %dma_wait3A_145] : memref<40x128xi32, #tpu.memory_space<vmem>> -> memref<1x128xi32, #tpu.memory_space<vmem>>
      %dma_wait3A_147 = tpu.memref_squeeze %dma_wait3A_146 : memref<1x128xi32, #tpu.memory_space<vmem>> -> memref<128xi32, #tpu.memory_space<vmem>>
      %dma_wait3A_148 = arith.constant 0 : i32
      %dma_wait3A_149 = arith.constant 0 : i32
      %dma_wait3A_150 = tpu.memref_slice %arg11[%dma_wait3A_148, %dma_wait3A_149] : memref<10240x128xf32, #tpu.memory_space<vmem_shared>> -> memref<10240x128xf32, #tpu.memory_space<vmem_shared>>
      tpu.wait_indirect_dma semaphore(%run_scoped3A_138 : memref<!tpu.dma_semaphore, #tpu.memory_space<semaphore_mem>>) src(%arg9 : memref<128x128xf32, #tpu.memory_space<vmem>>) dst(%dma_wait3A_150 : memref<10240x128xf32, #tpu.memory_space<vmem_shared>>)
      tpu.yield
    }) : () -> ()
    %dma_wait3A_89 = arith.constant 39 : i32
    %dma_wait3A_90 = arith.constant 0 : i32
    %dma_wait3A_91 = tpu.memref_slice %arg7[%dma_wait3A_89, %dma_wait3A_90] : memref<40x128xi32, #tpu.memory_space<vmem>> -> memref<1x128xi32, #tpu.memory_space<vmem>>
    %dma_wait3A_92 = tpu.memref_squeeze %dma_wait3A_91 : memref<1x128xi32, #tpu.memory_space<vmem>> -> memref<128xi32, #tpu.memory_space<vmem>>
    %dma_wait3A_93 = arith.constant 0 : i32
    %dma_wait3A_94 = arith.constant 0 : i32
    %dma_wait3A_95 = tpu.memref_slice %arg2[%dma_wait3A_93, %dma_wait3A_94] : memref<10000x128xf32, #tpu.memory_space<hbm>> -> memref<10000x128xf32, #tpu.memory_space<hbm>>
    tpu.wait_indirect_dma semaphore(%arg13 : memref<!tpu.dma_semaphore, #tpu.memory_space<semaphore_mem>>) src(%dma_wait3A_95 : memref<10000x128xf32, #tpu.memory_space<hbm>>) dst(%arg10 : memref<128x128xf32, #tpu.memory_space<vmem>>)
    %run_scoped3A_96 = arith.constant 39 : i32
    "tpu.region"() ({
      %run_scoped3A_138 = tpu.sem_alloc : memref<!tpu.dma_semaphore, #tpu.memory_space<semaphore_mem>>
      %dma_start3A_139 = arith.constant 0 : i32
      %dma_start3A_140 = tpu.memref_slice %arg8[%run_scoped3A_96, %dma_start3A_139] : memref<40x128xi32, #tpu.memory_space<vmem>> -> memref<1x128xi32, #tpu.memory_space<vmem>>
      %dma_start3A_141 = tpu.memref_squeeze %dma_start3A_140 : memref<1x128xi32, #tpu.memory_space<vmem>> -> memref<128xi32, #tpu.memory_space<vmem>>
      %dma_start3A_142 = arith.constant 0 : i32
      %dma_start3A_143 = arith.constant 0 : i32
      %dma_start3A_144 = tpu.memref_slice %arg11[%dma_start3A_142, %dma_start3A_143] : memref<10240x128xf32, #tpu.memory_space<vmem_shared>> -> memref<10240x128xf32, #tpu.memory_space<vmem_shared>>
      tpu.enqueue_indirect_dma source(%arg10 : memref<128x128xf32, #tpu.memory_space<vmem>>) target(%dma_start3A_144 : memref<10240x128xf32, #tpu.memory_space<vmem_shared>>) offsets(%dma_start3A_141 : memref<128xi32, #tpu.memory_space<vmem>>) semaphore(%run_scoped3A_138 : memref<!tpu.dma_semaphore, #tpu.memory_space<semaphore_mem>>) {add = true}
      %dma_wait3A_145 = arith.constant 0 : i32
      %dma_wait3A_146 = tpu.memref_slice %arg8[%run_scoped3A_96, %dma_wait3A_145] : memref<40x128xi32, #tpu.memory_space<vmem>> -> memref<1x128xi32, #tpu.memory_space<vmem>>
      %dma_wait3A_147 = tpu.memref_squeeze %dma_wait3A_146 : memref<1x128xi32, #tpu.memory_space<vmem>> -> memref<128xi32, #tpu.memory_space<vmem>>
      %dma_wait3A_148 = arith.constant 0 : i32
      %dma_wait3A_149 = arith.constant 0 : i32
      %dma_wait3A_150 = tpu.memref_slice %arg11[%dma_wait3A_148, %dma_wait3A_149] : memref<10240x128xf32, #tpu.memory_space<vmem_shared>> -> memref<10240x128xf32, #tpu.memory_space<vmem_shared>>
      tpu.wait_indirect_dma semaphore(%run_scoped3A_138 : memref<!tpu.dma_semaphore, #tpu.memory_space<semaphore_mem>>) src(%arg10 : memref<128x128xf32, #tpu.memory_space<vmem>>) dst(%dma_wait3A_150 : memref<10240x128xf32, #tpu.memory_space<vmem_shared>>)
      tpu.yield
    }) : () -> ()
    %barrier3A_97 = arith.constant 0 : index
    tpu.barrier barrier_id(%barrier3A_97)
    %mul3A_98 = arith.constant 640 : i32
    %mul3A_99 = arith.muli %arg1, %mul3A_98 : i32
    %add3A_100 = arith.constant 0 : i32
    %add3A_101 = arith.addi %mul3A_99, %add3A_100 : i32
    "tpu.region"() ({
      %run_scoped3A_138 = tpu.sem_alloc : memref<!tpu.dma_semaphore, #tpu.memory_space<semaphore_mem>>
      %dma_start3A_139 = arith.constant 0 : i32
      %dma_start3A_140 = tpu.memref_slice %arg11[%add3A_101, %dma_start3A_139] : memref<10240x128xf32, #tpu.memory_space<vmem_shared>> -> memref<128x128xf32, #tpu.memory_space<vmem_shared>>
      %dma_start3A_141 = arith.constant 0 : i32
      %dma_start3A_142 = tpu.memref_slice %arg11[%add3A_101, %dma_start3A_141] : memref<10240x128xf32, #tpu.memory_space<vmem_shared>> -> memref<128x128xf32, #tpu.memory_space<vmem_shared>>
      tpu.enqueue_dma source(%dma_start3A_142 : memref<128x128xf32, #tpu.memory_space<vmem_shared>>) target(%arg9 : memref<128x128xf32, #tpu.memory_space<vmem>>) target_semaphore(%run_scoped3A_138 : memref<!tpu.dma_semaphore, #tpu.memory_space<semaphore_mem>>)
      %dma_wait3A_143 = arith.constant 0 : i32
      %dma_wait3A_144 = tpu.memref_slice %arg11[%add3A_101, %dma_wait3A_143] : memref<10240x128xf32, #tpu.memory_space<vmem_shared>> -> memref<128x128xf32, #tpu.memory_space<vmem_shared>>
      %dma_wait3A_145 = arith.constant 0 : i32
      %dma_wait3A_146 = tpu.memref_slice %arg11[%add3A_101, %dma_wait3A_145] : memref<10240x128xf32, #tpu.memory_space<vmem_shared>> -> memref<128x128xf32, #tpu.memory_space<vmem_shared>>
      tpu.wait_dma2 semaphore(%run_scoped3A_138 : memref<!tpu.dma_semaphore, #tpu.memory_space<semaphore_mem>>) src(%dma_wait3A_146 : memref<128x128xf32, #tpu.memory_space<vmem_shared>>) dst(%arg9 : memref<128x128xf32, #tpu.memory_space<vmem>>)
      tpu.yield
    }) : () -> ()
    %mul3A_102 = arith.constant 640 : i32
    %mul3A_103 = arith.muli %arg1, %mul3A_102 : i32
    %add3A_104 = arith.constant 0 : i32
    %add3A_105 = arith.addi %mul3A_103, %add3A_104 : i32
    "tpu.region"() ({
      %run_scoped3A_138 = tpu.sem_alloc : memref<!tpu.dma_semaphore, #tpu.memory_space<semaphore_mem>>
      %dma_start3A_139 = arith.constant 0 : i32
      %dma_start3A_140 = tpu.memref_slice %arg6[%arg0, %add3A_105, %dma_start3A_139] : memref<2x10240x128xf32, #tpu.memory_space<hbm>> -> memref<1x128x128xf32, #tpu.memory_space<hbm>>
      %dma_start3A_141 = tpu.memref_squeeze %dma_start3A_140 : memref<1x128x128xf32, #tpu.memory_space<hbm>> -> memref<128x128xf32, #tpu.memory_space<hbm>>
      %dma_start3A_142 = arith.constant 0 : i32
      %dma_start3A_143 = tpu.memref_slice %arg6[%arg0, %add3A_105, %dma_start3A_142] : memref<2x10240x128xf32, #tpu.memory_space<hbm>> -> memref<1x128x128xf32, #tpu.memory_space<hbm>>
      %dma_start3A_144 = tpu.memref_squeeze %dma_start3A_143 : memref<1x128x128xf32, #tpu.memory_space<hbm>> -> memref<128x128xf32, #tpu.memory_space<hbm>>
      tpu.enqueue_dma source(%arg9 : memref<128x128xf32, #tpu.memory_space<vmem>>) target(%dma_start3A_144 : memref<128x128xf32, #tpu.memory_space<hbm>>) target_semaphore(%run_scoped3A_138 : memref<!tpu.dma_semaphore, #tpu.memory_space<semaphore_mem>>)
      %dma_wait3A_145 = arith.constant 0 : i32
      %dma_wait3A_146 = tpu.memref_slice %arg6[%arg0, %add3A_105, %dma_wait3A_145] : memref<2x10240x128xf32, #tpu.memory_space<hbm>> -> memref<1x128x128xf32, #tpu.memory_space<hbm>>
      %dma_wait3A_147 = tpu.memref_squeeze %dma_wait3A_146 : memref<1x128x128xf32, #tpu.memory_space<hbm>> -> memref<128x128xf32, #tpu.memory_space<hbm>>
      %dma_wait3A_148 = arith.constant 0 : i32
      %dma_wait3A_149 = tpu.memref_slice %arg6[%arg0, %add3A_105, %dma_wait3A_148] : memref<2x10240x128xf32, #tpu.memory_space<hbm>> -> memref<1x128x128xf32, #tpu.memory_space<hbm>>
      %dma_wait3A_150 = tpu.memref_squeeze %dma_wait3A_149 : memref<1x128x128xf32, #tpu.memory_space<hbm>> -> memref<128x128xf32, #tpu.memory_space<hbm>>
      tpu.wait_dma2 semaphore(%run_scoped3A_138 : memref<!tpu.dma_semaphore, #tpu.memory_space<semaphore_mem>>) src(%arg9 : memref<128x128xf32, #tpu.memory_space<vmem>>) dst(%dma_wait3A_150 : memref<128x128xf32, #tpu.memory_space<hbm>>)
      tpu.yield
    }) : () -> ()
    %mul3A_106 = arith.constant 640 : i32
    %mul3A_107 = arith.muli %arg1, %mul3A_106 : i32
    %add3A_108 = arith.constant 128 : i32
    %add3A_109 = arith.addi %mul3A_107, %add3A_108 : i32
    "tpu.region"() ({
      %run_scoped3A_138 = tpu.sem_alloc : memref<!tpu.dma_semaphore, #tpu.memory_space<semaphore_mem>>
      %dma_start3A_139 = arith.constant 0 : i32
      %dma_start3A_140 = tpu.memref_slice %arg11[%add3A_109, %dma_start3A_139] : memref<10240x128xf32, #tpu.memory_space<vmem_shared>> -> memref<128x128xf32, #tpu.memory_space<vmem_shared>>
      %dma_start3A_141 = arith.constant 0 : i32
      %dma_start3A_142 = tpu.memref_slice %arg11[%add3A_109, %dma_start3A_141] : memref<10240x128xf32, #tpu.memory_space<vmem_shared>> -> memref<128x128xf32, #tpu.memory_space<vmem_shared>>
      tpu.enqueue_dma source(%dma_start3A_142 : memref<128x128xf32, #tpu.memory_space<vmem_shared>>) target(%arg10 : memref<128x128xf32, #tpu.memory_space<vmem>>) target_semaphore(%run_scoped3A_138 : memref<!tpu.dma_semaphore, #tpu.memory_space<semaphore_mem>>)
      %dma_wait3A_143 = arith.constant 0 : i32
      %dma_wait3A_144 = tpu.memref_slice %arg11[%add3A_109, %dma_wait3A_143] : memref<10240x128xf32, #tpu.memory_space<vmem_shared>> -> memref<128x128xf32, #tpu.memory_space<vmem_shared>>
      %dma_wait3A_145 = arith.constant 0 : i32
      %dma_wait3A_146 = tpu.memref_slice %arg11[%add3A_109, %dma_wait3A_145] : memref<10240x128xf32, #tpu.memory_space<vmem_shared>> -> memref<128x128xf32, #tpu.memory_space<vmem_shared>>
      tpu.wait_dma2 semaphore(%run_scoped3A_138 : memref<!tpu.dma_semaphore, #tpu.memory_space<semaphore_mem>>) src(%dma_wait3A_146 : memref<128x128xf32, #tpu.memory_space<vmem_shared>>) dst(%arg10 : memref<128x128xf32, #tpu.memory_space<vmem>>)
      tpu.yield
    }) : () -> ()
    %mul3A_110 = arith.constant 640 : i32
    %mul3A_111 = arith.muli %arg1, %mul3A_110 : i32
    %add3A_112 = arith.constant 128 : i32
    %add3A_113 = arith.addi %mul3A_111, %add3A_112 : i32
    "tpu.region"() ({
      %run_scoped3A_138 = tpu.sem_alloc : memref<!tpu.dma_semaphore, #tpu.memory_space<semaphore_mem>>
      %dma_start3A_139 = arith.constant 0 : i32
      %dma_start3A_140 = tpu.memref_slice %arg6[%arg0, %add3A_113, %dma_start3A_139] : memref<2x10240x128xf32, #tpu.memory_space<hbm>> -> memref<1x128x128xf32, #tpu.memory_space<hbm>>
      %dma_start3A_141 = tpu.memref_squeeze %dma_start3A_140 : memref<1x128x128xf32, #tpu.memory_space<hbm>> -> memref<128x128xf32, #tpu.memory_space<hbm>>
      %dma_start3A_142 = arith.constant 0 : i32
      %dma_start3A_143 = tpu.memref_slice %arg6[%arg0, %add3A_113, %dma_start3A_142] : memref<2x10240x128xf32, #tpu.memory_space<hbm>> -> memref<1x128x128xf32, #tpu.memory_space<hbm>>
      %dma_start3A_144 = tpu.memref_squeeze %dma_start3A_143 : memref<1x128x128xf32, #tpu.memory_space<hbm>> -> memref<128x128xf32, #tpu.memory_space<hbm>>
      tpu.enqueue_dma source(%arg10 : memref<128x128xf32, #tpu.memory_space<vmem>>) target(%dma_start3A_144 : memref<128x128xf32, #tpu.memory_space<hbm>>) target_semaphore(%run_scoped3A_138 : memref<!tpu.dma_semaphore, #tpu.memory_space<semaphore_mem>>)
      %dma_wait3A_145 = arith.constant 0 : i32
      %dma_wait3A_146 = tpu.memref_slice %arg6[%arg0, %add3A_113, %dma_wait3A_145] : memref<2x10240x128xf32, #tpu.memory_space<hbm>> -> memref<1x128x128xf32, #tpu.memory_space<hbm>>
      %dma_wait3A_147 = tpu.memref_squeeze %dma_wait3A_146 : memref<1x128x128xf32, #tpu.memory_space<hbm>> -> memref<128x128xf32, #tpu.memory_space<hbm>>
      %dma_wait3A_148 = arith.constant 0 : i32
      %dma_wait3A_149 = tpu.memref_slice %arg6[%arg0, %add3A_113, %dma_wait3A_148] : memref<2x10240x128xf32, #tpu.memory_space<hbm>> -> memref<1x128x128xf32, #tpu.memory_space<hbm>>
      %dma_wait3A_150 = tpu.memref_squeeze %dma_wait3A_149 : memref<1x128x128xf32, #tpu.memory_space<hbm>> -> memref<128x128xf32, #tpu.memory_space<hbm>>
      tpu.wait_dma2 semaphore(%run_scoped3A_138 : memref<!tpu.dma_semaphore, #tpu.memory_space<semaphore_mem>>) src(%arg10 : memref<128x128xf32, #tpu.memory_space<vmem>>) dst(%dma_wait3A_150 : memref<128x128xf32, #tpu.memory_space<hbm>>)
      tpu.yield
    }) : () -> ()
    %mul3A_114 = arith.constant 640 : i32
    %mul3A_115 = arith.muli %arg1, %mul3A_114 : i32
    %add3A_116 = arith.constant 256 : i32
    %add3A_117 = arith.addi %mul3A_115, %add3A_116 : i32
    "tpu.region"() ({
      %run_scoped3A_138 = tpu.sem_alloc : memref<!tpu.dma_semaphore, #tpu.memory_space<semaphore_mem>>
      %dma_start3A_139 = arith.constant 0 : i32
      %dma_start3A_140 = tpu.memref_slice %arg11[%add3A_117, %dma_start3A_139] : memref<10240x128xf32, #tpu.memory_space<vmem_shared>> -> memref<128x128xf32, #tpu.memory_space<vmem_shared>>
      %dma_start3A_141 = arith.constant 0 : i32
      %dma_start3A_142 = tpu.memref_slice %arg11[%add3A_117, %dma_start3A_141] : memref<10240x128xf32, #tpu.memory_space<vmem_shared>> -> memref<128x128xf32, #tpu.memory_space<vmem_shared>>
      tpu.enqueue_dma source(%dma_start3A_142 : memref<128x128xf32, #tpu.memory_space<vmem_shared>>) target(%arg9 : memref<128x128xf32, #tpu.memory_space<vmem>>) target_semaphore(%run_scoped3A_138 : memref<!tpu.dma_semaphore, #tpu.memory_space<semaphore_mem>>)
      %dma_wait3A_143 = arith.constant 0 : i32
      %dma_wait3A_144 = tpu.memref_slice %arg11[%add3A_117, %dma_wait3A_143] : memref<10240x128xf32, #tpu.memory_space<vmem_shared>> -> memref<128x128xf32, #tpu.memory_space<vmem_shared>>
      %dma_wait3A_145 = arith.constant 0 : i32
      %dma_wait3A_146 = tpu.memref_slice %arg11[%add3A_117, %dma_wait3A_145] : memref<10240x128xf32, #tpu.memory_space<vmem_shared>> -> memref<128x128xf32, #tpu.memory_space<vmem_shared>>
      tpu.wait_dma2 semaphore(%run_scoped3A_138 : memref<!tpu.dma_semaphore, #tpu.memory_space<semaphore_mem>>) src(%dma_wait3A_146 : memref<128x128xf32, #tpu.memory_space<vmem_shared>>) dst(%arg9 : memref<128x128xf32, #tpu.memory_space<vmem>>)
      tpu.yield
    }) : () -> ()
    %mul3A_118 = arith.constant 640 : i32
    %mul3A_119 = arith.muli %arg1, %mul3A_118 : i32
    %add3A_120 = arith.constant 256 : i32
    %add3A_121 = arith.addi %mul3A_119, %add3A_120 : i32
    "tpu.region"() ({
      %run_scoped3A_138 = tpu.sem_alloc : memref<!tpu.dma_semaphore, #tpu.memory_space<semaphore_mem>>
      %dma_start3A_139 = arith.constant 0 : i32
      %dma_start3A_140 = tpu.memref_slice %arg6[%arg0, %add3A_121, %dma_start3A_139] : memref<2x10240x128xf32, #tpu.memory_space<hbm>> -> memref<1x128x128xf32, #tpu.memory_space<hbm>>
      %dma_start3A_141 = tpu.memref_squeeze %dma_start3A_140 : memref<1x128x128xf32, #tpu.memory_space<hbm>> -> memref<128x128xf32, #tpu.memory_space<hbm>>
      %dma_start3A_142 = arith.constant 0 : i32
      %dma_start3A_143 = tpu.memref_slice %arg6[%arg0, %add3A_121, %dma_start3A_142] : memref<2x10240x128xf32, #tpu.memory_space<hbm>> -> memref<1x128x128xf32, #tpu.memory_space<hbm>>
      %dma_start3A_144 = tpu.memref_squeeze %dma_start3A_143 : memref<1x128x128xf32, #tpu.memory_space<hbm>> -> memref<128x128xf32, #tpu.memory_space<hbm>>
      tpu.enqueue_dma source(%arg9 : memref<128x128xf32, #tpu.memory_space<vmem>>) target(%dma_start3A_144 : memref<128x128xf32, #tpu.memory_space<hbm>>) target_semaphore(%run_scoped3A_138 : memref<!tpu.dma_semaphore, #tpu.memory_space<semaphore_mem>>)
      %dma_wait3A_145 = arith.constant 0 : i32
      %dma_wait3A_146 = tpu.memref_slice %arg6[%arg0, %add3A_121, %dma_wait3A_145] : memref<2x10240x128xf32, #tpu.memory_space<hbm>> -> memref<1x128x128xf32, #tpu.memory_space<hbm>>
      %dma_wait3A_147 = tpu.memref_squeeze %dma_wait3A_146 : memref<1x128x128xf32, #tpu.memory_space<hbm>> -> memref<128x128xf32, #tpu.memory_space<hbm>>
      %dma_wait3A_148 = arith.constant 0 : i32
      %dma_wait3A_149 = tpu.memref_slice %arg6[%arg0, %add3A_121, %dma_wait3A_148] : memref<2x10240x128xf32, #tpu.memory_space<hbm>> -> memref<1x128x128xf32, #tpu.memory_space<hbm>>
      %dma_wait3A_150 = tpu.memref_squeeze %dma_wait3A_149 : memref<1x128x128xf32, #tpu.memory_space<hbm>> -> memref<128x128xf32, #tpu.memory_space<hbm>>
      tpu.wait_dma2 semaphore(%run_scoped3A_138 : memref<!tpu.dma_semaphore, #tpu.memory_space<semaphore_mem>>) src(%arg9 : memref<128x128xf32, #tpu.memory_space<vmem>>) dst(%dma_wait3A_150 : memref<128x128xf32, #tpu.memory_space<hbm>>)
      tpu.yield
    }) : () -> ()
    %mul3A_122 = arith.constant 640 : i32
    %mul3A_123 = arith.muli %arg1, %mul3A_122 : i32
    %add3A_124 = arith.constant 384 : i32
    %add3A_125 = arith.addi %mul3A_123, %add3A_124 : i32
    "tpu.region"() ({
      %run_scoped3A_138 = tpu.sem_alloc : memref<!tpu.dma_semaphore, #tpu.memory_space<semaphore_mem>>
      %dma_start3A_139 = arith.constant 0 : i32
      %dma_start3A_140 = tpu.memref_slice %arg11[%add3A_125, %dma_start3A_139] : memref<10240x128xf32, #tpu.memory_space<vmem_shared>> -> memref<128x128xf32, #tpu.memory_space<vmem_shared>>
      %dma_start3A_141 = arith.constant 0 : i32
      %dma_start3A_142 = tpu.memref_slice %arg11[%add3A_125, %dma_start3A_141] : memref<10240x128xf32, #tpu.memory_space<vmem_shared>> -> memref<128x128xf32, #tpu.memory_space<vmem_shared>>
      tpu.enqueue_dma source(%dma_start3A_142 : memref<128x128xf32, #tpu.memory_space<vmem_shared>>) target(%arg10 : memref<128x128xf32, #tpu.memory_space<vmem>>) target_semaphore(%run_scoped3A_138 : memref<!tpu.dma_semaphore, #tpu.memory_space<semaphore_mem>>)
      %dma_wait3A_143 = arith.constant 0 : i32
      %dma_wait3A_144 = tpu.memref_slice %arg11[%add3A_125, %dma_wait3A_143] : memref<10240x128xf32, #tpu.memory_space<vmem_shared>> -> memref<128x128xf32, #tpu.memory_space<vmem_shared>>
      %dma_wait3A_145 = arith.constant 0 : i32
      %dma_wait3A_146 = tpu.memref_slice %arg11[%add3A_125, %dma_wait3A_145] : memref<10240x128xf32, #tpu.memory_space<vmem_shared>> -> memref<128x128xf32, #tpu.memory_space<vmem_shared>>
      tpu.wait_dma2 semaphore(%run_scoped3A_138 : memref<!tpu.dma_semaphore, #tpu.memory_space<semaphore_mem>>) src(%dma_wait3A_146 : memref<128x128xf32, #tpu.memory_space<vmem_shared>>) dst(%arg10 : memref<128x128xf32, #tpu.memory_space<vmem>>)
      tpu.yield
    }) : () -> ()
    %mul3A_126 = arith.constant 640 : i32
    %mul3A_127 = arith.muli %arg1, %mul3A_126 : i32
    %add3A_128 = arith.constant 384 : i32
    %add3A_129 = arith.addi %mul3A_127, %add3A_128 : i32
    "tpu.region"() ({
      %run_scoped3A_138 = tpu.sem_alloc : memref<!tpu.dma_semaphore, #tpu.memory_space<semaphore_mem>>
      %dma_start3A_139 = arith.constant 0 : i32
      %dma_start3A_140 = tpu.memref_slice %arg6[%arg0, %add3A_129, %dma_start3A_139] : memref<2x10240x128xf32, #tpu.memory_space<hbm>> -> memref<1x128x128xf32, #tpu.memory_space<hbm>>
      %dma_start3A_141 = tpu.memref_squeeze %dma_start3A_140 : memref<1x128x128xf32, #tpu.memory_space<hbm>> -> memref<128x128xf32, #tpu.memory_space<hbm>>
      %dma_start3A_142 = arith.constant 0 : i32
      %dma_start3A_143 = tpu.memref_slice %arg6[%arg0, %add3A_129, %dma_start3A_142] : memref<2x10240x128xf32, #tpu.memory_space<hbm>> -> memref<1x128x128xf32, #tpu.memory_space<hbm>>
      %dma_start3A_144 = tpu.memref_squeeze %dma_start3A_143 : memref<1x128x128xf32, #tpu.memory_space<hbm>> -> memref<128x128xf32, #tpu.memory_space<hbm>>
      tpu.enqueue_dma source(%arg10 : memref<128x128xf32, #tpu.memory_space<vmem>>) target(%dma_start3A_144 : memref<128x128xf32, #tpu.memory_space<hbm>>) target_semaphore(%run_scoped3A_138 : memref<!tpu.dma_semaphore, #tpu.memory_space<semaphore_mem>>)
      %dma_wait3A_145 = arith.constant 0 : i32
      %dma_wait3A_146 = tpu.memref_slice %arg6[%arg0, %add3A_129, %dma_wait3A_145] : memref<2x10240x128xf32, #tpu.memory_space<hbm>> -> memref<1x128x128xf32, #tpu.memory_space<hbm>>
      %dma_wait3A_147 = tpu.memref_squeeze %dma_wait3A_146 : memref<1x128x128xf32, #tpu.memory_space<hbm>> -> memref<128x128xf32, #tpu.memory_space<hbm>>
      %dma_wait3A_148 = arith.constant 0 : i32
      %dma_wait3A_149 = tpu.memref_slice %arg6[%arg0, %add3A_129, %dma_wait3A_148] : memref<2x10240x128xf32, #tpu.memory_space<hbm>> -> memref<1x128x128xf32, #tpu.memory_space<hbm>>
      %dma_wait3A_150 = tpu.memref_squeeze %dma_wait3A_149 : memref<1x128x128xf32, #tpu.memory_space<hbm>> -> memref<128x128xf32, #tpu.memory_space<hbm>>
      tpu.wait_dma2 semaphore(%run_scoped3A_138 : memref<!tpu.dma_semaphore, #tpu.memory_space<semaphore_mem>>) src(%arg10 : memref<128x128xf32, #tpu.memory_space<vmem>>) dst(%dma_wait3A_150 : memref<128x128xf32, #tpu.memory_space<hbm>>)
      tpu.yield
    }) : () -> ()
    %mul3A_130 = arith.constant 640 : i32
    %mul3A_131 = arith.muli %arg1, %mul3A_130 : i32
    %add3A_132 = arith.constant 512 : i32
    %add3A_133 = arith.addi %mul3A_131, %add3A_132 : i32
    "tpu.region"() ({
      %run_scoped3A_138 = tpu.sem_alloc : memref<!tpu.dma_semaphore, #tpu.memory_space<semaphore_mem>>
      %dma_start3A_139 = arith.constant 0 : i32
      %dma_start3A_140 = tpu.memref_slice %arg11[%add3A_133, %dma_start3A_139] : memref<10240x128xf32, #tpu.memory_space<vmem_shared>> -> memref<128x128xf32, #tpu.memory_space<vmem_shared>>
      %dma_start3A_141 = arith.constant 0 : i32
      %dma_start3A_142 = tpu.memref_slice %arg11[%add3A_133, %dma_start3A_141] : memref<10240x128xf32, #tpu.memory_space<vmem_shared>> -> memref<128x128xf32, #tpu.memory_space<vmem_shared>>
      tpu.enqueue_dma source(%dma_start3A_142 : memref<128x128xf32, #tpu.memory_space<vmem_shared>>) target(%arg9 : memref<128x128xf32, #tpu.memory_space<vmem>>) target_semaphore(%run_scoped3A_138 : memref<!tpu.dma_semaphore, #tpu.memory_space<semaphore_mem>>)
      %dma_wait3A_143 = arith.constant 0 : i32
      %dma_wait3A_144 = tpu.memref_slice %arg11[%add3A_133, %dma_wait3A_143] : memref<10240x128xf32, #tpu.memory_space<vmem_shared>> -> memref<128x128xf32, #tpu.memory_space<vmem_shared>>
      %dma_wait3A_145 = arith.constant 0 : i32
      %dma_wait3A_146 = tpu.memref_slice %arg11[%add3A_133, %dma_wait3A_145] : memref<10240x128xf32, #tpu.memory_space<vmem_shared>> -> memref<128x128xf32, #tpu.memory_space<vmem_shared>>
      tpu.wait_dma2 semaphore(%run_scoped3A_138 : memref<!tpu.dma_semaphore, #tpu.memory_space<semaphore_mem>>) src(%dma_wait3A_146 : memref<128x128xf32, #tpu.memory_space<vmem_shared>>) dst(%arg9 : memref<128x128xf32, #tpu.memory_space<vmem>>)
      tpu.yield
    }) : () -> ()
    %mul3A_134 = arith.constant 640 : i32
    %mul3A_135 = arith.muli %arg1, %mul3A_134 : i32
    %add3A_136 = arith.constant 512 : i32
    %add3A_137 = arith.addi %mul3A_135, %add3A_136 : i32
    "tpu.region"() ({
      %run_scoped3A_138 = tpu.sem_alloc : memref<!tpu.dma_semaphore, #tpu.memory_space<semaphore_mem>>
      %dma_start3A_139 = arith.constant 0 : i32
      %dma_start3A_140 = tpu.memref_slice %arg6[%arg0, %add3A_137, %dma_start3A_139] : memref<2x10240x128xf32, #tpu.memory_space<hbm>> -> memref<1x128x128xf32, #tpu.memory_space<hbm>>
      %dma_start3A_141 = tpu.memref_squeeze %dma_start3A_140 : memref<1x128x128xf32, #tpu.memory_space<hbm>> -> memref<128x128xf32, #tpu.memory_space<hbm>>
      %dma_start3A_142 = arith.constant 0 : i32
      %dma_start3A_143 = tpu.memref_slice %arg6[%arg0, %add3A_137, %dma_start3A_142] : memref<2x10240x128xf32, #tpu.memory_space<hbm>> -> memref<1x128x128xf32, #tpu.memory_space<hbm>>
      %dma_start3A_144 = tpu.memref_squeeze %dma_start3A_143 : memref<1x128x128xf32, #tpu.memory_space<hbm>> -> memref<128x128xf32, #tpu.memory_space<hbm>>
      tpu.enqueue_dma source(%arg9 : memref<128x128xf32, #tpu.memory_space<vmem>>) target(%dma_start3A_144 : memref<128x128xf32, #tpu.memory_space<hbm>>) target_semaphore(%run_scoped3A_138 : memref<!tpu.dma_semaphore, #tpu.memory_space<semaphore_mem>>)
      %dma_wait3A_145 = arith.constant 0 : i32
      %dma_wait3A_146 = tpu.memref_slice %arg6[%arg0, %add3A_137, %dma_wait3A_145] : memref<2x10240x128xf32, #tpu.memory_space<hbm>> -> memref<1x128x128xf32, #tpu.memory_space<hbm>>
      %dma_wait3A_147 = tpu.memref_squeeze %dma_wait3A_146 : memref<1x128x128xf32, #tpu.memory_space<hbm>> -> memref<128x128xf32, #tpu.memory_space<hbm>>
      %dma_wait3A_148 = arith.constant 0 : i32
      %dma_wait3A_149 = tpu.memref_slice %arg6[%arg0, %add3A_137, %dma_wait3A_148] : memref<2x10240x128xf32, #tpu.memory_space<hbm>> -> memref<1x128x128xf32, #tpu.memory_space<hbm>>
      %dma_wait3A_150 = tpu.memref_squeeze %dma_wait3A_149 : memref<1x128x128xf32, #tpu.memory_space<hbm>> -> memref<128x128xf32, #tpu.memory_space<hbm>>
      tpu.wait_dma2 semaphore(%run_scoped3A_138 : memref<!tpu.dma_semaphore, #tpu.memory_space<semaphore_mem>>) src(%arg9 : memref<128x128xf32, #tpu.memory_space<vmem>>) dst(%dma_wait3A_150 : memref<128x128xf32, #tpu.memory_space<hbm>>)
      tpu.yield
    }) : () -> ()
    return
  }
}

#map = affine_map<(d0, d1) -> (0, 0)>
#map1 = affine_map<(d0, d1) -> (0, 0, 0)>
module attributes {stable_mosaic.version = 14 : i64} {
  func.func @_agg_body(%arg0: i32, %arg1: i32, %arg2: memref<10000x128xf32, #tpu.memory_space<hbm>>, %arg3: memref<2560x128xi32, #tpu.memory_space<hbm>>, %arg4: memref<2560x128xi32, #tpu.memory_space<hbm>>, %arg5: memref<128x128xf32, #tpu.memory_space<hbm>>, %arg6: memref<2x10240x128xf32, #tpu.memory_space<hbm>>, %arg7: memref<40x128xi32, #tpu.memory_space<vmem>>, %arg8: memref<40x128xi32, #tpu.memory_space<vmem>>, %arg9: memref<128x128xf32, #tpu.memory_space<vmem>>, %arg10: memref<128x128xf32, #tpu.memory_space<vmem>>, %arg11: memref<10240x128xf32, #tpu.memory_space<vmem_shared>>, %arg12: memref<!tpu.dma_semaphore, #tpu.memory_space<semaphore_mem>>, %arg13: memref<!tpu.dma_semaphore, #tpu.memory_space<semaphore_mem>>, %arg14: memref<!tpu.dma_semaphore, #tpu.memory_space<semaphore_mem>>, %arg15: memref<!tpu.dma_semaphore, #tpu.memory_space<semaphore_mem>>) attributes {dimension_semantics = [#tpu.dimension_semantics<core_parallel>, #tpu.dimension_semantics<subcore_parallel>], iteration_bounds = array<i64: 2, 16>, scalar_prefetch = 0 : i64, scratch_operands = 9 : i64, tpu.core_type = #tpu.core_type<sc_vector_subcore>, window_params = [{transform_indices = #map}, {transform_indices = #map}, {transform_indices = #map}, {transform_indices = #map}, {transform_indices = #map1}]} {
    %mul3A = arith.constant 16 : i32
    %mul3A_0 = arith.muli %arg0, %mul3A : i32
    %add3A = arith.addi %mul3A_0, %arg1 : i32
    "tpu.region"() ({
      %run_scoped3A_138 = tpu.sem_alloc : memref<!tpu.dma_semaphore, #tpu.memory_space<semaphore_mem>>
      tpu.enqueue_dma source(%arg5 : memref<128x128xf32, #tpu.memory_space<hbm>>) target(%arg9 : memref<128x128xf32, #tpu.memory_space<vmem>>) target_semaphore(%run_scoped3A_138 : memref<!tpu.dma_semaphore, #tpu.memory_space<semaphore_mem>>)
      tpu.wait_dma2 semaphore(%run_scoped3A_138 : memref<!tpu.dma_semaphore, #tpu.memory_space<semaphore_mem>>) src(%arg5 : memref<128x128xf32, #tpu.memory_space<hbm>>) dst(%arg9 : memref<128x128xf32, #tpu.memory_space<vmem>>)
      tpu.yield
    }) : () -> ()
    %mul3A_1 = arith.constant 640 : i32
    %mul3A_2 = arith.muli %arg1, %mul3A_1 : i32
    %add3A_3 = arith.constant 0 : i32
    %add3A_4 = arith.addi %mul3A_2, %add3A_3 : i32
    "tpu.region"() ({
      %run_scoped3A_138 = tpu.sem_alloc : memref<!tpu.dma_semaphore, #tpu.memory_space<semaphore_mem>>
      %dma_start3A_139 = arith.constant 0 : i32
      %dma_start3A_140 = tpu.memref_slice %arg11[%add3A_4, %dma_start3A_139] : memref<10240x128xf32, #tpu.memory_space<vmem_shared>> -> memref<128x128xf32, #tpu.memory_space<vmem_shared>>
      %dma_start3A_141 = arith.constant 0 : i32
      %dma_start3A_142 = tpu.memref_slice %arg11[%add3A_4, %dma_start3A_141] : memref<10240x128xf32, #tpu.memory_space<vmem_shared>> -> memref<128x128xf32, #tpu.memory_space<vmem_shared>>
      tpu.enqueue_dma source(%arg9 : memref<128x128xf32, #tpu.memory_space<vmem>>) target(%dma_start3A_142 : memref<128x128xf32, #tpu.memory_space<vmem_shared>>) target_semaphore(%run_scoped3A_138 : memref<!tpu.dma_semaphore, #tpu.memory_space<semaphore_mem>>)
      %dma_wait3A_143 = arith.constant 0 : i32
      %dma_wait3A_144 = tpu.memref_slice %arg11[%add3A_4, %dma_wait3A_143] : memref<10240x128xf32, #tpu.memory_space<vmem_shared>> -> memref<128x128xf32, #tpu.memory_space<vmem_shared>>
      %dma_wait3A_145 = arith.constant 0 : i32
      %dma_wait3A_146 = tpu.memref_slice %arg11[%add3A_4, %dma_wait3A_145] : memref<10240x128xf32, #tpu.memory_space<vmem_shared>> -> memref<128x128xf32, #tpu.memory_space<vmem_shared>>
      tpu.wait_dma2 semaphore(%run_scoped3A_138 : memref<!tpu.dma_semaphore, #tpu.memory_space<semaphore_mem>>) src(%arg9 : memref<128x128xf32, #tpu.memory_space<vmem>>) dst(%dma_wait3A_146 : memref<128x128xf32, #tpu.memory_space<vmem_shared>>)
      tpu.yield
    }) : () -> ()
    %mul3A_5 = arith.constant 640 : i32
    %mul3A_6 = arith.muli %arg1, %mul3A_5 : i32
    %add3A_7 = arith.constant 128 : i32
    %add3A_8 = arith.addi %mul3A_6, %add3A_7 : i32
    "tpu.region"() ({
      %run_scoped3A_138 = tpu.sem_alloc : memref<!tpu.dma_semaphore, #tpu.memory_space<semaphore_mem>>
      %dma_start3A_139 = arith.constant 0 : i32
      %dma_start3A_140 = tpu.memref_slice %arg11[%add3A_8, %dma_start3A_139] : memref<10240x128xf32, #tpu.memory_space<vmem_shared>> -> memref<128x128xf32, #tpu.memory_space<vmem_shared>>
      %dma_start3A_141 = arith.constant 0 : i32
      %dma_start3A_142 = tpu.memref_slice %arg11[%add3A_8, %dma_start3A_141] : memref<10240x128xf32, #tpu.memory_space<vmem_shared>> -> memref<128x128xf32, #tpu.memory_space<vmem_shared>>
      tpu.enqueue_dma source(%arg9 : memref<128x128xf32, #tpu.memory_space<vmem>>) target(%dma_start3A_142 : memref<128x128xf32, #tpu.memory_space<vmem_shared>>) target_semaphore(%run_scoped3A_138 : memref<!tpu.dma_semaphore, #tpu.memory_space<semaphore_mem>>)
      %dma_wait3A_143 = arith.constant 0 : i32
      %dma_wait3A_144 = tpu.memref_slice %arg11[%add3A_8, %dma_wait3A_143] : memref<10240x128xf32, #tpu.memory_space<vmem_shared>> -> memref<128x128xf32, #tpu.memory_space<vmem_shared>>
      %dma_wait3A_145 = arith.constant 0 : i32
      %dma_wait3A_146 = tpu.memref_slice %arg11[%add3A_8, %dma_wait3A_145] : memref<10240x128xf32, #tpu.memory_space<vmem_shared>> -> memref<128x128xf32, #tpu.memory_space<vmem_shared>>
      tpu.wait_dma2 semaphore(%run_scoped3A_138 : memref<!tpu.dma_semaphore, #tpu.memory_space<semaphore_mem>>) src(%arg9 : memref<128x128xf32, #tpu.memory_space<vmem>>) dst(%dma_wait3A_146 : memref<128x128xf32, #tpu.memory_space<vmem_shared>>)
      tpu.yield
    }) : () -> ()
    %mul3A_9 = arith.constant 640 : i32
    %mul3A_10 = arith.muli %arg1, %mul3A_9 : i32
    %add3A_11 = arith.constant 256 : i32
    %add3A_12 = arith.addi %mul3A_10, %add3A_11 : i32
    "tpu.region"() ({
      %run_scoped3A_138 = tpu.sem_alloc : memref<!tpu.dma_semaphore, #tpu.memory_space<semaphore_mem>>
      %dma_start3A_139 = arith.constant 0 : i32
      %dma_start3A_140 = tpu.memref_slice %arg11[%add3A_12, %dma_start3A_139] : memref<10240x128xf32, #tpu.memory_space<vmem_shared>> -> memref<128x128xf32, #tpu.memory_space<vmem_shared>>
      %dma_start3A_141 = arith.constant 0 : i32
      %dma_start3A_142 = tpu.memref_slice %arg11[%add3A_12, %dma_start3A_141] : memref<10240x128xf32, #tpu.memory_space<vmem_shared>> -> memref<128x128xf32, #tpu.memory_space<vmem_shared>>
      tpu.enqueue_dma source(%arg9 : memref<128x128xf32, #tpu.memory_space<vmem>>) target(%dma_start3A_142 : memref<128x128xf32, #tpu.memory_space<vmem_shared>>) target_semaphore(%run_scoped3A_138 : memref<!tpu.dma_semaphore, #tpu.memory_space<semaphore_mem>>)
      %dma_wait3A_143 = arith.constant 0 : i32
      %dma_wait3A_144 = tpu.memref_slice %arg11[%add3A_12, %dma_wait3A_143] : memref<10240x128xf32, #tpu.memory_space<vmem_shared>> -> memref<128x128xf32, #tpu.memory_space<vmem_shared>>
      %dma_wait3A_145 = arith.constant 0 : i32
      %dma_wait3A_146 = tpu.memref_slice %arg11[%add3A_12, %dma_wait3A_145] : memref<10240x128xf32, #tpu.memory_space<vmem_shared>> -> memref<128x128xf32, #tpu.memory_space<vmem_shared>>
      tpu.wait_dma2 semaphore(%run_scoped3A_138 : memref<!tpu.dma_semaphore, #tpu.memory_space<semaphore_mem>>) src(%arg9 : memref<128x128xf32, #tpu.memory_space<vmem>>) dst(%dma_wait3A_146 : memref<128x128xf32, #tpu.memory_space<vmem_shared>>)
      tpu.yield
    }) : () -> ()
    %mul3A_13 = arith.constant 640 : i32
    %mul3A_14 = arith.muli %arg1, %mul3A_13 : i32
    %add3A_15 = arith.constant 384 : i32
    %add3A_16 = arith.addi %mul3A_14, %add3A_15 : i32
    "tpu.region"() ({
      %run_scoped3A_138 = tpu.sem_alloc : memref<!tpu.dma_semaphore, #tpu.memory_space<semaphore_mem>>
      %dma_start3A_139 = arith.constant 0 : i32
      %dma_start3A_140 = tpu.memref_slice %arg11[%add3A_16, %dma_start3A_139] : memref<10240x128xf32, #tpu.memory_space<vmem_shared>> -> memref<128x128xf32, #tpu.memory_space<vmem_shared>>
      %dma_start3A_141 = arith.constant 0 : i32
      %dma_start3A_142 = tpu.memref_slice %arg11[%add3A_16, %dma_start3A_141] : memref<10240x128xf32, #tpu.memory_space<vmem_shared>> -> memref<128x128xf32, #tpu.memory_space<vmem_shared>>
      tpu.enqueue_dma source(%arg9 : memref<128x128xf32, #tpu.memory_space<vmem>>) target(%dma_start3A_142 : memref<128x128xf32, #tpu.memory_space<vmem_shared>>) target_semaphore(%run_scoped3A_138 : memref<!tpu.dma_semaphore, #tpu.memory_space<semaphore_mem>>)
      %dma_wait3A_143 = arith.constant 0 : i32
      %dma_wait3A_144 = tpu.memref_slice %arg11[%add3A_16, %dma_wait3A_143] : memref<10240x128xf32, #tpu.memory_space<vmem_shared>> -> memref<128x128xf32, #tpu.memory_space<vmem_shared>>
      %dma_wait3A_145 = arith.constant 0 : i32
      %dma_wait3A_146 = tpu.memref_slice %arg11[%add3A_16, %dma_wait3A_145] : memref<10240x128xf32, #tpu.memory_space<vmem_shared>> -> memref<128x128xf32, #tpu.memory_space<vmem_shared>>
      tpu.wait_dma2 semaphore(%run_scoped3A_138 : memref<!tpu.dma_semaphore, #tpu.memory_space<semaphore_mem>>) src(%arg9 : memref<128x128xf32, #tpu.memory_space<vmem>>) dst(%dma_wait3A_146 : memref<128x128xf32, #tpu.memory_space<vmem_shared>>)
      tpu.yield
    }) : () -> ()
    %mul3A_17 = arith.constant 640 : i32
    %mul3A_18 = arith.muli %arg1, %mul3A_17 : i32
    %add3A_19 = arith.constant 512 : i32
    %add3A_20 = arith.addi %mul3A_18, %add3A_19 : i32
    "tpu.region"() ({
      %run_scoped3A_138 = tpu.sem_alloc : memref<!tpu.dma_semaphore, #tpu.memory_space<semaphore_mem>>
      %dma_start3A_139 = arith.constant 0 : i32
      %dma_start3A_140 = tpu.memref_slice %arg11[%add3A_20, %dma_start3A_139] : memref<10240x128xf32, #tpu.memory_space<vmem_shared>> -> memref<128x128xf32, #tpu.memory_space<vmem_shared>>
      %dma_start3A_141 = arith.constant 0 : i32
      %dma_start3A_142 = tpu.memref_slice %arg11[%add3A_20, %dma_start3A_141] : memref<10240x128xf32, #tpu.memory_space<vmem_shared>> -> memref<128x128xf32, #tpu.memory_space<vmem_shared>>
      tpu.enqueue_dma source(%arg9 : memref<128x128xf32, #tpu.memory_space<vmem>>) target(%dma_start3A_142 : memref<128x128xf32, #tpu.memory_space<vmem_shared>>) target_semaphore(%run_scoped3A_138 : memref<!tpu.dma_semaphore, #tpu.memory_space<semaphore_mem>>)
      %dma_wait3A_143 = arith.constant 0 : i32
      %dma_wait3A_144 = tpu.memref_slice %arg11[%add3A_20, %dma_wait3A_143] : memref<10240x128xf32, #tpu.memory_space<vmem_shared>> -> memref<128x128xf32, #tpu.memory_space<vmem_shared>>
      %dma_wait3A_145 = arith.constant 0 : i32
      %dma_wait3A_146 = tpu.memref_slice %arg11[%add3A_20, %dma_wait3A_145] : memref<10240x128xf32, #tpu.memory_space<vmem_shared>> -> memref<128x128xf32, #tpu.memory_space<vmem_shared>>
      tpu.wait_dma2 semaphore(%run_scoped3A_138 : memref<!tpu.dma_semaphore, #tpu.memory_space<semaphore_mem>>) src(%arg9 : memref<128x128xf32, #tpu.memory_space<vmem>>) dst(%dma_wait3A_146 : memref<128x128xf32, #tpu.memory_space<vmem_shared>>)
      tpu.yield
    }) : () -> ()
    %barrier3A = arith.constant 0 : index
    tpu.barrier barrier_id(%barrier3A)
    %mul3A_21 = arith.constant 80 : i32
    %mul3A_22 = arith.muli %add3A, %mul3A_21 : i32
    %add3A_23 = arith.constant 0 : i32
    %add3A_24 = arith.addi %mul3A_22, %add3A_23 : i32
    "tpu.region"() ({
      %run_scoped3A_138 = tpu.sem_alloc : memref<!tpu.dma_semaphore, #tpu.memory_space<semaphore_mem>>
      %dma_start3A_139 = arith.constant 0 : i32
      %dma_start3A_140 = tpu.memref_slice %arg3[%add3A_24, %dma_start3A_139] : memref<2560x128xi32, #tpu.memory_space<hbm>> -> memref<40x128xi32, #tpu.memory_space<hbm>>
      %dma_start3A_141 = arith.constant 0 : i32
      %dma_start3A_142 = tpu.memref_slice %arg3[%add3A_24, %dma_start3A_141] : memref<2560x128xi32, #tpu.memory_space<hbm>> -> memref<40x128xi32, #tpu.memory_space<hbm>>
      tpu.enqueue_dma source(%dma_start3A_142 : memref<40x128xi32, #tpu.memory_space<hbm>>) target(%arg7 : memref<40x128xi32, #tpu.memory_space<vmem>>) target_semaphore(%run_scoped3A_138 : memref<!tpu.dma_semaphore, #tpu.memory_space<semaphore_mem>>)
      %dma_wait3A_143 = arith.constant 0 : i32
      %dma_wait3A_144 = tpu.memref_slice %arg3[%add3A_24, %dma_wait3A_143] : memref<2560x128xi32, #tpu.memory_space<hbm>> -> memref<40x128xi32, #tpu.memory_space<hbm>>
      %dma_wait3A_145 = arith.constant 0 : i32
      %dma_wait3A_146 = tpu.memref_slice %arg3[%add3A_24, %dma_wait3A_145] : memref<2560x128xi32, #tpu.memory_space<hbm>> -> memref<40x128xi32, #tpu.memory_space<hbm>>
      tpu.wait_dma2 semaphore(%run_scoped3A_138 : memref<!tpu.dma_semaphore, #tpu.memory_space<semaphore_mem>>) src(%dma_wait3A_146 : memref<40x128xi32, #tpu.memory_space<hbm>>) dst(%arg7 : memref<40x128xi32, #tpu.memory_space<vmem>>)
      tpu.yield
    }) : () -> ()
    "tpu.region"() ({
      %run_scoped3A_138 = tpu.sem_alloc : memref<!tpu.dma_semaphore, #tpu.memory_space<semaphore_mem>>
      %dma_start3A_139 = arith.constant 0 : i32
      %dma_start3A_140 = tpu.memref_slice %arg4[%add3A_24, %dma_start3A_139] : memref<2560x128xi32, #tpu.memory_space<hbm>> -> memref<40x128xi32, #tpu.memory_space<hbm>>
      %dma_start3A_141 = arith.constant 0 : i32
      %dma_start3A_142 = tpu.memref_slice %arg4[%add3A_24, %dma_start3A_141] : memref<2560x128xi32, #tpu.memory_space<hbm>> -> memref<40x128xi32, #tpu.memory_space<hbm>>
      tpu.enqueue_dma source(%dma_start3A_142 : memref<40x128xi32, #tpu.memory_space<hbm>>) target(%arg8 : memref<40x128xi32, #tpu.memory_space<vmem>>) target_semaphore(%run_scoped3A_138 : memref<!tpu.dma_semaphore, #tpu.memory_space<semaphore_mem>>)
      %dma_wait3A_143 = arith.constant 0 : i32
      %dma_wait3A_144 = tpu.memref_slice %arg4[%add3A_24, %dma_wait3A_143] : memref<2560x128xi32, #tpu.memory_space<hbm>> -> memref<40x128xi32, #tpu.memory_space<hbm>>
      %dma_wait3A_145 = arith.constant 0 : i32
      %dma_wait3A_146 = tpu.memref_slice %arg4[%add3A_24, %dma_wait3A_145] : memref<2560x128xi32, #tpu.memory_space<hbm>> -> memref<40x128xi32, #tpu.memory_space<hbm>>
      tpu.wait_dma2 semaphore(%run_scoped3A_138 : memref<!tpu.dma_semaphore, #tpu.memory_space<semaphore_mem>>) src(%dma_wait3A_146 : memref<40x128xi32, #tpu.memory_space<hbm>>) dst(%arg8 : memref<40x128xi32, #tpu.memory_space<vmem>>)
      tpu.yield
    }) : () -> ()
    %dma_start3A = arith.constant 0 : i32
    %dma_start3A_25 = arith.constant 0 : i32
    %dma_start3A_26 = tpu.memref_slice %arg7[%dma_start3A, %dma_start3A_25] : memref<40x128xi32, #tpu.memory_space<vmem>> -> memref<1x128xi32, #tpu.memory_space<vmem>>
    %dma_start3A_27 = tpu.memref_squeeze %dma_start3A_26 : memref<1x128xi32, #tpu.memory_space<vmem>> -> memref<128xi32, #tpu.memory_space<vmem>>
    %dma_start3A_28 = arith.constant 0 : i32
    %dma_start3A_29 = arith.constant 0 : i32
    %dma_start3A_30 = tpu.memref_slice %arg2[%dma_start3A_28, %dma_start3A_29] : memref<10000x128xf32, #tpu.memory_space<hbm>> -> memref<10000x128xf32, #tpu.memory_space<hbm>>
    tpu.enqueue_indirect_dma source(%dma_start3A_30 : memref<10000x128xf32, #tpu.memory_space<hbm>>) target(%arg9 : memref<128x128xf32, #tpu.memory_space<vmem>>) offsets(%dma_start3A_27 : memref<128xi32, #tpu.memory_space<vmem>>) semaphore(%arg12 : memref<!tpu.dma_semaphore, #tpu.memory_space<semaphore_mem>>)
    %dma_start3A_31 = arith.constant 1 : i32
    %dma_start3A_32 = arith.constant 0 : i32
    %dma_start3A_33 = tpu.memref_slice %arg7[%dma_start3A_31, %dma_start3A_32] : memref<40x128xi32, #tpu.memory_space<vmem>> -> memref<1x128xi32, #tpu.memory_space<vmem>>
    %dma_start3A_34 = tpu.memref_squeeze %dma_start3A_33 : memref<1x128xi32, #tpu.memory_space<vmem>> -> memref<128xi32, #tpu.memory_space<vmem>>
    %dma_start3A_35 = arith.constant 0 : i32
    %dma_start3A_36 = arith.constant 0 : i32
    %dma_start3A_37 = tpu.memref_slice %arg2[%dma_start3A_35, %dma_start3A_36] : memref<10000x128xf32, #tpu.memory_space<hbm>> -> memref<10000x128xf32, #tpu.memory_space<hbm>>
    tpu.enqueue_indirect_dma source(%dma_start3A_37 : memref<10000x128xf32, #tpu.memory_space<hbm>>) target(%arg10 : memref<128x128xf32, #tpu.memory_space<vmem>>) offsets(%dma_start3A_34 : memref<128xi32, #tpu.memory_space<vmem>>) semaphore(%arg13 : memref<!tpu.dma_semaphore, #tpu.memory_space<semaphore_mem>>)
    %scan3A = arith.constant 0 : i32
    %scan3A_38 = arith.constant 0 : i32
    %scan3A_39 = arith.constant 19 : i32
    %scan3A_40 = arith.addi %scan3A_38, %scan3A_39 : i32
    %scan3A_41 = arith.constant 1 : i32
    scf.for %scan3A_138 = %scan3A_38 to %scan3A_40 step %scan3A_41  : i32 {
      %mul3A_139 = arith.constant 2 : i32
      %mul3A_140 = arith.muli %scan3A_138, %mul3A_139 : i32
      %add3A_141 = arith.constant 0 : i32
      %add3A_142 = arith.addi %mul3A_140, %add3A_141 : i32
      %dma_wait3A_143 = arith.constant 0 : i32
      %dma_wait3A_144 = tpu.memref_slice %arg7[%add3A_142, %dma_wait3A_143] : memref<40x128xi32, #tpu.memory_space<vmem>> -> memref<1x128xi32, #tpu.memory_space<vmem>>
      %dma_wait3A_145 = tpu.memref_squeeze %dma_wait3A_144 : memref<1x128xi32, #tpu.memory_space<vmem>> -> memref<128xi32, #tpu.memory_space<vmem>>
      %dma_wait3A_146 = arith.constant 0 : i32
      %dma_wait3A_147 = arith.constant 0 : i32
      %dma_wait3A_148 = tpu.memref_slice %arg2[%dma_wait3A_146, %dma_wait3A_147] : memref<10000x128xf32, #tpu.memory_space<hbm>> -> memref<10000x128xf32, #tpu.memory_space<hbm>>
      tpu.wait_indirect_dma semaphore(%arg12 : memref<!tpu.dma_semaphore, #tpu.memory_space<semaphore_mem>>) src(%dma_wait3A_148 : memref<10000x128xf32, #tpu.memory_space<hbm>>) dst(%arg9 : memref<128x128xf32, #tpu.memory_space<vmem>>)
      %add3A_149 = arith.constant 0 : i32
      %add3A_150 = arith.addi %mul3A_140, %add3A_149 : i32
      "tpu.region"() ({
        %run_scoped3A_181 = tpu.sem_alloc : memref<!tpu.dma_semaphore, #tpu.memory_space<semaphore_mem>>
        %dma_start3A_182 = arith.constant 0 : i32
        %dma_start3A_183 = tpu.memref_slice %arg8[%add3A_150, %dma_start3A_182] : memref<40x128xi32, #tpu.memory_space<vmem>> -> memref<1x128xi32, #tpu.memory_space<vmem>>
        %dma_start3A_184 = tpu.memref_squeeze %dma_start3A_183 : memref<1x128xi32, #tpu.memory_space<vmem>> -> memref<128xi32, #tpu.memory_space<vmem>>
        %dma_start3A_185 = arith.constant 0 : i32
        %dma_start3A_186 = arith.constant 0 : i32
        %dma_start3A_187 = tpu.memref_slice %arg11[%dma_start3A_185, %dma_start3A_186] : memref<10240x128xf32, #tpu.memory_space<vmem_shared>> -> memref<10240x128xf32, #tpu.memory_space<vmem_shared>>
        tpu.enqueue_indirect_dma source(%arg9 : memref<128x128xf32, #tpu.memory_space<vmem>>) target(%dma_start3A_187 : memref<10240x128xf32, #tpu.memory_space<vmem_shared>>) offsets(%dma_start3A_184 : memref<128xi32, #tpu.memory_space<vmem>>) semaphore(%run_scoped3A_181 : memref<!tpu.dma_semaphore, #tpu.memory_space<semaphore_mem>>) {add = true}
        %dma_wait3A_188 = arith.constant 0 : i32
        %dma_wait3A_189 = tpu.memref_slice %arg8[%add3A_150, %dma_wait3A_188] : memref<40x128xi32, #tpu.memory_space<vmem>> -> memref<1x128xi32, #tpu.memory_space<vmem>>
        %dma_wait3A_190 = tpu.memref_squeeze %dma_wait3A_189 : memref<1x128xi32, #tpu.memory_space<vmem>> -> memref<128xi32, #tpu.memory_space<vmem>>
        %dma_wait3A_191 = arith.constant 0 : i32
        %dma_wait3A_192 = arith.constant 0 : i32
        %dma_wait3A_193 = tpu.memref_slice %arg11[%dma_wait3A_191, %dma_wait3A_192] : memref<10240x128xf32, #tpu.memory_space<vmem_shared>> -> memref<10240x128xf32, #tpu.memory_space<vmem_shared>>
        tpu.wait_indirect_dma semaphore(%run_scoped3A_181 : memref<!tpu.dma_semaphore, #tpu.memory_space<semaphore_mem>>) src(%arg9 : memref<128x128xf32, #tpu.memory_space<vmem>>) dst(%dma_wait3A_193 : memref<10240x128xf32, #tpu.memory_space<vmem_shared>>)
        tpu.yield
      }) : () -> ()
      %add3A_151 = arith.constant 2 : i32
      %add3A_152 = arith.addi %mul3A_140, %add3A_151 : i32
      %add3A_153 = arith.constant 0 : i32
      %add3A_154 = arith.addi %add3A_152, %add3A_153 : i32
      %dma_start3A_155 = arith.constant 0 : i32
      %dma_start3A_156 = tpu.memref_slice %arg7[%add3A_154, %dma_start3A_155] : memref<40x128xi32, #tpu.memory_space<vmem>> -> memref<1x128xi32, #tpu.memory_space<vmem>>
      %dma_start3A_157 = tpu.memref_squeeze %dma_start3A_156 : memref<1x128xi32, #tpu.memory_space<vmem>> -> memref<128xi32, #tpu.memory_space<vmem>>
      %dma_start3A_158 = arith.constant 0 : i32
      %dma_start3A_159 = arith.constant 0 : i32
      %dma_start3A_160 = tpu.memref_slice %arg2[%dma_start3A_158, %dma_start3A_159] : memref<10000x128xf32, #tpu.memory_space<hbm>> -> memref<10000x128xf32, #tpu.memory_space<hbm>>
      tpu.enqueue_indirect_dma source(%dma_start3A_160 : memref<10000x128xf32, #tpu.memory_space<hbm>>) target(%arg9 : memref<128x128xf32, #tpu.memory_space<vmem>>) offsets(%dma_start3A_157 : memref<128xi32, #tpu.memory_space<vmem>>) semaphore(%arg12 : memref<!tpu.dma_semaphore, #tpu.memory_space<semaphore_mem>>)
      %add3A_161 = arith.constant 1 : i32
      %add3A_162 = arith.addi %mul3A_140, %add3A_161 : i32
      %dma_wait3A_163 = arith.constant 0 : i32
      %dma_wait3A_164 = tpu.memref_slice %arg7[%add3A_162, %dma_wait3A_163] : memref<40x128xi32, #tpu.memory_space<vmem>> -> memref<1x128xi32, #tpu.memory_space<vmem>>
      %dma_wait3A_165 = tpu.memref_squeeze %dma_wait3A_164 : memref<1x128xi32, #tpu.memory_space<vmem>> -> memref<128xi32, #tpu.memory_space<vmem>>
      %dma_wait3A_166 = arith.constant 0 : i32
      %dma_wait3A_167 = arith.constant 0 : i32
      %dma_wait3A_168 = tpu.memref_slice %arg2[%dma_wait3A_166, %dma_wait3A_167] : memref<10000x128xf32, #tpu.memory_space<hbm>> -> memref<10000x128xf32, #tpu.memory_space<hbm>>
      tpu.wait_indirect_dma semaphore(%arg13 : memref<!tpu.dma_semaphore, #tpu.memory_space<semaphore_mem>>) src(%dma_wait3A_168 : memref<10000x128xf32, #tpu.memory_space<hbm>>) dst(%arg10 : memref<128x128xf32, #tpu.memory_space<vmem>>)
      %add3A_169 = arith.constant 1 : i32
      %add3A_170 = arith.addi %mul3A_140, %add3A_169 : i32
      "tpu.region"() ({
        %run_scoped3A_181 = tpu.sem_alloc : memref<!tpu.dma_semaphore, #tpu.memory_space<semaphore_mem>>
        %dma_start3A_182 = arith.constant 0 : i32
        %dma_start3A_183 = tpu.memref_slice %arg8[%add3A_170, %dma_start3A_182] : memref<40x128xi32, #tpu.memory_space<vmem>> -> memref<1x128xi32, #tpu.memory_space<vmem>>
        %dma_start3A_184 = tpu.memref_squeeze %dma_start3A_183 : memref<1x128xi32, #tpu.memory_space<vmem>> -> memref<128xi32, #tpu.memory_space<vmem>>
        %dma_start3A_185 = arith.constant 0 : i32
        %dma_start3A_186 = arith.constant 0 : i32
        %dma_start3A_187 = tpu.memref_slice %arg11[%dma_start3A_185, %dma_start3A_186] : memref<10240x128xf32, #tpu.memory_space<vmem_shared>> -> memref<10240x128xf32, #tpu.memory_space<vmem_shared>>
        tpu.enqueue_indirect_dma source(%arg10 : memref<128x128xf32, #tpu.memory_space<vmem>>) target(%dma_start3A_187 : memref<10240x128xf32, #tpu.memory_space<vmem_shared>>) offsets(%dma_start3A_184 : memref<128xi32, #tpu.memory_space<vmem>>) semaphore(%run_scoped3A_181 : memref<!tpu.dma_semaphore, #tpu.memory_space<semaphore_mem>>) {add = true}
        %dma_wait3A_188 = arith.constant 0 : i32
        %dma_wait3A_189 = tpu.memref_slice %arg8[%add3A_170, %dma_wait3A_188] : memref<40x128xi32, #tpu.memory_space<vmem>> -> memref<1x128xi32, #tpu.memory_space<vmem>>
        %dma_wait3A_190 = tpu.memref_squeeze %dma_wait3A_189 : memref<1x128xi32, #tpu.memory_space<vmem>> -> memref<128xi32, #tpu.memory_space<vmem>>
        %dma_wait3A_191 = arith.constant 0 : i32
        %dma_wait3A_192 = arith.constant 0 : i32
        %dma_wait3A_193 = tpu.memref_slice %arg11[%dma_wait3A_191, %dma_wait3A_192] : memref<10240x128xf32, #tpu.memory_space<vmem_shared>> -> memref<10240x128xf32, #tpu.memory_space<vmem_shared>>
        tpu.wait_indirect_dma semaphore(%run_scoped3A_181 : memref<!tpu.dma_semaphore, #tpu.memory_space<semaphore_mem>>) src(%arg10 : memref<128x128xf32, #tpu.memory_space<vmem>>) dst(%dma_wait3A_193 : memref<10240x128xf32, #tpu.memory_space<vmem_shared>>)
        tpu.yield
      }) : () -> ()
      %add3A_171 = arith.constant 2 : i32
      %add3A_172 = arith.addi %mul3A_140, %add3A_171 : i32
      %add3A_173 = arith.constant 1 : i32
      %add3A_174 = arith.addi %add3A_172, %add3A_173 : i32
      %dma_start3A_175 = arith.constant 0 : i32
      %dma_start3A_176 = tpu.memref_slice %arg7[%add3A_174, %dma_start3A_175] : memref<40x128xi32, #tpu.memory_space<vmem>> -> memref<1x128xi32, #tpu.memory_space<vmem>>
      %dma_start3A_177 = tpu.memref_squeeze %dma_start3A_176 : memref<1x128xi32, #tpu.memory_space<vmem>> -> memref<128xi32, #tpu.memory_space<vmem>>
      %dma_start3A_178 = arith.constant 0 : i32
      %dma_start3A_179 = arith.constant 0 : i32
      %dma_start3A_180 = tpu.memref_slice %arg2[%dma_start3A_178, %dma_start3A_179] : memref<10000x128xf32, #tpu.memory_space<hbm>> -> memref<10000x128xf32, #tpu.memory_space<hbm>>
      tpu.enqueue_indirect_dma source(%dma_start3A_180 : memref<10000x128xf32, #tpu.memory_space<hbm>>) target(%arg10 : memref<128x128xf32, #tpu.memory_space<vmem>>) offsets(%dma_start3A_177 : memref<128xi32, #tpu.memory_space<vmem>>) semaphore(%arg13 : memref<!tpu.dma_semaphore, #tpu.memory_space<semaphore_mem>>)
    }
    %scan3A_42 = arith.constant 19 : i32
    %dma_wait3A = arith.constant 38 : i32
    %dma_wait3A_43 = arith.constant 0 : i32
    %dma_wait3A_44 = tpu.memref_slice %arg7[%dma_wait3A, %dma_wait3A_43] : memref<40x128xi32, #tpu.memory_space<vmem>> -> memref<1x128xi32, #tpu.memory_space<vmem>>
    %dma_wait3A_45 = tpu.memref_squeeze %dma_wait3A_44 : memref<1x128xi32, #tpu.memory_space<vmem>> -> memref<128xi32, #tpu.memory_space<vmem>>
    %dma_wait3A_46 = arith.constant 0 : i32
    %dma_wait3A_47 = arith.constant 0 : i32
    %dma_wait3A_48 = tpu.memref_slice %arg2[%dma_wait3A_46, %dma_wait3A_47] : memref<10000x128xf32, #tpu.memory_space<hbm>> -> memref<10000x128xf32, #tpu.memory_space<hbm>>
    tpu.wait_indirect_dma semaphore(%arg12 : memref<!tpu.dma_semaphore, #tpu.memory_space<semaphore_mem>>) src(%dma_wait3A_48 : memref<10000x128xf32, #tpu.memory_space<hbm>>) dst(%arg9 : memref<128x128xf32, #tpu.memory_space<vmem>>)
    %run_scoped3A = arith.constant 38 : i32
    "tpu.region"() ({
      %run_scoped3A_138 = tpu.sem_alloc : memref<!tpu.dma_semaphore, #tpu.memory_space<semaphore_mem>>
      %dma_start3A_139 = arith.constant 0 : i32
      %dma_start3A_140 = tpu.memref_slice %arg8[%run_scoped3A, %dma_start3A_139] : memref<40x128xi32, #tpu.memory_space<vmem>> -> memref<1x128xi32, #tpu.memory_space<vmem>>
      %dma_start3A_141 = tpu.memref_squeeze %dma_start3A_140 : memref<1x128xi32, #tpu.memory_space<vmem>> -> memref<128xi32, #tpu.memory_space<vmem>>
      %dma_start3A_142 = arith.constant 0 : i32
      %dma_start3A_143 = arith.constant 0 : i32
      %dma_start3A_144 = tpu.memref_slice %arg11[%dma_start3A_142, %dma_start3A_143] : memref<10240x128xf32, #tpu.memory_space<vmem_shared>> -> memref<10240x128xf32, #tpu.memory_space<vmem_shared>>
      tpu.enqueue_indirect_dma source(%arg9 : memref<128x128xf32, #tpu.memory_space<vmem>>) target(%dma_start3A_144 : memref<10240x128xf32, #tpu.memory_space<vmem_shared>>) offsets(%dma_start3A_141 : memref<128xi32, #tpu.memory_space<vmem>>) semaphore(%run_scoped3A_138 : memref<!tpu.dma_semaphore, #tpu.memory_space<semaphore_mem>>) {add = true}
      %dma_wait3A_145 = arith.constant 0 : i32
      %dma_wait3A_146 = tpu.memref_slice %arg8[%run_scoped3A, %dma_wait3A_145] : memref<40x128xi32, #tpu.memory_space<vmem>> -> memref<1x128xi32, #tpu.memory_space<vmem>>
      %dma_wait3A_147 = tpu.memref_squeeze %dma_wait3A_146 : memref<1x128xi32, #tpu.memory_space<vmem>> -> memref<128xi32, #tpu.memory_space<vmem>>
      %dma_wait3A_148 = arith.constant 0 : i32
      %dma_wait3A_149 = arith.constant 0 : i32
      %dma_wait3A_150 = tpu.memref_slice %arg11[%dma_wait3A_148, %dma_wait3A_149] : memref<10240x128xf32, #tpu.memory_space<vmem_shared>> -> memref<10240x128xf32, #tpu.memory_space<vmem_shared>>
      tpu.wait_indirect_dma semaphore(%run_scoped3A_138 : memref<!tpu.dma_semaphore, #tpu.memory_space<semaphore_mem>>) src(%arg9 : memref<128x128xf32, #tpu.memory_space<vmem>>) dst(%dma_wait3A_150 : memref<10240x128xf32, #tpu.memory_space<vmem_shared>>)
      tpu.yield
    }) : () -> ()
    %dma_wait3A_49 = arith.constant 39 : i32
    %dma_wait3A_50 = arith.constant 0 : i32
    %dma_wait3A_51 = tpu.memref_slice %arg7[%dma_wait3A_49, %dma_wait3A_50] : memref<40x128xi32, #tpu.memory_space<vmem>> -> memref<1x128xi32, #tpu.memory_space<vmem>>
    %dma_wait3A_52 = tpu.memref_squeeze %dma_wait3A_51 : memref<1x128xi32, #tpu.memory_space<vmem>> -> memref<128xi32, #tpu.memory_space<vmem>>
    %dma_wait3A_53 = arith.constant 0 : i32
    %dma_wait3A_54 = arith.constant 0 : i32
    %dma_wait3A_55 = tpu.memref_slice %arg2[%dma_wait3A_53, %dma_wait3A_54] : memref<10000x128xf32, #tpu.memory_space<hbm>> -> memref<10000x128xf32, #tpu.memory_space<hbm>>
    tpu.wait_indirect_dma semaphore(%arg13 : memref<!tpu.dma_semaphore, #tpu.memory_space<semaphore_mem>>) src(%dma_wait3A_55 : memref<10000x128xf32, #tpu.memory_space<hbm>>) dst(%arg10 : memref<128x128xf32, #tpu.memory_space<vmem>>)
    %run_scoped3A_56 = arith.constant 39 : i32
    "tpu.region"() ({
      %run_scoped3A_138 = tpu.sem_alloc : memref<!tpu.dma_semaphore, #tpu.memory_space<semaphore_mem>>
      %dma_start3A_139 = arith.constant 0 : i32
      %dma_start3A_140 = tpu.memref_slice %arg8[%run_scoped3A_56, %dma_start3A_139] : memref<40x128xi32, #tpu.memory_space<vmem>> -> memref<1x128xi32, #tpu.memory_space<vmem>>
      %dma_start3A_141 = tpu.memref_squeeze %dma_start3A_140 : memref<1x128xi32, #tpu.memory_space<vmem>> -> memref<128xi32, #tpu.memory_space<vmem>>
      %dma_start3A_142 = arith.constant 0 : i32
      %dma_start3A_143 = arith.constant 0 : i32
      %dma_start3A_144 = tpu.memref_slice %arg11[%dma_start3A_142, %dma_start3A_143] : memref<10240x128xf32, #tpu.memory_space<vmem_shared>> -> memref<10240x128xf32, #tpu.memory_space<vmem_shared>>
      tpu.enqueue_indirect_dma source(%arg10 : memref<128x128xf32, #tpu.memory_space<vmem>>) target(%dma_start3A_144 : memref<10240x128xf32, #tpu.memory_space<vmem_shared>>) offsets(%dma_start3A_141 : memref<128xi32, #tpu.memory_space<vmem>>) semaphore(%run_scoped3A_138 : memref<!tpu.dma_semaphore, #tpu.memory_space<semaphore_mem>>) {add = true}
      %dma_wait3A_145 = arith.constant 0 : i32
      %dma_wait3A_146 = tpu.memref_slice %arg8[%run_scoped3A_56, %dma_wait3A_145] : memref<40x128xi32, #tpu.memory_space<vmem>> -> memref<1x128xi32, #tpu.memory_space<vmem>>
      %dma_wait3A_147 = tpu.memref_squeeze %dma_wait3A_146 : memref<1x128xi32, #tpu.memory_space<vmem>> -> memref<128xi32, #tpu.memory_space<vmem>>
      %dma_wait3A_148 = arith.constant 0 : i32
      %dma_wait3A_149 = arith.constant 0 : i32
      %dma_wait3A_150 = tpu.memref_slice %arg11[%dma_wait3A_148, %dma_wait3A_149] : memref<10240x128xf32, #tpu.memory_space<vmem_shared>> -> memref<10240x128xf32, #tpu.memory_space<vmem_shared>>
      tpu.wait_indirect_dma semaphore(%run_scoped3A_138 : memref<!tpu.dma_semaphore, #tpu.memory_space<semaphore_mem>>) src(%arg10 : memref<128x128xf32, #tpu.memory_space<vmem>>) dst(%dma_wait3A_150 : memref<10240x128xf32, #tpu.memory_space<vmem_shared>>)
      tpu.yield
    }) : () -> ()
    %mul3A_57 = arith.constant 80 : i32
    %mul3A_58 = arith.muli %add3A, %mul3A_57 : i32
    %add3A_59 = arith.constant 40 : i32
    %add3A_60 = arith.addi %mul3A_58, %add3A_59 : i32
    "tpu.region"() ({
      %run_scoped3A_138 = tpu.sem_alloc : memref<!tpu.dma_semaphore, #tpu.memory_space<semaphore_mem>>
      %dma_start3A_139 = arith.constant 0 : i32
      %dma_start3A_140 = tpu.memref_slice %arg3[%add3A_60, %dma_start3A_139] : memref<2560x128xi32, #tpu.memory_space<hbm>> -> memref<40x128xi32, #tpu.memory_space<hbm>>
      %dma_start3A_141 = arith.constant 0 : i32
      %dma_start3A_142 = tpu.memref_slice %arg3[%add3A_60, %dma_start3A_141] : memref<2560x128xi32, #tpu.memory_space<hbm>> -> memref<40x128xi32, #tpu.memory_space<hbm>>
      tpu.enqueue_dma source(%dma_start3A_142 : memref<40x128xi32, #tpu.memory_space<hbm>>) target(%arg7 : memref<40x128xi32, #tpu.memory_space<vmem>>) target_semaphore(%run_scoped3A_138 : memref<!tpu.dma_semaphore, #tpu.memory_space<semaphore_mem>>)
      %dma_wait3A_143 = arith.constant 0 : i32
      %dma_wait3A_144 = tpu.memref_slice %arg3[%add3A_60, %dma_wait3A_143] : memref<2560x128xi32, #tpu.memory_space<hbm>> -> memref<40x128xi32, #tpu.memory_space<hbm>>
      %dma_wait3A_145 = arith.constant 0 : i32
      %dma_wait3A_146 = tpu.memref_slice %arg3[%add3A_60, %dma_wait3A_145] : memref<2560x128xi32, #tpu.memory_space<hbm>> -> memref<40x128xi32, #tpu.memory_space<hbm>>
      tpu.wait_dma2 semaphore(%run_scoped3A_138 : memref<!tpu.dma_semaphore, #tpu.memory_space<semaphore_mem>>) src(%dma_wait3A_146 : memref<40x128xi32, #tpu.memory_space<hbm>>) dst(%arg7 : memref<40x128xi32, #tpu.memory_space<vmem>>)
      tpu.yield
    }) : () -> ()
    "tpu.region"() ({
      %run_scoped3A_138 = tpu.sem_alloc : memref<!tpu.dma_semaphore, #tpu.memory_space<semaphore_mem>>
      %dma_start3A_139 = arith.constant 0 : i32
      %dma_start3A_140 = tpu.memref_slice %arg4[%add3A_60, %dma_start3A_139] : memref<2560x128xi32, #tpu.memory_space<hbm>> -> memref<40x128xi32, #tpu.memory_space<hbm>>
      %dma_start3A_141 = arith.constant 0 : i32
      %dma_start3A_142 = tpu.memref_slice %arg4[%add3A_60, %dma_start3A_141] : memref<2560x128xi32, #tpu.memory_space<hbm>> -> memref<40x128xi32, #tpu.memory_space<hbm>>
      tpu.enqueue_dma source(%dma_start3A_142 : memref<40x128xi32, #tpu.memory_space<hbm>>) target(%arg8 : memref<40x128xi32, #tpu.memory_space<vmem>>) target_semaphore(%run_scoped3A_138 : memref<!tpu.dma_semaphore, #tpu.memory_space<semaphore_mem>>)
      %dma_wait3A_143 = arith.constant 0 : i32
      %dma_wait3A_144 = tpu.memref_slice %arg4[%add3A_60, %dma_wait3A_143] : memref<2560x128xi32, #tpu.memory_space<hbm>> -> memref<40x128xi32, #tpu.memory_space<hbm>>
      %dma_wait3A_145 = arith.constant 0 : i32
      %dma_wait3A_146 = tpu.memref_slice %arg4[%add3A_60, %dma_wait3A_145] : memref<2560x128xi32, #tpu.memory_space<hbm>> -> memref<40x128xi32, #tpu.memory_space<hbm>>
      tpu.wait_dma2 semaphore(%run_scoped3A_138 : memref<!tpu.dma_semaphore, #tpu.memory_space<semaphore_mem>>) src(%dma_wait3A_146 : memref<40x128xi32, #tpu.memory_space<hbm>>) dst(%arg8 : memref<40x128xi32, #tpu.memory_space<vmem>>)
      tpu.yield
    }) : () -> ()
    %dma_start3A_61 = arith.constant 0 : i32
    %dma_start3A_62 = arith.constant 0 : i32
    %dma_start3A_63 = tpu.memref_slice %arg7[%dma_start3A_61, %dma_start3A_62] : memref<40x128xi32, #tpu.memory_space<vmem>> -> memref<1x128xi32, #tpu.memory_space<vmem>>
    %dma_start3A_64 = tpu.memref_squeeze %dma_start3A_63 : memref<1x128xi32, #tpu.memory_space<vmem>> -> memref<128xi32, #tpu.memory_space<vmem>>
    %dma_start3A_65 = arith.constant 0 : i32
    %dma_start3A_66 = arith.constant 0 : i32
    %dma_start3A_67 = tpu.memref_slice %arg2[%dma_start3A_65, %dma_start3A_66] : memref<10000x128xf32, #tpu.memory_space<hbm>> -> memref<10000x128xf32, #tpu.memory_space<hbm>>
    tpu.enqueue_indirect_dma source(%dma_start3A_67 : memref<10000x128xf32, #tpu.memory_space<hbm>>) target(%arg9 : memref<128x128xf32, #tpu.memory_space<vmem>>) offsets(%dma_start3A_64 : memref<128xi32, #tpu.memory_space<vmem>>) semaphore(%arg12 : memref<!tpu.dma_semaphore, #tpu.memory_space<semaphore_mem>>)
    %dma_start3A_68 = arith.constant 1 : i32
    %dma_start3A_69 = arith.constant 0 : i32
    %dma_start3A_70 = tpu.memref_slice %arg7[%dma_start3A_68, %dma_start3A_69] : memref<40x128xi32, #tpu.memory_space<vmem>> -> memref<1x128xi32, #tpu.memory_space<vmem>>
    %dma_start3A_71 = tpu.memref_squeeze %dma_start3A_70 : memref<1x128xi32, #tpu.memory_space<vmem>> -> memref<128xi32, #tpu.memory_space<vmem>>
    %dma_start3A_72 = arith.constant 0 : i32
    %dma_start3A_73 = arith.constant 0 : i32
    %dma_start3A_74 = tpu.memref_slice %arg2[%dma_start3A_72, %dma_start3A_73] : memref<10000x128xf32, #tpu.memory_space<hbm>> -> memref<10000x128xf32, #tpu.memory_space<hbm>>
    tpu.enqueue_indirect_dma source(%dma_start3A_74 : memref<10000x128xf32, #tpu.memory_space<hbm>>) target(%arg10 : memref<128x128xf32, #tpu.memory_space<vmem>>) offsets(%dma_start3A_71 : memref<128xi32, #tpu.memory_space<vmem>>) semaphore(%arg13 : memref<!tpu.dma_semaphore, #tpu.memory_space<semaphore_mem>>)
    %scan3A_75 = arith.constant 0 : i32
    %scan3A_76 = arith.constant 0 : i32
    %scan3A_77 = arith.constant 19 : i32
    %scan3A_78 = arith.addi %scan3A_76, %scan3A_77 : i32
    %scan3A_79 = arith.constant 1 : i32
    scf.for %scan3A_138 = %scan3A_76 to %scan3A_78 step %scan3A_79  : i32 {
      %mul3A_139 = arith.constant 2 : i32
      %mul3A_140 = arith.muli %scan3A_138, %mul3A_139 : i32
      %add3A_141 = arith.constant 0 : i32
      %add3A_142 = arith.addi %mul3A_140, %add3A_141 : i32
      %dma_wait3A_143 = arith.constant 0 : i32
      %dma_wait3A_144 = tpu.memref_slice %arg7[%add3A_142, %dma_wait3A_143] : memref<40x128xi32, #tpu.memory_space<vmem>> -> memref<1x128xi32, #tpu.memory_space<vmem>>
      %dma_wait3A_145 = tpu.memref_squeeze %dma_wait3A_144 : memref<1x128xi32, #tpu.memory_space<vmem>> -> memref<128xi32, #tpu.memory_space<vmem>>
      %dma_wait3A_146 = arith.constant 0 : i32
      %dma_wait3A_147 = arith.constant 0 : i32
      %dma_wait3A_148 = tpu.memref_slice %arg2[%dma_wait3A_146, %dma_wait3A_147] : memref<10000x128xf32, #tpu.memory_space<hbm>> -> memref<10000x128xf32, #tpu.memory_space<hbm>>
      tpu.wait_indirect_dma semaphore(%arg12 : memref<!tpu.dma_semaphore, #tpu.memory_space<semaphore_mem>>) src(%dma_wait3A_148 : memref<10000x128xf32, #tpu.memory_space<hbm>>) dst(%arg9 : memref<128x128xf32, #tpu.memory_space<vmem>>)
      %add3A_149 = arith.constant 0 : i32
      %add3A_150 = arith.addi %mul3A_140, %add3A_149 : i32
      "tpu.region"() ({
        %run_scoped3A_181 = tpu.sem_alloc : memref<!tpu.dma_semaphore, #tpu.memory_space<semaphore_mem>>
        %dma_start3A_182 = arith.constant 0 : i32
        %dma_start3A_183 = tpu.memref_slice %arg8[%add3A_150, %dma_start3A_182] : memref<40x128xi32, #tpu.memory_space<vmem>> -> memref<1x128xi32, #tpu.memory_space<vmem>>
        %dma_start3A_184 = tpu.memref_squeeze %dma_start3A_183 : memref<1x128xi32, #tpu.memory_space<vmem>> -> memref<128xi32, #tpu.memory_space<vmem>>
        %dma_start3A_185 = arith.constant 0 : i32
        %dma_start3A_186 = arith.constant 0 : i32
        %dma_start3A_187 = tpu.memref_slice %arg11[%dma_start3A_185, %dma_start3A_186] : memref<10240x128xf32, #tpu.memory_space<vmem_shared>> -> memref<10240x128xf32, #tpu.memory_space<vmem_shared>>
        tpu.enqueue_indirect_dma source(%arg9 : memref<128x128xf32, #tpu.memory_space<vmem>>) target(%dma_start3A_187 : memref<10240x128xf32, #tpu.memory_space<vmem_shared>>) offsets(%dma_start3A_184 : memref<128xi32, #tpu.memory_space<vmem>>) semaphore(%run_scoped3A_181 : memref<!tpu.dma_semaphore, #tpu.memory_space<semaphore_mem>>) {add = true}
        %dma_wait3A_188 = arith.constant 0 : i32
        %dma_wait3A_189 = tpu.memref_slice %arg8[%add3A_150, %dma_wait3A_188] : memref<40x128xi32, #tpu.memory_space<vmem>> -> memref<1x128xi32, #tpu.memory_space<vmem>>
        %dma_wait3A_190 = tpu.memref_squeeze %dma_wait3A_189 : memref<1x128xi32, #tpu.memory_space<vmem>> -> memref<128xi32, #tpu.memory_space<vmem>>
        %dma_wait3A_191 = arith.constant 0 : i32
        %dma_wait3A_192 = arith.constant 0 : i32
        %dma_wait3A_193 = tpu.memref_slice %arg11[%dma_wait3A_191, %dma_wait3A_192] : memref<10240x128xf32, #tpu.memory_space<vmem_shared>> -> memref<10240x128xf32, #tpu.memory_space<vmem_shared>>
        tpu.wait_indirect_dma semaphore(%run_scoped3A_181 : memref<!tpu.dma_semaphore, #tpu.memory_space<semaphore_mem>>) src(%arg9 : memref<128x128xf32, #tpu.memory_space<vmem>>) dst(%dma_wait3A_193 : memref<10240x128xf32, #tpu.memory_space<vmem_shared>>)
        tpu.yield
      }) : () -> ()
      %add3A_151 = arith.constant 2 : i32
      %add3A_152 = arith.addi %mul3A_140, %add3A_151 : i32
      %add3A_153 = arith.constant 0 : i32
      %add3A_154 = arith.addi %add3A_152, %add3A_153 : i32
      %dma_start3A_155 = arith.constant 0 : i32
      %dma_start3A_156 = tpu.memref_slice %arg7[%add3A_154, %dma_start3A_155] : memref<40x128xi32, #tpu.memory_space<vmem>> -> memref<1x128xi32, #tpu.memory_space<vmem>>
      %dma_start3A_157 = tpu.memref_squeeze %dma_start3A_156 : memref<1x128xi32, #tpu.memory_space<vmem>> -> memref<128xi32, #tpu.memory_space<vmem>>
      %dma_start3A_158 = arith.constant 0 : i32
      %dma_start3A_159 = arith.constant 0 : i32
      %dma_start3A_160 = tpu.memref_slice %arg2[%dma_start3A_158, %dma_start3A_159] : memref<10000x128xf32, #tpu.memory_space<hbm>> -> memref<10000x128xf32, #tpu.memory_space<hbm>>
      tpu.enqueue_indirect_dma source(%dma_start3A_160 : memref<10000x128xf32, #tpu.memory_space<hbm>>) target(%arg9 : memref<128x128xf32, #tpu.memory_space<vmem>>) offsets(%dma_start3A_157 : memref<128xi32, #tpu.memory_space<vmem>>) semaphore(%arg12 : memref<!tpu.dma_semaphore, #tpu.memory_space<semaphore_mem>>)
      %add3A_161 = arith.constant 1 : i32
      %add3A_162 = arith.addi %mul3A_140, %add3A_161 : i32
      %dma_wait3A_163 = arith.constant 0 : i32
      %dma_wait3A_164 = tpu.memref_slice %arg7[%add3A_162, %dma_wait3A_163] : memref<40x128xi32, #tpu.memory_space<vmem>> -> memref<1x128xi32, #tpu.memory_space<vmem>>
      %dma_wait3A_165 = tpu.memref_squeeze %dma_wait3A_164 : memref<1x128xi32, #tpu.memory_space<vmem>> -> memref<128xi32, #tpu.memory_space<vmem>>
      %dma_wait3A_166 = arith.constant 0 : i32
      %dma_wait3A_167 = arith.constant 0 : i32
      %dma_wait3A_168 = tpu.memref_slice %arg2[%dma_wait3A_166, %dma_wait3A_167] : memref<10000x128xf32, #tpu.memory_space<hbm>> -> memref<10000x128xf32, #tpu.memory_space<hbm>>
      tpu.wait_indirect_dma semaphore(%arg13 : memref<!tpu.dma_semaphore, #tpu.memory_space<semaphore_mem>>) src(%dma_wait3A_168 : memref<10000x128xf32, #tpu.memory_space<hbm>>) dst(%arg10 : memref<128x128xf32, #tpu.memory_space<vmem>>)
      %add3A_169 = arith.constant 1 : i32
      %add3A_170 = arith.addi %mul3A_140, %add3A_169 : i32
      "tpu.region"() ({
        %run_scoped3A_181 = tpu.sem_alloc : memref<!tpu.dma_semaphore, #tpu.memory_space<semaphore_mem>>
        %dma_start3A_182 = arith.constant 0 : i32
        %dma_start3A_183 = tpu.memref_slice %arg8[%add3A_170, %dma_start3A_182] : memref<40x128xi32, #tpu.memory_space<vmem>> -> memref<1x128xi32, #tpu.memory_space<vmem>>
        %dma_start3A_184 = tpu.memref_squeeze %dma_start3A_183 : memref<1x128xi32, #tpu.memory_space<vmem>> -> memref<128xi32, #tpu.memory_space<vmem>>
        %dma_start3A_185 = arith.constant 0 : i32
        %dma_start3A_186 = arith.constant 0 : i32
        %dma_start3A_187 = tpu.memref_slice %arg11[%dma_start3A_185, %dma_start3A_186] : memref<10240x128xf32, #tpu.memory_space<vmem_shared>> -> memref<10240x128xf32, #tpu.memory_space<vmem_shared>>
        tpu.enqueue_indirect_dma source(%arg10 : memref<128x128xf32, #tpu.memory_space<vmem>>) target(%dma_start3A_187 : memref<10240x128xf32, #tpu.memory_space<vmem_shared>>) offsets(%dma_start3A_184 : memref<128xi32, #tpu.memory_space<vmem>>) semaphore(%run_scoped3A_181 : memref<!tpu.dma_semaphore, #tpu.memory_space<semaphore_mem>>) {add = true}
        %dma_wait3A_188 = arith.constant 0 : i32
        %dma_wait3A_189 = tpu.memref_slice %arg8[%add3A_170, %dma_wait3A_188] : memref<40x128xi32, #tpu.memory_space<vmem>> -> memref<1x128xi32, #tpu.memory_space<vmem>>
        %dma_wait3A_190 = tpu.memref_squeeze %dma_wait3A_189 : memref<1x128xi32, #tpu.memory_space<vmem>> -> memref<128xi32, #tpu.memory_space<vmem>>
        %dma_wait3A_191 = arith.constant 0 : i32
        %dma_wait3A_192 = arith.constant 0 : i32
        %dma_wait3A_193 = tpu.memref_slice %arg11[%dma_wait3A_191, %dma_wait3A_192] : memref<10240x128xf32, #tpu.memory_space<vmem_shared>> -> memref<10240x128xf32, #tpu.memory_space<vmem_shared>>
        tpu.wait_indirect_dma semaphore(%run_scoped3A_181 : memref<!tpu.dma_semaphore, #tpu.memory_space<semaphore_mem>>) src(%arg10 : memref<128x128xf32, #tpu.memory_space<vmem>>) dst(%dma_wait3A_193 : memref<10240x128xf32, #tpu.memory_space<vmem_shared>>)
        tpu.yield
      }) : () -> ()
      %add3A_171 = arith.constant 2 : i32
      %add3A_172 = arith.addi %mul3A_140, %add3A_171 : i32
      %add3A_173 = arith.constant 1 : i32
      %add3A_174 = arith.addi %add3A_172, %add3A_173 : i32
      %dma_start3A_175 = arith.constant 0 : i32
      %dma_start3A_176 = tpu.memref_slice %arg7[%add3A_174, %dma_start3A_175] : memref<40x128xi32, #tpu.memory_space<vmem>> -> memref<1x128xi32, #tpu.memory_space<vmem>>
      %dma_start3A_177 = tpu.memref_squeeze %dma_start3A_176 : memref<1x128xi32, #tpu.memory_space<vmem>> -> memref<128xi32, #tpu.memory_space<vmem>>
      %dma_start3A_178 = arith.constant 0 : i32
      %dma_start3A_179 = arith.constant 0 : i32
      %dma_start3A_180 = tpu.memref_slice %arg2[%dma_start3A_178, %dma_start3A_179] : memref<10000x128xf32, #tpu.memory_space<hbm>> -> memref<10000x128xf32, #tpu.memory_space<hbm>>
      tpu.enqueue_indirect_dma source(%dma_start3A_180 : memref<10000x128xf32, #tpu.memory_space<hbm>>) target(%arg10 : memref<128x128xf32, #tpu.memory_space<vmem>>) offsets(%dma_start3A_177 : memref<128xi32, #tpu.memory_space<vmem>>) semaphore(%arg13 : memref<!tpu.dma_semaphore, #tpu.memory_space<semaphore_mem>>)
    }
    %scan3A_80 = arith.constant 19 : i32
    %dma_wait3A_81 = arith.constant 38 : i32
    %dma_wait3A_82 = arith.constant 0 : i32
    %dma_wait3A_83 = tpu.memref_slice %arg7[%dma_wait3A_81, %dma_wait3A_82] : memref<40x128xi32, #tpu.memory_space<vmem>> -> memref<1x128xi32, #tpu.memory_space<vmem>>
    %dma_wait3A_84 = tpu.memref_squeeze %dma_wait3A_83 : memref<1x128xi32, #tpu.memory_space<vmem>> -> memref<128xi32, #tpu.memory_space<vmem>>
    %dma_wait3A_85 = arith.constant 0 : i32
    %dma_wait3A_86 = arith.constant 0 : i32
    %dma_wait3A_87 = tpu.memref_slice %arg2[%dma_wait3A_85, %dma_wait3A_86] : memref<10000x128xf32, #tpu.memory_space<hbm>> -> memref<10000x128xf32, #tpu.memory_space<hbm>>
    tpu.wait_indirect_dma semaphore(%arg12 : memref<!tpu.dma_semaphore, #tpu.memory_space<semaphore_mem>>) src(%dma_wait3A_87 : memref<10000x128xf32, #tpu.memory_space<hbm>>) dst(%arg9 : memref<128x128xf32, #tpu.memory_space<vmem>>)
    %run_scoped3A_88 = arith.constant 38 : i32
    "tpu.region"() ({
      %run_scoped3A_138 = tpu.sem_alloc : memref<!tpu.dma_semaphore, #tpu.memory_space<semaphore_mem>>
      %dma_start3A_139 = arith.constant 0 : i32
      %dma_start3A_140 = tpu.memref_slice %arg8[%run_scoped3A_88, %dma_start3A_139] : memref<40x128xi32, #tpu.memory_space<vmem>> -> memref<1x128xi32, #tpu.memory_space<vmem>>
      %dma_start3A_141 = tpu.memref_squeeze %dma_start3A_140 : memref<1x128xi32, #tpu.memory_space<vmem>> -> memref<128xi32, #tpu.memory_space<vmem>>
      %dma_start3A_142 = arith.constant 0 : i32
      %dma_start3A_143 = arith.constant 0 : i32
      %dma_start3A_144 = tpu.memref_slice %arg11[%dma_start3A_142, %dma_start3A_143] : memref<10240x128xf32, #tpu.memory_space<vmem_shared>> -> memref<10240x128xf32, #tpu.memory_space<vmem_shared>>
      tpu.enqueue_indirect_dma source(%arg9 : memref<128x128xf32, #tpu.memory_space<vmem>>) target(%dma_start3A_144 : memref<10240x128xf32, #tpu.memory_space<vmem_shared>>) offsets(%dma_start3A_141 : memref<128xi32, #tpu.memory_space<vmem>>) semaphore(%run_scoped3A_138 : memref<!tpu.dma_semaphore, #tpu.memory_space<semaphore_mem>>) {add = true}
      %dma_wait3A_145 = arith.constant 0 : i32
      %dma_wait3A_146 = tpu.memref_slice %arg8[%run_scoped3A_88, %dma_wait3A_145] : memref<40x128xi32, #tpu.memory_space<vmem>> -> memref<1x128xi32, #tpu.memory_space<vmem>>
      %dma_wait3A_147 = tpu.memref_squeeze %dma_wait3A_146 : memref<1x128xi32, #tpu.memory_space<vmem>> -> memref<128xi32, #tpu.memory_space<vmem>>
      %dma_wait3A_148 = arith.constant 0 : i32
      %dma_wait3A_149 = arith.constant 0 : i32
      %dma_wait3A_150 = tpu.memref_slice %arg11[%dma_wait3A_148, %dma_wait3A_149] : memref<10240x128xf32, #tpu.memory_space<vmem_shared>> -> memref<10240x128xf32, #tpu.memory_space<vmem_shared>>
      tpu.wait_indirect_dma semaphore(%run_scoped3A_138 : memref<!tpu.dma_semaphore, #tpu.memory_space<semaphore_mem>>) src(%arg9 : memref<128x128xf32, #tpu.memory_space<vmem>>) dst(%dma_wait3A_150 : memref<10240x128xf32, #tpu.memory_space<vmem_shared>>)
      tpu.yield
    }) : () -> ()
    %dma_wait3A_89 = arith.constant 39 : i32
    %dma_wait3A_90 = arith.constant 0 : i32
    %dma_wait3A_91 = tpu.memref_slice %arg7[%dma_wait3A_89, %dma_wait3A_90] : memref<40x128xi32, #tpu.memory_space<vmem>> -> memref<1x128xi32, #tpu.memory_space<vmem>>
    %dma_wait3A_92 = tpu.memref_squeeze %dma_wait3A_91 : memref<1x128xi32, #tpu.memory_space<vmem>> -> memref<128xi32, #tpu.memory_space<vmem>>
    %dma_wait3A_93 = arith.constant 0 : i32
    %dma_wait3A_94 = arith.constant 0 : i32
    %dma_wait3A_95 = tpu.memref_slice %arg2[%dma_wait3A_93, %dma_wait3A_94] : memref<10000x128xf32, #tpu.memory_space<hbm>> -> memref<10000x128xf32, #tpu.memory_space<hbm>>
    tpu.wait_indirect_dma semaphore(%arg13 : memref<!tpu.dma_semaphore, #tpu.memory_space<semaphore_mem>>) src(%dma_wait3A_95 : memref<10000x128xf32, #tpu.memory_space<hbm>>) dst(%arg10 : memref<128x128xf32, #tpu.memory_space<vmem>>)
    %run_scoped3A_96 = arith.constant 39 : i32
    "tpu.region"() ({
      %run_scoped3A_138 = tpu.sem_alloc : memref<!tpu.dma_semaphore, #tpu.memory_space<semaphore_mem>>
      %dma_start3A_139 = arith.constant 0 : i32
      %dma_start3A_140 = tpu.memref_slice %arg8[%run_scoped3A_96, %dma_start3A_139] : memref<40x128xi32, #tpu.memory_space<vmem>> -> memref<1x128xi32, #tpu.memory_space<vmem>>
      %dma_start3A_141 = tpu.memref_squeeze %dma_start3A_140 : memref<1x128xi32, #tpu.memory_space<vmem>> -> memref<128xi32, #tpu.memory_space<vmem>>
      %dma_start3A_142 = arith.constant 0 : i32
      %dma_start3A_143 = arith.constant 0 : i32
      %dma_start3A_144 = tpu.memref_slice %arg11[%dma_start3A_142, %dma_start3A_143] : memref<10240x128xf32, #tpu.memory_space<vmem_shared>> -> memref<10240x128xf32, #tpu.memory_space<vmem_shared>>
      tpu.enqueue_indirect_dma source(%arg10 : memref<128x128xf32, #tpu.memory_space<vmem>>) target(%dma_start3A_144 : memref<10240x128xf32, #tpu.memory_space<vmem_shared>>) offsets(%dma_start3A_141 : memref<128xi32, #tpu.memory_space<vmem>>) semaphore(%run_scoped3A_138 : memref<!tpu.dma_semaphore, #tpu.memory_space<semaphore_mem>>) {add = true}
      %dma_wait3A_145 = arith.constant 0 : i32
      %dma_wait3A_146 = tpu.memref_slice %arg8[%run_scoped3A_96, %dma_wait3A_145] : memref<40x128xi32, #tpu.memory_space<vmem>> -> memref<1x128xi32, #tpu.memory_space<vmem>>
      %dma_wait3A_147 = tpu.memref_squeeze %dma_wait3A_146 : memref<1x128xi32, #tpu.memory_space<vmem>> -> memref<128xi32, #tpu.memory_space<vmem>>
      %dma_wait3A_148 = arith.constant 0 : i32
      %dma_wait3A_149 = arith.constant 0 : i32
      %dma_wait3A_150 = tpu.memref_slice %arg11[%dma_wait3A_148, %dma_wait3A_149] : memref<10240x128xf32, #tpu.memory_space<vmem_shared>> -> memref<10240x128xf32, #tpu.memory_space<vmem_shared>>
      tpu.wait_indirect_dma semaphore(%run_scoped3A_138 : memref<!tpu.dma_semaphore, #tpu.memory_space<semaphore_mem>>) src(%arg10 : memref<128x128xf32, #tpu.memory_space<vmem>>) dst(%dma_wait3A_150 : memref<10240x128xf32, #tpu.memory_space<vmem_shared>>)
      tpu.yield
    }) : () -> ()
    %barrier3A_97 = arith.constant 0 : index
    tpu.barrier barrier_id(%barrier3A_97)
    %mul3A_98 = arith.constant 640 : i32
    %mul3A_99 = arith.muli %arg1, %mul3A_98 : i32
    %add3A_100 = arith.constant 0 : i32
    %add3A_101 = arith.addi %mul3A_99, %add3A_100 : i32
    "tpu.region"() ({
      %run_scoped3A_138 = tpu.sem_alloc : memref<!tpu.dma_semaphore, #tpu.memory_space<semaphore_mem>>
      %dma_start3A_139 = arith.constant 0 : i32
      %dma_start3A_140 = tpu.memref_slice %arg11[%add3A_101, %dma_start3A_139] : memref<10240x128xf32, #tpu.memory_space<vmem_shared>> -> memref<128x128xf32, #tpu.memory_space<vmem_shared>>
      %dma_start3A_141 = arith.constant 0 : i32
      %dma_start3A_142 = tpu.memref_slice %arg11[%add3A_101, %dma_start3A_141] : memref<10240x128xf32, #tpu.memory_space<vmem_shared>> -> memref<128x128xf32, #tpu.memory_space<vmem_shared>>
      tpu.enqueue_dma source(%dma_start3A_142 : memref<128x128xf32, #tpu.memory_space<vmem_shared>>) target(%arg9 : memref<128x128xf32, #tpu.memory_space<vmem>>) target_semaphore(%run_scoped3A_138 : memref<!tpu.dma_semaphore, #tpu.memory_space<semaphore_mem>>)
      %dma_wait3A_143 = arith.constant 0 : i32
      %dma_wait3A_144 = tpu.memref_slice %arg11[%add3A_101, %dma_wait3A_143] : memref<10240x128xf32, #tpu.memory_space<vmem_shared>> -> memref<128x128xf32, #tpu.memory_space<vmem_shared>>
      %dma_wait3A_145 = arith.constant 0 : i32
      %dma_wait3A_146 = tpu.memref_slice %arg11[%add3A_101, %dma_wait3A_145] : memref<10240x128xf32, #tpu.memory_space<vmem_shared>> -> memref<128x128xf32, #tpu.memory_space<vmem_shared>>
      tpu.wait_dma2 semaphore(%run_scoped3A_138 : memref<!tpu.dma_semaphore, #tpu.memory_space<semaphore_mem>>) src(%dma_wait3A_146 : memref<128x128xf32, #tpu.memory_space<vmem_shared>>) dst(%arg9 : memref<128x128xf32, #tpu.memory_space<vmem>>)
      tpu.yield
    }) : () -> ()
    %mul3A_102 = arith.constant 640 : i32
    %mul3A_103 = arith.muli %arg1, %mul3A_102 : i32
    %add3A_104 = arith.constant 0 : i32
    %add3A_105 = arith.addi %mul3A_103, %add3A_104 : i32
    "tpu.region"() ({
      %run_scoped3A_138 = tpu.sem_alloc : memref<!tpu.dma_semaphore, #tpu.memory_space<semaphore_mem>>
      %dma_start3A_139 = arith.constant 0 : i32
      %dma_start3A_140 = tpu.memref_slice %arg6[%arg0, %add3A_105, %dma_start3A_139] : memref<2x10240x128xf32, #tpu.memory_space<hbm>> -> memref<1x128x128xf32, #tpu.memory_space<hbm>>
      %dma_start3A_141 = tpu.memref_squeeze %dma_start3A_140 : memref<1x128x128xf32, #tpu.memory_space<hbm>> -> memref<128x128xf32, #tpu.memory_space<hbm>>
      %dma_start3A_142 = arith.constant 0 : i32
      %dma_start3A_143 = tpu.memref_slice %arg6[%arg0, %add3A_105, %dma_start3A_142] : memref<2x10240x128xf32, #tpu.memory_space<hbm>> -> memref<1x128x128xf32, #tpu.memory_space<hbm>>
      %dma_start3A_144 = tpu.memref_squeeze %dma_start3A_143 : memref<1x128x128xf32, #tpu.memory_space<hbm>> -> memref<128x128xf32, #tpu.memory_space<hbm>>
      tpu.enqueue_dma source(%arg9 : memref<128x128xf32, #tpu.memory_space<vmem>>) target(%dma_start3A_144 : memref<128x128xf32, #tpu.memory_space<hbm>>) target_semaphore(%run_scoped3A_138 : memref<!tpu.dma_semaphore, #tpu.memory_space<semaphore_mem>>)
      %dma_wait3A_145 = arith.constant 0 : i32
      %dma_wait3A_146 = tpu.memref_slice %arg6[%arg0, %add3A_105, %dma_wait3A_145] : memref<2x10240x128xf32, #tpu.memory_space<hbm>> -> memref<1x128x128xf32, #tpu.memory_space<hbm>>
      %dma_wait3A_147 = tpu.memref_squeeze %dma_wait3A_146 : memref<1x128x128xf32, #tpu.memory_space<hbm>> -> memref<128x128xf32, #tpu.memory_space<hbm>>
      %dma_wait3A_148 = arith.constant 0 : i32
      %dma_wait3A_149 = tpu.memref_slice %arg6[%arg0, %add3A_105, %dma_wait3A_148] : memref<2x10240x128xf32, #tpu.memory_space<hbm>> -> memref<1x128x128xf32, #tpu.memory_space<hbm>>
      %dma_wait3A_150 = tpu.memref_squeeze %dma_wait3A_149 : memref<1x128x128xf32, #tpu.memory_space<hbm>> -> memref<128x128xf32, #tpu.memory_space<hbm>>
      tpu.wait_dma2 semaphore(%run_scoped3A_138 : memref<!tpu.dma_semaphore, #tpu.memory_space<semaphore_mem>>) src(%arg9 : memref<128x128xf32, #tpu.memory_space<vmem>>) dst(%dma_wait3A_150 : memref<128x128xf32, #tpu.memory_space<hbm>>)
      tpu.yield
    }) : () -> ()
    %mul3A_106 = arith.constant 640 : i32
    %mul3A_107 = arith.muli %arg1, %mul3A_106 : i32
    %add3A_108 = arith.constant 128 : i32
    %add3A_109 = arith.addi %mul3A_107, %add3A_108 : i32
    "tpu.region"() ({
      %run_scoped3A_138 = tpu.sem_alloc : memref<!tpu.dma_semaphore, #tpu.memory_space<semaphore_mem>>
      %dma_start3A_139 = arith.constant 0 : i32
      %dma_start3A_140 = tpu.memref_slice %arg11[%add3A_109, %dma_start3A_139] : memref<10240x128xf32, #tpu.memory_space<vmem_shared>> -> memref<128x128xf32, #tpu.memory_space<vmem_shared>>
      %dma_start3A_141 = arith.constant 0 : i32
      %dma_start3A_142 = tpu.memref_slice %arg11[%add3A_109, %dma_start3A_141] : memref<10240x128xf32, #tpu.memory_space<vmem_shared>> -> memref<128x128xf32, #tpu.memory_space<vmem_shared>>
      tpu.enqueue_dma source(%dma_start3A_142 : memref<128x128xf32, #tpu.memory_space<vmem_shared>>) target(%arg10 : memref<128x128xf32, #tpu.memory_space<vmem>>) target_semaphore(%run_scoped3A_138 : memref<!tpu.dma_semaphore, #tpu.memory_space<semaphore_mem>>)
      %dma_wait3A_143 = arith.constant 0 : i32
      %dma_wait3A_144 = tpu.memref_slice %arg11[%add3A_109, %dma_wait3A_143] : memref<10240x128xf32, #tpu.memory_space<vmem_shared>> -> memref<128x128xf32, #tpu.memory_space<vmem_shared>>
      %dma_wait3A_145 = arith.constant 0 : i32
      %dma_wait3A_146 = tpu.memref_slice %arg11[%add3A_109, %dma_wait3A_145] : memref<10240x128xf32, #tpu.memory_space<vmem_shared>> -> memref<128x128xf32, #tpu.memory_space<vmem_shared>>
      tpu.wait_dma2 semaphore(%run_scoped3A_138 : memref<!tpu.dma_semaphore, #tpu.memory_space<semaphore_mem>>) src(%dma_wait3A_146 : memref<128x128xf32, #tpu.memory_space<vmem_shared>>) dst(%arg10 : memref<128x128xf32, #tpu.memory_space<vmem>>)
      tpu.yield
    }) : () -> ()
    %mul3A_110 = arith.constant 640 : i32
    %mul3A_111 = arith.muli %arg1, %mul3A_110 : i32
    %add3A_112 = arith.constant 128 : i32
    %add3A_113 = arith.addi %mul3A_111, %add3A_112 : i32
    "tpu.region"() ({
      %run_scoped3A_138 = tpu.sem_alloc : memref<!tpu.dma_semaphore, #tpu.memory_space<semaphore_mem>>
      %dma_start3A_139 = arith.constant 0 : i32
      %dma_start3A_140 = tpu.memref_slice %arg6[%arg0, %add3A_113, %dma_start3A_139] : memref<2x10240x128xf32, #tpu.memory_space<hbm>> -> memref<1x128x128xf32, #tpu.memory_space<hbm>>
      %dma_start3A_141 = tpu.memref_squeeze %dma_start3A_140 : memref<1x128x128xf32, #tpu.memory_space<hbm>> -> memref<128x128xf32, #tpu.memory_space<hbm>>
      %dma_start3A_142 = arith.constant 0 : i32
      %dma_start3A_143 = tpu.memref_slice %arg6[%arg0, %add3A_113, %dma_start3A_142] : memref<2x10240x128xf32, #tpu.memory_space<hbm>> -> memref<1x128x128xf32, #tpu.memory_space<hbm>>
      %dma_start3A_144 = tpu.memref_squeeze %dma_start3A_143 : memref<1x128x128xf32, #tpu.memory_space<hbm>> -> memref<128x128xf32, #tpu.memory_space<hbm>>
      tpu.enqueue_dma source(%arg10 : memref<128x128xf32, #tpu.memory_space<vmem>>) target(%dma_start3A_144 : memref<128x128xf32, #tpu.memory_space<hbm>>) target_semaphore(%run_scoped3A_138 : memref<!tpu.dma_semaphore, #tpu.memory_space<semaphore_mem>>)
      %dma_wait3A_145 = arith.constant 0 : i32
      %dma_wait3A_146 = tpu.memref_slice %arg6[%arg0, %add3A_113, %dma_wait3A_145] : memref<2x10240x128xf32, #tpu.memory_space<hbm>> -> memref<1x128x128xf32, #tpu.memory_space<hbm>>
      %dma_wait3A_147 = tpu.memref_squeeze %dma_wait3A_146 : memref<1x128x128xf32, #tpu.memory_space<hbm>> -> memref<128x128xf32, #tpu.memory_space<hbm>>
      %dma_wait3A_148 = arith.constant 0 : i32
      %dma_wait3A_149 = tpu.memref_slice %arg6[%arg0, %add3A_113, %dma_wait3A_148] : memref<2x10240x128xf32, #tpu.memory_space<hbm>> -> memref<1x128x128xf32, #tpu.memory_space<hbm>>
      %dma_wait3A_150 = tpu.memref_squeeze %dma_wait3A_149 : memref<1x128x128xf32, #tpu.memory_space<hbm>> -> memref<128x128xf32, #tpu.memory_space<hbm>>
      tpu.wait_dma2 semaphore(%run_scoped3A_138 : memref<!tpu.dma_semaphore, #tpu.memory_space<semaphore_mem>>) src(%arg10 : memref<128x128xf32, #tpu.memory_space<vmem>>) dst(%dma_wait3A_150 : memref<128x128xf32, #tpu.memory_space<hbm>>)
      tpu.yield
    }) : () -> ()
    %mul3A_114 = arith.constant 640 : i32
    %mul3A_115 = arith.muli %arg1, %mul3A_114 : i32
    %add3A_116 = arith.constant 256 : i32
    %add3A_117 = arith.addi %mul3A_115, %add3A_116 : i32
    "tpu.region"() ({
      %run_scoped3A_138 = tpu.sem_alloc : memref<!tpu.dma_semaphore, #tpu.memory_space<semaphore_mem>>
      %dma_start3A_139 = arith.constant 0 : i32
      %dma_start3A_140 = tpu.memref_slice %arg11[%add3A_117, %dma_start3A_139] : memref<10240x128xf32, #tpu.memory_space<vmem_shared>> -> memref<128x128xf32, #tpu.memory_space<vmem_shared>>
      %dma_start3A_141 = arith.constant 0 : i32
      %dma_start3A_142 = tpu.memref_slice %arg11[%add3A_117, %dma_start3A_141] : memref<10240x128xf32, #tpu.memory_space<vmem_shared>> -> memref<128x128xf32, #tpu.memory_space<vmem_shared>>
      tpu.enqueue_dma source(%dma_start3A_142 : memref<128x128xf32, #tpu.memory_space<vmem_shared>>) target(%arg9 : memref<128x128xf32, #tpu.memory_space<vmem>>) target_semaphore(%run_scoped3A_138 : memref<!tpu.dma_semaphore, #tpu.memory_space<semaphore_mem>>)
      %dma_wait3A_143 = arith.constant 0 : i32
      %dma_wait3A_144 = tpu.memref_slice %arg11[%add3A_117, %dma_wait3A_143] : memref<10240x128xf32, #tpu.memory_space<vmem_shared>> -> memref<128x128xf32, #tpu.memory_space<vmem_shared>>
      %dma_wait3A_145 = arith.constant 0 : i32
      %dma_wait3A_146 = tpu.memref_slice %arg11[%add3A_117, %dma_wait3A_145] : memref<10240x128xf32, #tpu.memory_space<vmem_shared>> -> memref<128x128xf32, #tpu.memory_space<vmem_shared>>
      tpu.wait_dma2 semaphore(%run_scoped3A_138 : memref<!tpu.dma_semaphore, #tpu.memory_space<semaphore_mem>>) src(%dma_wait3A_146 : memref<128x128xf32, #tpu.memory_space<vmem_shared>>) dst(%arg9 : memref<128x128xf32, #tpu.memory_space<vmem>>)
      tpu.yield
    }) : () -> ()
    %mul3A_118 = arith.constant 640 : i32
    %mul3A_119 = arith.muli %arg1, %mul3A_118 : i32
    %add3A_120 = arith.constant 256 : i32
    %add3A_121 = arith.addi %mul3A_119, %add3A_120 : i32
    "tpu.region"() ({
      %run_scoped3A_138 = tpu.sem_alloc : memref<!tpu.dma_semaphore, #tpu.memory_space<semaphore_mem>>
      %dma_start3A_139 = arith.constant 0 : i32
      %dma_start3A_140 = tpu.memref_slice %arg6[%arg0, %add3A_121, %dma_start3A_139] : memref<2x10240x128xf32, #tpu.memory_space<hbm>> -> memref<1x128x128xf32, #tpu.memory_space<hbm>>
      %dma_start3A_141 = tpu.memref_squeeze %dma_start3A_140 : memref<1x128x128xf32, #tpu.memory_space<hbm>> -> memref<128x128xf32, #tpu.memory_space<hbm>>
      %dma_start3A_142 = arith.constant 0 : i32
      %dma_start3A_143 = tpu.memref_slice %arg6[%arg0, %add3A_121, %dma_start3A_142] : memref<2x10240x128xf32, #tpu.memory_space<hbm>> -> memref<1x128x128xf32, #tpu.memory_space<hbm>>
      %dma_start3A_144 = tpu.memref_squeeze %dma_start3A_143 : memref<1x128x128xf32, #tpu.memory_space<hbm>> -> memref<128x128xf32, #tpu.memory_space<hbm>>
      tpu.enqueue_dma source(%arg9 : memref<128x128xf32, #tpu.memory_space<vmem>>) target(%dma_start3A_144 : memref<128x128xf32, #tpu.memory_space<hbm>>) target_semaphore(%run_scoped3A_138 : memref<!tpu.dma_semaphore, #tpu.memory_space<semaphore_mem>>)
      %dma_wait3A_145 = arith.constant 0 : i32
      %dma_wait3A_146 = tpu.memref_slice %arg6[%arg0, %add3A_121, %dma_wait3A_145] : memref<2x10240x128xf32, #tpu.memory_space<hbm>> -> memref<1x128x128xf32, #tpu.memory_space<hbm>>
      %dma_wait3A_147 = tpu.memref_squeeze %dma_wait3A_146 : memref<1x128x128xf32, #tpu.memory_space<hbm>> -> memref<128x128xf32, #tpu.memory_space<hbm>>
      %dma_wait3A_148 = arith.constant 0 : i32
      %dma_wait3A_149 = tpu.memref_slice %arg6[%arg0, %add3A_121, %dma_wait3A_148] : memref<2x10240x128xf32, #tpu.memory_space<hbm>> -> memref<1x128x128xf32, #tpu.memory_space<hbm>>
      %dma_wait3A_150 = tpu.memref_squeeze %dma_wait3A_149 : memref<1x128x128xf32, #tpu.memory_space<hbm>> -> memref<128x128xf32, #tpu.memory_space<hbm>>
      tpu.wait_dma2 semaphore(%run_scoped3A_138 : memref<!tpu.dma_semaphore, #tpu.memory_space<semaphore_mem>>) src(%arg9 : memref<128x128xf32, #tpu.memory_space<vmem>>) dst(%dma_wait3A_150 : memref<128x128xf32, #tpu.memory_space<hbm>>)
      tpu.yield
    }) : () -> ()
    %mul3A_122 = arith.constant 640 : i32
    %mul3A_123 = arith.muli %arg1, %mul3A_122 : i32
    %add3A_124 = arith.constant 384 : i32
    %add3A_125 = arith.addi %mul3A_123, %add3A_124 : i32
    "tpu.region"() ({
      %run_scoped3A_138 = tpu.sem_alloc : memref<!tpu.dma_semaphore, #tpu.memory_space<semaphore_mem>>
      %dma_start3A_139 = arith.constant 0 : i32
      %dma_start3A_140 = tpu.memref_slice %arg11[%add3A_125, %dma_start3A_139] : memref<10240x128xf32, #tpu.memory_space<vmem_shared>> -> memref<128x128xf32, #tpu.memory_space<vmem_shared>>
      %dma_start3A_141 = arith.constant 0 : i32
      %dma_start3A_142 = tpu.memref_slice %arg11[%add3A_125, %dma_start3A_141] : memref<10240x128xf32, #tpu.memory_space<vmem_shared>> -> memref<128x128xf32, #tpu.memory_space<vmem_shared>>
      tpu.enqueue_dma source(%dma_start3A_142 : memref<128x128xf32, #tpu.memory_space<vmem_shared>>) target(%arg10 : memref<128x128xf32, #tpu.memory_space<vmem>>) target_semaphore(%run_scoped3A_138 : memref<!tpu.dma_semaphore, #tpu.memory_space<semaphore_mem>>)
      %dma_wait3A_143 = arith.constant 0 : i32
      %dma_wait3A_144 = tpu.memref_slice %arg11[%add3A_125, %dma_wait3A_143] : memref<10240x128xf32, #tpu.memory_space<vmem_shared>> -> memref<128x128xf32, #tpu.memory_space<vmem_shared>>
      %dma_wait3A_145 = arith.constant 0 : i32
      %dma_wait3A_146 = tpu.memref_slice %arg11[%add3A_125, %dma_wait3A_145] : memref<10240x128xf32, #tpu.memory_space<vmem_shared>> -> memref<128x128xf32, #tpu.memory_space<vmem_shared>>
      tpu.wait_dma2 semaphore(%run_scoped3A_138 : memref<!tpu.dma_semaphore, #tpu.memory_space<semaphore_mem>>) src(%dma_wait3A_146 : memref<128x128xf32, #tpu.memory_space<vmem_shared>>) dst(%arg10 : memref<128x128xf32, #tpu.memory_space<vmem>>)
      tpu.yield
    }) : () -> ()
    %mul3A_126 = arith.constant 640 : i32
    %mul3A_127 = arith.muli %arg1, %mul3A_126 : i32
    %add3A_128 = arith.constant 384 : i32
    %add3A_129 = arith.addi %mul3A_127, %add3A_128 : i32
    "tpu.region"() ({
      %run_scoped3A_138 = tpu.sem_alloc : memref<!tpu.dma_semaphore, #tpu.memory_space<semaphore_mem>>
      %dma_start3A_139 = arith.constant 0 : i32
      %dma_start3A_140 = tpu.memref_slice %arg6[%arg0, %add3A_129, %dma_start3A_139] : memref<2x10240x128xf32, #tpu.memory_space<hbm>> -> memref<1x128x128xf32, #tpu.memory_space<hbm>>
      %dma_start3A_141 = tpu.memref_squeeze %dma_start3A_140 : memref<1x128x128xf32, #tpu.memory_space<hbm>> -> memref<128x128xf32, #tpu.memory_space<hbm>>
      %dma_start3A_142 = arith.constant 0 : i32
      %dma_start3A_143 = tpu.memref_slice %arg6[%arg0, %add3A_129, %dma_start3A_142] : memref<2x10240x128xf32, #tpu.memory_space<hbm>> -> memref<1x128x128xf32, #tpu.memory_space<hbm>>
      %dma_start3A_144 = tpu.memref_squeeze %dma_start3A_143 : memref<1x128x128xf32, #tpu.memory_space<hbm>> -> memref<128x128xf32, #tpu.memory_space<hbm>>
      tpu.enqueue_dma source(%arg10 : memref<128x128xf32, #tpu.memory_space<vmem>>) target(%dma_start3A_144 : memref<128x128xf32, #tpu.memory_space<hbm>>) target_semaphore(%run_scoped3A_138 : memref<!tpu.dma_semaphore, #tpu.memory_space<semaphore_mem>>)
      %dma_wait3A_145 = arith.constant 0 : i32
      %dma_wait3A_146 = tpu.memref_slice %arg6[%arg0, %add3A_129, %dma_wait3A_145] : memref<2x10240x128xf32, #tpu.memory_space<hbm>> -> memref<1x128x128xf32, #tpu.memory_space<hbm>>
      %dma_wait3A_147 = tpu.memref_squeeze %dma_wait3A_146 : memref<1x128x128xf32, #tpu.memory_space<hbm>> -> memref<128x128xf32, #tpu.memory_space<hbm>>
      %dma_wait3A_148 = arith.constant 0 : i32
      %dma_wait3A_149 = tpu.memref_slice %arg6[%arg0, %add3A_129, %dma_wait3A_148] : memref<2x10240x128xf32, #tpu.memory_space<hbm>> -> memref<1x128x128xf32, #tpu.memory_space<hbm>>
      %dma_wait3A_150 = tpu.memref_squeeze %dma_wait3A_149 : memref<1x128x128xf32, #tpu.memory_space<hbm>> -> memref<128x128xf32, #tpu.memory_space<hbm>>
      tpu.wait_dma2 semaphore(%run_scoped3A_138 : memref<!tpu.dma_semaphore, #tpu.memory_space<semaphore_mem>>) src(%arg10 : memref<128x128xf32, #tpu.memory_space<vmem>>) dst(%dma_wait3A_150 : memref<128x128xf32, #tpu.memory_space<hbm>>)
      tpu.yield
    }) : () -> ()
    %mul3A_130 = arith.constant 640 : i32
    %mul3A_131 = arith.muli %arg1, %mul3A_130 : i32
    %add3A_132 = arith.constant 512 : i32
    %add3A_133 = arith.addi %mul3A_131, %add3A_132 : i32
    "tpu.region"() ({
      %run_scoped3A_138 = tpu.sem_alloc : memref<!tpu.dma_semaphore, #tpu.memory_space<semaphore_mem>>
      %dma_start3A_139 = arith.constant 0 : i32
      %dma_start3A_140 = tpu.memref_slice %arg11[%add3A_133, %dma_start3A_139] : memref<10240x128xf32, #tpu.memory_space<vmem_shared>> -> memref<128x128xf32, #tpu.memory_space<vmem_shared>>
      %dma_start3A_141 = arith.constant 0 : i32
      %dma_start3A_142 = tpu.memref_slice %arg11[%add3A_133, %dma_start3A_141] : memref<10240x128xf32, #tpu.memory_space<vmem_shared>> -> memref<128x128xf32, #tpu.memory_space<vmem_shared>>
      tpu.enqueue_dma source(%dma_start3A_142 : memref<128x128xf32, #tpu.memory_space<vmem_shared>>) target(%arg9 : memref<128x128xf32, #tpu.memory_space<vmem>>) target_semaphore(%run_scoped3A_138 : memref<!tpu.dma_semaphore, #tpu.memory_space<semaphore_mem>>)
      %dma_wait3A_143 = arith.constant 0 : i32
      %dma_wait3A_144 = tpu.memref_slice %arg11[%add3A_133, %dma_wait3A_143] : memref<10240x128xf32, #tpu.memory_space<vmem_shared>> -> memref<128x128xf32, #tpu.memory_space<vmem_shared>>
      %dma_wait3A_145 = arith.constant 0 : i32
      %dma_wait3A_146 = tpu.memref_slice %arg11[%add3A_133, %dma_wait3A_145] : memref<10240x128xf32, #tpu.memory_space<vmem_shared>> -> memref<128x128xf32, #tpu.memory_space<vmem_shared>>
      tpu.wait_dma2 semaphore(%run_scoped3A_138 : memref<!tpu.dma_semaphore, #tpu.memory_space<semaphore_mem>>) src(%dma_wait3A_146 : memref<128x128xf32, #tpu.memory_space<vmem_shared>>) dst(%arg9 : memref<128x128xf32, #tpu.memory_space<vmem>>)
      tpu.yield
    }) : () -> ()
    %mul3A_134 = arith.constant 640 : i32
    %mul3A_135 = arith.muli %arg1, %mul3A_134 : i32
    %add3A_136 = arith.constant 512 : i32
    %add3A_137 = arith.addi %mul3A_135, %add3A_136 : i32
    "tpu.region"() ({
      %run_scoped3A_138 = tpu.sem_alloc : memref<!tpu.dma_semaphore, #tpu.memory_space<semaphore_mem>>
      %dma_start3A_139 = arith.constant 0 : i32
      %dma_start3A_140 = tpu.memref_slice %arg6[%arg0, %add3A_137, %dma_start3A_139] : memref<2x10240x128xf32, #tpu.memory_space<hbm>> -> memref<1x128x128xf32, #tpu.memory_space<hbm>>
      %dma_start3A_141 = tpu.memref_squeeze %dma_start3A_140 : memref<1x128x128xf32, #tpu.memory_space<hbm>> -> memref<128x128xf32, #tpu.memory_space<hbm>>
      %dma_start3A_142 = arith.constant 0 : i32
      %dma_start3A_143 = tpu.memref_slice %arg6[%arg0, %add3A_137, %dma_start3A_142] : memref<2x10240x128xf32, #tpu.memory_space<hbm>> -> memref<1x128x128xf32, #tpu.memory_space<hbm>>
      %dma_start3A_144 = tpu.memref_squeeze %dma_start3A_143 : memref<1x128x128xf32, #tpu.memory_space<hbm>> -> memref<128x128xf32, #tpu.memory_space<hbm>>
      tpu.enqueue_dma source(%arg9 : memref<128x128xf32, #tpu.memory_space<vmem>>) target(%dma_start3A_144 : memref<128x128xf32, #tpu.memory_space<hbm>>) target_semaphore(%run_scoped3A_138 : memref<!tpu.dma_semaphore, #tpu.memory_space<semaphore_mem>>)
      %dma_wait3A_145 = arith.constant 0 : i32
      %dma_wait3A_146 = tpu.memref_slice %arg6[%arg0, %add3A_137, %dma_wait3A_145] : memref<2x10240x128xf32, #tpu.memory_space<hbm>> -> memref<1x128x128xf32, #tpu.memory_space<hbm>>
      %dma_wait3A_147 = tpu.memref_squeeze %dma_wait3A_146 : memref<1x128x128xf32, #tpu.memory_space<hbm>> -> memref<128x128xf32, #tpu.memory_space<hbm>>
      %dma_wait3A_148 = arith.constant 0 : i32
      %dma_wait3A_149 = tpu.memref_slice %arg6[%arg0, %add3A_137, %dma_wait3A_148] : memref<2x10240x128xf32, #tpu.memory_space<hbm>> -> memref<1x128x128xf32, #tpu.memory_space<hbm>>
      %dma_wait3A_150 = tpu.memref_squeeze %dma_wait3A_149 : memref<1x128x128xf32, #tpu.memory_space<hbm>> -> memref<128x128xf32, #tpu.memory_space<hbm>>
      tpu.wait_dma2 semaphore(%run_scoped3A_138 : memref<!tpu.dma_semaphore, #tpu.memory_space<semaphore_mem>>) src(%arg9 : memref<128x128xf32, #tpu.memory_space<vmem>>) dst(%dma_wait3A_150 : memref<128x128xf32, #tpu.memory_space<hbm>>)
      tpu.yield
    }) : () -> ()
    return
  }
}

module attributes {stable_mosaic.version = 14 : i64} {
  func.func @_mm1_body(%arg0: i32, %arg1: memref<1000x128xf32, #tpu.memory_space<vmem>>, %arg2: memref<128x128xf32, #tpu.memory_space<vmem>>, %arg3: memref<1000x1xf32, #tpu.memory_space<vmem>>, %arg4: memref<1000x128xf32, #tpu.memory_space<vmem>>) attributes {dimension_semantics = [#tpu.dimension_semantics<arbitrary>], iteration_bounds = array<i64: 10>, scalar_prefetch = 0 : i64, scratch_operands = 0 : i64, tpu.core_type = #tpu.core_type<tc>, window_params = [{transform_indices = @transform_0, window_bounds = array<i64: 1000, 128>}, {pipeline_mode = #tpu.pipeline_mode<synchronous>, transform_indices = @transform_1, window_bounds = array<i64: 128, 128>}, {transform_indices = @transform_2, window_bounds = array<i64: 1000, 1>}, {transform_indices = @transform_3, window_bounds = array<i64: 1000, 128>}]} {
    %get3A = arith.constant 0 : index
    %get3A_0 = arith.constant 0 : index
    %get3A_1 = vector.load %arg1[%get3A, %get3A_0] : memref<1000x128xf32, #tpu.memory_space<vmem>>, vector<1000x128xf32>
    %get3A_2 = arith.constant 0 : index
    %get3A_3 = arith.constant 0 : index
    %get3A_4 = vector.load %arg2[%get3A_2, %get3A_3] : memref<128x128xf32, #tpu.memory_space<vmem>>, vector<128x128xf32>
    %dot_general3A = arith.constant dense<0.000000e+00> : vector<1000x128xf32>
    %dot_general3A_5 = tpu.matmul %get3A_1, %get3A_4, %dot_general3A {dimension_numbers = #tpu.dot_dimension_numbers<[1], [0], [0], [1], [0, 0, 1, 1], [], []>, transpose_lhs_hint = false} : vector<1000x128xf32>, vector<128x128xf32>, vector<1000x128xf32> -> vector<1000x128xf32>
    %get3A_6 = arith.constant 0 : index
    %get3A_7 = arith.constant 0 : index
    %get3A_8 = vector.load %arg3[%get3A_6, %get3A_7] : memref<1000x1xf32, #tpu.memory_space<vmem>>, vector<1000x1xf32>
    %mul3A = vector.broadcast %get3A_8 : vector<1000x1xf32> to vector<1000x128xf32>
    %mul3A_9 = arith.mulf %dot_general3A_5, %mul3A : vector<1000x128xf32>
    %swap3A = arith.constant 0 : index
    %swap3A_10 = arith.constant 0 : index
    %swap3A_11 = vector.load %arg4[%swap3A, %swap3A_10] : memref<1000x128xf32, #tpu.memory_space<vmem>>, vector<1000x128xf32>
    tpu.vector_store %arg4[%swap3A, %swap3A_10], %mul3A_9 {strides = array<i32>} : memref<1000x128xf32, #tpu.memory_space<vmem>>, vector<1000x128xf32>,
    return
  }
  func.func @transform_0(%arg0: i32) -> (i32, i32) {
    %c0_i32 = arith.constant 0 : i32
    %c0_i32_0 = arith.constant 0 : i32
    return %arg0, %c0_i32 : i32, i32
  }
  func.func @transform_1(%arg0: i32) -> (i32, i32) {
    %c0_i32 = arith.constant 0 : i32
    %c0_i32_0 = arith.constant 0 : i32
    %c0_i32_1 = arith.constant 0 : i32
    return %c0_i32, %c0_i32_0 : i32, i32
  }
  func.func @transform_2(%arg0: i32) -> (i32, i32) {
    %c0_i32 = arith.constant 0 : i32
    %c0_i32_0 = arith.constant 0 : i32
    return %arg0, %c0_i32 : i32, i32
  }
  func.func @transform_3(%arg0: i32) -> (i32, i32) {
    %c0_i32 = arith.constant 0 : i32
    %c0_i32_0 = arith.constant 0 : i32
    return %arg0, %c0_i32 : i32, i32
  }
}

module attributes {stable_mosaic.version = 14 : i64} {
  func.func @_combine_body(%arg0: i32, %arg1: memref<2x1000x128xf32, #tpu.memory_space<vmem>>, %arg2: memref<1000x128xf32, #tpu.memory_space<vmem>>, %arg3: memref<1000x1xf32, #tpu.memory_space<vmem>>, %arg4: memref<1x128xf32, #tpu.memory_space<vmem>>, %arg5: memref<128x128xf32, #tpu.memory_space<vmem>>, %arg6: memref<1000x128xf32, #tpu.memory_space<vmem>>) attributes {dimension_semantics = [#tpu.dimension_semantics<arbitrary>], iteration_bounds = array<i64: 10>, scalar_prefetch = 0 : i64, scratch_operands = 0 : i64, tpu.core_type = #tpu.core_type<tc>, window_params = [{transform_indices = @transform_0, window_bounds = array<i64: 2, 1000, 128>}, {transform_indices = @transform_1, window_bounds = array<i64: 1000, 128>}, {transform_indices = @transform_2, window_bounds = array<i64: 1000, 1>}, {pipeline_mode = #tpu.pipeline_mode<synchronous>, transform_indices = @transform_3, window_bounds = array<i64: 1, 128>}, {pipeline_mode = #tpu.pipeline_mode<synchronous>, transform_indices = @transform_4, window_bounds = array<i64: 128, 128>}, {transform_indices = @transform_5, window_bounds = array<i64: 1000, 128>}]} {
    %get3A = arith.constant 0 : index
    %get3A_0 = arith.constant 0 : index
    %get3A_1 = arith.constant 0 : index
    %get3A_2 = vector.load %arg1[%get3A, %get3A_0, %get3A_1] : memref<2x1000x128xf32, #tpu.memory_space<vmem>>, vector<1x1000x128xf32>
    %get3A_3 = vector.shape_cast %get3A_2 : vector<1x1000x128xf32> to vector<1000x128xf32>
    %get3A_4 = arith.constant 1 : index
    %get3A_5 = arith.constant 0 : index
    %get3A_6 = arith.constant 0 : index
    %get3A_7 = vector.load %arg1[%get3A_4, %get3A_5, %get3A_6] : memref<2x1000x128xf32, #tpu.memory_space<vmem>>, vector<1x1000x128xf32>
    %get3A_8 = vector.shape_cast %get3A_7 : vector<1x1000x128xf32> to vector<1000x128xf32>
    %add3A = arith.addf %get3A_3, %get3A_8 : vector<1000x128xf32>
    %get3A_9 = arith.constant 0 : index
    %get3A_10 = arith.constant 0 : index
    %get3A_11 = vector.load %arg2[%get3A_9, %get3A_10] : memref<1000x128xf32, #tpu.memory_space<vmem>>, vector<1000x128xf32>
    %add3A_12 = arith.addf %add3A, %get3A_11 : vector<1000x128xf32>
    %get3A_13 = arith.constant 0 : index
    %get3A_14 = arith.constant 0 : index
    %get3A_15 = vector.load %arg3[%get3A_13, %get3A_14] : memref<1000x1xf32, #tpu.memory_space<vmem>>, vector<1000x1xf32>
    %mul3A = vector.broadcast %get3A_15 : vector<1000x1xf32> to vector<1000x128xf32>
    %mul3A_16 = arith.mulf %add3A_12, %mul3A : vector<1000x128xf32>
    %get3A_17 = arith.constant 0 : index
    %get3A_18 = arith.constant 0 : index
    %get3A_19 = vector.load %arg4[%get3A_17, %get3A_18] : memref<1x128xf32, #tpu.memory_space<vmem>>, vector<1x128xf32>
    %add3A_20 = vector.broadcast %get3A_19 : vector<1x128xf32> to vector<1000x128xf32>
    %add3A_21 = arith.addf %mul3A_16, %add3A_20 : vector<1000x128xf32>
    %max3A = arith.constant 0.000000e+00 : f32
    %max3A_22 = vector.broadcast %max3A : f32 to vector<1000x128xf32>
    %max3A_23 = arith.maximumf %add3A_21, %max3A_22 : vector<1000x128xf32>
    %get3A_24 = arith.constant 0 : index
    %get3A_25 = arith.constant 0 : index
    %get3A_26 = vector.load %arg5[%get3A_24, %get3A_25] : memref<128x128xf32, #tpu.memory_space<vmem>>, vector<128x128xf32>
    %dot_general3A = arith.constant dense<0.000000e+00> : vector<1000x128xf32>
    %dot_general3A_27 = tpu.matmul %max3A_23, %get3A_26, %dot_general3A {dimension_numbers = #tpu.dot_dimension_numbers<[1], [0], [0], [1], [0, 0, 1, 1], [], []>, transpose_lhs_hint = false} : vector<1000x128xf32>, vector<128x128xf32>, vector<1000x128xf32> -> vector<1000x128xf32>
    %get3A_28 = arith.constant 0 : index
    %get3A_29 = arith.constant 0 : index
    %get3A_30 = vector.load %arg3[%get3A_28, %get3A_29] : memref<1000x1xf32, #tpu.memory_space<vmem>>, vector<1000x1xf32>
    %mul3A_31 = vector.broadcast %get3A_30 : vector<1000x1xf32> to vector<1000x128xf32>
    %mul3A_32 = arith.mulf %dot_general3A_27, %mul3A_31 : vector<1000x128xf32>
    %swap3A = arith.constant 0 : index
    %swap3A_33 = arith.constant 0 : index
    %swap3A_34 = vector.load %arg6[%swap3A, %swap3A_33] : memref<1000x128xf32, #tpu.memory_space<vmem>>, vector<1000x128xf32>
    tpu.vector_store %arg6[%swap3A, %swap3A_33], %mul3A_32 {strides = array<i32>} : memref<1000x128xf32, #tpu.memory_space<vmem>>, vector<1000x128xf32>,
    return
  }
  func.func @transform_0(%arg0: i32) -> (i32, i32, i32) {
    %c0_i32 = arith.constant 0 : i32
    %c0_i32_0 = arith.constant 0 : i32
    %c0_i32_1 = arith.constant 0 : i32
    return %c0_i32, %arg0, %c0_i32_0 : i32, i32, i32
  }
  func.func @transform_1(%arg0: i32) -> (i32, i32) {
    %c0_i32 = arith.constant 0 : i32
    %c0_i32_0 = arith.constant 0 : i32
    return %arg0, %c0_i32 : i32, i32
  }
  func.func @transform_2(%arg0: i32) -> (i32, i32) {
    %c0_i32 = arith.constant 0 : i32
    %c0_i32_0 = arith.constant 0 : i32
    return %arg0, %c0_i32 : i32, i32
  }
  func.func @transform_3(%arg0: i32) -> (i32, i32) {
    %c0_i32 = arith.constant 0 : i32
    %c0_i32_0 = arith.constant 0 : i32
    %c0_i32_1 = arith.constant 0 : i32
    return %c0_i32, %c0_i32_0 : i32, i32
  }
  func.func @transform_4(%arg0: i32) -> (i32, i32) {
    %c0_i32 = arith.constant 0 : i32
    %c0_i32_0 = arith.constant 0 : i32
    %c0_i32_1 = arith.constant 0 : i32
    return %c0_i32, %c0_i32_0 : i32, i32
  }
  func.func @transform_5(%arg0: i32) -> (i32, i32) {
    %c0_i32 = arith.constant 0 : i32
    %c0_i32_0 = arith.constant 0 : i32
    return %arg0, %c0_i32 : i32, i32
  }
}

module attributes {stable_mosaic.version = 14 : i64} {
  func.func @_final_body(%arg0: i32, %arg1: memref<2x1000x128xf32, #tpu.memory_space<vmem>>, %arg2: memref<1000x128xf32, #tpu.memory_space<vmem>>, %arg3: memref<1000x1xf32, #tpu.memory_space<vmem>>, %arg4: memref<1x128xf32, #tpu.memory_space<vmem>>, %arg5: memref<1000x1xi32, #tpu.memory_space<vmem>>, %arg6: memref<128x1xf32, #tpu.memory_space<vmem>>, %arg7: memref<1x1xf32, #tpu.memory_space<vmem>>, %arg8: memref<64x1xf32, #tpu.memory_space<vmem>>, %arg9: memref<64x128xf32, #tpu.memory_space<vmem>>, %arg10: memref<64x128xf32, #tpu.memory_space<vmem>>) attributes {dimension_semantics = [#tpu.dimension_semantics<arbitrary>], iteration_bounds = array<i64: 10>, scalar_prefetch = 0 : i64, scratch_operands = 2 : i64, tpu.core_type = #tpu.core_type<tc>, window_params = [{transform_indices = @transform_0, window_bounds = array<i64: 2, 1000, 128>}, {transform_indices = @transform_1, window_bounds = array<i64: 1000, 128>}, {transform_indices = @transform_2, window_bounds = array<i64: 1000, 1>}, {pipeline_mode = #tpu.pipeline_mode<synchronous>, transform_indices = @transform_3, window_bounds = array<i64: 1, 128>}, {transform_indices = @transform_4, window_bounds = array<i64: 1000, 1>}, {pipeline_mode = #tpu.pipeline_mode<synchronous>, transform_indices = @transform_5, window_bounds = array<i64: 128, 1>}, {pipeline_mode = #tpu.pipeline_mode<synchronous>, transform_indices = @transform_6, window_bounds = array<i64: 1, 1>}, {pipeline_mode = #tpu.pipeline_mode<synchronous>, transform_indices = @transform_7, window_bounds = array<i64: 64, 1>}]} {
    %get3A = arith.constant 0 : index
    %get3A_0 = arith.constant 0 : index
    %get3A_1 = arith.constant 0 : index
    %get3A_2 = vector.load %arg1[%get3A, %get3A_0, %get3A_1] : memref<2x1000x128xf32, #tpu.memory_space<vmem>>, vector<1x1000x128xf32>
    %get3A_3 = vector.shape_cast %get3A_2 : vector<1x1000x128xf32> to vector<1000x128xf32>
    %get3A_4 = arith.constant 1 : index
    %get3A_5 = arith.constant 0 : index
    %get3A_6 = arith.constant 0 : index
    %get3A_7 = vector.load %arg1[%get3A_4, %get3A_5, %get3A_6] : memref<2x1000x128xf32, #tpu.memory_space<vmem>>, vector<1x1000x128xf32>
    %get3A_8 = vector.shape_cast %get3A_7 : vector<1x1000x128xf32> to vector<1000x128xf32>
    %add3A = arith.addf %get3A_3, %get3A_8 : vector<1000x128xf32>
    %get3A_9 = arith.constant 0 : index
    %get3A_10 = arith.constant 0 : index
    %get3A_11 = vector.load %arg2[%get3A_9, %get3A_10] : memref<1000x128xf32, #tpu.memory_space<vmem>>, vector<1000x128xf32>
    %add3A_12 = arith.addf %add3A, %get3A_11 : vector<1000x128xf32>
    %get3A_13 = arith.constant 0 : index
    %get3A_14 = arith.constant 0 : index
    %get3A_15 = vector.load %arg3[%get3A_13, %get3A_14] : memref<1000x1xf32, #tpu.memory_space<vmem>>, vector<1000x1xf32>
    %mul3A = vector.broadcast %get3A_15 : vector<1000x1xf32> to vector<1000x128xf32>
    %mul3A_16 = arith.mulf %add3A_12, %mul3A : vector<1000x128xf32>
    %get3A_17 = arith.constant 0 : index
    %get3A_18 = arith.constant 0 : index
    %get3A_19 = vector.load %arg4[%get3A_17, %get3A_18] : memref<1x128xf32, #tpu.memory_space<vmem>>, vector<1x128xf32>
    %add3A_20 = vector.broadcast %get3A_19 : vector<1x128xf32> to vector<1000x128xf32>
    %add3A_21 = arith.addf %mul3A_16, %add3A_20 : vector<1000x128xf32>
    %iota3A = tpu.iota {dimensions = array<i32: 1>} : vector<1000x64xi32>
    %get3A_22 = arith.constant 0 : index
    %get3A_23 = arith.constant 0 : index
    %get3A_24 = vector.load %arg5[%get3A_22, %get3A_23] : memref<1000x1xi32, #tpu.memory_space<vmem>>, vector<1000x1xi32>
    %eq3A = vector.broadcast %get3A_24 : vector<1000x1xi32> to vector<1000x64xi32>
    %eq3A_25 = arith.cmpi eq, %eq3A, %iota3A : vector<1000x64xi32>
    %convert_element_type3A = arith.extui %eq3A_25 : vector<1000x64xi1> to vector<1000x64xi32>
    %convert_element_type3A_26 = arith.sitofp %convert_element_type3A : vector<1000x64xi32> to vector<1000x64xf32>
    %dot_general3A = arith.constant dense<0.000000e+00> : vector<64x128xf32>
    %dot_general3A_27 = tpu.matmul %convert_element_type3A_26, %add3A_21, %dot_general3A {dimension_numbers = #tpu.dot_dimension_numbers<[0], [0], [1], [1], [0, 1, 1, 1], [], []>, precision = #tpu.contract_precision<fp32>, transpose_lhs_hint = false} : vector<1000x64xf32>, vector<1000x128xf32>, vector<64x128xf32> -> vector<64x128xf32>
    %reduce_sum3A = arith.constant dense<0.000000e+00> : vector<64xf32>
    %reduce_sum3A_28 = vector.multi_reduction <add>, %convert_element_type3A_26, %reduce_sum3A [0] : vector<1000x64xf32> to vector<64xf32>
    %broadcast_in_dim3A = vector.shape_cast %reduce_sum3A_28 : vector<64xf32> to vector<64x1xf32>
    %broadcast_in_dim3A_29 = vector.shape_cast %broadcast_in_dim3A : vector<64x1xf32> to vector<64x1xf32>
    %broadcast_in_dim3A_30 = vector.broadcast %broadcast_in_dim3A_29 : vector<64x1xf32> to vector<64x128xf32>
    %eq3A_31 = arith.constant 0 : i32
    %eq3A_32 = arith.cmpi eq, %arg0, %eq3A_31 : i32
    %convert_element_type3A_33 = arith.extui %eq3A_32 : i1 to i32
    %cond3A = arith.constant 0 : i32
    %cond3A_34 = arith.cmpi ne, %convert_element_type3A_33, %cond3A : i32
    scf.if %cond3A_34 {
      %swap3A = arith.constant 0 : index
      %swap3A_44 = arith.constant 0 : index
      %swap3A_45 = vector.load %arg9[%swap3A, %swap3A_44] : memref<64x128xf32, #tpu.memory_space<vmem>>, vector<64x128xf32>
      tpu.vector_store %arg9[%swap3A, %swap3A_44], %dot_general3A_27 {strides = array<i32>} : memref<64x128xf32, #tpu.memory_space<vmem>>, vector<64x128xf32>,
      %swap3A_46 = arith.constant 0 : index
      %swap3A_47 = arith.constant 0 : index
      %swap3A_48 = vector.load %arg10[%swap3A_46, %swap3A_47] : memref<64x128xf32, #tpu.memory_space<vmem>>, vector<64x128xf32>
      tpu.vector_store %arg10[%swap3A_46, %swap3A_47], %broadcast_in_dim3A_30 {strides = array<i32>} : memref<64x128xf32, #tpu.memory_space<vmem>>, vector<64x128xf32>,
    } else {
    }
    %gt3A = arith.constant 0 : i32
    %gt3A_35 = arith.cmpi sgt, %arg0, %gt3A : i32
    %convert_element_type3A_36 = arith.extui %gt3A_35 : i1 to i32
    %cond3A_37 = arith.constant 0 : i32
    %cond3A_38 = arith.cmpi ne, %convert_element_type3A_36, %cond3A_37 : i32
    scf.if %cond3A_38 {
      %get3A_44 = arith.constant 0 : index
      %get3A_45 = arith.constant 0 : index
      %get3A_46 = vector.load %arg9[%get3A_44, %get3A_45] : memref<64x128xf32, #tpu.memory_space<vmem>>, vector<64x128xf32>
      %add3A_47 = arith.addf %get3A_46, %dot_general3A_27 : vector<64x128xf32>
      %swap3A = arith.constant 0 : index
      %swap3A_48 = arith.constant 0 : index
      %swap3A_49 = vector.load %arg9[%swap3A, %swap3A_48] : memref<64x128xf32, #tpu.memory_space<vmem>>, vector<64x128xf32>
      tpu.vector_store %arg9[%swap3A, %swap3A_48], %add3A_47 {strides = array<i32>} : memref<64x128xf32, #tpu.memory_space<vmem>>, vector<64x128xf32>,
      %get3A_50 = arith.constant 0 : index
      %get3A_51 = arith.constant 0 : index
      %get3A_52 = vector.load %arg10[%get3A_50, %get3A_51] : memref<64x128xf32, #tpu.memory_space<vmem>>, vector<64x128xf32>
      %add3A_53 = arith.addf %get3A_52, %broadcast_in_dim3A_30 : vector<64x128xf32>
      %swap3A_54 = arith.constant 0 : index
      %swap3A_55 = arith.constant 0 : index
      %swap3A_56 = vector.load %arg10[%swap3A_54, %swap3A_55] : memref<64x128xf32, #tpu.memory_space<vmem>>, vector<64x128xf32>
      tpu.vector_store %arg10[%swap3A_54, %swap3A_55], %add3A_53 {strides = array<i32>} : memref<64x128xf32, #tpu.memory_space<vmem>>, vector<64x128xf32>,
    } else {
    }
    %eq3A_39 = arith.constant 9 : i32
    %eq3A_40 = arith.cmpi eq, %arg0, %eq3A_39 : i32
    %convert_element_type3A_41 = arith.extui %eq3A_40 : i1 to i32
    %cond3A_42 = arith.constant 0 : i32
    %cond3A_43 = arith.cmpi ne, %convert_element_type3A_41, %cond3A_42 : i32
    scf.if %cond3A_43 {
      %get3A_44 = arith.constant 0 : index
      %get3A_45 = arith.constant 0 : index
      %get3A_46 = vector.load %arg9[%get3A_44, %get3A_45] : memref<64x128xf32, #tpu.memory_space<vmem>>, vector<64x128xf32>
      %get3A_47 = arith.constant 0 : index
      %get3A_48 = arith.constant 0 : index
      %get3A_49 = vector.load %arg10[%get3A_47, %get3A_48] : memref<64x128xf32, #tpu.memory_space<vmem>>, vector<64x128xf32>
      %max3A = arith.constant 1.000000e+00 : f32
      %max3A_50 = vector.broadcast %max3A : f32 to vector<64x128xf32>
      %max3A_51 = arith.maximumf %get3A_49, %max3A_50 : vector<64x128xf32>
      %div3A = arith.divf %get3A_46, %max3A_51 : vector<64x128xf32>
      %get3A_52 = arith.constant 0 : index
      %get3A_53 = arith.constant 0 : index
      %get3A_54 = vector.load %arg6[%get3A_52, %get3A_53] : memref<128x1xf32, #tpu.memory_space<vmem>>, vector<128x1xf32>
      %dot_general3A_55 = arith.constant dense<0.000000e+00> : vector<64x1xf32>
      %dot_general3A_56 = tpu.matmul %div3A, %get3A_54, %dot_general3A_55 {dimension_numbers = #tpu.dot_dimension_numbers<[1], [0], [0], [1], [0, 0, 1, 1], [], []>, transpose_lhs_hint = false} : vector<64x128xf32>, vector<128x1xf32>, vector<64x1xf32> -> vector<64x1xf32>
      %get3A_57 = arith.constant 0 : index
      %get3A_58 = arith.constant 0 : index
      %get3A_59 = vector.load %arg7[%get3A_57, %get3A_58] : memref<1x1xf32, #tpu.memory_space<vmem>>, vector<1x1xf32>
      %add3A_60 = vector.broadcast %get3A_59 : vector<1x1xf32> to vector<64x1xf32>
      %add3A_61 = arith.addf %dot_general3A_56, %add3A_60 : vector<64x1xf32>
      %swap3A = arith.constant 0 : index
      %swap3A_62 = arith.constant 0 : index
      %swap3A_63 = vector.load %arg8[%swap3A, %swap3A_62] : memref<64x1xf32, #tpu.memory_space<vmem>>, vector<64x1xf32>
      tpu.vector_store %arg8[%swap3A, %swap3A_62], %add3A_61 {strides = array<i32>} : memref<64x1xf32, #tpu.memory_space<vmem>>, vector<64x1xf32>,
    } else {
    }
    return
  }
  func.func @transform_0(%arg0: i32) -> (i32, i32, i32) {
    %c0_i32 = arith.constant 0 : i32
    %c0_i32_0 = arith.constant 0 : i32
    %c0_i32_1 = arith.constant 0 : i32
    return %c0_i32, %arg0, %c0_i32_0 : i32, i32, i32
  }
  func.func @transform_1(%arg0: i32) -> (i32, i32) {
    %c0_i32 = arith.constant 0 : i32
    %c0_i32_0 = arith.constant 0 : i32
    return %arg0, %c0_i32 : i32, i32
  }
  func.func @transform_2(%arg0: i32) -> (i32, i32) {
    %c0_i32 = arith.constant 0 : i32
    %c0_i32_0 = arith.constant 0 : i32
    return %arg0, %c0_i32 : i32, i32
  }
  func.func @transform_3(%arg0: i32) -> (i32, i32) {
    %c0_i32 = arith.constant 0 : i32
    %c0_i32_0 = arith.constant 0 : i32
    %c0_i32_1 = arith.constant 0 : i32
    return %c0_i32, %c0_i32_0 : i32, i32
  }
  func.func @transform_4(%arg0: i32) -> (i32, i32) {
    %c0_i32 = arith.constant 0 : i32
    %c0_i32_0 = arith.constant 0 : i32
    return %arg0, %c0_i32 : i32, i32
  }
  func.func @transform_5(%arg0: i32) -> (i32, i32) {
    %c0_i32 = arith.constant 0 : i32
    %c0_i32_0 = arith.constant 0 : i32
    %c0_i32_1 = arith.constant 0 : i32
    return %c0_i32, %c0_i32_0 : i32, i32
  }
  func.func @transform_6(%arg0: i32) -> (i32, i32) {
    %c0_i32 = arith.constant 0 : i32
    %c0_i32_0 = arith.constant 0 : i32
    %c0_i32_1 = arith.constant 0 : i32
    return %c0_i32, %c0_i32_0 : i32, i32
  }
  func.func @transform_7(%arg0: i32) -> (i32, i32) {
    %c0_i32 = arith.constant 0 : i32
    %c0_i32_0 = arith.constant 0 : i32
    %c0_i32_1 = arith.constant 0 : i32
    return %c0_i32, %c0_i32_0 : i32, i32
  }
}

</mosaic_0001>

<sc_bundles>
// kernel: kernel.10.cloned.1.call-start
scs
__scs_entry_jumppad:
0x0: {  	(pc) =	sbr.rel $0x88, $3  }
0x1: {  	(tag) =	ssettag $0x0;
	lr =	simm.s32 $0x1  }
0x2: {  	[smem:$0x3F96] =	sst lr;
	_ =	strace $0xD0000000  }
0x3: {  	_ = 	snop  }
0x4: {  	_ = 	snop  }
0x5: {  	_ = 	snop  }
0x6: {  	_ = 	snop  }
0x7: {  	_ = 	snop  }
__scs_overlays_trampoline_lowered:
0x8: {  	[smem:$0x3FA5] =	sst s0  }
0x9: {  	[smem:$0x3FA6] =	sst s1  }
0xa: {  	[smem:$0x3FA7] =	sst s2  }
0xb: {  	[smem:$0x3FA8] =	sst s3  }
0xc: {  	[smem:$0x3FA9] =	sst s4  }
0xd: {  	[smem:$0x3FAA] =	sst s5  }
0xe: {  	[smem:$0x3FAB] =	sst s6  }
0xf: {  	[smem:$0x3FAC] =	sst s7  }
0x10: {  	[smem:$0x3FAD] =	sst s8  }
0x11: {  	[smem:$0x3FAE] =	sst s9;
	s0 =	simm.s32 @!p0 $0x0  }
0x12: {  	s1 =	sld [smem:$0x3F94];
	s0 =	simm.s32 @p0 $0x1  }
0x13: {  	[smem:$0x3FAF] =	sst s0;
	s0 =	simm.s32 @!p1 $0x0  }
0x14: {  	s2 =	sld [smem:$0x3F93];
	s0 =	simm.s32 @p1 $0x1  }
0x15: {  	[smem:$0x3FB0] =	sst s0;
	s0 =	simm.s32 @!p2 $0x0  }
0x16: {  	s3 =	sld [smem:$0x3FDB];
	s0 =	simm.s32 @p2 $0x1  }
0x17: {  	s4 =	simm.s32 $0x1BF5;
	[smem:$0x3FB2] =	sst s0  }
0x18: {  	s0 =	sld [smem:$0x3F95];
	_ =	swait.ge [sflag:s4], $0x0  }
0x19: {  	s7 =	sld [smem:$0x3F96]  }
0x1a: {  	s8 =	sadd.s32 $0xFFFFE003, lr  }
0x1b: {  	s9 =	sadd.s32 $0xFFFFFEF7, lr;
	s5 =	simm.s32 $0xFFFFFFFF;
	p2 =	slt.u32 s8, $0xFFFFF086  }
0x1c: {  	p1 =	slt.u32 s9, $0xF7A;
	s5 =	simm.s32 @!p2 $0x0  }
0x1d: {  	s5 =	simm.s32 @p1 $0x1;
	p0 =	seq.s32 s7, s2  }
0x1e: {  	s7 =	smul.u32 @!p0 $0xF7A, s2;
	p2 =	seq.s32 @!p0 s5, $0x0  }
0x1f: {  	s9 =	smul.u32 $0xF7A, s1;
	s8 =	simm.s32 @!p0 $0x1BF5;
	p2 =	por !p2, p0  }
0x20: {  	[sflag:s8] =	ssyncset.s32 @!p0 $0xFFFFF086;
	s6 =	sadd.s32 @!p0 s3, s7;
	s7 =	simm.s32 @!p0 $0x108  }
0x21: {  	s3 =	sadd.s32 s3, s9;
	s6 =	sadd.s32 @!p0 $0x88, s6;
	s7 =	simm.s32 @p2 $0x1082  }
0x22: {  	[simem:s7], [sflag:s8] =	dma.local @!p0 [hbm:s6], $0xF7A  }
0x23: {  	s9 =	sor.u32 $0xD0000000, s2;
	s6 =	simm.s32 $0x108;
	_ =	swait.ge @!p0 [sflag:s8], $0x0  }
0x24: {  	s3 =	sadd.s32 $0x88, s3;
	s6 =	simm.s32 @!p1 $0x1082;
	[sflag:s4] =	ssyncset.s32 $0xFFFFF086  }
0x25: {  	[simem:s6], [sflag:s4] =	dma.local [hbm:s3], $0xF7A  }
0x26: {  	[smem:$0x3F96] =	sst s1;
	(tag) =	ssettag s2;
	_ =	strace s9  }
0x27: {  	s1 =	sld [smem:$0x3FA6]  }
0x28: {  	s2 =	sld [smem:$0x3FA7]  }
0x29: {  	s4 =	sld [smem:$0x3FA9]  }
0x2a: {  	p0 =	seq.s32 s5, $0x0;
	s5 =	sld [smem:$0x3FAA]  }
0x2b: {  	s6 =	sld [smem:$0x3FAB]  }
0x2c: {  	s7 =	sld [smem:$0x3FAC]  }
0x2d: {  	s3 =	simm.s32 $0x108;
	s8 =	sld [smem:$0x3FAD]  }
0x2e: {  	s3 =	simm.s32 @!p0 $0x1082;
	s9 =	sld [smem:$0x3FAE]  }
0x2f: {  	lr =	sadd.s32 s0, s3;
	s0 =	sld [smem:$0x3FA5]  }
0x30: {  	s3 =	sld [smem:$0x3FA8]  }
0x31: {  	[smem:$0x3FB1] =	sst s10  }
0x32: {  	s10 =	sld [smem:$0x3FAF];
	_ =	sdelay $0x3  }
0x33: {  	p0 =	seq.s32 s10, $0x1;
	s10 =	sld [smem:$0x3FB1];
	_ =	sdelay $0x3  }
0x34: {  	[smem:$0x3FB1] =	sst s10  }
0x35: {  	s10 =	sld [smem:$0x3FB0];
	_ =	sdelay $0x3  }
0x36: {  	p1 =	seq.s32 s10, $0x1;
	s10 =	sld [smem:$0x3FB1];
	_ =	sdelay $0x3  }
0x37: {  	[smem:$0x3FB1] =	sst s10  }
0x38: {  	s10 =	sld [smem:$0x3FB2]  }
0x39: {  	_ = 	snop;
	(pc) =	sbr.ind lr, $3  }
0x3a: {  	_ = 	snop  }
0x3b: {  	_ = 	snop  }
0x3c: {  	p2 =	seq.s32 s10, $0x1;
	s10 =	sld [smem:$0x3FB1]  }
0x3d: {  	_ =	shalt  }
0x3e: {  	_ =	shalt  }
0x3f: {  	_ =	shalt  }
0x40: {  	_ =	shalt  }
0x41: {  	_ =	shalt  }
0x42: {  	_ =	shalt  }
0x43: {  	_ =	shalt  }
0x44: {  	_ =	shalt  }
0x45: {  	_ =	shalt  }
0x46: {  	_ =	shalt  }
0x47: {  	_ =	shalt  }
0x48: {  	_ =	shalt  }
0x49: {  	_ =	shalt  }
0x4a: {  	_ =	shalt  }
0x4b: {  	_ =	shalt  }
0x4c: {  	_ =	shalt  }
0x4d: {  	_ =	shalt  }
0x4e: {  	_ =	shalt  }
0x4f: {  	_ =	shalt  }
0x50: {  	_ =	shalt  }
0x51: {  	_ =	shalt  }
0x52: {  	_ =	shalt  }
0x53: {  	_ =	shalt  }
0x54: {  	_ =	shalt  }
0x55: {  	_ =	shalt  }
0x56: {  	_ =	shalt  }
0x57: {  	_ =	shalt  }
0x58: {  	_ =	shalt  }
0x59: {  	_ =	shalt  }
0x5a: {  	_ =	shalt  }
0x5b: {  	_ =	shalt  }
0x5c: {  	_ =	shalt  }
0x5d: {  	_ =	shalt  }
0x5e: {  	_ =	shalt  }
0x5f: {  	_ =	shalt  }
0x60: {  	_ =	shalt  }
0x61: {  	_ =	shalt  }
0x62: {  	_ =	shalt  }
0x63: {  	_ =	shalt  }
0x64: {  	_ =	shalt  }
0x65: {  	_ =	shalt  }
0x66: {  	_ =	shalt  }
0x67: {  	_ =	shalt  }
0x68: {  	_ =	shalt  }
0x69: {  	_ =	shalt  }
0x6a: {  	_ =	shalt  }
0x6b: {  	_ =	shalt  }
0x6c: {  	_ =	shalt  }
0x6d: {  	_ =	shalt  }
0x6e: {  	_ =	shalt  }
0x6f: {  	_ =	shalt  }
0x70: {  	_ =	shalt  }
0x71: {  	_ =	shalt  }
0x72: {  	_ =	shalt  }
0x73: {  	_ =	shalt  }
0x74: {  	_ =	shalt  }
0x75: {  	_ =	shalt  }
0x76: {  	_ =	shalt  }
0x77: {  	_ =	shalt  }
0x78: {  	_ =	shalt  }
0x79: {  	_ =	shalt  }
0x7a: {  	_ =	shalt  }
0x7b: {  	_ =	shalt  }
0x7c: {  	_ =	shalt  }
0x7d: {  	_ =	shalt  }
0x7e: {  	_ =	shalt  }
0x7f: {  	_ =	shalt  }
0x80: {  	_ =	shalt  }
0x81: {  	_ =	shalt  }
0x82: {  	_ =	shalt  }
0x83: {  	_ =	shalt  }
0x84: {  	_ =	shalt  }
0x85: {  	_ =	shalt  }
0x86: {  	_ =	shalt  }
0x87: {  	_ =	shalt  }
.Lfunc_end0:
.L_simem_size_0:
called_computation_lowered:
.L_overlay_start_0:
0x88: {  	s2 =	sld [smem:$0x3FD9]  }
0x89: {  	s3 =	sld [smem:$0x3FFE];
	_ =	sdelay $0x1  }
0x8a: {  	s1 =	srdreg.scid  }
0x8b: {  	s0 =	sand.u32 $0x1, s1  }
0x8c: {  	s17 =	sshll.u32 s0, $0xA;
	s2 =	sadd.s32 s3, s2  }
0x8d: {  	s2 =	sadd.s32 s2, s17  }
0x8e: {  	[smem:$0x3FBD] =	sst s2  }
0x8f: {  	_ = 	snop  }
0x90: {  	s2 =	sld [smem:$0x3FD0];
	(tm) =	ssettm $0x1  }
0x91: {  	s18 =	sld [smem:$0x3FFB];
	_ =	sdelay $0x3  }
0x92: {  	_ =	strace s18  }
0x93: {  	s3 =	sld [smem:$0x3FFC];
	_ =	sdelay $0x3  }
0x94: {  	_ =	strace s3  }
0x95: {  	s3 =	sld [smem:$0x3FFD];
	_ =	sdelay $0x3  }
0x96: {  	_ =	strace s3  }
0x97: {  	_ =	strace $0x8FFFFFFF  }
0x98: {  	s19 =	sld [smem:$0x3FDB];
	_ =	sdelay $0x1  }
0x99: {  	s4 =	simm.s32 $_scs_section_size  }
0x9a: {  	s5 =	simm.s32 $_size__tile_overlayer_lowered;
	s6 =	simm.s32 $_tile_overlayer_lowered  }
0x9b: {  	s22 =	simm.s32 $0x1BFF;
	s21 =	sshll.u32 s6, $0x1;
	s3 =	sadd.s32 s4, s19  }
0x9c: {  	s7 =	simm.s32 $0x0;
	s20 =	sshll.u32 s5, $0x1;
	s5 =	sadd.s32 s21, s3  }
0x9d: {  	[timem:s7], [sflag:s22] =	dma.local [hbm:s5], s20  }
0x9e: {  	_ =	swait.ge [sflag:s22], s20  }
0x9f: {  	s4 =	ssub.s32 $0x0, s20;
	[sflag:s22] =	ssyncset.done $0x0  }
0xa0: {  	[sflag:s22] =	ssyncadd.s32 s4;
	_ =	sdelay $0x1  }
0xa1: {  	s23 =	simm.s32 $0x1B8B  }
0xa2: {  	_ =	swait.ge [sflag:s23], $0x1  }
0xa3: {  	[sflag:s23] =	ssyncset.done $0x0  }
0xa4: {  	s25 =	simm.s32 $0x1B8E;
	s24 =	sld [smem:$0x3FFE];
	[sflag:s23] =	ssyncadd.s32 $0xFFFFFFFF  }
0xa5: {  	s26 =	simm.s32 $execute0_lowered;
	[smem:$0x3FD2] =	sst s25  }
0xa6: {  	s5 =	sshll.u32 s26, $0x1;
	_ =	strace $0x80000046;
	[dreg:$0x1] =	wrdreg $0xFFFFFFFF  }
0xa7: {  	s28 =	simm.s32 $_size_execute0_lowered;
	s3 =	sadd.s32 s3, s5;
	[dreg:$0x0] =	wrdreg $0x0  }
0xa8: {  	s5 =	sshll.u32 s28, $0x1;
	[dreg:$0x2] =	wrdreg s3  }
0xa9: {  	[dreg:$0x3] =	wrdreg s5  }
0xaa: {  	[dreg:$0x4] =	wrdreg $0xC0  }
0xab: {  	_ =	task [dreg:s7], $0x5FFFF  }
0xac: {  	[dreg:$0x1] =	wrdreg $0xFFFFFFFF  }
0xad: {  	[dreg:$0x0] =	wrdreg $0x60  }
0xae: {  	[dreg:$0x2] =	wrdreg s24  }
0xaf: {  	[dreg:$0x3] =	wrdreg s2  }
0xb0: {  	[dreg:$0x4] =	wrdreg $0x2B000  }
0xb1: {  	[dreg:$0x5] =	wrdreg $0x9  }
0xb2: {  	_ =	task.clear_ibuf [dreg:s7], $0x6FFFF;
	_ =	strace $0x90000046  }
0xb3: {  	s29 =	simm.s32 $0x9;
	_ =	strace $0x80000048  }
0xb4: {  	_ =	swait.ge [sflag:s29], $0x1  }
0xb5: {  	[sflag:s29] =	ssyncadd.s32 $0xFFFFFFFF  }
0xb6: {  	_ =	strace $0x90000048  }
0xb7: {  	_ =	sfence  }
0xb8: {  	s30 =	sld [smem:$0x0];
	_ =	sdelay $0x2  }
0xb9: {  	s31 =	sshll.u32 s1, $0xD;
	s1 =	sshrl.u32 s1, $0x2  }
0xba: {  	s3 =	sand.u32 $0x4000, s31;
	s1 =	sadd.s32 s1, s30  }
0xbb: {  	s0 =	sor.u32 s3, s0;
	s1 =	sshll.u32 s1, $0x11  }
0xbc: {  	s0 =	sor.u32 s1, s0  }
0xbd: {  	s0 =	sadd.s32 $0x8F2B, s0  }
0xbe: {  	[sflag:s0] =	ssyncadd.remote.s32 $0x1  }
0xbf: {  	_ =	sfence.sel $0xFFFF  }
0xc0: {  	[dreg:$0x0] =	wrdreg $0xFFFFFFFF;
	(pc) =	sbr.abs _section_cstart, $3  }
0xc1: {  	[dreg:$0x1] =	wrdreg $0xFFFFFFFF  }
0xc2: {  	_ =	task.clear_ibuf [dreg:s7], $0x2FFFF;
	_ =	strace $0x9FFFFFFF  }
0xc3: {  	(tm) =	ssettm $0x7FFFFFFF  }
tec
execute0_lowered:
.L_overlay_start_1:
0x0: {  	(tag) =	ssettag $0x1  }
0x1: {  	s6 =	rddreg [dreg:$0x0]  }
0x2: {  	s2 =	rddreg [dreg:$0x1];
	s0 =	srdreg.scid  }
0x3: {  	s3 =	rddreg [dreg:$0x2];
	s1 =	stileid.u32  }
0x4: {  	s4 =	simm.s32 $0x0;
	s12 =	simm.s32 $0x2800;
	s13 =	simm.s32 $0x80  }
0x5: {  	s14 =	simm.s32 $0x0;
	s5 =	sand.u32 $0x1, s0;
	s0 =	rddreg [dreg:$0x3]  }
0x6: {  	s8 =	smul.u32 $0x280, s1;
	[smem:$0x7FF] =	sst s4;
	s7 =	sshll.u32 s5, $0x4  }
0x7: {  	s9 =	smul.u32 $0x2800, s5;
	s10 =	ssub.s32 $0x2, s5;
	s7 =	sor.u32 s1, s7  }
0x8: {  	_ =	strace $0x80000047;
	s11 =	sshrl.u32 s10, $0x1;
	s7 =	smul.u32 $0x500, s7  }
0x9: {  	s5 =	sadd.s32 $0x17800, s6;
	s9 =	sadd.s32 s8, s9;
	s10 =	ssub.s32 s10, s11  }
0xa: {  	s11 =	simm.s32 $0x1;
	s9 =	sshrl.u32 s9, $0x3;
	s7 =	sadd.s32 s7, s6  }
0xb: {  	s9 =	sadd.s32 s9, s6;
	s6 =	sadd.s32 s8, s3;
	s7 =	sadd.s32 $0x3800, s7  }
0xc: {  	s8 =	sadd.s32 $0x17A00, s9;
	s9 =	smax.u32 s10, $0x1;
	s10 =	simm.s32 $0x2880  }
.LBB2_1:
0xd: {  	[tilespmem:s10], [sflag:$0x1] =	stream.linear.gather [hbm4b:s5+s4], $0x280, $0x38;
	[tilespmem:$0x2D80] =	vst v63  }
0xe: {  	_ =	swait.ge [sflag:s11], $0x280  }
0xf: {  	[sflag:s11] =	ssyncset.done $0x0  }
0x10: {  	[sflag:s11] =	ssyncadd.s32 $0xFFFFFD80  }
0x11: {  	[spmem:s6] =	stream.linear.scatter [tilespmem:s10], [sflag:$0x1], $0x280, $0x38;
	[tilespmem:$0x2D80] =	vst v63  }
0x12: {  	_ =	swait.ge [sflag:s11], $0x280  }
0x13: {  	[sflag:s11] =	ssyncset.done $0x0  }
0x14: {  	[sflag:s11] =	ssyncadd.s32 $0xFFFFFD80  }
0x15: {  	[tilespmem:s12], [sflag:$0x1] =	stream.linear.gather [hbm4b:s2+s4], $0x80, $0x38;
	[tilespmem:$0x2D80] =	vst v63  }
0x16: {  	_ =	swait.ge [sflag:s11], $0x80  }
0x17: {  	[sflag:s11] =	ssyncset.done $0x0  }
0x18: {  	[sflag:s11] =	ssyncadd.s32 $0xFFFFFF80  }
0x19: {  	[tilespmem:s4], [sflag:$0x1] =	stream.linear.gather [hbm4b:s7+s4], $0x2800, $0x38;
	[tilespmem:$0x2D80] =	vst v63  }
0x1a: {  	_ =	swait.ge [sflag:s11], $0x2800  }
0x1b: {  	[sflag:s11] =	ssyncset.done $0x0  }
0x1c: {  	[sflag:s11] =	ssyncadd.s32 $0xFFFFD800  }
0x1d: {  	s15 =	simm.s32 $0x0;
	[bflag:$0x0] =	sbarrier.arrive $0xFFFF  }
0x1e: {  	[spmem:s3] =	stream.indirect.scatter.add.f32 [tilespmem:s12], [sflag:$0x1], $0x1, s15, s13, $0xb8;
	[tilespmem:$0x2D80] =	vst v63  }
0x1f: {  	_ =	swait.ge [sflag:s11], $0x80  }
0x20: {  	s15 =	simm.s32 $0x200;
	[sflag:s11] =	ssyncset.done $0x0  }
.LBB2_2:
0x21: {  	s16 =	sshra.s32 s15, $0x2;
	[sflag:s11] =	ssyncadd.s32 $0xFFFFFF80;
	p0 =	sne.s32 s15, $0x9E00  }
0x22: {  	[spmem:s3] =	stream.indirect.scatter.add.f32 [tilespmem:s12], [sflag:$0x1], $0x1, s16, s13, $0xb8;
	[tilespmem:$0x2D80] =	vst v63  }
.Ltmp0:
0x23: {  	_ = 	snop;
	(pc) =	sbr.rel @p0 .LBB2_2-.Ltmp0, $4  }
0x24: {  	_ = 	snop  }
0x25: {  	s15 =	sadd.s32 $0x200, s15  }
0x26: {  	_ =	swait.ge [sflag:s11], $0x80  }
0x27: {  	[sflag:s11] =	ssyncset.done $0x0  }
0x28: {  	[sflag:s11] =	ssyncadd.s32 $0xFFFFFF80  }
0x29: {  	[bflag:$0x0] =	sbarrier.arrive $0xFFFF  }
0x2a: {  	[tilespmem:s10], [sflag:$0x1] =	stream.linear.gather [spmem:s6], $0x280, $0x38;
	[tilespmem:$0x2D80] =	vst v63  }
0x2b: {  	s14 =	sadd.s32 $0x1, s14;
	_ =	swait.ge [sflag:s11], $0x280  }
0x2c: {  	p0 =	sne.s32 s14, s9;
	[sflag:s11] =	ssyncset.done $0x0  }
.Ltmp1:
0x2d: {  	[sflag:s11] =	ssyncadd.s32 $0xFFFFFD80;
	(pc) =	sbr.rel @p0 .LBB2_1-.Ltmp1, $4  }
0x2e: {  	[hbm4b:s8+s4] =	stream.linear.scatter [tilespmem:s10], [sflag:$0x1], $0x280, $0x38;
	[tilespmem:$0x2D80] =	vst v63  }
0x2f: {  	_ =	swait.ge [sflag:s11], $0x280  }
0x30: {  	[sflag:s11] =	ssyncset.done $0x0  }
0x31: {  	[sflag:s11] =	ssyncadd.s32 $0xFFFFFD80  }
0x32: {  	_ =	sfence.sel $0x180000  }
0x33: {  	[bflag:$0x0] =	sbarrier.arrive $0xFFFF  }
0x34: {  	p0 =	sne.s32 s1, $0x0;
	_ =	strace $0x90000047  }
0x35: {  	s0 =	sadd.s32 @!p0 $0x100000, s0;
	[bflag:$0x2] =	sbarrier.arrive $0xFFFF  }
0x36: {  	[sflag:s0] =	ssyncadd.tile.s32 @!p0 $0x1;
	_ =	shalt  }
.Lfunc_end2:
_tile_overlayer_lowered:
.L_overlay_start_2:
0x37: {  	(tag) =	ssettag $0x2  }
0x38: {  	s0 =	rddreg [dreg:$0x0];
	s2 =	stileid.u32  }
0x39: {  	s1 =	rddreg [dreg:$0x1];
	p0 =	sne.s32 s2, $0x0  }
0x3a: {  	s3 =	rddreg [dreg:$0x2];
	[bflag:$0x3] =	sbarrier.arrive $0xFFFF;
	s2 =	simm.s32 @!p0 $0x1C01  }
0x3b: {  	[timem:s3], [sflag:s2] =	dma.local @!p0 [hbm:s0], s1  }
0x3c: {  	s0 =	simm.s32 @!p0 $0x1  }
0x3d: {  	_ =	swait.ge @!p0 [sflag:s0], s1  }
0x3e: {  	s1 =	ssub.s32 @!p0 $0x0, s1;
	[sflag:s0] =	ssyncset.done @!p0 $0x0  }
0x3f: {  	[sflag:s0] =	ssyncadd.s32 @!p0 s1  }
0x40: {  	[bflag:$0x3] =	sbarrier.arrive $0xFFFF  }
0x41: {  	_ =	shalt  }

// kernel: kernel.13.cloned.1.call-start
scs
__scs_entry_jumppad:
0x0: {  	(pc) =	sbr.rel $0x88, $3  }
0x1: {  	(tag) =	ssettag $0x0;
	lr =	simm.s32 $0x1  }
0x2: {  	[smem:$0x3F96] =	sst lr;
	_ =	strace $0xD0000000  }
0x3: {  	_ = 	snop  }
0x4: {  	_ = 	snop  }
0x5: {  	_ = 	snop  }
0x6: {  	_ = 	snop  }
0x7: {  	_ = 	snop  }
__scs_overlays_trampoline_lowered:
0x8: {  	[smem:$0x3FA5] =	sst s0  }
0x9: {  	[smem:$0x3FA6] =	sst s1  }
0xa: {  	[smem:$0x3FA7] =	sst s2  }
0xb: {  	[smem:$0x3FA8] =	sst s3  }
0xc: {  	[smem:$0x3FA9] =	sst s4  }
0xd: {  	[smem:$0x3FAA] =	sst s5  }
0xe: {  	[smem:$0x3FAB] =	sst s6  }
0xf: {  	[smem:$0x3FAC] =	sst s7  }
0x10: {  	[smem:$0x3FAD] =	sst s8  }
0x11: {  	[smem:$0x3FAE] =	sst s9;
	s0 =	simm.s32 @!p0 $0x0  }
0x12: {  	s1 =	sld [smem:$0x3F94];
	s0 =	simm.s32 @p0 $0x1  }
0x13: {  	[smem:$0x3FAF] =	sst s0;
	s0 =	simm.s32 @!p1 $0x0  }
0x14: {  	s2 =	sld [smem:$0x3F93];
	s0 =	simm.s32 @p1 $0x1  }
0x15: {  	[smem:$0x3FB0] =	sst s0;
	s0 =	simm.s32 @!p2 $0x0  }
0x16: {  	s3 =	sld [smem:$0x3FDB];
	s0 =	simm.s32 @p2 $0x1  }
0x17: {  	s4 =	simm.s32 $0x1BF5;
	[smem:$0x3FB2] =	sst s0  }
0x18: {  	s0 =	sld [smem:$0x3F95];
	_ =	swait.ge [sflag:s4], $0x0  }
0x19: {  	s7 =	sld [smem:$0x3F96]  }
0x1a: {  	s8 =	sadd.s32 $0xFFFFE003, lr  }
0x1b: {  	s9 =	sadd.s32 $0xFFFFFEF7, lr;
	s5 =	simm.s32 $0xFFFFFFFF;
	p2 =	slt.u32 s8, $0xFFFFF086  }
0x1c: {  	p1 =	slt.u32 s9, $0xF7A;
	s5 =	simm.s32 @!p2 $0x0  }
0x1d: {  	s5 =	simm.s32 @p1 $0x1;
	p0 =	seq.s32 s7, s2  }
0x1e: {  	s7 =	smul.u32 @!p0 $0xF7A, s2;
	p2 =	seq.s32 @!p0 s5, $0x0  }
0x1f: {  	s9 =	smul.u32 $0xF7A, s1;
	s8 =	simm.s32 @!p0 $0x1BF5;
	p2 =	por !p2, p0  }
0x20: {  	[sflag:s8] =	ssyncset.s32 @!p0 $0xFFFFF086;
	s6 =	sadd.s32 @!p0 s3, s7;
	s7 =	simm.s32 @!p0 $0x108  }
0x21: {  	s3 =	sadd.s32 s3, s9;
	s6 =	sadd.s32 @!p0 $0x88, s6;
	s7 =	simm.s32 @p2 $0x1082  }
0x22: {  	[simem:s7], [sflag:s8] =	dma.local @!p0 [hbm:s6], $0xF7A  }
0x23: {  	s9 =	sor.u32 $0xD0000000, s2;
	s6 =	simm.s32 $0x108;
	_ =	swait.ge @!p0 [sflag:s8], $0x0  }
0x24: {  	s3 =	sadd.s32 $0x88, s3;
	s6 =	simm.s32 @!p1 $0x1082;
	[sflag:s4] =	ssyncset.s32 $0xFFFFF086  }
0x25: {  	[simem:s6], [sflag:s4] =	dma.local [hbm:s3], $0xF7A  }
0x26: {  	[smem:$0x3F96] =	sst s1;
	(tag) =	ssettag s2;
	_ =	strace s9  }
0x27: {  	s1 =	sld [smem:$0x3FA6]  }
0x28: {  	s2 =	sld [smem:$0x3FA7]  }
0x29: {  	s4 =	sld [smem:$0x3FA9]  }
0x2a: {  	p0 =	seq.s32 s5, $0x0;
	s5 =	sld [smem:$0x3FAA]  }
0x2b: {  	s6 =	sld [smem:$0x3FAB]  }
0x2c: {  	s7 =	sld [smem:$0x3FAC]  }
0x2d: {  	s3 =	simm.s32 $0x108;
	s8 =	sld [smem:$0x3FAD]  }
0x2e: {  	s3 =	simm.s32 @!p0 $0x1082;
	s9 =	sld [smem:$0x3FAE]  }
0x2f: {  	lr =	sadd.s32 s0, s3;
	s0 =	sld [smem:$0x3FA5]  }
0x30: {  	s3 =	sld [smem:$0x3FA8]  }
0x31: {  	[smem:$0x3FB1] =	sst s10  }
0x32: {  	s10 =	sld [smem:$0x3FAF];
	_ =	sdelay $0x3  }
0x33: {  	p0 =	seq.s32 s10, $0x1;
	s10 =	sld [smem:$0x3FB1];
	_ =	sdelay $0x3  }
0x34: {  	[smem:$0x3FB1] =	sst s10  }
0x35: {  	s10 =	sld [smem:$0x3FB0];
	_ =	sdelay $0x3  }
0x36: {  	p1 =	seq.s32 s10, $0x1;
	s10 =	sld [smem:$0x3FB1];
	_ =	sdelay $0x3  }
0x37: {  	[smem:$0x3FB1] =	sst s10  }
0x38: {  	s10 =	sld [smem:$0x3FB2]  }
0x39: {  	_ = 	snop;
	(pc) =	sbr.ind lr, $3  }
0x3a: {  	_ = 	snop  }
0x3b: {  	_ = 	snop  }
0x3c: {  	p2 =	seq.s32 s10, $0x1;
	s10 =	sld [smem:$0x3FB1]  }
0x3d: {  	_ =	shalt  }
0x3e: {  	_ =	shalt  }
0x3f: {  	_ =	shalt  }
0x40: {  	_ =	shalt  }
0x41: {  	_ =	shalt  }
0x42: {  	_ =	shalt  }
0x43: {  	_ =	shalt  }
0x44: {  	_ =	shalt  }
0x45: {  	_ =	shalt  }
0x46: {  	_ =	shalt  }
0x47: {  	_ =	shalt  }
0x48: {  	_ =	shalt  }
0x49: {  	_ =	shalt  }
0x4a: {  	_ =	shalt  }
0x4b: {  	_ =	shalt  }
0x4c: {  	_ =	shalt  }
0x4d: {  	_ =	shalt  }
0x4e: {  	_ =	shalt  }
0x4f: {  	_ =	shalt  }
0x50: {  	_ =	shalt  }
0x51: {  	_ =	shalt  }
0x52: {  	_ =	shalt  }
0x53: {  	_ =	shalt  }
0x54: {  	_ =	shalt  }
0x55: {  	_ =	shalt  }
0x56: {  	_ =	shalt  }
0x57: {  	_ =	shalt  }
0x58: {  	_ =	shalt  }
0x59: {  	_ =	shalt  }
0x5a: {  	_ =	shalt  }
0x5b: {  	_ =	shalt  }
0x5c: {  	_ =	shalt  }
0x5d: {  	_ =	shalt  }
0x5e: {  	_ =	shalt  }
0x5f: {  	_ =	shalt  }
0x60: {  	_ =	shalt  }
0x61: {  	_ =	shalt  }
0x62: {  	_ =	shalt  }
0x63: {  	_ =	shalt  }
0x64: {  	_ =	shalt  }
0x65: {  	_ =	shalt  }
0x66: {  	_ =	shalt  }
0x67: {  	_ =	shalt  }
0x68: {  	_ =	shalt  }
0x69: {  	_ =	shalt  }
0x6a: {  	_ =	shalt  }
0x6b: {  	_ =	shalt  }
0x6c: {  	_ =	shalt  }
0x6d: {  	_ =	shalt  }
0x6e: {  	_ =	shalt  }
0x6f: {  	_ =	shalt  }
0x70: {  	_ =	shalt  }
0x71: {  	_ =	shalt  }
0x72: {  	_ =	shalt  }
0x73: {  	_ =	shalt  }
0x74: {  	_ =	shalt  }
0x75: {  	_ =	shalt  }
0x76: {  	_ =	shalt  }
0x77: {  	_ =	shalt  }
0x78: {  	_ =	shalt  }
0x79: {  	_ =	shalt  }
0x7a: {  	_ =	shalt  }
0x7b: {  	_ =	shalt  }
0x7c: {  	_ =	shalt  }
0x7d: {  	_ =	shalt  }
0x7e: {  	_ =	shalt  }
0x7f: {  	_ =	shalt  }
0x80: {  	_ =	shalt  }
0x81: {  	_ =	shalt  }
0x82: {  	_ =	shalt  }
0x83: {  	_ =	shalt  }
0x84: {  	_ =	shalt  }
0x85: {  	_ =	shalt  }
0x86: {  	_ =	shalt  }
0x87: {  	_ =	shalt  }
.Lfunc_end0:
.L_simem_size_0:
called_computation.1_lowered:
.L_overlay_start_0:
0x88: {  	s2 =	sld [smem:$0x3FD9]  }
0x89: {  	s3 =	sld [smem:$0x3FFE];
	_ =	sdelay $0x1  }
0x8a: {  	s1 =	srdreg.scid  }
0x8b: {  	s0 =	sand.u32 $0x1, s1  }
0x8c: {  	s16 =	sshll.u32 s0, $0xA;
	s2 =	sadd.s32 s3, s2  }
0x8d: {  	s2 =	sadd.s32 s2, s16  }
0x8e: {  	[smem:$0x3FBD] =	sst s2  }
0x8f: {  	_ = 	snop  }
0x90: {  	(tm) =	ssettm $0x1  }
0x91: {  	s17 =	sld [smem:$0x3FFB];
	_ =	sdelay $0x3  }
0x92: {  	_ =	strace s17  }
0x93: {  	s2 =	sld [smem:$0x3FFC];
	_ =	sdelay $0x3  }
0x94: {  	_ =	strace s2  }
0x95: {  	s2 =	sld [smem:$0x3FFD];
	_ =	sdelay $0x3  }
0x96: {  	_ =	strace s2  }
0x97: {  	_ =	strace $0x8FFFFFFF  }
0x98: {  	s18 =	sld [smem:$0x3FDB];
	_ =	sdelay $0x1  }
0x99: {  	s19 =	simm.s32 $_scs_section_size  }
0x9a: {  	s4 =	simm.s32 $_size__tile_overlayer_lowered;
	s5 =	simm.s32 $_tile_overlayer_lowered  }
0x9b: {  	s22 =	simm.s32 $0x1BFF;
	s21 =	sshll.u32 s5, $0x1;
	s2 =	sadd.s32 s19, s18  }
0x9c: {  	s6 =	simm.s32 $0x0;
	s20 =	sshll.u32 s4, $0x1;
	s4 =	sadd.s32 s21, s2  }
0x9d: {  	[timem:s6], [sflag:s22] =	dma.local [hbm:s4], s20  }
0x9e: {  	_ =	swait.ge [sflag:s22], s20  }
0x9f: {  	s3 =	ssub.s32 $0x0, s20;
	[sflag:s22] =	ssyncset.done $0x0  }
0xa0: {  	[sflag:s22] =	ssyncadd.s32 s3;
	_ =	sdelay $0x1  }
0xa1: {  	s23 =	simm.s32 $0x1B8B  }
0xa2: {  	_ =	swait.ge [sflag:s23], $0x1  }
0xa3: {  	[sflag:s23] =	ssyncset.done $0x0  }
0xa4: {  	s25 =	simm.s32 $0x1B8E;
	s24 =	sld [smem:$0x3FFE];
	[sflag:s23] =	ssyncadd.s32 $0xFFFFFFFF  }
0xa5: {  	s26 =	simm.s32 $execute0_lowered;
	[smem:$0x3FD2] =	sst s25  }
0xa6: {  	s4 =	sshll.u32 s26, $0x1;
	_ =	strace $0x80000049;
	[dreg:$0x1] =	wrdreg $0xFFFFFFFF  }
0xa7: {  	s28 =	simm.s32 $_size_execute0_lowered;
	s2 =	sadd.s32 s2, s4;
	[dreg:$0x0] =	wrdreg $0x0  }
0xa8: {  	s4 =	sshll.u32 s28, $0x1;
	[dreg:$0x2] =	wrdreg s2  }
0xa9: {  	[dreg:$0x3] =	wrdreg s4  }
0xaa: {  	[dreg:$0x4] =	wrdreg $0xC0  }
0xab: {  	_ =	task [dreg:s6], $0x5FFFF  }
0xac: {  	[dreg:$0x1] =	wrdreg $0xFFFFFFFF  }
0xad: {  	[dreg:$0x0] =	wrdreg $0x60  }
0xae: {  	[dreg:$0x2] =	wrdreg s24  }
0xaf: {  	[dreg:$0x3] =	wrdreg $0xA8000  }
0xb0: {  	[dreg:$0x4] =	wrdreg $0x9  }
0xb1: {  	_ =	task.clear_ibuf [dreg:s6], $0x5FFFF;
	_ =	strace $0x90000049  }
0xb2: {  	s29 =	simm.s32 $0x9;
	_ =	strace $0x8000004B  }
0xb3: {  	_ =	swait.ge [sflag:s29], $0x1  }
0xb4: {  	[sflag:s29] =	ssyncadd.s32 $0xFFFFFFFF  }
0xb5: {  	_ =	strace $0x9000004B  }
0xb6: {  	_ =	sfence  }
0xb7: {  	s30 =	sld [smem:$0x0];
	_ =	sdelay $0x2  }
0xb8: {  	s31 =	sshll.u32 s1, $0xD;
	s1 =	sshrl.u32 s1, $0x2  }
0xb9: {  	s3 =	sand.u32 $0x4000, s31;
	s1 =	sadd.s32 s1, s30  }
0xba: {  	s0 =	sor.u32 s3, s0;
	s1 =	sshll.u32 s1, $0x11  }
0xbb: {  	s0 =	sor.u32 s1, s0  }
0xbc: {  	s0 =	sadd.s32 $0x8F2B, s0  }
0xbd: {  	[sflag:s0] =	ssyncadd.remote.s32 $0x1  }
0xbe: {  	_ =	sfence.sel $0xFFFF  }
0xbf: {  	[dreg:$0x0] =	wrdreg $0xFFFFFFFF;
	(pc) =	sbr.abs _section_cstart, $3  }
0xc0: {  	[dreg:$0x1] =	wrdreg $0xFFFFFFFF  }
0xc1: {  	_ =	task.clear_ibuf [dreg:s6], $0x2FFFF;
	_ =	strace $0x9FFFFFFF  }
0xc2: {  	(tm) =	ssettm $0x7FFFFFFF  }
0xc3: {  	_ =	shalt  }
tec
execute0_lowered:
.L_overlay_start_1:
0x0: {  	(tag) =	ssettag $0x1  }
0x1: {  	s0 =	rddreg [dreg:$0x0]  }
0x2: {  	s1 =	rddreg [dreg:$0x1];
	s2 =	simm.s32 $0x0  }
0x3: {  	s5 =	srdreg.scid;
	s9 =	stileid.u32;
	s28 =	simm.s32 $0x2  }
0x4: {  	s29 =	simm.s32 $0x2700;
	s30 =	simm.s32 $0x2780;
	s31 =	simm.s32 $0x0  }
0x5: {  	[smem:$0x7FF] =	sst s2;
	s4 =	sadd.s32 $0x17800, s0;
	s3 =	sadd.s32 $0xD800, s0  }
0x6: {  	s14 =	sadd.s32 $0x3800, s0;
	s10 =	sand.u32 $0x1, s5;
	s7 =	smul.u32 $0x50000, s9  }
0x7: {  	s24 =	sadd.s32 $0x3EA00, s0;
	s0 =	sadd.s32 $0x3F200, s0;
	s13 =	smul.u32 $0x14000, s9  }
0x8: {  	_ =	strace $0x8000004A;
	[dreg:$0x3] =	wrdreg s24;
	s6 =	ssub.s32 $0x2, s10  }
0x9: {  	s25 =	sshll.u32 s10, $0x4;
	s21 =	smul.u32 $0x140000, s10;
	s8 =	sshrl.u32 s6, $0x1  }
0xa: {  	s7 =	sshrl.u32 s7, $0x2;
	s9 =	sor.u32 s9, s25;
	s15 =	sadd.s32 $0x4000, s13  }
0xb: {  	s17 =	sadd.s32 $0x8000, s13;
	s18 =	sadd.s32 $0xC000, s13;
	s19 =	sadd.s32 $0x10000, s13  }
0xc: {  	s20 =	ssub.s32 s6, s8;
	s6 =	sadd.s32 s7, s1;
	s12 =	smul.u32 $0x500, s9  }
0xd: {  	s7 =	sadd.s32 s15, s1;
	s8 =	sadd.s32 s17, s1;
	s16 =	smul.u32 $0x2800, s9  }
0xe: {  	s9 =	sadd.s32 s18, s1;
	s10 =	sadd.s32 s19, s1;
	s22 =	sadd.s32 s13, s21  }
0xf: {  	s5 =	sadd.s32 s21, s15;
	s24 =	sadd.s32 s21, s17;
	s25 =	sadd.s32 s21, s18  }
0x10: {  	s19 =	sadd.s32 s21, s19;
	s21 =	simm.s32 $0x2800;
	s26 =	sshrl.u32 s22, $0x3  }
0x11: {  	s23 =	sshrl.u32 s5, $0x3;
	s18 =	sshrl.u32 s25, $0x3;
	s20 =	smax.u32 s20, $0x1  }
0x12: {  	s22 =	simm.s32 $0x3;
	s25 =	simm.s32 $0x6800;
	s11 =	sadd.s32 s3, s12  }
0x13: {  	s16 =	sshrl.u32 s16, $0x3;
	s12 =	sadd.s32 s14, s12;
	s15 =	sadd.s32 s0, s26  }
0x14: {  	s18 =	sadd.s32 s0, s18;
	s26 =	sshrl.u32 s19, $0x3;
	s16 =	sadd.s32 $0x280, s16  }
0x15: {  	s19 =	sadd.s32 s0, s26;
	s26 =	simm.s32 $0x1;
	s13 =	sadd.s32 s3, s16  }
0x16: {  	s14 =	sadd.s32 s14, s16;
	s16 =	sadd.s32 s0, s23;
	s3 =	sshrl.u32 s24, $0x3  }
0x17: {  	s23 =	simm.s32 $0x1400;
	s24 =	simm.s32 $0x80;
	s17 =	sadd.s32 s0, s3  }
.LBB2_1:
0x18: {  	s0 =	rddreg [dreg:$0x3]  }
0x19: {  	[tilespmem:s21], [sflag:$0x3] =	stream.linear.gather [hbm4b:s0+s2], $0x4000, $0x38;
	[tilespmem:$0x1E800] =	vst v63  }
0x1a: {  	_ =	swait.ge [sflag:s22], $0x4000  }
0x1b: {  	[sflag:s22] =	ssyncset.done $0x0  }
0x1c: {  	[sflag:s22] =	ssyncadd.s32 $0xFFFFC000  }
0x1d: {  	[spmem:s6] =	stream.linear.scatter [tilespmem:s21], [sflag:$0x3], $0x4000, $0x38;
	[tilespmem:$0x1E800] =	vst v63  }
0x1e: {  	_ =	swait.ge [sflag:s22], $0x4000  }
0x1f: {  	[sflag:s22] =	ssyncset.done $0x0  }
0x20: {  	[sflag:s22] =	ssyncadd.s32 $0xFFFFC000  }
0x21: {  	[spmem:s7] =	stream.linear.scatter [tilespmem:s21], [sflag:$0x3], $0x4000, $0x38;
	[tilespmem:$0x1E800] =	vst v63  }
0x22: {  	_ =	swait.ge [sflag:s22], $0x4000  }
0x23: {  	[sflag:s22] =	ssyncset.done $0x0  }
0x24: {  	[sflag:s22] =	ssyncadd.s32 $0xFFFFC000  }
0x25: {  	[spmem:s8] =	stream.linear.scatter [tilespmem:s21], [sflag:$0x3], $0x4000, $0x38;
	[tilespmem:$0x1E800] =	vst v63  }
0x26: {  	_ =	swait.ge [sflag:s22], $0x4000  }
0x27: {  	[sflag:s22] =	ssyncset.done $0x0  }
0x28: {  	[sflag:s22] =	ssyncadd.s32 $0xFFFFC000  }
0x29: {  	[spmem:s9] =	stream.linear.scatter [tilespmem:s21], [sflag:$0x3], $0x4000, $0x38;
	[tilespmem:$0x1E800] =	vst v63  }
0x2a: {  	_ =	swait.ge [sflag:s22], $0x4000  }
0x2b: {  	[sflag:s22] =	ssyncset.done $0x0  }
0x2c: {  	[sflag:s22] =	ssyncadd.s32 $0xFFFFC000  }
0x2d: {  	[spmem:s10] =	stream.linear.scatter [tilespmem:s21], [sflag:$0x3], $0x4000, $0x38;
	[tilespmem:$0x1E800] =	vst v63  }
0x2e: {  	_ =	swait.ge [sflag:s22], $0x4000  }
0x2f: {  	[sflag:s22] =	ssyncset.done $0x0  }
0x30: {  	[sflag:s22] =	ssyncadd.s32 $0xFFFFC000  }
0x31: {  	[bflag:$0x0] =	sbarrier.arrive $0xFFFF  }
0x32: {  	[tilespmem:s2], [sflag:$0x3] =	stream.linear.gather [hbm4b:s11+s2], $0x1400, $0x38;
	[tilespmem:$0x1E800] =	vst v63  }
0x33: {  	_ =	swait.ge [sflag:s22], $0x1400  }
0x34: {  	[sflag:s22] =	ssyncset.done $0x0  }
0x35: {  	[sflag:s22] =	ssyncadd.s32 $0xFFFFEC00  }
0x36: {  	[tilespmem:s23], [sflag:$0x3] =	stream.linear.gather [hbm4b:s12+s2], $0x1400, $0x38;
	[tilespmem:$0x1E800] =	vst v63  }
0x37: {  	_ =	swait.ge [sflag:s22], $0x1400  }
0x38: {  	[sflag:s22] =	ssyncset.done $0x0  }
0x39: {  	[sflag:s22] =	ssyncadd.s32 $0xFFFFEC00  }
0x3a: {  	[tilespmem:s21], [sflag:$0x1] =	stream.indirect.gather [hbm4b:s4+s24], $0x80, s2, s24, $0xb8;
	[tilespmem:$0x1E800] =	vst v63  }
0x3b: {  	_ = 	snop  }
0x3c: {  	[tilespmem:s25], [sflag:$0x2] =	stream.indirect.gather [hbm4b:s4+s24], $0x80, s24, s24, $0xb8;
	[tilespmem:$0x1E800] =	vst v63  }
0x3d: {  	_ =	swait.ge [sflag:s26], $0x4000  }
0x3e: {  	[sflag:s26] =	ssyncset.done $0x0  }
0x3f: {  	s5 =	simm.s32 $0x1400;
	[sflag:s26] =	ssyncadd.s32 $0xFFFFC000  }
0x40: {  	[spmem:s1] =	stream.indirect.scatter.add.f32 [tilespmem:s21], [sflag:$0x3], $0x80, s5, s24, $0xb8;
	[tilespmem:$0x1E800] =	vst v63  }
0x41: {  	_ =	swait.ge [sflag:s22], $0x4000  }
0x42: {  	[sflag:s22] =	ssyncset.done $0x0  }
0x43: {  	s3 =	simm.s32 $0x100;
	[sflag:s22] =	ssyncadd.s32 $0xFFFFC000  }
0x44: {  	[tilespmem:s21], [sflag:$0x1] =	stream.indirect.gather [hbm4b:s4+s24], $0x80, s3, s24, $0xb8;
	[tilespmem:$0x1E800] =	vst v63  }
0x45: {  	_ =	swait.ge [sflag:s28], $0x4000  }
0x46: {  	[sflag:s28] =	ssyncset.done $0x0  }
0x47: {  	s5 =	simm.s32 $0x1480;
	[sflag:s28] =	ssyncadd.s32 $0xFFFFC000  }
0x48: {  	[spmem:s1] =	stream.indirect.scatter.add.f32 [tilespmem:s25], [sflag:$0x3], $0x80, s5, s24, $0xb8;
	[tilespmem:$0x1E800] =	vst v63  }
0x49: {  	_ =	swait.ge [sflag:s22], $0x4000  }
0x4a: {  	[sflag:s22] =	ssyncset.done $0x0  }
0x4b: {  	s0 =	simm.s32 $0x400;
	s3 =	simm.s32 $0x180;
	[sflag:s22] =	ssyncadd.s32 $0xFFFFC000  }
.LBB2_2:
0x4c: {  	[tilespmem:s25], [sflag:$0x2] =	stream.indirect.gather [hbm4b:s4+s24], $0x80, s3, s24, $0xb8;
	[tilespmem:$0x1E800] =	vst v63  }
0x4d: {  	s3 =	smov.u32 s0  }
0x4e: {  	p0 =	sne.s32 s0, $0x4800;
	s0 =	sadd.s32 $0x400, s0;
	_ =	swait.ge [sflag:s26], $0x4000  }
0x4f: {  	s3 =	sshra.s32 s3, $0x2;
	[sflag:s26] =	ssyncset.done $0x0  }
0x50: {  	s5 =	sadd.s32 $0x1400, s3;
	[sflag:s26] =	ssyncadd.s32 $0xFFFFC000  }
0x51: {  	[spmem:s1] =	stream.indirect.scatter.add.f32 [tilespmem:s21], [sflag:$0x3], $0x80, s5, s24, $0xb8;
	[tilespmem:$0x1E800] =	vst v63  }
0x52: {  	_ =	swait.ge [sflag:s22], $0x4000  }
0x53: {  	[sflag:s22] =	ssyncset.done $0x0  }
0x54: {  	s5 =	sadd.s32 $0x100, s3;
	[sflag:s22] =	ssyncadd.s32 $0xFFFFC000  }
0x55: {  	[tilespmem:s21], [sflag:$0x1] =	stream.indirect.gather [hbm4b:s4+s24], $0x80, s5, s24, $0xb8;
	[tilespmem:$0x1E800] =	vst v63  }
0x56: {  	_ =	swait.ge [sflag:s28], $0x4000  }
0x57: {  	[sflag:s28] =	ssyncset.done $0x0  }
.Ltmp0:
0x58: {  	s5 =	sadd.s32 $0x1480, s3;
	[sflag:s28] =	ssyncadd.s32 $0xFFFFC000;
	(pc) =	sbr.rel @p0 .LBB2_2-.Ltmp0, $4  }
0x59: {  	[spmem:s1] =	stream.indirect.scatter.add.f32 [tilespmem:s25], [sflag:$0x3], $0x80, s5, s24, $0xb8;
	[tilespmem:$0x1E800] =	vst v63  }
0x5a: {  	_ =	swait.ge [sflag:s22], $0x4000  }
0x5b: {  	[sflag:s22] =	ssyncset.done $0x0  }
0x5c: {  	s3 =	sadd.s32 $0x180, s3;
	[sflag:s22] =	ssyncadd.s32 $0xFFFFC000  }
0x5d: {  	[tilespmem:s25], [sflag:$0x2] =	stream.indirect.gather [hbm4b:s4+s24], $0x80, s3, s24, $0xb8;
	[tilespmem:$0x1E800] =	vst v63  }
0x5e: {  	_ =	swait.ge [sflag:s26], $0x4000  }
0x5f: {  	[sflag:s26] =	ssyncset.done $0x0  }
0x60: {  	[sflag:s26] =	ssyncadd.s32 $0xFFFFC000  }
0x61: {  	[spmem:s1] =	stream.indirect.scatter.add.f32 [tilespmem:s21], [sflag:$0x3], $0x80, s29, s24, $0xb8;
	[tilespmem:$0x1E800] =	vst v63  }
0x62: {  	_ =	swait.ge [sflag:s22], $0x4000  }
0x63: {  	[sflag:s22] =	ssyncset.done $0x0  }
0x64: {  	[sflag:s22] =	ssyncadd.s32 $0xFFFFC000  }
0x65: {  	_ =	swait.ge [sflag:s28], $0x4000  }
0x66: {  	[sflag:s28] =	ssyncset.done $0x0  }
0x67: {  	[sflag:s28] =	ssyncadd.s32 $0xFFFFC000  }
0x68: {  	[spmem:s1] =	stream.indirect.scatter.add.f32 [tilespmem:s25], [sflag:$0x3], $0x80, s30, s24, $0xb8;
	[tilespmem:$0x1E800] =	vst v63  }
0x69: {  	_ =	swait.ge [sflag:s22], $0x4000  }
0x6a: {  	[sflag:s22] =	ssyncset.done $0x0  }
0x6b: {  	s0 =	simm.s32 $0x0;
	[sflag:s22] =	ssyncadd.s32 $0xFFFFC000  }
0x6c: {  	[tilespmem:s0], [sflag:$0x3] =	stream.linear.gather [hbm4b:s13+s0], $0x1400, $0x38;
	[tilespmem:$0x1E800] =	vst v63  }
0x6d: {  	_ =	swait.ge [sflag:s22], $0x1400  }
0x6e: {  	[sflag:s22] =	ssyncset.done $0x0  }
0x6f: {  	[sflag:s22] =	ssyncadd.s32 $0xFFFFEC00  }
0x70: {  	[tilespmem:s23], [sflag:$0x3] =	stream.linear.gather [hbm4b:s14+s0], $0x1400, $0x38;
	[tilespmem:$0x1E800] =	vst v63  }
0x71: {  	_ =	swait.ge [sflag:s22], $0x1400  }
0x72: {  	[sflag:s22] =	ssyncset.done $0x0  }
0x73: {  	[sflag:s22] =	ssyncadd.s32 $0xFFFFEC00  }
0x74: {  	[tilespmem:s21], [sflag:$0x1] =	stream.indirect.gather [hbm4b:s4+s24], $0x80, s0, s24, $0xb8;
	[tilespmem:$0x1E800] =	vst v63  }
0x75: {  	_ = 	snop  }
0x76: {  	[tilespmem:s25], [sflag:$0x2] =	stream.indirect.gather [hbm4b:s4+s24], $0x80, s24, s24, $0xb8;
	[tilespmem:$0x1E800] =	vst v63  }
0x77: {  	_ =	swait.ge [sflag:s26], $0x4000  }
0x78: {  	[sflag:s26] =	ssyncset.done $0x0  }
0x79: {  	s5 =	simm.s32 $0x1400;
	[sflag:s26] =	ssyncadd.s32 $0xFFFFC000  }
0x7a: {  	[spmem:s1] =	stream.indirect.scatter.add.f32 [tilespmem:s21], [sflag:$0x3], $0x80, s5, s24, $0xb8;
	[tilespmem:$0x1E800] =	vst v63  }
0x7b: {  	_ =	swait.ge [sflag:s22], $0x4000  }
0x7c: {  	[sflag:s22] =	ssyncset.done $0x0  }
0x7d: {  	s3 =	simm.s32 $0x100;
	[sflag:s22] =	ssyncadd.s32 $0xFFFFC000  }
0x7e: {  	[tilespmem:s21], [sflag:$0x1] =	stream.indirect.gather [hbm4b:s4+s24], $0x80, s3, s24, $0xb8;
	[tilespmem:$0x1E800] =	vst v63  }
0x7f: {  	_ =	swait.ge [sflag:s28], $0x4000  }
0x80: {  	[sflag:s28] =	ssyncset.done $0x0  }
0x81: {  	s5 =	simm.s32 $0x1480;
	[sflag:s28] =	ssyncadd.s32 $0xFFFFC000  }
0x82: {  	[spmem:s1] =	stream.indirect.scatter.add.f32 [tilespmem:s25], [sflag:$0x3], $0x80, s5, s24, $0xb8;
	[tilespmem:$0x1E800] =	vst v63  }
0x83: {  	_ =	swait.ge [sflag:s22], $0x4000  }
0x84: {  	[sflag:s22] =	ssyncset.done $0x0  }
0x85: {  	s0 =	simm.s32 $0x400;
	s3 =	simm.s32 $0x180;
	[sflag:s22] =	ssyncadd.s32 $0xFFFFC000  }
.LBB2_4:
0x86: {  	[tilespmem:s25], [sflag:$0x2] =	stream.indirect.gather [hbm4b:s4+s24], $0x80, s3, s24, $0xb8;
	[tilespmem:$0x1E800] =	vst v63  }
0x87: {  	s3 =	smov.u32 s0  }
0x88: {  	p0 =	sne.s32 s0, $0x4800;
	s0 =	sadd.s32 $0x400, s0;
	_ =	swait.ge [sflag:s26], $0x4000  }
0x89: {  	s3 =	sshra.s32 s3, $0x2;
	[sflag:s26] =	ssyncset.done $0x0  }
0x8a: {  	s5 =	sadd.s32 $0x1400, s3;
	[sflag:s26] =	ssyncadd.s32 $0xFFFFC000  }
0x8b: {  	[spmem:s1] =	stream.indirect.scatter.add.f32 [tilespmem:s21], [sflag:$0x3], $0x80, s5, s24, $0xb8;
	[tilespmem:$0x1E800] =	vst v63  }
0x8c: {  	_ =	swait.ge [sflag:s22], $0x4000  }
0x8d: {  	[sflag:s22] =	ssyncset.done $0x0  }
0x8e: {  	s5 =	sadd.s32 $0x100, s3;
	[sflag:s22] =	ssyncadd.s32 $0xFFFFC000  }
0x8f: {  	[tilespmem:s21], [sflag:$0x1] =	stream.indirect.gather [hbm4b:s4+s24], $0x80, s5, s24, $0xb8;
	[tilespmem:$0x1E800] =	vst v63  }
0x90: {  	_ =	swait.ge [sflag:s28], $0x4000  }
0x91: {  	[sflag:s28] =	ssyncset.done $0x0  }
.Ltmp1:
0x92: {  	s5 =	sadd.s32 $0x1480, s3;
	[sflag:s28] =	ssyncadd.s32 $0xFFFFC000;
	(pc) =	sbr.rel @p0 .LBB2_4-.Ltmp1, $4  }
0x93: {  	[spmem:s1] =	stream.indirect.scatter.add.f32 [tilespmem:s25], [sflag:$0x3], $0x80, s5, s24, $0xb8;
	[tilespmem:$0x1E800] =	vst v63  }
0x94: {  	_ =	swait.ge [sflag:s22], $0x4000  }
0x95: {  	[sflag:s22] =	ssyncset.done $0x0  }
0x96: {  	s3 =	sadd.s32 $0x180, s3;
	[sflag:s22] =	ssyncadd.s32 $0xFFFFC000  }
0x97: {  	[tilespmem:s25], [sflag:$0x2] =	stream.indirect.gather [hbm4b:s4+s24], $0x80, s3, s24, $0xb8;
	[tilespmem:$0x1E800] =	vst v63  }
0x98: {  	_ =	swait.ge [sflag:s26], $0x4000  }
0x99: {  	[sflag:s26] =	ssyncset.done $0x0  }
0x9a: {  	[sflag:s26] =	ssyncadd.s32 $0xFFFFC000  }
0x9b: {  	[spmem:s1] =	stream.indirect.scatter.add.f32 [tilespmem:s21], [sflag:$0x3], $0x80, s29, s24, $0xb8;
	[tilespmem:$0x1E800] =	vst v63  }
0x9c: {  	_ =	swait.ge [sflag:s22], $0x4000  }
0x9d: {  	[sflag:s22] =	ssyncset.done $0x0  }
0x9e: {  	[sflag:s22] =	ssyncadd.s32 $0xFFFFC000  }
0x9f: {  	_ =	swait.ge [sflag:s28], $0x4000  }
0xa0: {  	[sflag:s28] =	ssyncset.done $0x0  }
0xa1: {  	[sflag:s28] =	ssyncadd.s32 $0xFFFFC000  }
0xa2: {  	[spmem:s1] =	stream.indirect.scatter.add.f32 [tilespmem:s25], [sflag:$0x3], $0x80, s30, s24, $0xb8;
	[tilespmem:$0x1E800] =	vst v63  }
0xa3: {  	_ =	swait.ge [sflag:s22], $0x4000  }
0xa4: {  	[sflag:s22] =	ssyncset.done $0x0  }
0xa5: {  	[sflag:s22] =	ssyncadd.s32 $0xFFFFC000  }
0xa6: {  	[bflag:$0x0] =	sbarrier.arrive $0xFFFF  }
0xa7: {  	[tilespmem:s21], [sflag:$0x3] =	stream.linear.gather [spmem:s6], $0x4000, $0x38;
	[tilespmem:$0x1E800] =	vst v63  }
0xa8: {  	_ =	swait.ge [sflag:s22], $0x4000  }
0xa9: {  	[sflag:s22] =	ssyncset.done $0x0  }
0xaa: {  	[sflag:s22] =	ssyncadd.s32 $0xFFFFC000  }
0xab: {  	[hbm4b:s15+s2] =	stream.linear.scatter [tilespmem:s21], [sflag:$0x3], $0x4000, $0x38;
	[tilespmem:$0x1E800] =	vst v63  }
0xac: {  	_ =	swait.ge [sflag:s22], $0x4000  }
0xad: {  	[sflag:s22] =	ssyncset.done $0x0  }
0xae: {  	[sflag:s22] =	ssyncadd.s32 $0xFFFFC000  }
0xaf: {  	[tilespmem:s25], [sflag:$0x3] =	stream.linear.gather [spmem:s7], $0x4000, $0x38;
	[tilespmem:$0x1E800] =	vst v63  }
0xb0: {  	_ =	swait.ge [sflag:s22], $0x4000  }
0xb1: {  	[sflag:s22] =	ssyncset.done $0x0  }
0xb2: {  	[sflag:s22] =	ssyncadd.s32 $0xFFFFC000  }
0xb3: {  	[hbm4b:s16+s2] =	stream.linear.scatter [tilespmem:s25], [sflag:$0x3], $0x4000, $0x38;
	[tilespmem:$0x1E800] =	vst v63  }
0xb4: {  	_ =	swait.ge [sflag:s22], $0x4000  }
0xb5: {  	[sflag:s22] =	ssyncset.done $0x0  }
0xb6: {  	[sflag:s22] =	ssyncadd.s32 $0xFFFFC000  }
0xb7: {  	[tilespmem:s21], [sflag:$0x3] =	stream.linear.gather [spmem:s8], $0x4000, $0x38;
	[tilespmem:$0x1E800] =	vst v63  }
0xb8: {  	_ =	swait.ge [sflag:s22], $0x4000  }
0xb9: {  	[sflag:s22] =	ssyncset.done $0x0  }
0xba: {  	[sflag:s22] =	ssyncadd.s32 $0xFFFFC000  }
0xbb: {  	[hbm4b:s17+s2] =	stream.linear.scatter [tilespmem:s21], [sflag:$0x3], $0x4000, $0x38;
	[tilespmem:$0x1E800] =	vst v63  }
0xbc: {  	_ =	swait.ge [sflag:s22], $0x4000  }
0xbd: {  	[sflag:s22] =	ssyncset.done $0x0  }
0xbe: {  	[sflag:s22] =	ssyncadd.s32 $0xFFFFC000  }
0xbf: {  	[tilespmem:s25], [sflag:$0x3] =	stream.linear.gather [spmem:s9], $0x4000, $0x38;
	[tilespmem:$0x1E800] =	vst v63  }
0xc0: {  	_ =	swait.ge [sflag:s22], $0x4000  }
0xc1: {  	[sflag:s22] =	ssyncset.done $0x0  }
0xc2: {  	[sflag:s22] =	ssyncadd.s32 $0xFFFFC000  }
0xc3: {  	[hbm4b:s18+s2] =	stream.linear.scatter [tilespmem:s25], [sflag:$0x3], $0x4000, $0x38;
	[tilespmem:$0x1E800] =	vst v63  }
0xc4: {  	_ =	swait.ge [sflag:s22], $0x4000  }
0xc5: {  	[sflag:s22] =	ssyncset.done $0x0  }
0xc6: {  	[sflag:s22] =	ssyncadd.s32 $0xFFFFC000  }
0xc7: {  	[tilespmem:s21], [sflag:$0x3] =	stream.linear.gather [spmem:s10], $0x4000, $0x38;
	[tilespmem:$0x1E800] =	vst v63  }
0xc8: {  	s31 =	sadd.s32 $0x1, s31;
	_ =	swait.ge [sflag:s22], $0x4000  }
0xc9: {  	p0 =	sne.s32 s31, s20;
	[sflag:s22] =	ssyncset.done $0x0  }
.Ltmp2:
0xca: {  	[sflag:s22] =	ssyncadd.s32 $0xFFFFC000;
	(pc) =	sbr.rel @p0 .LBB2_1-.Ltmp2, $4  }
0xcb: {  	[hbm4b:s19+s2] =	stream.linear.scatter [tilespmem:s21], [sflag:$0x3], $0x4000, $0x38;
	[tilespmem:$0x1E800] =	vst v63  }
0xcc: {  	_ =	swait.ge [sflag:s22], $0x4000  }
0xcd: {  	[sflag:s22] =	ssyncset.done $0x0  }
0xce: {  	[sflag:s22] =	ssyncadd.s32 $0xFFFFC000  }
0xcf: {  	_ =	sfence.sel $0x180000  }
0xd0: {  	[bflag:$0x0] =	sbarrier.arrive $0xFFFF  }
0xd1: {  	_ =	strace $0x9000004A  }
0xd2: {  	s0 =	stileid.u32;
	[bflag:$0x2] =	sbarrier.arrive $0xFFFF  }
0xd3: {  	p0 =	sne.s32 s0, $0x0;
	s0 =	rddreg [dreg:$0x2]  }
0xd4: {  	s0 =	sadd.s32 @!p0 $0x100000, s0  }
0xd5: {  	[sflag:s0] =	ssyncadd.tile.s32 @!p0 $0x1;
	_ =	shalt  }
.Lfunc_end2:
_tile_overlayer_lowered:
.L_overlay_start_2:
0xd6: {  	(tag) =	ssettag $0x2  }
0xd7: {  	s0 =	rddreg [dreg:$0x0];
	s2 =	stileid.u32  }
0xd8: {  	s1 =	rddreg [dreg:$0x1];
	p0 =	sne.s32 s2, $0x0  }
0xd9: {  	s3 =	rddreg [dreg:$0x2];
	[bflag:$0x3] =	sbarrier.arrive $0xFFFF;
	s2 =	simm.s32 @!p0 $0x1C03  }
0xda: {  	[timem:s3], [sflag:s2] =	dma.local @!p0 [hbm:s0], s1  }
0xdb: {  	s0 =	simm.s32 @!p0 $0x3  }
0xdc: {  	_ =	swait.ge @!p0 [sflag:s0], s1  }
0xdd: {  	s1 =	ssub.s32 @!p0 $0x0, s1;
	[sflag:s0] =	ssyncset.done @!p0 $0x0  }
0xde: {  	[sflag:s0] =	ssyncadd.s32 @!p0 s1  }
0xdf: {  	[bflag:$0x3] =	sbarrier.arrive $0xFFFF  }
0xe0: {  	_ =	shalt  }

// kernel: kernel.16.cloned.1.call-start
scs
__scs_entry_jumppad:
0x0: {  	(pc) =	sbr.rel $0x88, $3  }
0x1: {  	(tag) =	ssettag $0x0;
	lr =	simm.s32 $0x1  }
0x2: {  	[smem:$0x3F96] =	sst lr;
	_ =	strace $0xD0000000  }
0x3: {  	_ = 	snop  }
0x4: {  	_ = 	snop  }
0x5: {  	_ = 	snop  }
0x6: {  	_ = 	snop  }
0x7: {  	_ = 	snop  }
__scs_overlays_trampoline_lowered:
0x8: {  	[smem:$0x3FA5] =	sst s0  }
0x9: {  	[smem:$0x3FA6] =	sst s1  }
0xa: {  	[smem:$0x3FA7] =	sst s2  }
0xb: {  	[smem:$0x3FA8] =	sst s3  }
0xc: {  	[smem:$0x3FA9] =	sst s4  }
0xd: {  	[smem:$0x3FAA] =	sst s5  }
0xe: {  	[smem:$0x3FAB] =	sst s6  }
0xf: {  	[smem:$0x3FAC] =	sst s7  }
0x10: {  	[smem:$0x3FAD] =	sst s8  }
0x11: {  	[smem:$0x3FAE] =	sst s9;
	s0 =	simm.s32 @!p0 $0x0  }
0x12: {  	s1 =	sld [smem:$0x3F94];
	s0 =	simm.s32 @p0 $0x1  }
0x13: {  	[smem:$0x3FAF] =	sst s0;
	s0 =	simm.s32 @!p1 $0x0  }
0x14: {  	s2 =	sld [smem:$0x3F93];
	s0 =	simm.s32 @p1 $0x1  }
0x15: {  	[smem:$0x3FB0] =	sst s0;
	s0 =	simm.s32 @!p2 $0x0  }
0x16: {  	s3 =	sld [smem:$0x3FDB];
	s0 =	simm.s32 @p2 $0x1  }
0x17: {  	s4 =	simm.s32 $0x1BF5;
	[smem:$0x3FB2] =	sst s0  }
0x18: {  	s0 =	sld [smem:$0x3F95];
	_ =	swait.ge [sflag:s4], $0x0  }
0x19: {  	s7 =	sld [smem:$0x3F96]  }
0x1a: {  	s8 =	sadd.s32 $0xFFFFE003, lr  }
0x1b: {  	s9 =	sadd.s32 $0xFFFFFEF7, lr;
	s5 =	simm.s32 $0xFFFFFFFF;
	p2 =	slt.u32 s8, $0xFFFFF086  }
0x1c: {  	p1 =	slt.u32 s9, $0xF7A;
	s5 =	simm.s32 @!p2 $0x0  }
0x1d: {  	s5 =	simm.s32 @p1 $0x1;
	p0 =	seq.s32 s7, s2  }
0x1e: {  	s7 =	smul.u32 @!p0 $0xF7A, s2;
	p2 =	seq.s32 @!p0 s5, $0x0  }
0x1f: {  	s9 =	smul.u32 $0xF7A, s1;
	s8 =	simm.s32 @!p0 $0x1BF5;
	p2 =	por !p2, p0  }
0x20: {  	[sflag:s8] =	ssyncset.s32 @!p0 $0xFFFFF086;
	s6 =	sadd.s32 @!p0 s3, s7;
	s7 =	simm.s32 @!p0 $0x108  }
0x21: {  	s3 =	sadd.s32 s3, s9;
	s6 =	sadd.s32 @!p0 $0x88, s6;
	s7 =	simm.s32 @p2 $0x1082  }
0x22: {  	[simem:s7], [sflag:s8] =	dma.local @!p0 [hbm:s6], $0xF7A  }
0x23: {  	s9 =	sor.u32 $0xD0000000, s2;
	s6 =	simm.s32 $0x108;
	_ =	swait.ge @!p0 [sflag:s8], $0x0  }
0x24: {  	s3 =	sadd.s32 $0x88, s3;
	s6 =	simm.s32 @!p1 $0x1082;
	[sflag:s4] =	ssyncset.s32 $0xFFFFF086  }
0x25: {  	[simem:s6], [sflag:s4] =	dma.local [hbm:s3], $0xF7A  }
0x26: {  	[smem:$0x3F96] =	sst s1;
	(tag) =	ssettag s2;
	_ =	strace s9  }
0x27: {  	s1 =	sld [smem:$0x3FA6]  }
0x28: {  	s2 =	sld [smem:$0x3FA7]  }
0x29: {  	s4 =	sld [smem:$0x3FA9]  }
0x2a: {  	p0 =	seq.s32 s5, $0x0;
	s5 =	sld [smem:$0x3FAA]  }
0x2b: {  	s6 =	sld [smem:$0x3FAB]  }
0x2c: {  	s7 =	sld [smem:$0x3FAC]  }
0x2d: {  	s3 =	simm.s32 $0x108;
	s8 =	sld [smem:$0x3FAD]  }
0x2e: {  	s3 =	simm.s32 @!p0 $0x1082;
	s9 =	sld [smem:$0x3FAE]  }
0x2f: {  	lr =	sadd.s32 s0, s3;
	s0 =	sld [smem:$0x3FA5]  }
0x30: {  	s3 =	sld [smem:$0x3FA8]  }
0x31: {  	[smem:$0x3FB1] =	sst s10  }
0x32: {  	s10 =	sld [smem:$0x3FAF];
	_ =	sdelay $0x3  }
0x33: {  	p0 =	seq.s32 s10, $0x1;
	s10 =	sld [smem:$0x3FB1];
	_ =	sdelay $0x3  }
0x34: {  	[smem:$0x3FB1] =	sst s10  }
0x35: {  	s10 =	sld [smem:$0x3FB0];
	_ =	sdelay $0x3  }
0x36: {  	p1 =	seq.s32 s10, $0x1;
	s10 =	sld [smem:$0x3FB1];
	_ =	sdelay $0x3  }
0x37: {  	[smem:$0x3FB1] =	sst s10  }
0x38: {  	s10 =	sld [smem:$0x3FB2]  }
0x39: {  	_ = 	snop;
	(pc) =	sbr.ind lr, $3  }
0x3a: {  	_ = 	snop  }
0x3b: {  	_ = 	snop  }
0x3c: {  	p2 =	seq.s32 s10, $0x1;
	s10 =	sld [smem:$0x3FB1]  }
0x3d: {  	_ =	shalt  }
0x3e: {  	_ =	shalt  }
0x3f: {  	_ =	shalt  }
0x40: {  	_ =	shalt  }
0x41: {  	_ =	shalt  }
0x42: {  	_ =	shalt  }
0x43: {  	_ =	shalt  }
0x44: {  	_ =	shalt  }
0x45: {  	_ =	shalt  }
0x46: {  	_ =	shalt  }
0x47: {  	_ =	shalt  }
0x48: {  	_ =	shalt  }
0x49: {  	_ =	shalt  }
0x4a: {  	_ =	shalt  }
0x4b: {  	_ =	shalt  }
0x4c: {  	_ =	shalt  }
0x4d: {  	_ =	shalt  }
0x4e: {  	_ =	shalt  }
0x4f: {  	_ =	shalt  }
0x50: {  	_ =	shalt  }
0x51: {  	_ =	shalt  }
0x52: {  	_ =	shalt  }
0x53: {  	_ =	shalt  }
0x54: {  	_ =	shalt  }
0x55: {  	_ =	shalt  }
0x56: {  	_ =	shalt  }
0x57: {  	_ =	shalt  }
0x58: {  	_ =	shalt  }
0x59: {  	_ =	shalt  }
0x5a: {  	_ =	shalt  }
0x5b: {  	_ =	shalt  }
0x5c: {  	_ =	shalt  }
0x5d: {  	_ =	shalt  }
0x5e: {  	_ =	shalt  }
0x5f: {  	_ =	shalt  }
0x60: {  	_ =	shalt  }
0x61: {  	_ =	shalt  }
0x62: {  	_ =	shalt  }
0x63: {  	_ =	shalt  }
0x64: {  	_ =	shalt  }
0x65: {  	_ =	shalt  }
0x66: {  	_ =	shalt  }
0x67: {  	_ =	shalt  }
0x68: {  	_ =	shalt  }
0x69: {  	_ =	shalt  }
0x6a: {  	_ =	shalt  }
0x6b: {  	_ =	shalt  }
0x6c: {  	_ =	shalt  }
0x6d: {  	_ =	shalt  }
0x6e: {  	_ =	shalt  }
0x6f: {  	_ =	shalt  }
0x70: {  	_ =	shalt  }
0x71: {  	_ =	shalt  }
0x72: {  	_ =	shalt  }
0x73: {  	_ =	shalt  }
0x74: {  	_ =	shalt  }
0x75: {  	_ =	shalt  }
0x76: {  	_ =	shalt  }
0x77: {  	_ =	shalt  }
0x78: {  	_ =	shalt  }
0x79: {  	_ =	shalt  }
0x7a: {  	_ =	shalt  }
0x7b: {  	_ =	shalt  }
0x7c: {  	_ =	shalt  }
0x7d: {  	_ =	shalt  }
0x7e: {  	_ =	shalt  }
0x7f: {  	_ =	shalt  }
0x80: {  	_ =	shalt  }
0x81: {  	_ =	shalt  }
0x82: {  	_ =	shalt  }
0x83: {  	_ =	shalt  }
0x84: {  	_ =	shalt  }
0x85: {  	_ =	shalt  }
0x86: {  	_ =	shalt  }
0x87: {  	_ =	shalt  }
.Lfunc_end0:
.L_simem_size_0:
called_computation.2_lowered:
.L_overlay_start_0:
0x88: {  	s2 =	sld [smem:$0x3FD9]  }
0x89: {  	s3 =	sld [smem:$0x3FFE];
	_ =	sdelay $0x1  }
0x8a: {  	s1 =	srdreg.scid  }
0x8b: {  	s0 =	sand.u32 $0x1, s1  }
0x8c: {  	s16 =	sshll.u32 s0, $0xA;
	s2 =	sadd.s32 s3, s2  }
0x8d: {  	s2 =	sadd.s32 s2, s16  }
0x8e: {  	[smem:$0x3FBD] =	sst s2  }
0x8f: {  	_ = 	snop  }
0x90: {  	(tm) =	ssettm $0x1  }
0x91: {  	s17 =	sld [smem:$0x3FFB];
	_ =	sdelay $0x3  }
0x92: {  	_ =	strace s17  }
0x93: {  	s2 =	sld [smem:$0x3FFC];
	_ =	sdelay $0x3  }
0x94: {  	_ =	strace s2  }
0x95: {  	s2 =	sld [smem:$0x3FFD];
	_ =	sdelay $0x3  }
0x96: {  	_ =	strace s2  }
0x97: {  	_ =	strace $0x8FFFFFFF  }
0x98: {  	s18 =	sld [smem:$0x3FDB];
	_ =	sdelay $0x1  }
0x99: {  	s19 =	simm.s32 $_scs_section_size  }
0x9a: {  	s4 =	simm.s32 $_size__tile_overlayer_lowered;
	s5 =	simm.s32 $_tile_overlayer_lowered  }
0x9b: {  	s22 =	simm.s32 $0x1BFF;
	s21 =	sshll.u32 s5, $0x1;
	s2 =	sadd.s32 s19, s18  }
0x9c: {  	s6 =	simm.s32 $0x0;
	s20 =	sshll.u32 s4, $0x1;
	s4 =	sadd.s32 s21, s2  }
0x9d: {  	[timem:s6], [sflag:s22] =	dma.local [hbm:s4], s20  }
0x9e: {  	_ =	swait.ge [sflag:s22], s20  }
0x9f: {  	s3 =	ssub.s32 $0x0, s20;
	[sflag:s22] =	ssyncset.done $0x0  }
0xa0: {  	[sflag:s22] =	ssyncadd.s32 s3;
	_ =	sdelay $0x1  }
0xa1: {  	s23 =	simm.s32 $0x1B8B  }
0xa2: {  	_ =	swait.ge [sflag:s23], $0x1  }
0xa3: {  	[sflag:s23] =	ssyncset.done $0x0  }
0xa4: {  	s25 =	simm.s32 $0x1B8E;
	s24 =	sld [smem:$0x3FFE];
	[sflag:s23] =	ssyncadd.s32 $0xFFFFFFFF  }
0xa5: {  	s26 =	simm.s32 $execute0_lowered;
	[smem:$0x3FD2] =	sst s25  }
0xa6: {  	s4 =	sshll.u32 s26, $0x1;
	_ =	strace $0x8000004C;
	[dreg:$0x1] =	wrdreg $0xFFFFFFFF  }
0xa7: {  	s28 =	simm.s32 $_size_execute0_lowered;
	s2 =	sadd.s32 s2, s4;
	[dreg:$0x0] =	wrdreg $0x0  }
0xa8: {  	s4 =	sshll.u32 s28, $0x1;
	[dreg:$0x2] =	wrdreg s2  }
0xa9: {  	[dreg:$0x3] =	wrdreg s4  }
0xaa: {  	[dreg:$0x4] =	wrdreg $0xC0  }
0xab: {  	_ =	task [dreg:s6], $0x5FFFF  }
0xac: {  	[dreg:$0x1] =	wrdreg $0xFFFFFFFF  }
0xad: {  	[dreg:$0x0] =	wrdreg $0x60  }
0xae: {  	[dreg:$0x2] =	wrdreg s24  }
0xaf: {  	[dreg:$0x3] =	wrdreg $0xA8000  }
0xb0: {  	[dreg:$0x4] =	wrdreg $0x9  }
0xb1: {  	_ =	task.clear_ibuf [dreg:s6], $0x5FFFF;
	_ =	strace $0x9000004C  }
0xb2: {  	s29 =	simm.s32 $0x9;
	_ =	strace $0x8000004E  }
0xb3: {  	_ =	swait.ge [sflag:s29], $0x1  }
0xb4: {  	[sflag:s29] =	ssyncadd.s32 $0xFFFFFFFF  }
0xb5: {  	_ =	strace $0x9000004E  }
0xb6: {  	_ =	sfence  }
0xb7: {  	s30 =	sld [smem:$0x0];
	_ =	sdelay $0x2  }
0xb8: {  	s31 =	sshll.u32 s1, $0xD;
	s1 =	sshrl.u32 s1, $0x2  }
0xb9: {  	s3 =	sand.u32 $0x4000, s31;
	s1 =	sadd.s32 s1, s30  }
0xba: {  	s0 =	sor.u32 s3, s0;
	s1 =	sshll.u32 s1, $0x11  }
0xbb: {  	s0 =	sor.u32 s1, s0  }
0xbc: {  	s0 =	sadd.s32 $0x8F2B, s0  }
0xbd: {  	[sflag:s0] =	ssyncadd.remote.s32 $0x1  }
0xbe: {  	_ =	sfence.sel $0xFFFF  }
0xbf: {  	[dreg:$0x0] =	wrdreg $0xFFFFFFFF;
	(pc) =	sbr.abs _section_cstart, $3  }
0xc0: {  	[dreg:$0x1] =	wrdreg $0xFFFFFFFF  }
0xc1: {  	_ =	task.clear_ibuf [dreg:s6], $0x2FFFF;
	_ =	strace $0x9FFFFFFF  }
0xc2: {  	(tm) =	ssettm $0x7FFFFFFF  }
0xc3: {  	_ =	shalt  }
tec
execute0_lowered:
.L_overlay_start_1:
0x0: {  	(tag) =	ssettag $0x1  }
0x1: {  	s0 =	rddreg [dreg:$0x0]  }
0x2: {  	s1 =	rddreg [dreg:$0x1];
	s2 =	simm.s32 $0x0  }
0x3: {  	s5 =	srdreg.scid;
	s9 =	stileid.u32;
	s28 =	simm.s32 $0x2  }
0x4: {  	s29 =	simm.s32 $0x2700;
	s30 =	simm.s32 $0x2780;
	s31 =	simm.s32 $0x0  }
0x5: {  	[smem:$0x7FF] =	sst s2;
	s4 =	sadd.s32 $0x17800, s0;
	s3 =	sadd.s32 $0xD800, s0  }
0x6: {  	s14 =	sadd.s32 $0x3800, s0;
	s10 =	sand.u32 $0x1, s5;
	s7 =	smul.u32 $0x50000, s9  }
0x7: {  	s24 =	sadd.s32 $0x3EA00, s0;
	s0 =	sadd.s32 $0x3F200, s0;
	s13 =	smul.u32 $0x14000, s9  }
0x8: {  	_ =	strace $0x8000004D;
	[dreg:$0x3] =	wrdreg s24;
	s6 =	ssub.s32 $0x2, s10  }
0x9: {  	s25 =	sshll.u32 s10, $0x4;
	s21 =	smul.u32 $0x140000, s10;
	s8 =	sshrl.u32 s6, $0x1  }
0xa: {  	s7 =	sshrl.u32 s7, $0x2;
	s9 =	sor.u32 s9, s25;
	s15 =	sadd.s32 $0x4000, s13  }
0xb: {  	s17 =	sadd.s32 $0x8000, s13;
	s18 =	sadd.s32 $0xC000, s13;
	s19 =	sadd.s32 $0x10000, s13  }
0xc: {  	s20 =	ssub.s32 s6, s8;
	s6 =	sadd.s32 s7, s1;
	s12 =	smul.u32 $0x500, s9  }
0xd: {  	s7 =	sadd.s32 s15, s1;
	s8 =	sadd.s32 s17, s1;
	s16 =	smul.u32 $0x2800, s9  }
0xe: {  	s9 =	sadd.s32 s18, s1;
	s10 =	sadd.s32 s19, s1;
	s22 =	sadd.s32 s13, s21  }
0xf: {  	s5 =	sadd.s32 s21, s15;
	s24 =	sadd.s32 s21, s17;
	s25 =	sadd.s32 s21, s18  }
0x10: {  	s19 =	sadd.s32 s21, s19;
	s21 =	simm.s32 $0x2800;
	s26 =	sshrl.u32 s22, $0x3  }
0x11: {  	s23 =	sshrl.u32 s5, $0x3;
	s18 =	sshrl.u32 s25, $0x3;
	s20 =	smax.u32 s20, $0x1  }
0x12: {  	s22 =	simm.s32 $0x3;
	s25 =	simm.s32 $0x6800;
	s11 =	sadd.s32 s3, s12  }
0x13: {  	s16 =	sshrl.u32 s16, $0x3;
	s12 =	sadd.s32 s14, s12;
	s15 =	sadd.s32 s0, s26  }
0x14: {  	s18 =	sadd.s32 s0, s18;
	s26 =	sshrl.u32 s19, $0x3;
	s16 =	sadd.s32 $0x280, s16  }
0x15: {  	s19 =	sadd.s32 s0, s26;
	s26 =	simm.s32 $0x1;
	s13 =	sadd.s32 s3, s16  }
0x16: {  	s14 =	sadd.s32 s14, s16;
	s16 =	sadd.s32 s0, s23;
	s3 =	sshrl.u32 s24, $0x3  }
0x17: {  	s23 =	simm.s32 $0x1400;
	s24 =	simm.s32 $0x80;
	s17 =	sadd.s32 s0, s3  }
.LBB2_1:
0x18: {  	s0 =	rddreg [dreg:$0x3]  }
0x19: {  	[tilespmem:s21], [sflag:$0x3] =	stream.linear.gather [hbm4b:s0+s2], $0x4000, $0x38;
	[tilespmem:$0x1E800] =	vst v63  }
0x1a: {  	_ =	swait.ge [sflag:s22], $0x4000  }
0x1b: {  	[sflag:s22] =	ssyncset.done $0x0  }
0x1c: {  	[sflag:s22] =	ssyncadd.s32 $0xFFFFC000  }
0x1d: {  	[spmem:s6] =	stream.linear.scatter [tilespmem:s21], [sflag:$0x3], $0x4000, $0x38;
	[tilespmem:$0x1E800] =	vst v63  }
0x1e: {  	_ =	swait.ge [sflag:s22], $0x4000  }
0x1f: {  	[sflag:s22] =	ssyncset.done $0x0  }
0x20: {  	[sflag:s22] =	ssyncadd.s32 $0xFFFFC000  }
0x21: {  	[spmem:s7] =	stream.linear.scatter [tilespmem:s21], [sflag:$0x3], $0x4000, $0x38;
	[tilespmem:$0x1E800] =	vst v63  }
0x22: {  	_ =	swait.ge [sflag:s22], $0x4000  }
0x23: {  	[sflag:s22] =	ssyncset.done $0x0  }
0x24: {  	[sflag:s22] =	ssyncadd.s32 $0xFFFFC000  }
0x25: {  	[spmem:s8] =	stream.linear.scatter [tilespmem:s21], [sflag:$0x3], $0x4000, $0x38;
	[tilespmem:$0x1E800] =	vst v63  }
0x26: {  	_ =	swait.ge [sflag:s22], $0x4000  }
0x27: {  	[sflag:s22] =	ssyncset.done $0x0  }
0x28: {  	[sflag:s22] =	ssyncadd.s32 $0xFFFFC000  }
0x29: {  	[spmem:s9] =	stream.linear.scatter [tilespmem:s21], [sflag:$0x3], $0x4000, $0x38;
	[tilespmem:$0x1E800] =	vst v63  }
0x2a: {  	_ =	swait.ge [sflag:s22], $0x4000  }
0x2b: {  	[sflag:s22] =	ssyncset.done $0x0  }
0x2c: {  	[sflag:s22] =	ssyncadd.s32 $0xFFFFC000  }
0x2d: {  	[spmem:s10] =	stream.linear.scatter [tilespmem:s21], [sflag:$0x3], $0x4000, $0x38;
	[tilespmem:$0x1E800] =	vst v63  }
0x2e: {  	_ =	swait.ge [sflag:s22], $0x4000  }
0x2f: {  	[sflag:s22] =	ssyncset.done $0x0  }
0x30: {  	[sflag:s22] =	ssyncadd.s32 $0xFFFFC000  }
0x31: {  	[bflag:$0x0] =	sbarrier.arrive $0xFFFF  }
0x32: {  	[tilespmem:s2], [sflag:$0x3] =	stream.linear.gather [hbm4b:s11+s2], $0x1400, $0x38;
	[tilespmem:$0x1E800] =	vst v63  }
0x33: {  	_ =	swait.ge [sflag:s22], $0x1400  }
0x34: {  	[sflag:s22] =	ssyncset.done $0x0  }
0x35: {  	[sflag:s22] =	ssyncadd.s32 $0xFFFFEC00  }
0x36: {  	[tilespmem:s23], [sflag:$0x3] =	stream.linear.gather [hbm4b:s12+s2], $0x1400, $0x38;
	[tilespmem:$0x1E800] =	vst v63  }
0x37: {  	_ =	swait.ge [sflag:s22], $0x1400  }
0x38: {  	[sflag:s22] =	ssyncset.done $0x0  }
0x39: {  	[sflag:s22] =	ssyncadd.s32 $0xFFFFEC00  }
0x3a: {  	[tilespmem:s21], [sflag:$0x1] =	stream.indirect.gather [hbm4b:s4+s24], $0x80, s2, s24, $0xb8;
	[tilespmem:$0x1E800] =	vst v63  }
0x3b: {  	_ = 	snop  }
0x3c: {  	[tilespmem:s25], [sflag:$0x2] =	stream.indirect.gather [hbm4b:s4+s24], $0x80, s24, s24, $0xb8;
	[tilespmem:$0x1E800] =	vst v63  }
0x3d: {  	_ =	swait.ge [sflag:s26], $0x4000  }
0x3e: {  	[sflag:s26] =	ssyncset.done $0x0  }
0x3f: {  	s5 =	simm.s32 $0x1400;
	[sflag:s26] =	ssyncadd.s32 $0xFFFFC000  }
0x40: {  	[spmem:s1] =	stream.indirect.scatter.add.f32 [tilespmem:s21], [sflag:$0x3], $0x80, s5, s24, $0xb8;
	[tilespmem:$0x1E800] =	vst v63  }
0x41: {  	_ =	swait.ge [sflag:s22], $0x4000  }
0x42: {  	[sflag:s22] =	ssyncset.done $0x0  }
0x43: {  	s3 =	simm.s32 $0x100;
	[sflag:s22] =	ssyncadd.s32 $0xFFFFC000  }
0x44: {  	[tilespmem:s21], [sflag:$0x1] =	stream.indirect.gather [hbm4b:s4+s24], $0x80, s3, s24, $0xb8;
	[tilespmem:$0x1E800] =	vst v63  }
0x45: {  	_ =	swait.ge [sflag:s28], $0x4000  }
0x46: {  	[sflag:s28] =	ssyncset.done $0x0  }
0x47: {  	s5 =	simm.s32 $0x1480;
	[sflag:s28] =	ssyncadd.s32 $0xFFFFC000  }
0x48: {  	[spmem:s1] =	stream.indirect.scatter.add.f32 [tilespmem:s25], [sflag:$0x3], $0x80, s5, s24, $0xb8;
	[tilespmem:$0x1E800] =	vst v63  }
0x49: {  	_ =	swait.ge [sflag:s22], $0x4000  }
0x4a: {  	[sflag:s22] =	ssyncset.done $0x0  }
0x4b: {  	s0 =	simm.s32 $0x400;
	s3 =	simm.s32 $0x180;
	[sflag:s22] =	ssyncadd.s32 $0xFFFFC000  }
.LBB2_2:
0x4c: {  	[tilespmem:s25], [sflag:$0x2] =	stream.indirect.gather [hbm4b:s4+s24], $0x80, s3, s24, $0xb8;
	[tilespmem:$0x1E800] =	vst v63  }
0x4d: {  	s3 =	smov.u32 s0  }
0x4e: {  	p0 =	sne.s32 s0, $0x4800;
	s0 =	sadd.s32 $0x400, s0;
	_ =	swait.ge [sflag:s26], $0x4000  }
0x4f: {  	s3 =	sshra.s32 s3, $0x2;
	[sflag:s26] =	ssyncset.done $0x0  }
0x50: {  	s5 =	sadd.s32 $0x1400, s3;
	[sflag:s26] =	ssyncadd.s32 $0xFFFFC000  }
0x51: {  	[spmem:s1] =	stream.indirect.scatter.add.f32 [tilespmem:s21], [sflag:$0x3], $0x80, s5, s24, $0xb8;
	[tilespmem:$0x1E800] =	vst v63  }
0x52: {  	_ =	swait.ge [sflag:s22], $0x4000  }
0x53: {  	[sflag:s22] =	ssyncset.done $0x0  }
0x54: {  	s5 =	sadd.s32 $0x100, s3;
	[sflag:s22] =	ssyncadd.s32 $0xFFFFC000  }
0x55: {  	[tilespmem:s21], [sflag:$0x1] =	stream.indirect.gather [hbm4b:s4+s24], $0x80, s5, s24, $0xb8;
	[tilespmem:$0x1E800] =	vst v63  }
0x56: {  	_ =	swait.ge [sflag:s28], $0x4000  }
0x57: {  	[sflag:s28] =	ssyncset.done $0x0  }
.Ltmp0:
0x58: {  	s5 =	sadd.s32 $0x1480, s3;
	[sflag:s28] =	ssyncadd.s32 $0xFFFFC000;
	(pc) =	sbr.rel @p0 .LBB2_2-.Ltmp0, $4  }
0x59: {  	[spmem:s1] =	stream.indirect.scatter.add.f32 [tilespmem:s25], [sflag:$0x3], $0x80, s5, s24, $0xb8;
	[tilespmem:$0x1E800] =	vst v63  }
0x5a: {  	_ =	swait.ge [sflag:s22], $0x4000  }
0x5b: {  	[sflag:s22] =	ssyncset.done $0x0  }
0x5c: {  	s3 =	sadd.s32 $0x180, s3;
	[sflag:s22] =	ssyncadd.s32 $0xFFFFC000  }
0x5d: {  	[tilespmem:s25], [sflag:$0x2] =	stream.indirect.gather [hbm4b:s4+s24], $0x80, s3, s24, $0xb8;
	[tilespmem:$0x1E800] =	vst v63  }
0x5e: {  	_ =	swait.ge [sflag:s26], $0x4000  }
0x5f: {  	[sflag:s26] =	ssyncset.done $0x0  }
0x60: {  	[sflag:s26] =	ssyncadd.s32 $0xFFFFC000  }
0x61: {  	[spmem:s1] =	stream.indirect.scatter.add.f32 [tilespmem:s21], [sflag:$0x3], $0x80, s29, s24, $0xb8;
	[tilespmem:$0x1E800] =	vst v63  }
0x62: {  	_ =	swait.ge [sflag:s22], $0x4000  }
0x63: {  	[sflag:s22] =	ssyncset.done $0x0  }
0x64: {  	[sflag:s22] =	ssyncadd.s32 $0xFFFFC000  }
0x65: {  	_ =	swait.ge [sflag:s28], $0x4000  }
0x66: {  	[sflag:s28] =	ssyncset.done $0x0  }
0x67: {  	[sflag:s28] =	ssyncadd.s32 $0xFFFFC000  }
0x68: {  	[spmem:s1] =	stream.indirect.scatter.add.f32 [tilespmem:s25], [sflag:$0x3], $0x80, s30, s24, $0xb8;
	[tilespmem:$0x1E800] =	vst v63  }
0x69: {  	_ =	swait.ge [sflag:s22], $0x4000  }
0x6a: {  	[sflag:s22] =	ssyncset.done $0x0  }
0x6b: {  	s0 =	simm.s32 $0x0;
	[sflag:s22] =	ssyncadd.s32 $0xFFFFC000  }
0x6c: {  	[tilespmem:s0], [sflag:$0x3] =	stream.linear.gather [hbm4b:s13+s0], $0x1400, $0x38;
	[tilespmem:$0x1E800] =	vst v63  }
0x6d: {  	_ =	swait.ge [sflag:s22], $0x1400  }
0x6e: {  	[sflag:s22] =	ssyncset.done $0x0  }
0x6f: {  	[sflag:s22] =	ssyncadd.s32 $0xFFFFEC00  }
0x70: {  	[tilespmem:s23], [sflag:$0x3] =	stream.linear.gather [hbm4b:s14+s0], $0x1400, $0x38;
	[tilespmem:$0x1E800] =	vst v63  }
0x71: {  	_ =	swait.ge [sflag:s22], $0x1400  }
0x72: {  	[sflag:s22] =	ssyncset.done $0x0  }
0x73: {  	[sflag:s22] =	ssyncadd.s32 $0xFFFFEC00  }
0x74: {  	[tilespmem:s21], [sflag:$0x1] =	stream.indirect.gather [hbm4b:s4+s24], $0x80, s0, s24, $0xb8;
	[tilespmem:$0x1E800] =	vst v63  }
0x75: {  	_ = 	snop  }
0x76: {  	[tilespmem:s25], [sflag:$0x2] =	stream.indirect.gather [hbm4b:s4+s24], $0x80, s24, s24, $0xb8;
	[tilespmem:$0x1E800] =	vst v63  }
0x77: {  	_ =	swait.ge [sflag:s26], $0x4000  }
0x78: {  	[sflag:s26] =	ssyncset.done $0x0  }
0x79: {  	s5 =	simm.s32 $0x1400;
	[sflag:s26] =	ssyncadd.s32 $0xFFFFC000  }
0x7a: {  	[spmem:s1] =	stream.indirect.scatter.add.f32 [tilespmem:s21], [sflag:$0x3], $0x80, s5, s24, $0xb8;
	[tilespmem:$0x1E800] =	vst v63  }
0x7b: {  	_ =	swait.ge [sflag:s22], $0x4000  }
0x7c: {  	[sflag:s22] =	ssyncset.done $0x0  }
0x7d: {  	s3 =	simm.s32 $0x100;
	[sflag:s22] =	ssyncadd.s32 $0xFFFFC000  }
0x7e: {  	[tilespmem:s21], [sflag:$0x1] =	stream.indirect.gather [hbm4b:s4+s24], $0x80, s3, s24, $0xb8;
	[tilespmem:$0x1E800] =	vst v63  }
0x7f: {  	_ =	swait.ge [sflag:s28], $0x4000  }
0x80: {  	[sflag:s28] =	ssyncset.done $0x0  }
0x81: {  	s5 =	simm.s32 $0x1480;
	[sflag:s28] =	ssyncadd.s32 $0xFFFFC000  }
0x82: {  	[spmem:s1] =	stream.indirect.scatter.add.f32 [tilespmem:s25], [sflag:$0x3], $0x80, s5, s24, $0xb8;
	[tilespmem:$0x1E800] =	vst v63  }
0x83: {  	_ =	swait.ge [sflag:s22], $0x4000  }
0x84: {  	[sflag:s22] =	ssyncset.done $0x0  }
0x85: {  	s0 =	simm.s32 $0x400;
	s3 =	simm.s32 $0x180;
	[sflag:s22] =	ssyncadd.s32 $0xFFFFC000  }
.LBB2_4:
0x86: {  	[tilespmem:s25], [sflag:$0x2] =	stream.indirect.gather [hbm4b:s4+s24], $0x80, s3, s24, $0xb8;
	[tilespmem:$0x1E800] =	vst v63  }
0x87: {  	s3 =	smov.u32 s0  }
0x88: {  	p0 =	sne.s32 s0, $0x4800;
	s0 =	sadd.s32 $0x400, s0;
	_ =	swait.ge [sflag:s26], $0x4000  }
0x89: {  	s3 =	sshra.s32 s3, $0x2;
	[sflag:s26] =	ssyncset.done $0x0  }
0x8a: {  	s5 =	sadd.s32 $0x1400, s3;
	[sflag:s26] =	ssyncadd.s32 $0xFFFFC000  }
0x8b: {  	[spmem:s1] =	stream.indirect.scatter.add.f32 [tilespmem:s21], [sflag:$0x3], $0x80, s5, s24, $0xb8;
	[tilespmem:$0x1E800] =	vst v63  }
0x8c: {  	_ =	swait.ge [sflag:s22], $0x4000  }
0x8d: {  	[sflag:s22] =	ssyncset.done $0x0  }
0x8e: {  	s5 =	sadd.s32 $0x100, s3;
	[sflag:s22] =	ssyncadd.s32 $0xFFFFC000  }
0x8f: {  	[tilespmem:s21], [sflag:$0x1] =	stream.indirect.gather [hbm4b:s4+s24], $0x80, s5, s24, $0xb8;
	[tilespmem:$0x1E800] =	vst v63  }
0x90: {  	_ =	swait.ge [sflag:s28], $0x4000  }
0x91: {  	[sflag:s28] =	ssyncset.done $0x0  }
.Ltmp1:
0x92: {  	s5 =	sadd.s32 $0x1480, s3;
	[sflag:s28] =	ssyncadd.s32 $0xFFFFC000;
	(pc) =	sbr.rel @p0 .LBB2_4-.Ltmp1, $4  }
0x93: {  	[spmem:s1] =	stream.indirect.scatter.add.f32 [tilespmem:s25], [sflag:$0x3], $0x80, s5, s24, $0xb8;
	[tilespmem:$0x1E800] =	vst v63  }
0x94: {  	_ =	swait.ge [sflag:s22], $0x4000  }
0x95: {  	[sflag:s22] =	ssyncset.done $0x0  }
0x96: {  	s3 =	sadd.s32 $0x180, s3;
	[sflag:s22] =	ssyncadd.s32 $0xFFFFC000  }
0x97: {  	[tilespmem:s25], [sflag:$0x2] =	stream.indirect.gather [hbm4b:s4+s24], $0x80, s3, s24, $0xb8;
	[tilespmem:$0x1E800] =	vst v63  }
0x98: {  	_ =	swait.ge [sflag:s26], $0x4000  }
0x99: {  	[sflag:s26] =	ssyncset.done $0x0  }
0x9a: {  	[sflag:s26] =	ssyncadd.s32 $0xFFFFC000  }
0x9b: {  	[spmem:s1] =	stream.indirect.scatter.add.f32 [tilespmem:s21], [sflag:$0x3], $0x80, s29, s24, $0xb8;
	[tilespmem:$0x1E800] =	vst v63  }
0x9c: {  	_ =	swait.ge [sflag:s22], $0x4000  }
0x9d: {  	[sflag:s22] =	ssyncset.done $0x0  }
0x9e: {  	[sflag:s22] =	ssyncadd.s32 $0xFFFFC000  }
0x9f: {  	_ =	swait.ge [sflag:s28], $0x4000  }
0xa0: {  	[sflag:s28] =	ssyncset.done $0x0  }
0xa1: {  	[sflag:s28] =	ssyncadd.s32 $0xFFFFC000  }
0xa2: {  	[spmem:s1] =	stream.indirect.scatter.add.f32 [tilespmem:s25], [sflag:$0x3], $0x80, s30, s24, $0xb8;
	[tilespmem:$0x1E800] =	vst v63  }
0xa3: {  	_ =	swait.ge [sflag:s22], $0x4000  }
0xa4: {  	[sflag:s22] =	ssyncset.done $0x0  }
0xa5: {  	[sflag:s22] =	ssyncadd.s32 $0xFFFFC000  }
0xa6: {  	[bflag:$0x0] =	sbarrier.arrive $0xFFFF  }
0xa7: {  	[tilespmem:s21], [sflag:$0x3] =	stream.linear.gather [spmem:s6], $0x4000, $0x38;
	[tilespmem:$0x1E800] =	vst v63  }
0xa8: {  	_ =	swait.ge [sflag:s22], $0x4000  }
0xa9: {  	[sflag:s22] =	ssyncset.done $0x0  }
0xaa: {  	[sflag:s22] =	ssyncadd.s32 $0xFFFFC000  }
0xab: {  	[hbm4b:s15+s2] =	stream.linear.scatter [tilespmem:s21], [sflag:$0x3], $0x4000, $0x38;
	[tilespmem:$0x1E800] =	vst v63  }
0xac: {  	_ =	swait.ge [sflag:s22], $0x4000  }
0xad: {  	[sflag:s22] =	ssyncset.done $0x0  }
0xae: {  	[sflag:s22] =	ssyncadd.s32 $0xFFFFC000  }
0xaf: {  	[tilespmem:s25], [sflag:$0x3] =	stream.linear.gather [spmem:s7], $0x4000, $0x38;
	[tilespmem:$0x1E800] =	vst v63  }
0xb0: {  	_ =	swait.ge [sflag:s22], $0x4000  }
0xb1: {  	[sflag:s22] =	ssyncset.done $0x0  }
0xb2: {  	[sflag:s22] =	ssyncadd.s32 $0xFFFFC000  }
0xb3: {  	[hbm4b:s16+s2] =	stream.linear.scatter [tilespmem:s25], [sflag:$0x3], $0x4000, $0x38;
	[tilespmem:$0x1E800] =	vst v63  }
0xb4: {  	_ =	swait.ge [sflag:s22], $0x4000  }
0xb5: {  	[sflag:s22] =	ssyncset.done $0x0  }
0xb6: {  	[sflag:s22] =	ssyncadd.s32 $0xFFFFC000  }
0xb7: {  	[tilespmem:s21], [sflag:$0x3] =	stream.linear.gather [spmem:s8], $0x4000, $0x38;
	[tilespmem:$0x1E800] =	vst v63  }
0xb8: {  	_ =	swait.ge [sflag:s22], $0x4000  }
0xb9: {  	[sflag:s22] =	ssyncset.done $0x0  }
0xba: {  	[sflag:s22] =	ssyncadd.s32 $0xFFFFC000  }
0xbb: {  	[hbm4b:s17+s2] =	stream.linear.scatter [tilespmem:s21], [sflag:$0x3], $0x4000, $0x38;
	[tilespmem:$0x1E800] =	vst v63  }
0xbc: {  	_ =	swait.ge [sflag:s22], $0x4000  }
0xbd: {  	[sflag:s22] =	ssyncset.done $0x0  }
0xbe: {  	[sflag:s22] =	ssyncadd.s32 $0xFFFFC000  }
0xbf: {  	[tilespmem:s25], [sflag:$0x3] =	stream.linear.gather [spmem:s9], $0x4000, $0x38;
	[tilespmem:$0x1E800] =	vst v63  }
0xc0: {  	_ =	swait.ge [sflag:s22], $0x4000  }
0xc1: {  	[sflag:s22] =	ssyncset.done $0x0  }
0xc2: {  	[sflag:s22] =	ssyncadd.s32 $0xFFFFC000  }
0xc3: {  	[hbm4b:s18+s2] =	stream.linear.scatter [tilespmem:s25], [sflag:$0x3], $0x4000, $0x38;
	[tilespmem:$0x1E800] =	vst v63  }
0xc4: {  	_ =	swait.ge [sflag:s22], $0x4000  }
0xc5: {  	[sflag:s22] =	ssyncset.done $0x0  }
0xc6: {  	[sflag:s22] =	ssyncadd.s32 $0xFFFFC000  }
0xc7: {  	[tilespmem:s21], [sflag:$0x3] =	stream.linear.gather [spmem:s10], $0x4000, $0x38;
	[tilespmem:$0x1E800] =	vst v63  }
0xc8: {  	s31 =	sadd.s32 $0x1, s31;
	_ =	swait.ge [sflag:s22], $0x4000  }
0xc9: {  	p0 =	sne.s32 s31, s20;
	[sflag:s22] =	ssyncset.done $0x0  }
.Ltmp2:
0xca: {  	[sflag:s22] =	ssyncadd.s32 $0xFFFFC000;
	(pc) =	sbr.rel @p0 .LBB2_1-.Ltmp2, $4  }
0xcb: {  	[hbm4b:s19+s2] =	stream.linear.scatter [tilespmem:s21], [sflag:$0x3], $0x4000, $0x38;
	[tilespmem:$0x1E800] =	vst v63  }
0xcc: {  	_ =	swait.ge [sflag:s22], $0x4000  }
0xcd: {  	[sflag:s22] =	ssyncset.done $0x0  }
0xce: {  	[sflag:s22] =	ssyncadd.s32 $0xFFFFC000  }
0xcf: {  	_ =	sfence.sel $0x180000  }
0xd0: {  	[bflag:$0x0] =	sbarrier.arrive $0xFFFF  }
0xd1: {  	_ =	strace $0x9000004D  }
0xd2: {  	s0 =	stileid.u32;
	[bflag:$0x2] =	sbarrier.arrive $0xFFFF  }
0xd3: {  	p0 =	sne.s32 s0, $0x0;
	s0 =	rddreg [dreg:$0x2]  }
0xd4: {  	s0 =	sadd.s32 @!p0 $0x100000, s0  }
0xd5: {  	[sflag:s0] =	ssyncadd.tile.s32 @!p0 $0x1;
	_ =	shalt  }
.Lfunc_end2:
_tile_overlayer_lowered:
.L_overlay_start_2:
0xd6: {  	(tag) =	ssettag $0x2  }
0xd7: {  	s0 =	rddreg [dreg:$0x0];
	s2 =	stileid.u32  }
0xd8: {  	s1 =	rddreg [dreg:$0x1];
	p0 =	sne.s32 s2, $0x0  }
0xd9: {  	s3 =	rddreg [dreg:$0x2];
	[bflag:$0x3] =	sbarrier.arrive $0xFFFF;
	s2 =	simm.s32 @!p0 $0x1C03  }
0xda: {  	[timem:s3], [sflag:s2] =	dma.local @!p0 [hbm:s0], s1  }
0xdb: {  	s0 =	simm.s32 @!p0 $0x3  }
0xdc: {  	_ =	swait.ge @!p0 [sflag:s0], s1  }
0xdd: {  	s1 =	ssub.s32 @!p0 $0x0, s1;
	[sflag:s0] =	ssyncset.done @!p0 $0x0  }
0xde: {  	[sflag:s0] =	ssyncadd.s32 @!p0 s1  }
0xdf: {  	[bflag:$0x3] =	sbarrier.arrive $0xFFFF  }
0xe0: {  	_ =	shalt  }

// kernel: kernel.19.cloned.1.call-start
scs
__scs_entry_jumppad:
0x0: {  	(pc) =	sbr.rel $0x88, $3  }
0x1: {  	(tag) =	ssettag $0x0;
	lr =	simm.s32 $0x1  }
0x2: {  	[smem:$0x3F96] =	sst lr;
	_ =	strace $0xD0000000  }
0x3: {  	_ = 	snop  }
0x4: {  	_ = 	snop  }
0x5: {  	_ = 	snop  }
0x6: {  	_ = 	snop  }
0x7: {  	_ = 	snop  }
__scs_overlays_trampoline_lowered:
0x8: {  	[smem:$0x3FA5] =	sst s0  }
0x9: {  	[smem:$0x3FA6] =	sst s1  }
0xa: {  	[smem:$0x3FA7] =	sst s2  }
0xb: {  	[smem:$0x3FA8] =	sst s3  }
0xc: {  	[smem:$0x3FA9] =	sst s4  }
0xd: {  	[smem:$0x3FAA] =	sst s5  }
0xe: {  	[smem:$0x3FAB] =	sst s6  }
0xf: {  	[smem:$0x3FAC] =	sst s7  }
0x10: {  	[smem:$0x3FAD] =	sst s8  }
0x11: {  	[smem:$0x3FAE] =	sst s9;
	s0 =	simm.s32 @!p0 $0x0  }
0x12: {  	s1 =	sld [smem:$0x3F94];
	s0 =	simm.s32 @p0 $0x1  }
0x13: {  	[smem:$0x3FAF] =	sst s0;
	s0 =	simm.s32 @!p1 $0x0  }
0x14: {  	s2 =	sld [smem:$0x3F93];
	s0 =	simm.s32 @p1 $0x1  }
0x15: {  	[smem:$0x3FB0] =	sst s0;
	s0 =	simm.s32 @!p2 $0x0  }
0x16: {  	s3 =	sld [smem:$0x3FDB];
	s0 =	simm.s32 @p2 $0x1  }
0x17: {  	s4 =	simm.s32 $0x1BF5;
	[smem:$0x3FB2] =	sst s0  }
0x18: {  	s0 =	sld [smem:$0x3F95];
	_ =	swait.ge [sflag:s4], $0x0  }
0x19: {  	s7 =	sld [smem:$0x3F96]  }
0x1a: {  	s8 =	sadd.s32 $0xFFFFE003, lr  }
0x1b: {  	s9 =	sadd.s32 $0xFFFFFEF7, lr;
	s5 =	simm.s32 $0xFFFFFFFF;
	p2 =	slt.u32 s8, $0xFFFFF086  }
0x1c: {  	p1 =	slt.u32 s9, $0xF7A;
	s5 =	simm.s32 @!p2 $0x0  }
0x1d: {  	s5 =	simm.s32 @p1 $0x1;
	p0 =	seq.s32 s7, s2  }
0x1e: {  	s7 =	smul.u32 @!p0 $0xF7A, s2;
	p2 =	seq.s32 @!p0 s5, $0x0  }
0x1f: {  	s9 =	smul.u32 $0xF7A, s1;
	s8 =	simm.s32 @!p0 $0x1BF5;
	p2 =	por !p2, p0  }
0x20: {  	[sflag:s8] =	ssyncset.s32 @!p0 $0xFFFFF086;
	s6 =	sadd.s32 @!p0 s3, s7;
	s7 =	simm.s32 @!p0 $0x108  }
0x21: {  	s3 =	sadd.s32 s3, s9;
	s6 =	sadd.s32 @!p0 $0x88, s6;
	s7 =	simm.s32 @p2 $0x1082  }
0x22: {  	[simem:s7], [sflag:s8] =	dma.local @!p0 [hbm:s6], $0xF7A  }
0x23: {  	s9 =	sor.u32 $0xD0000000, s2;
	s6 =	simm.s32 $0x108;
	_ =	swait.ge @!p0 [sflag:s8], $0x0  }
0x24: {  	s3 =	sadd.s32 $0x88, s3;
	s6 =	simm.s32 @!p1 $0x1082;
	[sflag:s4] =	ssyncset.s32 $0xFFFFF086  }
0x25: {  	[simem:s6], [sflag:s4] =	dma.local [hbm:s3], $0xF7A  }
0x26: {  	[smem:$0x3F96] =	sst s1;
	(tag) =	ssettag s2;
	_ =	strace s9  }
0x27: {  	s1 =	sld [smem:$0x3FA6]  }
0x28: {  	s2 =	sld [smem:$0x3FA7]  }
0x29: {  	s4 =	sld [smem:$0x3FA9]  }
0x2a: {  	p0 =	seq.s32 s5, $0x0;
	s5 =	sld [smem:$0x3FAA]  }
0x2b: {  	s6 =	sld [smem:$0x3FAB]  }
0x2c: {  	s7 =	sld [smem:$0x3FAC]  }
0x2d: {  	s3 =	simm.s32 $0x108;
	s8 =	sld [smem:$0x3FAD]  }
0x2e: {  	s3 =	simm.s32 @!p0 $0x1082;
	s9 =	sld [smem:$0x3FAE]  }
0x2f: {  	lr =	sadd.s32 s0, s3;
	s0 =	sld [smem:$0x3FA5]  }
0x30: {  	s3 =	sld [smem:$0x3FA8]  }
0x31: {  	[smem:$0x3FB1] =	sst s10  }
0x32: {  	s10 =	sld [smem:$0x3FAF];
	_ =	sdelay $0x3  }
0x33: {  	p0 =	seq.s32 s10, $0x1;
	s10 =	sld [smem:$0x3FB1];
	_ =	sdelay $0x3  }
0x34: {  	[smem:$0x3FB1] =	sst s10  }
0x35: {  	s10 =	sld [smem:$0x3FB0];
	_ =	sdelay $0x3  }
0x36: {  	p1 =	seq.s32 s10, $0x1;
	s10 =	sld [smem:$0x3FB1];
	_ =	sdelay $0x3  }
0x37: {  	[smem:$0x3FB1] =	sst s10  }
0x38: {  	s10 =	sld [smem:$0x3FB2]  }
0x39: {  	_ = 	snop;
	(pc) =	sbr.ind lr, $3  }
0x3a: {  	_ = 	snop  }
0x3b: {  	_ = 	snop  }
0x3c: {  	p2 =	seq.s32 s10, $0x1;
	s10 =	sld [smem:$0x3FB1]  }
0x3d: {  	_ =	shalt  }
0x3e: {  	_ =	shalt  }
0x3f: {  	_ =	shalt  }
0x40: {  	_ =	shalt  }
0x41: {  	_ =	shalt  }
0x42: {  	_ =	shalt  }
0x43: {  	_ =	shalt  }
0x44: {  	_ =	shalt  }
0x45: {  	_ =	shalt  }
0x46: {  	_ =	shalt  }
0x47: {  	_ =	shalt  }
0x48: {  	_ =	shalt  }
0x49: {  	_ =	shalt  }
0x4a: {  	_ =	shalt  }
0x4b: {  	_ =	shalt  }
0x4c: {  	_ =	shalt  }
0x4d: {  	_ =	shalt  }
0x4e: {  	_ =	shalt  }
0x4f: {  	_ =	shalt  }
0x50: {  	_ =	shalt  }
0x51: {  	_ =	shalt  }
0x52: {  	_ =	shalt  }
0x53: {  	_ =	shalt  }
0x54: {  	_ =	shalt  }
0x55: {  	_ =	shalt  }
0x56: {  	_ =	shalt  }
0x57: {  	_ =	shalt  }
0x58: {  	_ =	shalt  }
0x59: {  	_ =	shalt  }
0x5a: {  	_ =	shalt  }
0x5b: {  	_ =	shalt  }
0x5c: {  	_ =	shalt  }
0x5d: {  	_ =	shalt  }
0x5e: {  	_ =	shalt  }
0x5f: {  	_ =	shalt  }
0x60: {  	_ =	shalt  }
0x61: {  	_ =	shalt  }
0x62: {  	_ =	shalt  }
0x63: {  	_ =	shalt  }
0x64: {  	_ =	shalt  }
0x65: {  	_ =	shalt  }
0x66: {  	_ =	shalt  }
0x67: {  	_ =	shalt  }
0x68: {  	_ =	shalt  }
0x69: {  	_ =	shalt  }
0x6a: {  	_ =	shalt  }
0x6b: {  	_ =	shalt  }
0x6c: {  	_ =	shalt  }
0x6d: {  	_ =	shalt  }
0x6e: {  	_ =	shalt  }
0x6f: {  	_ =	shalt  }
0x70: {  	_ =	shalt  }
0x71: {  	_ =	shalt  }
0x72: {  	_ =	shalt  }
0x73: {  	_ =	shalt  }
0x74: {  	_ =	shalt  }
0x75: {  	_ =	shalt  }
0x76: {  	_ =	shalt  }
0x77: {  	_ =	shalt  }
0x78: {  	_ =	shalt  }
0x79: {  	_ =	shalt  }
0x7a: {  	_ =	shalt  }
0x7b: {  	_ =	shalt  }
0x7c: {  	_ =	shalt  }
0x7d: {  	_ =	shalt  }
0x7e: {  	_ =	shalt  }
0x7f: {  	_ =	shalt  }
0x80: {  	_ =	shalt  }
0x81: {  	_ =	shalt  }
0x82: {  	_ =	shalt  }
0x83: {  	_ =	shalt  }
0x84: {  	_ =	shalt  }
0x85: {  	_ =	shalt  }
0x86: {  	_ =	shalt  }
0x87: {  	_ =	shalt  }
.Lfunc_end0:
.L_simem_size_0:
called_computation.3_lowered:
.L_overlay_start_0:
0x88: {  	s2 =	sld [smem:$0x3FD9]  }
0x89: {  	s3 =	sld [smem:$0x3FFE];
	_ =	sdelay $0x1  }
0x8a: {  	s1 =	srdreg.scid  }
0x8b: {  	s0 =	sand.u32 $0x1, s1  }
0x8c: {  	s16 =	sshll.u32 s0, $0xA;
	s2 =	sadd.s32 s3, s2  }
0x8d: {  	s2 =	sadd.s32 s2, s16  }
0x8e: {  	[smem:$0x3FBD] =	sst s2  }
0x8f: {  	_ = 	snop  }
0x90: {  	(tm) =	ssettm $0x1  }
0x91: {  	s17 =	sld [smem:$0x3FFB];
	_ =	sdelay $0x3  }
0x92: {  	_ =	strace s17  }
0x93: {  	s2 =	sld [smem:$0x3FFC];
	_ =	sdelay $0x3  }
0x94: {  	_ =	strace s2  }
0x95: {  	s2 =	sld [smem:$0x3FFD];
	_ =	sdelay $0x3  }
0x96: {  	_ =	strace s2  }
0x97: {  	_ =	strace $0x8FFFFFFF  }
0x98: {  	s18 =	sld [smem:$0x3FDB];
	_ =	sdelay $0x1  }
0x99: {  	s19 =	simm.s32 $_scs_section_size  }
0x9a: {  	s4 =	simm.s32 $_size__tile_overlayer_lowered;
	s5 =	simm.s32 $_tile_overlayer_lowered  }
0x9b: {  	s22 =	simm.s32 $0x1BFF;
	s21 =	sshll.u32 s5, $0x1;
	s2 =	sadd.s32 s19, s18  }
0x9c: {  	s6 =	simm.s32 $0x0;
	s20 =	sshll.u32 s4, $0x1;
	s4 =	sadd.s32 s21, s2  }
0x9d: {  	[timem:s6], [sflag:s22] =	dma.local [hbm:s4], s20  }
0x9e: {  	_ =	swait.ge [sflag:s22], s20  }
0x9f: {  	s3 =	ssub.s32 $0x0, s20;
	[sflag:s22] =	ssyncset.done $0x0  }
0xa0: {  	[sflag:s22] =	ssyncadd.s32 s3;
	_ =	sdelay $0x1  }
0xa1: {  	s23 =	simm.s32 $0x1B8B  }
0xa2: {  	_ =	swait.ge [sflag:s23], $0x1  }
0xa3: {  	[sflag:s23] =	ssyncset.done $0x0  }
0xa4: {  	s25 =	simm.s32 $0x1B8E;
	s24 =	sld [smem:$0x3FFE];
	[sflag:s23] =	ssyncadd.s32 $0xFFFFFFFF  }
0xa5: {  	s26 =	simm.s32 $execute0_lowered;
	[smem:$0x3FD2] =	sst s25  }
0xa6: {  	s4 =	sshll.u32 s26, $0x1;
	_ =	strace $0x8000004F;
	[dreg:$0x1] =	wrdreg $0xFFFFFFFF  }
0xa7: {  	s28 =	simm.s32 $_size_execute0_lowered;
	s2 =	sadd.s32 s2, s4;
	[dreg:$0x0] =	wrdreg $0x0  }
0xa8: {  	s4 =	sshll.u32 s28, $0x1;
	[dreg:$0x2] =	wrdreg s2  }
0xa9: {  	[dreg:$0x3] =	wrdreg s4  }
0xaa: {  	[dreg:$0x4] =	wrdreg $0xC0  }
0xab: {  	_ =	task [dreg:s6], $0x5FFFF  }
0xac: {  	[dreg:$0x1] =	wrdreg $0xFFFFFFFF  }
0xad: {  	[dreg:$0x0] =	wrdreg $0x60  }
0xae: {  	[dreg:$0x2] =	wrdreg s24  }
0xaf: {  	[dreg:$0x3] =	wrdreg $0xA8000  }
0xb0: {  	[dreg:$0x4] =	wrdreg $0x9  }
0xb1: {  	_ =	task.clear_ibuf [dreg:s6], $0x5FFFF;
	_ =	strace $0x9000004F  }
0xb2: {  	s29 =	simm.s32 $0x9;
	_ =	strace $0x80000051  }
0xb3: {  	_ =	swait.ge [sflag:s29], $0x1  }
0xb4: {  	[sflag:s29] =	ssyncadd.s32 $0xFFFFFFFF  }
0xb5: {  	_ =	strace $0x90000051  }
0xb6: {  	_ =	sfence  }
0xb7: {  	s30 =	sld [smem:$0x0];
	_ =	sdelay $0x2  }
0xb8: {  	s31 =	sshll.u32 s1, $0xD;
	s1 =	sshrl.u32 s1, $0x2  }
0xb9: {  	s3 =	sand.u32 $0x4000, s31;
	s1 =	sadd.s32 s1, s30  }
0xba: {  	s0 =	sor.u32 s3, s0;
	s1 =	sshll.u32 s1, $0x11  }
0xbb: {  	s0 =	sor.u32 s1, s0  }
0xbc: {  	s0 =	sadd.s32 $0x8F2B, s0  }
0xbd: {  	[sflag:s0] =	ssyncadd.remote.s32 $0x1  }
0xbe: {  	_ =	sfence.sel $0xFFFF  }
0xbf: {  	[dreg:$0x0] =	wrdreg $0xFFFFFFFF;
	(pc) =	sbr.abs _section_cstart, $3  }
0xc0: {  	[dreg:$0x1] =	wrdreg $0xFFFFFFFF  }
0xc1: {  	_ =	task.clear_ibuf [dreg:s6], $0x2FFFF;
	_ =	strace $0x9FFFFFFF  }
0xc2: {  	(tm) =	ssettm $0x7FFFFFFF  }
0xc3: {  	_ =	shalt  }
tec
execute0_lowered:
.L_overlay_start_1:
0x0: {  	(tag) =	ssettag $0x1  }
0x1: {  	s0 =	rddreg [dreg:$0x0]  }
0x2: {  	s1 =	rddreg [dreg:$0x1];
	s2 =	simm.s32 $0x0  }
0x3: {  	s5 =	srdreg.scid;
	s9 =	stileid.u32;
	s28 =	simm.s32 $0x2  }
0x4: {  	s29 =	simm.s32 $0x2700;
	s30 =	simm.s32 $0x2780;
	s31 =	simm.s32 $0x0  }
0x5: {  	[smem:$0x7FF] =	sst s2;
	s4 =	sadd.s32 $0x17800, s0;
	s3 =	sadd.s32 $0xD800, s0  }
0x6: {  	s14 =	sadd.s32 $0x3800, s0;
	s10 =	sand.u32 $0x1, s5;
	s7 =	smul.u32 $0x50000, s9  }
0x7: {  	s24 =	sadd.s32 $0x3EA00, s0;
	s0 =	sadd.s32 $0x3F200, s0;
	s13 =	smul.u32 $0x14000, s9  }
0x8: {  	_ =	strace $0x80000050;
	[dreg:$0x3] =	wrdreg s24;
	s6 =	ssub.s32 $0x2, s10  }
0x9: {  	s25 =	sshll.u32 s10, $0x4;
	s21 =	smul.u32 $0x140000, s10;
	s8 =	sshrl.u32 s6, $0x1  }
0xa: {  	s7 =	sshrl.u32 s7, $0x2;
	s9 =	sor.u32 s9, s25;
	s15 =	sadd.s32 $0x4000, s13  }
0xb: {  	s17 =	sadd.s32 $0x8000, s13;
	s18 =	sadd.s32 $0xC000, s13;
	s19 =	sadd.s32 $0x10000, s13  }
0xc: {  	s20 =	ssub.s32 s6, s8;
	s6 =	sadd.s32 s7, s1;
	s12 =	smul.u32 $0x500, s9  }
0xd: {  	s7 =	sadd.s32 s15, s1;
	s8 =	sadd.s32 s17, s1;
	s16 =	smul.u32 $0x2800, s9  }
0xe: {  	s9 =	sadd.s32 s18, s1;
	s10 =	sadd.s32 s19, s1;
	s22 =	sadd.s32 s13, s21  }
0xf: {  	s5 =	sadd.s32 s21, s15;
	s24 =	sadd.s32 s21, s17;
	s25 =	sadd.s32 s21, s18  }
0x10: {  	s19 =	sadd.s32 s21, s19;
	s21 =	simm.s32 $0x2800;
	s26 =	sshrl.u32 s22, $0x3  }
0x11: {  	s23 =	sshrl.u32 s5, $0x3;
	s18 =	sshrl.u32 s25, $0x3;
	s20 =	smax.u32 s20, $0x1  }
0x12: {  	s22 =	simm.s32 $0x3;
	s25 =	simm.s32 $0x6800;
	s11 =	sadd.s32 s3, s12  }
0x13: {  	s16 =	sshrl.u32 s16, $0x3;
	s12 =	sadd.s32 s14, s12;
	s15 =	sadd.s32 s0, s26  }
0x14: {  	s18 =	sadd.s32 s0, s18;
	s26 =	sshrl.u32 s19, $0x3;
	s16 =	sadd.s32 $0x280, s16  }
0x15: {  	s19 =	sadd.s32 s0, s26;
	s26 =	simm.s32 $0x1;
	s13 =	sadd.s32 s3, s16  }
0x16: {  	s14 =	sadd.s32 s14, s16;
	s16 =	sadd.s32 s0, s23;
	s3 =	sshrl.u32 s24, $0x3  }
0x17: {  	s23 =	simm.s32 $0x1400;
	s24 =	simm.s32 $0x80;
	s17 =	sadd.s32 s0, s3  }
.LBB2_1:
0x18: {  	s0 =	rddreg [dreg:$0x3]  }
0x19: {  	[tilespmem:s21], [sflag:$0x3] =	stream.linear.gather [hbm4b:s0+s2], $0x4000, $0x38;
	[tilespmem:$0x1E800] =	vst v63  }
0x1a: {  	_ =	swait.ge [sflag:s22], $0x4000  }
0x1b: {  	[sflag:s22] =	ssyncset.done $0x0  }
0x1c: {  	[sflag:s22] =	ssyncadd.s32 $0xFFFFC000  }
0x1d: {  	[spmem:s6] =	stream.linear.scatter [tilespmem:s21], [sflag:$0x3], $0x4000, $0x38;
	[tilespmem:$0x1E800] =	vst v63  }
0x1e: {  	_ =	swait.ge [sflag:s22], $0x4000  }
0x1f: {  	[sflag:s22] =	ssyncset.done $0x0  }
0x20: {  	[sflag:s22] =	ssyncadd.s32 $0xFFFFC000  }
0x21: {  	[spmem:s7] =	stream.linear.scatter [tilespmem:s21], [sflag:$0x3], $0x4000, $0x38;
	[tilespmem:$0x1E800] =	vst v63  }
0x22: {  	_ =	swait.ge [sflag:s22], $0x4000  }
0x23: {  	[sflag:s22] =	ssyncset.done $0x0  }
0x24: {  	[sflag:s22] =	ssyncadd.s32 $0xFFFFC000  }
0x25: {  	[spmem:s8] =	stream.linear.scatter [tilespmem:s21], [sflag:$0x3], $0x4000, $0x38;
	[tilespmem:$0x1E800] =	vst v63  }
0x26: {  	_ =	swait.ge [sflag:s22], $0x4000  }
0x27: {  	[sflag:s22] =	ssyncset.done $0x0  }
0x28: {  	[sflag:s22] =	ssyncadd.s32 $0xFFFFC000  }
0x29: {  	[spmem:s9] =	stream.linear.scatter [tilespmem:s21], [sflag:$0x3], $0x4000, $0x38;
	[tilespmem:$0x1E800] =	vst v63  }
0x2a: {  	_ =	swait.ge [sflag:s22], $0x4000  }
0x2b: {  	[sflag:s22] =	ssyncset.done $0x0  }
0x2c: {  	[sflag:s22] =	ssyncadd.s32 $0xFFFFC000  }
0x2d: {  	[spmem:s10] =	stream.linear.scatter [tilespmem:s21], [sflag:$0x3], $0x4000, $0x38;
	[tilespmem:$0x1E800] =	vst v63  }
0x2e: {  	_ =	swait.ge [sflag:s22], $0x4000  }
0x2f: {  	[sflag:s22] =	ssyncset.done $0x0  }
0x30: {  	[sflag:s22] =	ssyncadd.s32 $0xFFFFC000  }
0x31: {  	[bflag:$0x0] =	sbarrier.arrive $0xFFFF  }
0x32: {  	[tilespmem:s2], [sflag:$0x3] =	stream.linear.gather [hbm4b:s11+s2], $0x1400, $0x38;
	[tilespmem:$0x1E800] =	vst v63  }
0x33: {  	_ =	swait.ge [sflag:s22], $0x1400  }
0x34: {  	[sflag:s22] =	ssyncset.done $0x0  }
0x35: {  	[sflag:s22] =	ssyncadd.s32 $0xFFFFEC00  }
0x36: {  	[tilespmem:s23], [sflag:$0x3] =	stream.linear.gather [hbm4b:s12+s2], $0x1400, $0x38;
	[tilespmem:$0x1E800] =	vst v63  }
0x37: {  	_ =	swait.ge [sflag:s22], $0x1400  }
0x38: {  	[sflag:s22] =	ssyncset.done $0x0  }
0x39: {  	[sflag:s22] =	ssyncadd.s32 $0xFFFFEC00  }
0x3a: {  	[tilespmem:s21], [sflag:$0x1] =	stream.indirect.gather [hbm4b:s4+s24], $0x80, s2, s24, $0xb8;
	[tilespmem:$0x1E800] =	vst v63  }
0x3b: {  	_ = 	snop  }
0x3c: {  	[tilespmem:s25], [sflag:$0x2] =	stream.indirect.gather [hbm4b:s4+s24], $0x80, s24, s24, $0xb8;
	[tilespmem:$0x1E800] =	vst v63  }
0x3d: {  	_ =	swait.ge [sflag:s26], $0x4000  }
0x3e: {  	[sflag:s26] =	ssyncset.done $0x0  }
0x3f: {  	s5 =	simm.s32 $0x1400;
	[sflag:s26] =	ssyncadd.s32 $0xFFFFC000  }
0x40: {  	[spmem:s1] =	stream.indirect.scatter.add.f32 [tilespmem:s21], [sflag:$0x3], $0x80, s5, s24, $0xb8;
	[tilespmem:$0x1E800] =	vst v63  }
0x41: {  	_ =	swait.ge [sflag:s22], $0x4000  }
0x42: {  	[sflag:s22] =	ssyncset.done $0x0  }
0x43: {  	s3 =	simm.s32 $0x100;
	[sflag:s22] =	ssyncadd.s32 $0xFFFFC000  }
0x44: {  	[tilespmem:s21], [sflag:$0x1] =	stream.indirect.gather [hbm4b:s4+s24], $0x80, s3, s24, $0xb8;
	[tilespmem:$0x1E800] =	vst v63  }
0x45: {  	_ =	swait.ge [sflag:s28], $0x4000  }
0x46: {  	[sflag:s28] =	ssyncset.done $0x0  }
0x47: {  	s5 =	simm.s32 $0x1480;
	[sflag:s28] =	ssyncadd.s32 $0xFFFFC000  }
0x48: {  	[spmem:s1] =	stream.indirect.scatter.add.f32 [tilespmem:s25], [sflag:$0x3], $0x80, s5, s24, $0xb8;
	[tilespmem:$0x1E800] =	vst v63  }
0x49: {  	_ =	swait.ge [sflag:s22], $0x4000  }
0x4a: {  	[sflag:s22] =	ssyncset.done $0x0  }
0x4b: {  	s0 =	simm.s32 $0x400;
	s3 =	simm.s32 $0x180;
	[sflag:s22] =	ssyncadd.s32 $0xFFFFC000  }
.LBB2_2:
0x4c: {  	[tilespmem:s25], [sflag:$0x2] =	stream.indirect.gather [hbm4b:s4+s24], $0x80, s3, s24, $0xb8;
	[tilespmem:$0x1E800] =	vst v63  }
0x4d: {  	s3 =	smov.u32 s0  }
0x4e: {  	p0 =	sne.s32 s0, $0x4800;
	s0 =	sadd.s32 $0x400, s0;
	_ =	swait.ge [sflag:s26], $0x4000  }
0x4f: {  	s3 =	sshra.s32 s3, $0x2;
	[sflag:s26] =	ssyncset.done $0x0  }
0x50: {  	s5 =	sadd.s32 $0x1400, s3;
	[sflag:s26] =	ssyncadd.s32 $0xFFFFC000  }
0x51: {  	[spmem:s1] =	stream.indirect.scatter.add.f32 [tilespmem:s21], [sflag:$0x3], $0x80, s5, s24, $0xb8;
	[tilespmem:$0x1E800] =	vst v63  }
0x52: {  	_ =	swait.ge [sflag:s22], $0x4000  }
0x53: {  	[sflag:s22] =	ssyncset.done $0x0  }
0x54: {  	s5 =	sadd.s32 $0x100, s3;
	[sflag:s22] =	ssyncadd.s32 $0xFFFFC000  }
0x55: {  	[tilespmem:s21], [sflag:$0x1] =	stream.indirect.gather [hbm4b:s4+s24], $0x80, s5, s24, $0xb8;
	[tilespmem:$0x1E800] =	vst v63  }
0x56: {  	_ =	swait.ge [sflag:s28], $0x4000  }
0x57: {  	[sflag:s28] =	ssyncset.done $0x0  }
.Ltmp0:
0x58: {  	s5 =	sadd.s32 $0x1480, s3;
	[sflag:s28] =	ssyncadd.s32 $0xFFFFC000;
	(pc) =	sbr.rel @p0 .LBB2_2-.Ltmp0, $4  }
0x59: {  	[spmem:s1] =	stream.indirect.scatter.add.f32 [tilespmem:s25], [sflag:$0x3], $0x80, s5, s24, $0xb8;
	[tilespmem:$0x1E800] =	vst v63  }
0x5a: {  	_ =	swait.ge [sflag:s22], $0x4000  }
0x5b: {  	[sflag:s22] =	ssyncset.done $0x0  }
0x5c: {  	s3 =	sadd.s32 $0x180, s3;
	[sflag:s22] =	ssyncadd.s32 $0xFFFFC000  }
0x5d: {  	[tilespmem:s25], [sflag:$0x2] =	stream.indirect.gather [hbm4b:s4+s24], $0x80, s3, s24, $0xb8;
	[tilespmem:$0x1E800] =	vst v63  }
0x5e: {  	_ =	swait.ge [sflag:s26], $0x4000  }
0x5f: {  	[sflag:s26] =	ssyncset.done $0x0  }
0x60: {  	[sflag:s26] =	ssyncadd.s32 $0xFFFFC000  }
0x61: {  	[spmem:s1] =	stream.indirect.scatter.add.f32 [tilespmem:s21], [sflag:$0x3], $0x80, s29, s24, $0xb8;
	[tilespmem:$0x1E800] =	vst v63  }
0x62: {  	_ =	swait.ge [sflag:s22], $0x4000  }
0x63: {  	[sflag:s22] =	ssyncset.done $0x0  }
0x64: {  	[sflag:s22] =	ssyncadd.s32 $0xFFFFC000  }
0x65: {  	_ =	swait.ge [sflag:s28], $0x4000  }
0x66: {  	[sflag:s28] =	ssyncset.done $0x0  }
0x67: {  	[sflag:s28] =	ssyncadd.s32 $0xFFFFC000  }
0x68: {  	[spmem:s1] =	stream.indirect.scatter.add.f32 [tilespmem:s25], [sflag:$0x3], $0x80, s30, s24, $0xb8;
	[tilespmem:$0x1E800] =	vst v63  }
0x69: {  	_ =	swait.ge [sflag:s22], $0x4000  }
0x6a: {  	[sflag:s22] =	ssyncset.done $0x0  }
0x6b: {  	s0 =	simm.s32 $0x0;
	[sflag:s22] =	ssyncadd.s32 $0xFFFFC000  }
0x6c: {  	[tilespmem:s0], [sflag:$0x3] =	stream.linear.gather [hbm4b:s13+s0], $0x1400, $0x38;
	[tilespmem:$0x1E800] =	vst v63  }
0x6d: {  	_ =	swait.ge [sflag:s22], $0x1400  }
0x6e: {  	[sflag:s22] =	ssyncset.done $0x0  }
0x6f: {  	[sflag:s22] =	ssyncadd.s32 $0xFFFFEC00  }
0x70: {  	[tilespmem:s23], [sflag:$0x3] =	stream.linear.gather [hbm4b:s14+s0], $0x1400, $0x38;
	[tilespmem:$0x1E800] =	vst v63  }
0x71: {  	_ =	swait.ge [sflag:s22], $0x1400  }
0x72: {  	[sflag:s22] =	ssyncset.done $0x0  }
0x73: {  	[sflag:s22] =	ssyncadd.s32 $0xFFFFEC00  }
0x74: {  	[tilespmem:s21], [sflag:$0x1] =	stream.indirect.gather [hbm4b:s4+s24], $0x80, s0, s24, $0xb8;
	[tilespmem:$0x1E800] =	vst v63  }
0x75: {  	_ = 	snop  }
0x76: {  	[tilespmem:s25], [sflag:$0x2] =	stream.indirect.gather [hbm4b:s4+s24], $0x80, s24, s24, $0xb8;
	[tilespmem:$0x1E800] =	vst v63  }
0x77: {  	_ =	swait.ge [sflag:s26], $0x4000  }
0x78: {  	[sflag:s26] =	ssyncset.done $0x0  }
0x79: {  	s5 =	simm.s32 $0x1400;
	[sflag:s26] =	ssyncadd.s32 $0xFFFFC000  }
0x7a: {  	[spmem:s1] =	stream.indirect.scatter.add.f32 [tilespmem:s21], [sflag:$0x3], $0x80, s5, s24, $0xb8;
	[tilespmem:$0x1E800] =	vst v63  }
0x7b: {  	_ =	swait.ge [sflag:s22], $0x4000  }
0x7c: {  	[sflag:s22] =	ssyncset.done $0x0  }
0x7d: {  	s3 =	simm.s32 $0x100;
	[sflag:s22] =	ssyncadd.s32 $0xFFFFC000  }
0x7e: {  	[tilespmem:s21], [sflag:$0x1] =	stream.indirect.gather [hbm4b:s4+s24], $0x80, s3, s24, $0xb8;
	[tilespmem:$0x1E800] =	vst v63  }
0x7f: {  	_ =	swait.ge [sflag:s28], $0x4000  }
0x80: {  	[sflag:s28] =	ssyncset.done $0x0  }
0x81: {  	s5 =	simm.s32 $0x1480;
	[sflag:s28] =	ssyncadd.s32 $0xFFFFC000  }
0x82: {  	[spmem:s1] =	stream.indirect.scatter.add.f32 [tilespmem:s25], [sflag:$0x3], $0x80, s5, s24, $0xb8;
	[tilespmem:$0x1E800] =	vst v63  }
0x83: {  	_ =	swait.ge [sflag:s22], $0x4000  }
0x84: {  	[sflag:s22] =	ssyncset.done $0x0  }
0x85: {  	s0 =	simm.s32 $0x400;
	s3 =	simm.s32 $0x180;
	[sflag:s22] =	ssyncadd.s32 $0xFFFFC000  }
.LBB2_4:
0x86: {  	[tilespmem:s25], [sflag:$0x2] =	stream.indirect.gather [hbm4b:s4+s24], $0x80, s3, s24, $0xb8;
	[tilespmem:$0x1E800] =	vst v63  }
0x87: {  	s3 =	smov.u32 s0  }
0x88: {  	p0 =	sne.s32 s0, $0x4800;
	s0 =	sadd.s32 $0x400, s0;
	_ =	swait.ge [sflag:s26], $0x4000  }
0x89: {  	s3 =	sshra.s32 s3, $0x2;
	[sflag:s26] =	ssyncset.done $0x0  }
0x8a: {  	s5 =	sadd.s32 $0x1400, s3;
	[sflag:s26] =	ssyncadd.s32 $0xFFFFC000  }
0x8b: {  	[spmem:s1] =	stream.indirect.scatter.add.f32 [tilespmem:s21], [sflag:$0x3], $0x80, s5, s24, $0xb8;
	[tilespmem:$0x1E800] =	vst v63  }
0x8c: {  	_ =	swait.ge [sflag:s22], $0x4000  }
0x8d: {  	[sflag:s22] =	ssyncset.done $0x0  }
0x8e: {  	s5 =	sadd.s32 $0x100, s3;
	[sflag:s22] =	ssyncadd.s32 $0xFFFFC000  }
0x8f: {  	[tilespmem:s21], [sflag:$0x1] =	stream.indirect.gather [hbm4b:s4+s24], $0x80, s5, s24, $0xb8;
	[tilespmem:$0x1E800] =	vst v63  }
0x90: {  	_ =	swait.ge [sflag:s28], $0x4000  }
0x91: {  	[sflag:s28] =	ssyncset.done $0x0  }
.Ltmp1:
0x92: {  	s5 =	sadd.s32 $0x1480, s3;
	[sflag:s28] =	ssyncadd.s32 $0xFFFFC000;
	(pc) =	sbr.rel @p0 .LBB2_4-.Ltmp1, $4  }
0x93: {  	[spmem:s1] =	stream.indirect.scatter.add.f32 [tilespmem:s25], [sflag:$0x3], $0x80, s5, s24, $0xb8;
	[tilespmem:$0x1E800] =	vst v63  }
0x94: {  	_ =	swait.ge [sflag:s22], $0x4000  }
0x95: {  	[sflag:s22] =	ssyncset.done $0x0  }
0x96: {  	s3 =	sadd.s32 $0x180, s3;
	[sflag:s22] =	ssyncadd.s32 $0xFFFFC000  }
0x97: {  	[tilespmem:s25], [sflag:$0x2] =	stream.indirect.gather [hbm4b:s4+s24], $0x80, s3, s24, $0xb8;
	[tilespmem:$0x1E800] =	vst v63  }
0x98: {  	_ =	swait.ge [sflag:s26], $0x4000  }
0x99: {  	[sflag:s26] =	ssyncset.done $0x0  }
0x9a: {  	[sflag:s26] =	ssyncadd.s32 $0xFFFFC000  }
0x9b: {  	[spmem:s1] =	stream.indirect.scatter.add.f32 [tilespmem:s21], [sflag:$0x3], $0x80, s29, s24, $0xb8;
	[tilespmem:$0x1E800] =	vst v63  }
0x9c: {  	_ =	swait.ge [sflag:s22], $0x4000  }
0x9d: {  	[sflag:s22] =	ssyncset.done $0x0  }
0x9e: {  	[sflag:s22] =	ssyncadd.s32 $0xFFFFC000  }
0x9f: {  	_ =	swait.ge [sflag:s28], $0x4000  }
0xa0: {  	[sflag:s28] =	ssyncset.done $0x0  }
0xa1: {  	[sflag:s28] =	ssyncadd.s32 $0xFFFFC000  }
0xa2: {  	[spmem:s1] =	stream.indirect.scatter.add.f32 [tilespmem:s25], [sflag:$0x3], $0x80, s30, s24, $0xb8;
	[tilespmem:$0x1E800] =	vst v63  }
0xa3: {  	_ =	swait.ge [sflag:s22], $0x4000  }
0xa4: {  	[sflag:s22] =	ssyncset.done $0x0  }
0xa5: {  	[sflag:s22] =	ssyncadd.s32 $0xFFFFC000  }
0xa6: {  	[bflag:$0x0] =	sbarrier.arrive $0xFFFF  }
0xa7: {  	[tilespmem:s21], [sflag:$0x3] =	stream.linear.gather [spmem:s6], $0x4000, $0x38;
	[tilespmem:$0x1E800] =	vst v63  }
0xa8: {  	_ =	swait.ge [sflag:s22], $0x4000  }
0xa9: {  	[sflag:s22] =	ssyncset.done $0x0  }
0xaa: {  	[sflag:s22] =	ssyncadd.s32 $0xFFFFC000  }
0xab: {  	[hbm4b:s15+s2] =	stream.linear.scatter [tilespmem:s21], [sflag:$0x3], $0x4000, $0x38;
	[tilespmem:$0x1E800] =	vst v63  }
0xac: {  	_ =	swait.ge [sflag:s22], $0x4000  }
0xad: {  	[sflag:s22] =	ssyncset.done $0x0  }
0xae: {  	[sflag:s22] =	ssyncadd.s32 $0xFFFFC000  }
0xaf: {  	[tilespmem:s25], [sflag:$0x3] =	stream.linear.gather [spmem:s7], $0x4000, $0x38;
	[tilespmem:$0x1E800] =	vst v63  }
0xb0: {  	_ =	swait.ge [sflag:s22], $0x4000  }
0xb1: {  	[sflag:s22] =	ssyncset.done $0x0  }
0xb2: {  	[sflag:s22] =	ssyncadd.s32 $0xFFFFC000  }
0xb3: {  	[hbm4b:s16+s2] =	stream.linear.scatter [tilespmem:s25], [sflag:$0x3], $0x4000, $0x38;
	[tilespmem:$0x1E800] =	vst v63  }
0xb4: {  	_ =	swait.ge [sflag:s22], $0x4000  }
0xb5: {  	[sflag:s22] =	ssyncset.done $0x0  }
0xb6: {  	[sflag:s22] =	ssyncadd.s32 $0xFFFFC000  }
0xb7: {  	[tilespmem:s21], [sflag:$0x3] =	stream.linear.gather [spmem:s8], $0x4000, $0x38;
	[tilespmem:$0x1E800] =	vst v63  }
0xb8: {  	_ =	swait.ge [sflag:s22], $0x4000  }
0xb9: {  	[sflag:s22] =	ssyncset.done $0x0  }
0xba: {  	[sflag:s22] =	ssyncadd.s32 $0xFFFFC000  }
0xbb: {  	[hbm4b:s17+s2] =	stream.linear.scatter [tilespmem:s21], [sflag:$0x3], $0x4000, $0x38;
	[tilespmem:$0x1E800] =	vst v63  }
0xbc: {  	_ =	swait.ge [sflag:s22], $0x4000  }
0xbd: {  	[sflag:s22] =	ssyncset.done $0x0  }
0xbe: {  	[sflag:s22] =	ssyncadd.s32 $0xFFFFC000  }
0xbf: {  	[tilespmem:s25], [sflag:$0x3] =	stream.linear.gather [spmem:s9], $0x4000, $0x38;
	[tilespmem:$0x1E800] =	vst v63  }
0xc0: {  	_ =	swait.ge [sflag:s22], $0x4000  }
0xc1: {  	[sflag:s22] =	ssyncset.done $0x0  }
0xc2: {  	[sflag:s22] =	ssyncadd.s32 $0xFFFFC000  }
0xc3: {  	[hbm4b:s18+s2] =	stream.linear.scatter [tilespmem:s25], [sflag:$0x3], $0x4000, $0x38;
	[tilespmem:$0x1E800] =	vst v63  }
0xc4: {  	_ =	swait.ge [sflag:s22], $0x4000  }
0xc5: {  	[sflag:s22] =	ssyncset.done $0x0  }
0xc6: {  	[sflag:s22] =	ssyncadd.s32 $0xFFFFC000  }
0xc7: {  	[tilespmem:s21], [sflag:$0x3] =	stream.linear.gather [spmem:s10], $0x4000, $0x38;
	[tilespmem:$0x1E800] =	vst v63  }
0xc8: {  	s31 =	sadd.s32 $0x1, s31;
	_ =	swait.ge [sflag:s22], $0x4000  }
0xc9: {  	p0 =	sne.s32 s31, s20;
	[sflag:s22] =	ssyncset.done $0x0  }
.Ltmp2:
0xca: {  	[sflag:s22] =	ssyncadd.s32 $0xFFFFC000;
	(pc) =	sbr.rel @p0 .LBB2_1-.Ltmp2, $4  }
0xcb: {  	[hbm4b:s19+s2] =	stream.linear.scatter [tilespmem:s21], [sflag:$0x3], $0x4000, $0x38;
	[tilespmem:$0x1E800] =	vst v63  }
0xcc: {  	_ =	swait.ge [sflag:s22], $0x4000  }
0xcd: {  	[sflag:s22] =	ssyncset.done $0x0  }
0xce: {  	[sflag:s22] =	ssyncadd.s32 $0xFFFFC000  }
0xcf: {  	_ =	sfence.sel $0x180000  }
0xd0: {  	[bflag:$0x0] =	sbarrier.arrive $0xFFFF  }
0xd1: {  	_ =	strace $0x90000050  }
0xd2: {  	s0 =	stileid.u32;
	[bflag:$0x2] =	sbarrier.arrive $0xFFFF  }
0xd3: {  	p0 =	sne.s32 s0, $0x0;
	s0 =	rddreg [dreg:$0x2]  }
0xd4: {  	s0 =	sadd.s32 @!p0 $0x100000, s0  }
0xd5: {  	[sflag:s0] =	ssyncadd.tile.s32 @!p0 $0x1;
	_ =	shalt  }
.Lfunc_end2:
_tile_overlayer_lowered:
.L_overlay_start_2:
0xd6: {  	(tag) =	ssettag $0x2  }
0xd7: {  	s0 =	rddreg [dreg:$0x0];
	s2 =	stileid.u32  }
0xd8: {  	s1 =	rddreg [dreg:$0x1];
	p0 =	sne.s32 s2, $0x0  }
0xd9: {  	s3 =	rddreg [dreg:$0x2];
	[bflag:$0x3] =	sbarrier.arrive $0xFFFF;
	s2 =	simm.s32 @!p0 $0x1C03  }
0xda: {  	[timem:s3], [sflag:s2] =	dma.local @!p0 [hbm:s0], s1  }
0xdb: {  	s0 =	simm.s32 @!p0 $0x3  }
0xdc: {  	_ =	swait.ge @!p0 [sflag:s0], s1  }
0xdd: {  	s1 =	ssub.s32 @!p0 $0x0, s1;
	[sflag:s0] =	ssyncset.done @!p0 $0x0  }
0xde: {  	[sflag:s0] =	ssyncadd.s32 @!p0 s1  }
0xdf: {  	[bflag:$0x3] =	sbarrier.arrive $0xFFFF  }
0xe0: {  	_ =	shalt  }

</sc_bundles>
